<compile_context>
chip_gen: v7x
topology: tpu7x:2x2x1
jax: 0.10.2.dev20260603
libtpu: 0.0.44.dev20260713+nightly
codegen_flags: <defaults>
</compile_context>

<pallas_src>
import functools

import numpy as np
import jax
import jax.numpy as jnp
from jax import lax
from jax.experimental import pallas as pl
from jax.experimental.pallas import tpu as pltpu
from jax.experimental.pallas import tpu_sc as plsc

NF = 128
NG = 256
N = NG * NF
E = N * 16
HC = 32
NL = 3
HID = 64
NCLS = 10
IDIM = NF * (NF - 1) // 2
KDIM = NF * NF
SB = float(1.0 / np.sqrt(1.0 + 1e-5))

NCORES = 2
NSUB = 16
NW = NCORES * NSUB

F32 = jnp.float32

_iu0, _iu1 = np.triu_indices(NF, k=1)
_TRIU_MAP = np.full((KDIM,), IDIM, dtype=np.int32)
_TRIU_MAP[_iu0 * NF + _iu1] = np.arange(IDIM, dtype=np.int32)

_MESH = dict(core_axis_name="c", subcore_axis_name="s",
             num_cores=NCORES, num_subcores=NSUB)
_SC_PARAMS = pltpu.CompilerParams(use_tc_tiling_on_sc=False)


def _wid():
    return lax.axis_index("c") * NSUB + lax.axis_index("s")


def _fill(buf, rows, width, value):
    def body(i, _):
        for j in range(width // 16):
            buf[i, pl.ds(j * 16, 16)] = jnp.full((16,), value, F32)
        return 0
    lax.fori_loop(0, rows, body, 0)


def _zero_table(zbuf, table, row0, nrows):
    def body(i, _):
        pltpu.sync_copy(zbuf, table.at[pl.ds(row0 + i * 128, 128)])
        return 0
    lax.fori_loop(0, nrows // 128, body, 0)


def _sc_pass_a(dst2d, batch2d, map2d, w1pad):
    out_type = (
        jax.ShapeDtypeStruct((NCORES, N, 16), F32),
        jax.ShapeDtypeStruct((NCORES, NG, 16), F32),
        jax.ShapeDtypeStruct((KDIM, HID), F32),
    )
    scratch = [
        pltpu.VMEM((128, 16), F32),
        pltpu.VMEM((128, 16), F32),
        pltpu.VMEM((128,), jnp.int32),
        pltpu.VMEM((128,), jnp.int32),
        pltpu.VMEM((128, HID), F32),
        pltpu.VMEM_SHARED((N, 16), F32),
        pltpu.VMEM_SHARED((NG, 16), F32),
        pltpu.SemaphoreType.DMA,
    ]

    @functools.partial(
        pl.kernel, out_type=out_type,
        mesh=plsc.VectorSubcoreMesh(**_MESH), scratch_types=scratch,
        compiler_params=_SC_PARAMS)
    def k(dst_h, batch_h, map_h, w1_h, deg_o, cnt_o, t_o,
          ones_v, zbuf, idx_v, midx_v, trow_v, deg_t, cnt_t, sem):
        c = lax.axis_index("c")
        s = lax.axis_index("s")
        w = _wid()
        _fill(ones_v, 128, 16, 1.0)
        _fill(zbuf, 128, 16, 0.0)
        _zero_table(zbuf, deg_t, s * (N // NSUB), N // NSUB)

        @pl.when(s == 0)
        def _():
            _zero_table(zbuf, cnt_t, 0, NG)

        plsc.subcore_barrier()

        def ehist(i, _):
            pltpu.sync_copy(dst_h.at[w * 128 + i], idx_v)
            pltpu.sync_copy(ones_v, deg_t.at[idx_v], add=True)
            return 0
        lax.fori_loop(0, 128, ehist, 0)

        def bhist(i, _):
            pltpu.sync_copy(batch_h.at[w * 8 + i], idx_v)
            pltpu.sync_copy(ones_v, cnt_t.at[idx_v], add=True)
            return 0
        lax.fori_loop(0, 8, bhist, 0)

        for i in range(4):
            row = w * 4 + i
            pltpu.sync_copy(map_h.at[row], midx_v)
            pltpu.async_copy(w1_h.at[midx_v], trow_v, sem).wait()
            pltpu.sync_copy(trow_v, t_o.at[pl.ds(row * 128, 128)])

        plsc.subcore_barrier()

        def dout(i, _):
            r = s * (N // NSUB) + i * 128
            pltpu.sync_copy(deg_t.at[pl.ds(r, 128)], deg_o.at[c, pl.ds(r, 128)])
            return 0
        lax.fori_loop(0, (N // NSUB) // 128, dout, 0)

        @pl.when(s == 0)
        def _():
            for i in range(NG // 128):
                pltpu.sync_copy(cnt_t.at[pl.ds(i * 128, 128)],
                                cnt_o.at[c, pl.ds(i * 128, 128)])

    return k(dst2d, batch2d, map2d, w1pad)


_SS = 8


def _sc_scatter(src2d, dst2d, y):
    out_type = jax.ShapeDtypeStruct((NCORES, N, HC), F32)
    scratch = [
        pltpu.VMEM((128, HC), F32),
        pltpu.VMEM((_SS, 128), jnp.int32),
        pltpu.VMEM((_SS, 128), jnp.int32),
        pltpu.VMEM((_SS, 128, HC), F32),
        pltpu.VMEM_SHARED((N, HC), F32),
        pltpu.SemaphoreType.DMA,
    ]

    @functools.partial(
        pl.kernel, out_type=out_type,
        mesh=plsc.VectorSubcoreMesh(**_MESH), scratch_types=scratch,
        compiler_params=_SC_PARAMS)
    def k(src_h, dst_h, y_h, acc_o, zbuf, sidx, didx, rows, acc_t, sem):
        c = lax.axis_index("c")
        s = lax.axis_index("s")
        w = _wid()
        _fill(zbuf, 128, HC, 0.0)
        _zero_table(zbuf, acc_t, s * (N // NSUB), N // NSUB)
        plsc.subcore_barrier()

        nsteps = (E // 128) // NW // _SS

        def step(t, _):
            row0 = w * (nsteps * _SS) + t * _SS
            pltpu.sync_copy(src_h.at[pl.ds(row0, _SS)], sidx)
            pltpu.sync_copy(dst_h.at[pl.ds(row0, _SS)], didx)
            descs = [pltpu.async_copy(y_h.at[sidx.at[j]], rows.at[j], sem)
                     for j in range(_SS)]
            for j in range(_SS):
                descs[j].wait()
            for j in range(_SS):
                pltpu.sync_copy(rows.at[j], acc_t.at[didx.at[j]], add=True)
            return 0
        lax.fori_loop(0, nsteps, step, 0)

        plsc.subcore_barrier()

        def aout(i, _):
            r = s * (N // NSUB) + i * 128
            pltpu.sync_copy(acc_t.at[pl.ds(r, 128)], acc_o.at[c, pl.ds(r, 128)])
            return 0
        lax.fori_loop(0, (N // NSUB) // 128, aout, 0)

    return k(src2d, dst2d, y)


def _sc_segsum(batch2d, x1, x2, x3):
    out_type = jax.ShapeDtypeStruct((NCORES, NL, NG, HC), F32)
    scratch = [
        pltpu.VMEM((128, HC), F32),
        pltpu.VMEM((128,), jnp.int32),
        pltpu.VMEM((128, HC), F32),
        pltpu.VMEM((128, HC), F32),
        pltpu.VMEM((128, HC), F32),
        pltpu.VMEM_SHARED((NG, HC), F32),
        pltpu.VMEM_SHARED((NG, HC), F32),
        pltpu.VMEM_SHARED((NG, HC), F32),
    ]

    @functools.partial(
        pl.kernel, out_type=out_type,
        mesh=plsc.VectorSubcoreMesh(**_MESH), scratch_types=scratch,
        compiler_params=_SC_PARAMS)
    def k(batch_h, x1_h, x2_h, x3_h, s_o,
          zbuf, bidx, r1, r2, r3, st1, st2, st3):
        c = lax.axis_index("c")
        s = lax.axis_index("s")
        w = _wid()
        _fill(zbuf, 128, HC, 0.0)

        @pl.when(s == 0)
        def _():
            for tab in (st1, st2, st3):
                _zero_table(zbuf, tab, 0, NG)

        plsc.subcore_barrier()

        def step(i, _):
            base = w * (N // NW) + i * 128
            pltpu.sync_copy(batch_h.at[base // 128], bidx)
            pltpu.sync_copy(x1_h.at[pl.ds(base, 128)], r1)
            pltpu.sync_copy(x2_h.at[pl.ds(base, 128)], r2)
            pltpu.sync_copy(x3_h.at[pl.ds(base, 128)], r3)
            pltpu.sync_copy(r1, st1.at[bidx], add=True)
            pltpu.sync_copy(r2, st2.at[bidx], add=True)
            pltpu.sync_copy(r3, st3.at[bidx], add=True)
            return 0
        lax.fori_loop(0, (N // NW) // 128, step, 0)

        plsc.subcore_barrier()

        @pl.when(s == 0)
        def _():
            for j, tab in enumerate((st1, st2, st3)):
                for i in range(NG // 128):
                    pltpu.sync_copy(tab.at[pl.ds(i * 128, 128)],
                                    s_o.at[c, j, pl.ds(i * 128, 128)])

    return k(batch2d, x1, x2, x3)


_R = 2048


def _tc_k1(deg, x, w1):
    def body(deg_ref, x_ref, w_ref, dinv_ref, y_ref):
        d = deg_ref[0, :, 0:1] + deg_ref[1, :, 0:1] + 1.0
        dv = lax.rsqrt(d)
        dinv_ref[...] = dv
        y_ref[...] = jnp.dot(x_ref[...], w_ref[...],
                             preferred_element_type=F32) * dv

    return pl.pallas_call(
        body,
        grid=(N // _R,),
        in_specs=[
            pl.BlockSpec((NCORES, _R, 16), lambda r: (0, r, 0)),
            pl.BlockSpec((_R, NF), lambda r: (r, 0)),
            pl.BlockSpec((NF, HC), lambda r: (0, 0)),
        ],
        out_specs=[
            pl.BlockSpec((_R, 1), lambda r: (r, 0)),
            pl.BlockSpec((_R, HC), lambda r: (r, 0)),
        ],
        out_shape=[
            jax.ShapeDtypeStruct((N, 1), F32),
            jax.ShapeDtypeStruct((N, HC), F32),
        ],
    )(deg, x, w1)


def _tc_combine(acc, y, dinv, b, w_next):
    def body(acc_ref, y_ref, dinv_ref, b_ref, w_ref, xn_ref, yn_ref):
        a = acc_ref[0] + acc_ref[1] + y_ref[...]
        dv = dinv_ref[...]
        o = jnp.tanh(a * dv + b_ref[...])
        xn_ref[...] = o
        yn_ref[...] = jnp.dot(o, w_ref[...], preferred_element_type=F32) * dv

    return pl.pallas_call(
        body,
        grid=(N // _R,),
        in_specs=[
            pl.BlockSpec((NCORES, _R, HC), lambda r: (0, r, 0)),
            pl.BlockSpec((_R, HC), lambda r: (r, 0)),
            pl.BlockSpec((_R, 1), lambda r: (r, 0)),
            pl.BlockSpec((1, HC), lambda r: (0, 0)),
            pl.BlockSpec((HC, HC), lambda r: (0, 0)),
        ],
        out_specs=[
            pl.BlockSpec((_R, HC), lambda r: (r, 0)),
            pl.BlockSpec((_R, HC), lambda r: (r, 0)),
        ],
        out_shape=[
            jax.ShapeDtypeStruct((N, HC), F32),
            jax.ShapeDtypeStruct((N, HC), F32),
        ],
    )(acc, y, dinv, b, w_next)


def _tc_combine_last(acc, y, dinv, b):
    def body(acc_ref, y_ref, dinv_ref, b_ref, xn_ref):
        a = acc_ref[0] + acc_ref[1] + y_ref[...]
        xn_ref[...] = jnp.tanh(a * dinv_ref[...] + b_ref[...])

    return pl.pallas_call(
        body,
        grid=(N // _R,),
        in_specs=[
            pl.BlockSpec((NCORES, _R, HC), lambda r: (0, r, 0)),
            pl.BlockSpec((_R, HC), lambda r: (r, 0)),
            pl.BlockSpec((_R, 1), lambda r: (r, 0)),
            pl.BlockSpec((1, HC), lambda r: (0, 0)),
        ],
        out_specs=pl.BlockSpec((_R, HC), lambda r: (r, 0)),
        out_shape=jax.ShapeDtypeStruct((N, HC), F32),
    )(acc, y, dinv, b)


_KB = 2048


def _tc_mlp(xr, t, seg, cnt, w1bp, g1s, t1, w2p, t2, w3p, t3, w4, b4):
    nk = KDIM // _KB

    def body(xr_ref, t_ref, s_ref, cnt_ref, w1bp_ref, g1s_ref, t1_ref,
             w2_ref, t2_ref, w3_ref, t3_ref, w4_ref, b4_ref, z_ref, accv):
        kk = pl.program_id(0)

        @pl.when(kk == 0)
        def _():
            accv[...] = jnp.zeros((NG, HID), F32)

        accv[...] += jnp.dot(xr_ref[...], t_ref[...],
                             preferred_element_type=F32)

        @pl.when(kk == nk - 1)
        def _():
            cm = jnp.maximum(cnt_ref[0, :, 0:1] + cnt_ref[1, :, 0:1], 1.0)
            a = accv[...]
            for j in range(NL):
                hj = (s_ref[0, j] + s_ref[1, j]) / cm
                a = a + jnp.dot(hj, w1bp_ref[j], preferred_element_type=F32)
            z1 = jnp.maximum(a * g1s_ref[...] + t1_ref[...], 0.0)
            z2 = jnp.maximum(
                jnp.dot(z1, w2_ref[...], preferred_element_type=F32)
                + t2_ref[...], 0.0)
            z3 = jnp.maximum(
                jnp.dot(z2, w3_ref[...], preferred_element_type=F32)
                + t3_ref[...], 0.0)
            z_ref[...] = (jnp.dot(z3, w4_ref[...], preferred_element_type=F32)
                          + b4_ref[...])

    return pl.pallas_call(
        body,
        grid=(nk,),
        in_specs=[
            pl.BlockSpec((NG, _KB), lambda k: (0, k)),
            pl.BlockSpec((_KB, HID), lambda k: (k, 0)),
            pl.BlockSpec((NCORES, NL, NG, HC), lambda k: (0, 0, 0, 0)),
            pl.BlockSpec((NCORES, NG, 16), lambda k: (0, 0, 0)),
            pl.BlockSpec((NL, HC, HID), lambda k: (0, 0, 0)),
            pl.BlockSpec((1, HID), lambda k: (0, 0)),
            pl.BlockSpec((1, HID), lambda k: (0, 0)),
            pl.BlockSpec((HID, HC), lambda k: (0, 0)),
            pl.BlockSpec((1, HC), lambda k: (0, 0)),
            pl.BlockSpec((HC, HC), lambda k: (0, 0)),
            pl.BlockSpec((1, HC), lambda k: (0, 0)),
            pl.BlockSpec((HC, NCLS), lambda k: (0, 0)),
            pl.BlockSpec((1, NCLS), lambda k: (0, 0)),
        ],
        out_specs=pl.BlockSpec((NG, NCLS), lambda k: (0, 0)),
        out_shape=jax.ShapeDtypeStruct((NG, NCLS), F32),
        scratch_shapes=[pltpu.VMEM((NG, HID), F32)],
    )(xr, t, seg, cnt, w1bp, g1s, t1, w2p, t2, w3p, t3, w4, b4)


def kernel(x, edge_index, batch, num_graphs, params):
    x = x.astype(F32)
    src2d = edge_index[0].reshape(E // 128, 128)
    dst2d = edge_index[1].reshape(E // 128, 128)
    batch2d = batch.reshape(N // 128, 128)
    map2d = jnp.asarray(_TRIU_MAP).reshape(KDIM // 128, 128)

    (w1c, b1c), (w2c, b2c), (w3c, b3c) = params['convs']
    g_bn, b_bn = params['bn']
    gh, bh = params['bnh']
    m = params['mlp']

    w1a = m['W1'][:IDIM]
    w1b = m['W1'][IDIM:]
    w1pad = jnp.concatenate(
        [w1a * (SB * g_bn)[:, None], jnp.zeros((1, HID), F32)], axis=0)
    w1bp = (w1b * (SB * gh)[:, None]).reshape(NL, HC, HID)
    c01 = b_bn @ w1a + bh @ w1b + m['b1']
    g1s = (SB * m['g1'])[None]
    t1 = (c01 * SB * m['g1'] + m['be1'])[None]
    w2p = m['W2'] * (SB * m['g2'])[None, :]
    t2 = (m['b2'] * SB * m['g2'] + m['be2'])[None]
    w3p = m['W3'] * (SB * m['g3'])[None, :]
    t3 = (m['b3'] * SB * m['g3'] + m['be3'])[None]
    b4 = m['b4'][None]

    deg, cnt, t_mat = _sc_pass_a(dst2d, batch2d, map2d, w1pad)

    dinv, y1 = _tc_k1(deg, x, w1c)
    acc1 = _sc_scatter(src2d, dst2d, y1)
    x1, y2 = _tc_combine(acc1, y1, dinv, b1c[None], w2c)
    acc2 = _sc_scatter(src2d, dst2d, y2)
    x2, y3 = _tc_combine(acc2, y2, dinv, b2c[None], w3c)
    acc3 = _sc_scatter(src2d, dst2d, y3)
    x3 = _tc_combine_last(acc3, y3, dinv, b3c[None])

    seg = _sc_segsum(batch2d, x1, x2, x3)

    xr = x.reshape(NG, KDIM)
    return _tc_mlp(xr, t_mat, seg, cnt, w1bp, g1s, t1,
                   w2p, t2, w3p, t3, m['W4'], b4)

# --- scband reference (transcript-rebuilt; emitter-appended) ---
"""Pipeline reference for scband-residual-gnn-52097953300757 (READ-ONLY COPY).

The authoritative reference and input builder live on the scoring server;
editing this copy changes nothing except your own understanding.
"""

import jax, jax.numpy as jnp
import numpy as np

NUM_FEATURES = 128
NUM_CLASSES = 10
HIDDEN_CHANNELS = 32
HIDDEN = 64
NUM_LAYERS = 3
NUM_GRAPHS = 256
N_NODES = NUM_GRAPHS * NUM_FEATURES  # 32768
N_EDGES = N_NODES * 16  # 524288
INPUT_DIM = NUM_FEATURES * (NUM_FEATURES - 1) // 2  # 8128
INPUT_DIM1 = INPUT_DIM + HIDDEN_CHANNELS * NUM_LAYERS  # 8224
EPS = 1e-5


def _glorot(key, fan_in, fan_out):
    s = jnp.sqrt(2.0 / (fan_in + fan_out))
    return jax.random.normal(key, (fan_in, fan_out), jnp.float32) * s


def setup_inputs(seed: int = 0) -> dict:
    key = jax.random.key(seed)
    ks = jax.random.split(key, 32)
    x = jax.random.normal(ks[0], (N_NODES, NUM_FEATURES), jnp.float32)
    edge_index = jax.random.randint(ks[1], (2, N_EDGES), 0, N_NODES, dtype=jnp.int32)
    batch = jnp.sort(jax.random.randint(ks[2], (N_NODES,), 0, NUM_GRAPHS, dtype=jnp.int32))
    convs = []
    dims = [NUM_FEATURES] + [HIDDEN_CHANNELS] * NUM_LAYERS
    for i in range(NUM_LAYERS):
        W = _glorot(ks[3 + i], dims[i], dims[i + 1])
        b = jnp.zeros((dims[i + 1],), jnp.float32)
        convs.append((W, b))
    params = {
        'convs': convs,
        'bn': (jnp.ones((INPUT_DIM,), jnp.float32), jnp.zeros((INPUT_DIM,), jnp.float32)),
        'bnh': (jnp.ones((HIDDEN_CHANNELS * NUM_LAYERS,), jnp.float32), jnp.zeros((HIDDEN_CHANNELS * NUM_LAYERS,), jnp.float32)),
        'mlp': {
            'W1': _glorot(ks[10], INPUT_DIM1, HIDDEN), 'b1': jnp.zeros((HIDDEN,), jnp.float32),
            'g1': jnp.ones((HIDDEN,), jnp.float32), 'be1': jnp.zeros((HIDDEN,), jnp.float32),
            'W2': _glorot(ks[11], HIDDEN, HIDDEN // 2), 'b2': jnp.zeros((HIDDEN // 2,), jnp.float32),
            'g2': jnp.ones((HIDDEN // 2,), jnp.float32), 'be2': jnp.zeros((HIDDEN // 2,), jnp.float32),
            'W3': _glorot(ks[12], HIDDEN // 2, HIDDEN // 2), 'b3': jnp.zeros((HIDDEN // 2,), jnp.float32),
            'g3': jnp.ones((HIDDEN // 2,), jnp.float32), 'be3': jnp.zeros((HIDDEN // 2,), jnp.float32),
            'W4': _glorot(ks[13], HIDDEN // 2, NUM_CLASSES), 'b4': jnp.zeros((NUM_CLASSES,), jnp.float32),
        },
    }
    return {'x': x, 'edge_index': edge_index, 'batch': batch, 'num_graphs': NUM_GRAPHS, 'params': params}


def _bn_eval(z, g, b):
    # BatchNorm1d in eval mode with default running stats (mean=0, var=1)
    return z / jnp.sqrt(1.0 + EPS) * g + b


def _gcn_conv(x, edge_index, W, b):
    n = x.shape[0]
    loop = jnp.arange(n, dtype=edge_index.dtype)
    src = jnp.concatenate([edge_index[0], loop])
    dst = jnp.concatenate([edge_index[1], loop])
    xw = x @ W
    deg = jnp.zeros((n,), xw.dtype).at[dst].add(1.0)
    dinv = 1.0 / jnp.sqrt(deg)
    norm = dinv[src] * dinv[dst]
    out = jnp.zeros_like(xw).at[dst].add(xw[src] * norm[:, None])
    return out + b


def reference(x, edge_index, batch, num_graphs, params):
    ng = x.shape[0] // NUM_FEATURES
    batch = batch + jnp.asarray(num_graphs, batch.dtype) * 0
    xs = [x]
    for (W, b) in params['convs']:
        xs.append(jnp.tanh(_gcn_conv(xs[-1], edge_index, W, b)))
    # i == 0 branch: per-graph strictly-upper-triangular flatten
    xx0 = x.reshape(ng, NUM_FEATURES, -1)
    iu0, iu1 = np.triu_indices(NUM_FEATURES, k=1)
    xt = xx0[:, iu0, iu1]  # [num_graphs, INPUT_DIM]
    g_bn, b_bn = params['bn']
    xt = _bn_eval(xt, g_bn, b_bn)
    # mean aggregation per graph for each conv output
    h_list = []
    for xx in xs[1:]:
        s = jax.ops.segment_sum(xx, batch, num_segments=ng)
        c = jax.ops.segment_sum(jnp.ones((xx.shape[0], 1), xx.dtype), batch, num_segments=ng)
        h_list.append(s / jnp.clip(c, 1.0, None))
    h = jnp.concatenate(h_list, axis=1)
    gh, bh = params['bnh']
    h = _bn_eval(h, gh, bh)
    z = jnp.concatenate([xt, h], axis=1)  # [num_graphs, INPUT_DIM1]
    m = params['mlp']
    z = jax.nn.relu(_bn_eval(z @ m['W1'] + m['b1'], m['g1'], m['be1']))
    z = jax.nn.relu(_bn_eval(z @ m['W2'] + m['b2'], m['g2'], m['be2']))
    z = jax.nn.relu(_bn_eval(z @ m['W3'] + m['b3'], m['g3'], m['be3']))
    z = z @ m['W4'] + m['b4']
    return z

if __name__ == "__main__":
    import jax
    _d = setup_inputs()
    print(jax.jit(kernel)(*tuple(_d.values())))

</pallas_src>

<mosaic_0001>
#map = affine_map<(d0, d1) -> (0, 0)>
#map1 = affine_map<(d0, d1) -> (0, 0, 0)>
module attributes {stable_mosaic.version = 14 : i64} {
  func.func @k(%arg0: i32, %arg1: i32, %arg2: memref<4096x128xi32, #tpu.memory_space<hbm>>, %arg3: memref<4096x128xi32, #tpu.memory_space<hbm>>, %arg4: memref<32768x32xf32, #tpu.memory_space<hbm>>, %arg5: memref<2x32768x32xf32, #tpu.memory_space<hbm>>, %arg6: memref<128x32xf32, #tpu.memory_space<vmem>>, %arg7: memref<8x128xi32, #tpu.memory_space<vmem>>, %arg8: memref<8x128xi32, #tpu.memory_space<vmem>>, %arg9: memref<8x128x32xf32, #tpu.memory_space<vmem>>, %arg10: memref<32768x32xf32, #tpu.memory_space<vmem_shared>>, %arg11: memref<!tpu.dma_semaphore, #tpu.memory_space<semaphore_mem>>) attributes {dimension_semantics = [#tpu.dimension_semantics<core_parallel>, #tpu.dimension_semantics<subcore_parallel>], iteration_bounds = array<i64: 2, 16>, scalar_prefetch = 0 : i64, scratch_operands = 6 : i64, tpu.core_type = #tpu.core_type<sc_vector_subcore>, window_params = [{transform_indices = #map}, {transform_indices = #map}, {transform_indices = #map}, {transform_indices = #map1}]} {
    %mul3A = arith.constant 16 : i32
    %mul3A_0 = arith.muli %arg0, %mul3A : i32
    %add3A = arith.addi %mul3A_0, %arg1 : i32
    %scan3A = arith.constant 0 : i32
    %scan3A_1 = arith.constant 0 : i32
    %scan3A_2 = arith.constant 128 : i32
    %scan3A_3 = arith.addi %scan3A_1, %scan3A_2 : i32
    %scan3A_4 = arith.constant 1 : i32
    %scan3A_5 = scf.for %scan3A_31 = %scan3A_1 to %scan3A_3 step %scan3A_4 iter_args(%scan3A_32 = %scan3A) -> (i32)  : i32 {
      %broadcast_in_dim3A = arith.constant 0.000000e+00 : f32
      %broadcast_in_dim3A_33 = vector.broadcast %broadcast_in_dim3A : f32 to vector<16xf32>
      %swap3A = arith.index_cast %scan3A_31 : i32 to index
      %swap3A_34 = arith.constant 0 : index
      %swap3A_35 = tpu.vector_load %arg6[%swap3A, %swap3A_34] {strides = array<i32>} : memref<128x32xf32, #tpu.memory_space<vmem>>, vector<1x16xf32>,
      %swap3A_36 = vector.shape_cast %swap3A_35 : vector<1x16xf32> to vector<16xf32>
      %swap3A_37 = vector.shape_cast %broadcast_in_dim3A_33 : vector<16xf32> to vector<1x16xf32>
      tpu.vector_store %arg6[%swap3A, %swap3A_34], %swap3A_37 {strides = array<i32>} : memref<128x32xf32, #tpu.memory_space<vmem>>, vector<1x16xf32>,
      %broadcast_in_dim3A_38 = arith.constant 0.000000e+00 : f32
      %broadcast_in_dim3A_39 = vector.broadcast %broadcast_in_dim3A_38 : f32 to vector<16xf32>
      %swap3A_40 = arith.index_cast %scan3A_31 : i32 to index
      %swap3A_41 = arith.constant 16 : index
      %swap3A_42 = tpu.vector_load %arg6[%swap3A_40, %swap3A_41] {strides = array<i32>} : memref<128x32xf32, #tpu.memory_space<vmem>>, vector<1x16xf32>,
      %swap3A_43 = vector.shape_cast %swap3A_42 : vector<1x16xf32> to vector<16xf32>
      %swap3A_44 = vector.shape_cast %broadcast_in_dim3A_39 : vector<16xf32> to vector<1x16xf32>
      tpu.vector_store %arg6[%swap3A_40, %swap3A_41], %swap3A_44 {strides = array<i32>} : memref<128x32xf32, #tpu.memory_space<vmem>>, vector<1x16xf32>,
      %scan3A_45 = arith.constant 0 : i32
      scf.yield %scan3A_45 : i32
    }
    %scan3A_6 = arith.constant 128 : i32
    %mul3A_7 = arith.constant 2048 : i32
    %mul3A_8 = arith.muli %arg1, %mul3A_7 : i32
    %scan3A_9 = arith.constant 0 : i32
    %scan3A_10 = arith.constant 0 : i32
    %scan3A_11 = arith.constant 16 : i32
    %scan3A_12 = arith.addi %scan3A_10, %scan3A_11 : i32
    %scan3A_13 = arith.constant 1 : i32
    %scan3A_14 = scf.for %scan3A_31 = %scan3A_10 to %scan3A_12 step %scan3A_13 iter_args(%scan3A_32 = %scan3A_9) -> (i32)  : i32 {
      %mul3A_33 = arith.constant 128 : i32
      %mul3A_34 = arith.muli %scan3A_31, %mul3A_33 : i32
      %add3A_35 = arith.addi %mul3A_8, %mul3A_34 : i32
      "tpu.region"() ({
        %run_scoped3A = tpu.sem_alloc : memref<!tpu.dma_semaphore, #tpu.memory_space<semaphore_mem>>
        %dma_start3A = arith.constant 0 : i32
        %dma_start3A_37 = tpu.memref_slice %arg10[%add3A_35, %dma_start3A] : memref<32768x32xf32, #tpu.memory_space<vmem_shared>> -> memref<128x32xf32, #tpu.memory_space<vmem_shared>>
        %dma_start3A_38 = arith.constant 0 : i32
        %dma_start3A_39 = tpu.memref_slice %arg10[%add3A_35, %dma_start3A_38] : memref<32768x32xf32, #tpu.memory_space<vmem_shared>> -> memref<128x32xf32, #tpu.memory_space<vmem_shared>>
        tpu.enqueue_dma source(%arg6 : memref<128x32xf32, #tpu.memory_space<vmem>>) target(%dma_start3A_39 : memref<128x32xf32, #tpu.memory_space<vmem_shared>>) target_semaphore(%run_scoped3A : memref<!tpu.dma_semaphore, #tpu.memory_space<semaphore_mem>>)
        %dma_wait3A = arith.constant 0 : i32
        %dma_wait3A_40 = tpu.memref_slice %arg10[%add3A_35, %dma_wait3A] : memref<32768x32xf32, #tpu.memory_space<vmem_shared>> -> memref<128x32xf32, #tpu.memory_space<vmem_shared>>
        %dma_wait3A_41 = arith.constant 0 : i32
        %dma_wait3A_42 = tpu.memref_slice %arg10[%add3A_35, %dma_wait3A_41] : memref<32768x32xf32, #tpu.memory_space<vmem_shared>> -> memref<128x32xf32, #tpu.memory_space<vmem_shared>>
        tpu.wait_dma2 semaphore(%run_scoped3A : memref<!tpu.dma_semaphore, #tpu.memory_space<semaphore_mem>>) src(%arg6 : memref<128x32xf32, #tpu.memory_space<vmem>>) dst(%dma_wait3A_42 : memref<128x32xf32, #tpu.memory_space<vmem_shared>>)
        tpu.yield
      }) : () -> ()
      %scan3A_36 = arith.constant 0 : i32
      scf.yield %scan3A_36 : i32
    }
    %scan3A_15 = arith.constant 16 : i32
    %barrier3A = arith.constant 0 : index
    tpu.barrier barrier_id(%barrier3A)
    %scan3A_16 = arith.constant 0 : i32
    %scan3A_17 = arith.constant 0 : i32
    %scan3A_18 = arith.constant 16 : i32
    %scan3A_19 = arith.addi %scan3A_17, %scan3A_18 : i32
    %scan3A_20 = arith.constant 1 : i32
    %scan3A_21 = scf.for %scan3A_31 = %scan3A_17 to %scan3A_19 step %scan3A_20 iter_args(%scan3A_32 = %scan3A_16) -> (i32)  : i32 {
      %mul3A_33 = arith.constant 128 : i32
      %mul3A_34 = arith.muli %add3A, %mul3A_33 : i32
      %mul3A_35 = arith.constant 8 : i32
      %mul3A_36 = arith.muli %scan3A_31, %mul3A_35 : i32
      %add3A_37 = arith.addi %mul3A_34, %mul3A_36 : i32
      "tpu.region"() ({
        %run_scoped3A_244 = tpu.sem_alloc : memref<!tpu.dma_semaphore, #tpu.memory_space<semaphore_mem>>
        %dma_start3A_245 = arith.constant 0 : i32
        %dma_start3A_246 = tpu.memref_slice %arg2[%add3A_37, %dma_start3A_245] : memref<4096x128xi32, #tpu.memory_space<hbm>> -> memref<8x128xi32, #tpu.memory_space<hbm>>
        %dma_start3A_247 = arith.constant 0 : i32
        %dma_start3A_248 = tpu.memref_slice %arg2[%add3A_37, %dma_start3A_247] : memref<4096x128xi32, #tpu.memory_space<hbm>> -> memref<8x128xi32, #tpu.memory_space<hbm>>
        tpu.enqueue_dma source(%dma_start3A_248 : memref<8x128xi32, #tpu.memory_space<hbm>>) target(%arg7 : memref<8x128xi32, #tpu.memory_space<vmem>>) target_semaphore(%run_scoped3A_244 : memref<!tpu.dma_semaphore, #tpu.memory_space<semaphore_mem>>)
        %dma_wait3A_249 = arith.constant 0 : i32
        %dma_wait3A_250 = tpu.memref_slice %arg2[%add3A_37, %dma_wait3A_249] : memref<4096x128xi32, #tpu.memory_space<hbm>> -> memref<8x128xi32, #tpu.memory_space<hbm>>
        %dma_wait3A_251 = arith.constant 0 : i32
        %dma_wait3A_252 = tpu.memref_slice %arg2[%add3A_37, %dma_wait3A_251] : memref<4096x128xi32, #tpu.memory_space<hbm>> -> memref<8x128xi32, #tpu.memory_space<hbm>>
        tpu.wait_dma2 semaphore(%run_scoped3A_244 : memref<!tpu.dma_semaphore, #tpu.memory_space<semaphore_mem>>) src(%dma_wait3A_252 : memref<8x128xi32, #tpu.memory_space<hbm>>) dst(%arg7 : memref<8x128xi32, #tpu.memory_space<vmem>>)
        tpu.yield
      }) : () -> ()
      "tpu.region"() ({
        %run_scoped3A_244 = tpu.sem_alloc : memref<!tpu.dma_semaphore, #tpu.memory_space<semaphore_mem>>
        %dma_start3A_245 = arith.constant 0 : i32
        %dma_start3A_246 = tpu.memref_slice %arg3[%add3A_37, %dma_start3A_245] : memref<4096x128xi32, #tpu.memory_space<hbm>> -> memref<8x128xi32, #tpu.memory_space<hbm>>
        %dma_start3A_247 = arith.constant 0 : i32
        %dma_start3A_248 = tpu.memref_slice %arg3[%add3A_37, %dma_start3A_247] : memref<4096x128xi32, #tpu.memory_space<hbm>> -> memref<8x128xi32, #tpu.memory_space<hbm>>
        tpu.enqueue_dma source(%dma_start3A_248 : memref<8x128xi32, #tpu.memory_space<hbm>>) target(%arg8 : memref<8x128xi32, #tpu.memory_space<vmem>>) target_semaphore(%run_scoped3A_244 : memref<!tpu.dma_semaphore, #tpu.memory_space<semaphore_mem>>)
        %dma_wait3A_249 = arith.constant 0 : i32
        %dma_wait3A_250 = tpu.memref_slice %arg3[%add3A_37, %dma_wait3A_249] : memref<4096x128xi32, #tpu.memory_space<hbm>> -> memref<8x128xi32, #tpu.memory_space<hbm>>
        %dma_wait3A_251 = arith.constant 0 : i32
        %dma_wait3A_252 = tpu.memref_slice %arg3[%add3A_37, %dma_wait3A_251] : memref<4096x128xi32, #tpu.memory_space<hbm>> -> memref<8x128xi32, #tpu.memory_space<hbm>>
        tpu.wait_dma2 semaphore(%run_scoped3A_244 : memref<!tpu.dma_semaphore, #tpu.memory_space<semaphore_mem>>) src(%dma_wait3A_252 : memref<8x128xi32, #tpu.memory_space<hbm>>) dst(%arg8 : memref<8x128xi32, #tpu.memory_space<vmem>>)
        tpu.yield
      }) : () -> ()
      %dma_start3A = arith.constant 0 : i32
      %dma_start3A_38 = arith.constant 0 : i32
      %dma_start3A_39 = arith.constant 0 : i32
      %dma_start3A_40 = arith.constant 0 : i32
      %dma_start3A_41 = tpu.memref_slice %arg9[%dma_start3A_38, %dma_start3A_39, %dma_start3A_40] : memref<8x128x32xf32, #tpu.memory_space<vmem>> -> memref<1x128x32xf32, #tpu.memory_space<vmem>>
      %dma_start3A_42 = tpu.memref_squeeze %dma_start3A_41 : memref<1x128x32xf32, #tpu.memory_space<vmem>> -> memref<128x32xf32, #tpu.memory_space<vmem>>
      %dma_start3A_43 = arith.constant 0 : i32
      %dma_start3A_44 = tpu.memref_slice %arg7[%dma_start3A, %dma_start3A_43] : memref<8x128xi32, #tpu.memory_space<vmem>> -> memref<1x128xi32, #tpu.memory_space<vmem>>
      %dma_start3A_45 = tpu.memref_squeeze %dma_start3A_44 : memref<1x128xi32, #tpu.memory_space<vmem>> -> memref<128xi32, #tpu.memory_space<vmem>>
      %dma_start3A_46 = arith.constant 0 : i32
      %dma_start3A_47 = arith.constant 0 : i32
      %dma_start3A_48 = tpu.memref_slice %arg4[%dma_start3A_46, %dma_start3A_47] : memref<32768x32xf32, #tpu.memory_space<hbm>> -> memref<32768x32xf32, #tpu.memory_space<hbm>>
      tpu.enqueue_indirect_dma source(%dma_start3A_48 : memref<32768x32xf32, #tpu.memory_space<hbm>>) target(%dma_start3A_42 : memref<128x32xf32, #tpu.memory_space<vmem>>) offsets(%dma_start3A_45 : memref<128xi32, #tpu.memory_space<vmem>>) semaphore(%arg11 : memref<!tpu.dma_semaphore, #tpu.memory_space<semaphore_mem>>)
      %dma_start3A_49 = arith.constant 1 : i32
      %dma_start3A_50 = arith.constant 1 : i32
      %dma_start3A_51 = arith.constant 0 : i32
      %dma_start3A_52 = arith.constant 0 : i32
      %dma_start3A_53 = tpu.memref_slice %arg9[%dma_start3A_50, %dma_start3A_51, %dma_start3A_52] : memref<8x128x32xf32, #tpu.memory_space<vmem>> -> memref<1x128x32xf32, #tpu.memory_space<vmem>>
      %dma_start3A_54 = tpu.memref_squeeze %dma_start3A_53 : memref<1x128x32xf32, #tpu.memory_space<vmem>> -> memref<128x32xf32, #tpu.memory_space<vmem>>
      %dma_start3A_55 = arith.constant 0 : i32
      %dma_start3A_56 = tpu.memref_slice %arg7[%dma_start3A_49, %dma_start3A_55] : memref<8x128xi32, #tpu.memory_space<vmem>> -> memref<1x128xi32, #tpu.memory_space<vmem>>
      %dma_start3A_57 = tpu.memref_squeeze %dma_start3A_56 : memref<1x128xi32, #tpu.memory_space<vmem>> -> memref<128xi32, #tpu.memory_space<vmem>>
      %dma_start3A_58 = arith.constant 0 : i32
      %dma_start3A_59 = arith.constant 0 : i32
      %dma_start3A_60 = tpu.memref_slice %arg4[%dma_start3A_58, %dma_start3A_59] : memref<32768x32xf32, #tpu.memory_space<hbm>> -> memref<32768x32xf32, #tpu.memory_space<hbm>>
      tpu.enqueue_indirect_dma source(%dma_start3A_60 : memref<32768x32xf32, #tpu.memory_space<hbm>>) target(%dma_start3A_54 : memref<128x32xf32, #tpu.memory_space<vmem>>) offsets(%dma_start3A_57 : memref<128xi32, #tpu.memory_space<vmem>>) semaphore(%arg11 : memref<!tpu.dma_semaphore, #tpu.memory_space<semaphore_mem>>)
      %dma_start3A_61 = arith.constant 2 : i32
      %dma_start3A_62 = arith.constant 2 : i32
      %dma_start3A_63 = arith.constant 0 : i32
      %dma_start3A_64 = arith.constant 0 : i32
      %dma_start3A_65 = tpu.memref_slice %arg9[%dma_start3A_62, %dma_start3A_63, %dma_start3A_64] : memref<8x128x32xf32, #tpu.memory_space<vmem>> -> memref<1x128x32xf32, #tpu.memory_space<vmem>>
      %dma_start3A_66 = tpu.memref_squeeze %dma_start3A_65 : memref<1x128x32xf32, #tpu.memory_space<vmem>> -> memref<128x32xf32, #tpu.memory_space<vmem>>
      %dma_start3A_67 = arith.constant 0 : i32
      %dma_start3A_68 = tpu.memref_slice %arg7[%dma_start3A_61, %dma_start3A_67] : memref<8x128xi32, #tpu.memory_space<vmem>> -> memref<1x128xi32, #tpu.memory_space<vmem>>
      %dma_start3A_69 = tpu.memref_squeeze %dma_start3A_68 : memref<1x128xi32, #tpu.memory_space<vmem>> -> memref<128xi32, #tpu.memory_space<vmem>>
      %dma_start3A_70 = arith.constant 0 : i32
      %dma_start3A_71 = arith.constant 0 : i32
      %dma_start3A_72 = tpu.memref_slice %arg4[%dma_start3A_70, %dma_start3A_71] : memref<32768x32xf32, #tpu.memory_space<hbm>> -> memref<32768x32xf32, #tpu.memory_space<hbm>>
      tpu.enqueue_indirect_dma source(%dma_start3A_72 : memref<32768x32xf32, #tpu.memory_space<hbm>>) target(%dma_start3A_66 : memref<128x32xf32, #tpu.memory_space<vmem>>) offsets(%dma_start3A_69 : memref<128xi32, #tpu.memory_space<vmem>>) semaphore(%arg11 : memref<!tpu.dma_semaphore, #tpu.memory_space<semaphore_mem>>)
      %dma_start3A_73 = arith.constant 3 : i32
      %dma_start3A_74 = arith.constant 3 : i32
      %dma_start3A_75 = arith.constant 0 : i32
      %dma_start3A_76 = arith.constant 0 : i32
      %dma_start3A_77 = tpu.memref_slice %arg9[%dma_start3A_74, %dma_start3A_75, %dma_start3A_76] : memref<8x128x32xf32, #tpu.memory_space<vmem>> -> memref<1x128x32xf32, #tpu.memory_space<vmem>>
      %dma_start3A_78 = tpu.memref_squeeze %dma_start3A_77 : memref<1x128x32xf32, #tpu.memory_space<vmem>> -> memref<128x32xf32, #tpu.memory_space<vmem>>
      %dma_start3A_79 = arith.constant 0 : i32
      %dma_start3A_80 = tpu.memref_slice %arg7[%dma_start3A_73, %dma_start3A_79] : memref<8x128xi32, #tpu.memory_space<vmem>> -> memref<1x128xi32, #tpu.memory_space<vmem>>
      %dma_start3A_81 = tpu.memref_squeeze %dma_start3A_80 : memref<1x128xi32, #tpu.memory_space<vmem>> -> memref<128xi32, #tpu.memory_space<vmem>>
      %dma_start3A_82 = arith.constant 0 : i32
      %dma_start3A_83 = arith.constant 0 : i32
      %dma_start3A_84 = tpu.memref_slice %arg4[%dma_start3A_82, %dma_start3A_83] : memref<32768x32xf32, #tpu.memory_space<hbm>> -> memref<32768x32xf32, #tpu.memory_space<hbm>>
      tpu.enqueue_indirect_dma source(%dma_start3A_84 : memref<32768x32xf32, #tpu.memory_space<hbm>>) target(%dma_start3A_78 : memref<128x32xf32, #tpu.memory_space<vmem>>) offsets(%dma_start3A_81 : memref<128xi32, #tpu.memory_space<vmem>>) semaphore(%arg11 : memref<!tpu.dma_semaphore, #tpu.memory_space<semaphore_mem>>)
      %dma_start3A_85 = arith.constant 4 : i32
      %dma_start3A_86 = arith.constant 4 : i32
      %dma_start3A_87 = arith.constant 0 : i32
      %dma_start3A_88 = arith.constant 0 : i32
      %dma_start3A_89 = tpu.memref_slice %arg9[%dma_start3A_86, %dma_start3A_87, %dma_start3A_88] : memref<8x128x32xf32, #tpu.memory_space<vmem>> -> memref<1x128x32xf32, #tpu.memory_space<vmem>>
      %dma_start3A_90 = tpu.memref_squeeze %dma_start3A_89 : memref<1x128x32xf32, #tpu.memory_space<vmem>> -> memref<128x32xf32, #tpu.memory_space<vmem>>
      %dma_start3A_91 = arith.constant 0 : i32
      %dma_start3A_92 = tpu.memref_slice %arg7[%dma_start3A_85, %dma_start3A_91] : memref<8x128xi32, #tpu.memory_space<vmem>> -> memref<1x128xi32, #tpu.memory_space<vmem>>
      %dma_start3A_93 = tpu.memref_squeeze %dma_start3A_92 : memref<1x128xi32, #tpu.memory_space<vmem>> -> memref<128xi32, #tpu.memory_space<vmem>>
      %dma_start3A_94 = arith.constant 0 : i32
      %dma_start3A_95 = arith.constant 0 : i32
      %dma_start3A_96 = tpu.memref_slice %arg4[%dma_start3A_94, %dma_start3A_95] : memref<32768x32xf32, #tpu.memory_space<hbm>> -> memref<32768x32xf32, #tpu.memory_space<hbm>>
      tpu.enqueue_indirect_dma source(%dma_start3A_96 : memref<32768x32xf32, #tpu.memory_space<hbm>>) target(%dma_start3A_90 : memref<128x32xf32, #tpu.memory_space<vmem>>) offsets(%dma_start3A_93 : memref<128xi32, #tpu.memory_space<vmem>>) semaphore(%arg11 : memref<!tpu.dma_semaphore, #tpu.memory_space<semaphore_mem>>)
      %dma_start3A_97 = arith.constant 5 : i32
      %dma_start3A_98 = arith.constant 5 : i32
      %dma_start3A_99 = arith.constant 0 : i32
      %dma_start3A_100 = arith.constant 0 : i32
      %dma_start3A_101 = tpu.memref_slice %arg9[%dma_start3A_98, %dma_start3A_99, %dma_start3A_100] : memref<8x128x32xf32, #tpu.memory_space<vmem>> -> memref<1x128x32xf32, #tpu.memory_space<vmem>>
      %dma_start3A_102 = tpu.memref_squeeze %dma_start3A_101 : memref<1x128x32xf32, #tpu.memory_space<vmem>> -> memref<128x32xf32, #tpu.memory_space<vmem>>
      %dma_start3A_103 = arith.constant 0 : i32
      %dma_start3A_104 = tpu.memref_slice %arg7[%dma_start3A_97, %dma_start3A_103] : memref<8x128xi32, #tpu.memory_space<vmem>> -> memref<1x128xi32, #tpu.memory_space<vmem>>
      %dma_start3A_105 = tpu.memref_squeeze %dma_start3A_104 : memref<1x128xi32, #tpu.memory_space<vmem>> -> memref<128xi32, #tpu.memory_space<vmem>>
      %dma_start3A_106 = arith.constant 0 : i32
      %dma_start3A_107 = arith.constant 0 : i32
      %dma_start3A_108 = tpu.memref_slice %arg4[%dma_start3A_106, %dma_start3A_107] : memref<32768x32xf32, #tpu.memory_space<hbm>> -> memref<32768x32xf32, #tpu.memory_space<hbm>>
      tpu.enqueue_indirect_dma source(%dma_start3A_108 : memref<32768x32xf32, #tpu.memory_space<hbm>>) target(%dma_start3A_102 : memref<128x32xf32, #tpu.memory_space<vmem>>) offsets(%dma_start3A_105 : memref<128xi32, #tpu.memory_space<vmem>>) semaphore(%arg11 : memref<!tpu.dma_semaphore, #tpu.memory_space<semaphore_mem>>)
      %dma_start3A_109 = arith.constant 6 : i32
      %dma_start3A_110 = arith.constant 6 : i32
      %dma_start3A_111 = arith.constant 0 : i32
      %dma_start3A_112 = arith.constant 0 : i32
      %dma_start3A_113 = tpu.memref_slice %arg9[%dma_start3A_110, %dma_start3A_111, %dma_start3A_112] : memref<8x128x32xf32, #tpu.memory_space<vmem>> -> memref<1x128x32xf32, #tpu.memory_space<vmem>>
      %dma_start3A_114 = tpu.memref_squeeze %dma_start3A_113 : memref<1x128x32xf32, #tpu.memory_space<vmem>> -> memref<128x32xf32, #tpu.memory_space<vmem>>
      %dma_start3A_115 = arith.constant 0 : i32
      %dma_start3A_116 = tpu.memref_slice %arg7[%dma_start3A_109, %dma_start3A_115] : memref<8x128xi32, #tpu.memory_space<vmem>> -> memref<1x128xi32, #tpu.memory_space<vmem>>
      %dma_start3A_117 = tpu.memref_squeeze %dma_start3A_116 : memref<1x128xi32, #tpu.memory_space<vmem>> -> memref<128xi32, #tpu.memory_space<vmem>>
      %dma_start3A_118 = arith.constant 0 : i32
      %dma_start3A_119 = arith.constant 0 : i32
      %dma_start3A_120 = tpu.memref_slice %arg4[%dma_start3A_118, %dma_start3A_119] : memref<32768x32xf32, #tpu.memory_space<hbm>> -> memref<32768x32xf32, #tpu.memory_space<hbm>>
      tpu.enqueue_indirect_dma source(%dma_start3A_120 : memref<32768x32xf32, #tpu.memory_space<hbm>>) target(%dma_start3A_114 : memref<128x32xf32, #tpu.memory_space<vmem>>) offsets(%dma_start3A_117 : memref<128xi32, #tpu.memory_space<vmem>>) semaphore(%arg11 : memref<!tpu.dma_semaphore, #tpu.memory_space<semaphore_mem>>)
      %dma_start3A_121 = arith.constant 7 : i32
      %dma_start3A_122 = arith.constant 7 : i32
      %dma_start3A_123 = arith.constant 0 : i32
      %dma_start3A_124 = arith.constant 0 : i32
      %dma_start3A_125 = tpu.memref_slice %arg9[%dma_start3A_122, %dma_start3A_123, %dma_start3A_124] : memref<8x128x32xf32, #tpu.memory_space<vmem>> -> memref<1x128x32xf32, #tpu.memory_space<vmem>>
      %dma_start3A_126 = tpu.memref_squeeze %dma_start3A_125 : memref<1x128x32xf32, #tpu.memory_space<vmem>> -> memref<128x32xf32, #tpu.memory_space<vmem>>
      %dma_start3A_127 = arith.constant 0 : i32
      %dma_start3A_128 = tpu.memref_slice %arg7[%dma_start3A_121, %dma_start3A_127] : memref<8x128xi32, #tpu.memory_space<vmem>> -> memref<1x128xi32, #tpu.memory_space<vmem>>
      %dma_start3A_129 = tpu.memref_squeeze %dma_start3A_128 : memref<1x128xi32, #tpu.memory_space<vmem>> -> memref<128xi32, #tpu.memory_space<vmem>>
      %dma_start3A_130 = arith.constant 0 : i32
      %dma_start3A_131 = arith.constant 0 : i32
      %dma_start3A_132 = tpu.memref_slice %arg4[%dma_start3A_130, %dma_start3A_131] : memref<32768x32xf32, #tpu.memory_space<hbm>> -> memref<32768x32xf32, #tpu.memory_space<hbm>>
      tpu.enqueue_indirect_dma source(%dma_start3A_132 : memref<32768x32xf32, #tpu.memory_space<hbm>>) target(%dma_start3A_126 : memref<128x32xf32, #tpu.memory_space<vmem>>) offsets(%dma_start3A_129 : memref<128xi32, #tpu.memory_space<vmem>>) semaphore(%arg11 : memref<!tpu.dma_semaphore, #tpu.memory_space<semaphore_mem>>)
      %dma_wait3A = arith.constant 0 : i32
      %dma_wait3A_133 = arith.constant 0 : i32
      %dma_wait3A_134 = arith.constant 0 : i32
      %dma_wait3A_135 = arith.constant 0 : i32
      %dma_wait3A_136 = tpu.memref_slice %arg9[%dma_wait3A_133, %dma_wait3A_134, %dma_wait3A_135] : memref<8x128x32xf32, #tpu.memory_space<vmem>> -> memref<1x128x32xf32, #tpu.memory_space<vmem>>
      %dma_wait3A_137 = tpu.memref_squeeze %dma_wait3A_136 : memref<1x128x32xf32, #tpu.memory_space<vmem>> -> memref<128x32xf32, #tpu.memory_space<vmem>>
      %dma_wait3A_138 = arith.constant 0 : i32
      %dma_wait3A_139 = tpu.memref_slice %arg7[%dma_wait3A, %dma_wait3A_138] : memref<8x128xi32, #tpu.memory_space<vmem>> -> memref<1x128xi32, #tpu.memory_space<vmem>>
      %dma_wait3A_140 = tpu.memref_squeeze %dma_wait3A_139 : memref<1x128xi32, #tpu.memory_space<vmem>> -> memref<128xi32, #tpu.memory_space<vmem>>
      %dma_wait3A_141 = arith.constant 0 : i32
      %dma_wait3A_142 = arith.constant 0 : i32
      %dma_wait3A_143 = tpu.memref_slice %arg4[%dma_wait3A_141, %dma_wait3A_142] : memref<32768x32xf32, #tpu.memory_space<hbm>> -> memref<32768x32xf32, #tpu.memory_space<hbm>>
      tpu.wait_indirect_dma semaphore(%arg11 : memref<!tpu.dma_semaphore, #tpu.memory_space<semaphore_mem>>) src(%dma_wait3A_143 : memref<32768x32xf32, #tpu.memory_space<hbm>>) dst(%dma_wait3A_137 : memref<128x32xf32, #tpu.memory_space<vmem>>)
      %dma_wait3A_144 = arith.constant 1 : i32
      %dma_wait3A_145 = arith.constant 1 : i32
      %dma_wait3A_146 = arith.constant 0 : i32
      %dma_wait3A_147 = arith.constant 0 : i32
      %dma_wait3A_148 = tpu.memref_slice %arg9[%dma_wait3A_145, %dma_wait3A_146, %dma_wait3A_147] : memref<8x128x32xf32, #tpu.memory_space<vmem>> -> memref<1x128x32xf32, #tpu.memory_space<vmem>>
      %dma_wait3A_149 = tpu.memref_squeeze %dma_wait3A_148 : memref<1x128x32xf32, #tpu.memory_space<vmem>> -> memref<128x32xf32, #tpu.memory_space<vmem>>
      %dma_wait3A_150 = arith.constant 0 : i32
      %dma_wait3A_151 = tpu.memref_slice %arg7[%dma_wait3A_144, %dma_wait3A_150] : memref<8x128xi32, #tpu.memory_space<vmem>> -> memref<1x128xi32, #tpu.memory_space<vmem>>
      %dma_wait3A_152 = tpu.memref_squeeze %dma_wait3A_151 : memref<1x128xi32, #tpu.memory_space<vmem>> -> memref<128xi32, #tpu.memory_space<vmem>>
      %dma_wait3A_153 = arith.constant 0 : i32
      %dma_wait3A_154 = arith.constant 0 : i32
      %dma_wait3A_155 = tpu.memref_slice %arg4[%dma_wait3A_153, %dma_wait3A_154] : memref<32768x32xf32, #tpu.memory_space<hbm>> -> memref<32768x32xf32, #tpu.memory_space<hbm>>
      tpu.wait_indirect_dma semaphore(%arg11 : memref<!tpu.dma_semaphore, #tpu.memory_space<semaphore_mem>>) src(%dma_wait3A_155 : memref<32768x32xf32, #tpu.memory_space<hbm>>) dst(%dma_wait3A_149 : memref<128x32xf32, #tpu.memory_space<vmem>>)
      %dma_wait3A_156 = arith.constant 2 : i32
      %dma_wait3A_157 = arith.constant 2 : i32
      %dma_wait3A_158 = arith.constant 0 : i32
      %dma_wait3A_159 = arith.constant 0 : i32
      %dma_wait3A_160 = tpu.memref_slice %arg9[%dma_wait3A_157, %dma_wait3A_158, %dma_wait3A_159] : memref<8x128x32xf32, #tpu.memory_space<vmem>> -> memref<1x128x32xf32, #tpu.memory_space<vmem>>
      %dma_wait3A_161 = tpu.memref_squeeze %dma_wait3A_160 : memref<1x128x32xf32, #tpu.memory_space<vmem>> -> memref<128x32xf32, #tpu.memory_space<vmem>>
      %dma_wait3A_162 = arith.constant 0 : i32
      %dma_wait3A_163 = tpu.memref_slice %arg7[%dma_wait3A_156, %dma_wait3A_162] : memref<8x128xi32, #tpu.memory_space<vmem>> -> memref<1x128xi32, #tpu.memory_space<vmem>>
      %dma_wait3A_164 = tpu.memref_squeeze %dma_wait3A_163 : memref<1x128xi32, #tpu.memory_space<vmem>> -> memref<128xi32, #tpu.memory_space<vmem>>
      %dma_wait3A_165 = arith.constant 0 : i32
      %dma_wait3A_166 = arith.constant 0 : i32
      %dma_wait3A_167 = tpu.memref_slice %arg4[%dma_wait3A_165, %dma_wait3A_166] : memref<32768x32xf32, #tpu.memory_space<hbm>> -> memref<32768x32xf32, #tpu.memory_space<hbm>>
      tpu.wait_indirect_dma semaphore(%arg11 : memref<!tpu.dma_semaphore, #tpu.memory_space<semaphore_mem>>) src(%dma_wait3A_167 : memref<32768x32xf32, #tpu.memory_space<hbm>>) dst(%dma_wait3A_161 : memref<128x32xf32, #tpu.memory_space<vmem>>)
      %dma_wait3A_168 = arith.constant 3 : i32
      %dma_wait3A_169 = arith.constant 3 : i32
      %dma_wait3A_170 = arith.constant 0 : i32
      %dma_wait3A_171 = arith.constant 0 : i32
      %dma_wait3A_172 = tpu.memref_slice %arg9[%dma_wait3A_169, %dma_wait3A_170, %dma_wait3A_171] : memref<8x128x32xf32, #tpu.memory_space<vmem>> -> memref<1x128x32xf32, #tpu.memory_space<vmem>>
      %dma_wait3A_173 = tpu.memref_squeeze %dma_wait3A_172 : memref<1x128x32xf32, #tpu.memory_space<vmem>> -> memref<128x32xf32, #tpu.memory_space<vmem>>
      %dma_wait3A_174 = arith.constant 0 : i32
      %dma_wait3A_175 = tpu.memref_slice %arg7[%dma_wait3A_168, %dma_wait3A_174] : memref<8x128xi32, #tpu.memory_space<vmem>> -> memref<1x128xi32, #tpu.memory_space<vmem>>
      %dma_wait3A_176 = tpu.memref_squeeze %dma_wait3A_175 : memref<1x128xi32, #tpu.memory_space<vmem>> -> memref<128xi32, #tpu.memory_space<vmem>>
      %dma_wait3A_177 = arith.constant 0 : i32
      %dma_wait3A_178 = arith.constant 0 : i32
      %dma_wait3A_179 = tpu.memref_slice %arg4[%dma_wait3A_177, %dma_wait3A_178] : memref<32768x32xf32, #tpu.memory_space<hbm>> -> memref<32768x32xf32, #tpu.memory_space<hbm>>
      tpu.wait_indirect_dma semaphore(%arg11 : memref<!tpu.dma_semaphore, #tpu.memory_space<semaphore_mem>>) src(%dma_wait3A_179 : memref<32768x32xf32, #tpu.memory_space<hbm>>) dst(%dma_wait3A_173 : memref<128x32xf32, #tpu.memory_space<vmem>>)
      %dma_wait3A_180 = arith.constant 4 : i32
      %dma_wait3A_181 = arith.constant 4 : i32
      %dma_wait3A_182 = arith.constant 0 : i32
      %dma_wait3A_183 = arith.constant 0 : i32
      %dma_wait3A_184 = tpu.memref_slice %arg9[%dma_wait3A_181, %dma_wait3A_182, %dma_wait3A_183] : memref<8x128x32xf32, #tpu.memory_space<vmem>> -> memref<1x128x32xf32, #tpu.memory_space<vmem>>
      %dma_wait3A_185 = tpu.memref_squeeze %dma_wait3A_184 : memref<1x128x32xf32, #tpu.memory_space<vmem>> -> memref<128x32xf32, #tpu.memory_space<vmem>>
      %dma_wait3A_186 = arith.constant 0 : i32
      %dma_wait3A_187 = tpu.memref_slice %arg7[%dma_wait3A_180, %dma_wait3A_186] : memref<8x128xi32, #tpu.memory_space<vmem>> -> memref<1x128xi32, #tpu.memory_space<vmem>>
      %dma_wait3A_188 = tpu.memref_squeeze %dma_wait3A_187 : memref<1x128xi32, #tpu.memory_space<vmem>> -> memref<128xi32, #tpu.memory_space<vmem>>
      %dma_wait3A_189 = arith.constant 0 : i32
      %dma_wait3A_190 = arith.constant 0 : i32
      %dma_wait3A_191 = tpu.memref_slice %arg4[%dma_wait3A_189, %dma_wait3A_190] : memref<32768x32xf32, #tpu.memory_space<hbm>> -> memref<32768x32xf32, #tpu.memory_space<hbm>>
      tpu.wait_indirect_dma semaphore(%arg11 : memref<!tpu.dma_semaphore, #tpu.memory_space<semaphore_mem>>) src(%dma_wait3A_191 : memref<32768x32xf32, #tpu.memory_space<hbm>>) dst(%dma_wait3A_185 : memref<128x32xf32, #tpu.memory_space<vmem>>)
      %dma_wait3A_192 = arith.constant 5 : i32
      %dma_wait3A_193 = arith.constant 5 : i32
      %dma_wait3A_194 = arith.constant 0 : i32
      %dma_wait3A_195 = arith.constant 0 : i32
      %dma_wait3A_196 = tpu.memref_slice %arg9[%dma_wait3A_193, %dma_wait3A_194, %dma_wait3A_195] : memref<8x128x32xf32, #tpu.memory_space<vmem>> -> memref<1x128x32xf32, #tpu.memory_space<vmem>>
      %dma_wait3A_197 = tpu.memref_squeeze %dma_wait3A_196 : memref<1x128x32xf32, #tpu.memory_space<vmem>> -> memref<128x32xf32, #tpu.memory_space<vmem>>
      %dma_wait3A_198 = arith.constant 0 : i32
      %dma_wait3A_199 = tpu.memref_slice %arg7[%dma_wait3A_192, %dma_wait3A_198] : memref<8x128xi32, #tpu.memory_space<vmem>> -> memref<1x128xi32, #tpu.memory_space<vmem>>
      %dma_wait3A_200 = tpu.memref_squeeze %dma_wait3A_199 : memref<1x128xi32, #tpu.memory_space<vmem>> -> memref<128xi32, #tpu.memory_space<vmem>>
      %dma_wait3A_201 = arith.constant 0 : i32
      %dma_wait3A_202 = arith.constant 0 : i32
      %dma_wait3A_203 = tpu.memref_slice %arg4[%dma_wait3A_201, %dma_wait3A_202] : memref<32768x32xf32, #tpu.memory_space<hbm>> -> memref<32768x32xf32, #tpu.memory_space<hbm>>
      tpu.wait_indirect_dma semaphore(%arg11 : memref<!tpu.dma_semaphore, #tpu.memory_space<semaphore_mem>>) src(%dma_wait3A_203 : memref<32768x32xf32, #tpu.memory_space<hbm>>) dst(%dma_wait3A_197 : memref<128x32xf32, #tpu.memory_space<vmem>>)
      %dma_wait3A_204 = arith.constant 6 : i32
      %dma_wait3A_205 = arith.constant 6 : i32
      %dma_wait3A_206 = arith.constant 0 : i32
      %dma_wait3A_207 = arith.constant 0 : i32
      %dma_wait3A_208 = tpu.memref_slice %arg9[%dma_wait3A_205, %dma_wait3A_206, %dma_wait3A_207] : memref<8x128x32xf32, #tpu.memory_space<vmem>> -> memref<1x128x32xf32, #tpu.memory_space<vmem>>
      %dma_wait3A_209 = tpu.memref_squeeze %dma_wait3A_208 : memref<1x128x32xf32, #tpu.memory_space<vmem>> -> memref<128x32xf32, #tpu.memory_space<vmem>>
      %dma_wait3A_210 = arith.constant 0 : i32
      %dma_wait3A_211 = tpu.memref_slice %arg7[%dma_wait3A_204, %dma_wait3A_210] : memref<8x128xi32, #tpu.memory_space<vmem>> -> memref<1x128xi32, #tpu.memory_space<vmem>>
      %dma_wait3A_212 = tpu.memref_squeeze %dma_wait3A_211 : memref<1x128xi32, #tpu.memory_space<vmem>> -> memref<128xi32, #tpu.memory_space<vmem>>
      %dma_wait3A_213 = arith.constant 0 : i32
      %dma_wait3A_214 = arith.constant 0 : i32
      %dma_wait3A_215 = tpu.memref_slice %arg4[%dma_wait3A_213, %dma_wait3A_214] : memref<32768x32xf32, #tpu.memory_space<hbm>> -> memref<32768x32xf32, #tpu.memory_space<hbm>>
      tpu.wait_indirect_dma semaphore(%arg11 : memref<!tpu.dma_semaphore, #tpu.memory_space<semaphore_mem>>) src(%dma_wait3A_215 : memref<32768x32xf32, #tpu.memory_space<hbm>>) dst(%dma_wait3A_209 : memref<128x32xf32, #tpu.memory_space<vmem>>)
      %dma_wait3A_216 = arith.constant 7 : i32
      %dma_wait3A_217 = arith.constant 7 : i32
      %dma_wait3A_218 = arith.constant 0 : i32
      %dma_wait3A_219 = arith.constant 0 : i32
      %dma_wait3A_220 = tpu.memref_slice %arg9[%dma_wait3A_217, %dma_wait3A_218, %dma_wait3A_219] : memref<8x128x32xf32, #tpu.memory_space<vmem>> -> memref<1x128x32xf32, #tpu.memory_space<vmem>>
      %dma_wait3A_221 = tpu.memref_squeeze %dma_wait3A_220 : memref<1x128x32xf32, #tpu.memory_space<vmem>> -> memref<128x32xf32, #tpu.memory_space<vmem>>
      %dma_wait3A_222 = arith.constant 0 : i32
      %dma_wait3A_223 = tpu.memref_slice %arg7[%dma_wait3A_216, %dma_wait3A_222] : memref<8x128xi32, #tpu.memory_space<vmem>> -> memref<1x128xi32, #tpu.memory_space<vmem>>
      %dma_wait3A_224 = tpu.memref_squeeze %dma_wait3A_223 : memref<1x128xi32, #tpu.memory_space<vmem>> -> memref<128xi32, #tpu.memory_space<vmem>>
      %dma_wait3A_225 = arith.constant 0 : i32
      %dma_wait3A_226 = arith.constant 0 : i32
      %dma_wait3A_227 = tpu.memref_slice %arg4[%dma_wait3A_225, %dma_wait3A_226] : memref<32768x32xf32, #tpu.memory_space<hbm>> -> memref<32768x32xf32, #tpu.memory_space<hbm>>
      tpu.wait_indirect_dma semaphore(%arg11 : memref<!tpu.dma_semaphore, #tpu.memory_space<semaphore_mem>>) src(%dma_wait3A_227 : memref<32768x32xf32, #tpu.memory_space<hbm>>) dst(%dma_wait3A_221 : memref<128x32xf32, #tpu.memory_space<vmem>>)
      %run_scoped3A = arith.constant 0 : i32
      %run_scoped3A_228 = arith.constant 0 : i32
      "tpu.region"() ({
        %run_scoped3A_244 = tpu.sem_alloc : memref<!tpu.dma_semaphore, #tpu.memory_space<semaphore_mem>>
        %dma_start3A_245 = arith.constant 0 : i32
        %dma_start3A_246 = arith.constant 0 : i32
        %dma_start3A_247 = tpu.memref_slice %arg9[%run_scoped3A, %dma_start3A_245, %dma_start3A_246] : memref<8x128x32xf32, #tpu.memory_space<vmem>> -> memref<1x128x32xf32, #tpu.memory_space<vmem>>
        %dma_start3A_248 = tpu.memref_squeeze %dma_start3A_247 : memref<1x128x32xf32, #tpu.memory_space<vmem>> -> memref<128x32xf32, #tpu.memory_space<vmem>>
        %dma_start3A_249 = arith.constant 0 : i32
        %dma_start3A_250 = tpu.memref_slice %arg8[%run_scoped3A_228, %dma_start3A_249] : memref<8x128xi32, #tpu.memory_space<vmem>> -> memref<1x128xi32, #tpu.memory_space<vmem>>
        %dma_start3A_251 = tpu.memref_squeeze %dma_start3A_250 : memref<1x128xi32, #tpu.memory_space<vmem>> -> memref<128xi32, #tpu.memory_space<vmem>>
        %dma_start3A_252 = arith.constant 0 : i32
        %dma_start3A_253 = arith.constant 0 : i32
        %dma_start3A_254 = tpu.memref_slice %arg10[%dma_start3A_252, %dma_start3A_253] : memref<32768x32xf32, #tpu.memory_space<vmem_shared>> -> memref<32768x32xf32, #tpu.memory_space<vmem_shared>>
        tpu.enqueue_indirect_dma source(%dma_start3A_248 : memref<128x32xf32, #tpu.memory_space<vmem>>) target(%dma_start3A_254 : memref<32768x32xf32, #tpu.memory_space<vmem_shared>>) offsets(%dma_start3A_251 : memref<128xi32, #tpu.memory_space<vmem>>) semaphore(%run_scoped3A_244 : memref<!tpu.dma_semaphore, #tpu.memory_space<semaphore_mem>>) {add = true}
        %dma_wait3A_255 = arith.constant 0 : i32
        %dma_wait3A_256 = arith.constant 0 : i32
        %dma_wait3A_257 = tpu.memref_slice %arg9[%run_scoped3A, %dma_wait3A_255, %dma_wait3A_256] : memref<8x128x32xf32, #tpu.memory_space<vmem>> -> memref<1x128x32xf32, #tpu.memory_space<vmem>>
        %dma_wait3A_258 = tpu.memref_squeeze %dma_wait3A_257 : memref<1x128x32xf32, #tpu.memory_space<vmem>> -> memref<128x32xf32, #tpu.memory_space<vmem>>
        %dma_wait3A_259 = arith.constant 0 : i32
        %dma_wait3A_260 = tpu.memref_slice %arg8[%run_scoped3A_228, %dma_wait3A_259] : memref<8x128xi32, #tpu.memory_space<vmem>> -> memref<1x128xi32, #tpu.memory_space<vmem>>
        %dma_wait3A_261 = tpu.memref_squeeze %dma_wait3A_260 : memref<1x128xi32, #tpu.memory_space<vmem>> -> memref<128xi32, #tpu.memory_space<vmem>>
        %dma_wait3A_262 = arith.constant 0 : i32
        %dma_wait3A_263 = arith.constant 0 : i32
        %dma_wait3A_264 = tpu.memref_slice %arg10[%dma_wait3A_262, %dma_wait3A_263] : memref<32768x32xf32, #tpu.memory_space<vmem_shared>> -> memref<32768x32xf32, #tpu.memory_space<vmem_shared>>
        tpu.wait_indirect_dma semaphore(%run_scoped3A_244 : memref<!tpu.dma_semaphore, #tpu.memory_space<semaphore_mem>>) src(%dma_wait3A_258 : memref<128x32xf32, #tpu.memory_space<vmem>>) dst(%dma_wait3A_264 : memref<32768x32xf32, #tpu.memory_space<vmem_shared>>)
        tpu.yield
      }) : () -> ()
      %run_scoped3A_229 = arith.constant 1 : i32
      %run_scoped3A_230 = arith.constant 1 : i32
      "tpu.region"() ({
        %run_scoped3A_244 = tpu.sem_alloc : memref<!tpu.dma_semaphore, #tpu.memory_space<semaphore_mem>>
        %dma_start3A_245 = arith.constant 0 : i32
        %dma_start3A_246 = arith.constant 0 : i32
        %dma_start3A_247 = tpu.memref_slice %arg9[%run_scoped3A_229, %dma_start3A_245, %dma_start3A_246] : memref<8x128x32xf32, #tpu.memory_space<vmem>> -> memref<1x128x32xf32, #tpu.memory_space<vmem>>
        %dma_start3A_248 = tpu.memref_squeeze %dma_start3A_247 : memref<1x128x32xf32, #tpu.memory_space<vmem>> -> memref<128x32xf32, #tpu.memory_space<vmem>>
        %dma_start3A_249 = arith.constant 0 : i32
        %dma_start3A_250 = tpu.memref_slice %arg8[%run_scoped3A_230, %dma_start3A_249] : memref<8x128xi32, #tpu.memory_space<vmem>> -> memref<1x128xi32, #tpu.memory_space<vmem>>
        %dma_start3A_251 = tpu.memref_squeeze %dma_start3A_250 : memref<1x128xi32, #tpu.memory_space<vmem>> -> memref<128xi32, #tpu.memory_space<vmem>>
        %dma_start3A_252 = arith.constant 0 : i32
        %dma_start3A_253 = arith.constant 0 : i32
        %dma_start3A_254 = tpu.memref_slice %arg10[%dma_start3A_252, %dma_start3A_253] : memref<32768x32xf32, #tpu.memory_space<vmem_shared>> -> memref<32768x32xf32, #tpu.memory_space<vmem_shared>>
        tpu.enqueue_indirect_dma source(%dma_start3A_248 : memref<128x32xf32, #tpu.memory_space<vmem>>) target(%dma_start3A_254 : memref<32768x32xf32, #tpu.memory_space<vmem_shared>>) offsets(%dma_start3A_251 : memref<128xi32, #tpu.memory_space<vmem>>) semaphore(%run_scoped3A_244 : memref<!tpu.dma_semaphore, #tpu.memory_space<semaphore_mem>>) {add = true}
        %dma_wait3A_255 = arith.constant 0 : i32
        %dma_wait3A_256 = arith.constant 0 : i32
        %dma_wait3A_257 = tpu.memref_slice %arg9[%run_scoped3A_229, %dma_wait3A_255, %dma_wait3A_256] : memref<8x128x32xf32, #tpu.memory_space<vmem>> -> memref<1x128x32xf32, #tpu.memory_space<vmem>>
        %dma_wait3A_258 = tpu.memref_squeeze %dma_wait3A_257 : memref<1x128x32xf32, #tpu.memory_space<vmem>> -> memref<128x32xf32, #tpu.memory_space<vmem>>
        %dma_wait3A_259 = arith.constant 0 : i32
        %dma_wait3A_260 = tpu.memref_slice %arg8[%run_scoped3A_230, %dma_wait3A_259] : memref<8x128xi32, #tpu.memory_space<vmem>> -> memref<1x128xi32, #tpu.memory_space<vmem>>
        %dma_wait3A_261 = tpu.memref_squeeze %dma_wait3A_260 : memref<1x128xi32, #tpu.memory_space<vmem>> -> memref<128xi32, #tpu.memory_space<vmem>>
        %dma_wait3A_262 = arith.constant 0 : i32
        %dma_wait3A_263 = arith.constant 0 : i32
        %dma_wait3A_264 = tpu.memref_slice %arg10[%dma_wait3A_262, %dma_wait3A_263] : memref<32768x32xf32, #tpu.memory_space<vmem_shared>> -> memref<32768x32xf32, #tpu.memory_space<vmem_shared>>
        tpu.wait_indirect_dma semaphore(%run_scoped3A_244 : memref<!tpu.dma_semaphore, #tpu.memory_space<semaphore_mem>>) src(%dma_wait3A_258 : memref<128x32xf32, #tpu.memory_space<vmem>>) dst(%dma_wait3A_264 : memref<32768x32xf32, #tpu.memory_space<vmem_shared>>)
        tpu.yield
      }) : () -> ()
      %run_scoped3A_231 = arith.constant 2 : i32
      %run_scoped3A_232 = arith.constant 2 : i32
      "tpu.region"() ({
        %run_scoped3A_244 = tpu.sem_alloc : memref<!tpu.dma_semaphore, #tpu.memory_space<semaphore_mem>>
        %dma_start3A_245 = arith.constant 0 : i32
        %dma_start3A_246 = arith.constant 0 : i32
        %dma_start3A_247 = tpu.memref_slice %arg9[%run_scoped3A_231, %dma_start3A_245, %dma_start3A_246] : memref<8x128x32xf32, #tpu.memory_space<vmem>> -> memref<1x128x32xf32, #tpu.memory_space<vmem>>
        %dma_start3A_248 = tpu.memref_squeeze %dma_start3A_247 : memref<1x128x32xf32, #tpu.memory_space<vmem>> -> memref<128x32xf32, #tpu.memory_space<vmem>>
        %dma_start3A_249 = arith.constant 0 : i32
        %dma_start3A_250 = tpu.memref_slice %arg8[%run_scoped3A_232, %dma_start3A_249] : memref<8x128xi32, #tpu.memory_space<vmem>> -> memref<1x128xi32, #tpu.memory_space<vmem>>
        %dma_start3A_251 = tpu.memref_squeeze %dma_start3A_250 : memref<1x128xi32, #tpu.memory_space<vmem>> -> memref<128xi32, #tpu.memory_space<vmem>>
        %dma_start3A_252 = arith.constant 0 : i32
        %dma_start3A_253 = arith.constant 0 : i32
        %dma_start3A_254 = tpu.memref_slice %arg10[%dma_start3A_252, %dma_start3A_253] : memref<32768x32xf32, #tpu.memory_space<vmem_shared>> -> memref<32768x32xf32, #tpu.memory_space<vmem_shared>>
        tpu.enqueue_indirect_dma source(%dma_start3A_248 : memref<128x32xf32, #tpu.memory_space<vmem>>) target(%dma_start3A_254 : memref<32768x32xf32, #tpu.memory_space<vmem_shared>>) offsets(%dma_start3A_251 : memref<128xi32, #tpu.memory_space<vmem>>) semaphore(%run_scoped3A_244 : memref<!tpu.dma_semaphore, #tpu.memory_space<semaphore_mem>>) {add = true}
        %dma_wait3A_255 = arith.constant 0 : i32
        %dma_wait3A_256 = arith.constant 0 : i32
        %dma_wait3A_257 = tpu.memref_slice %arg9[%run_scoped3A_231, %dma_wait3A_255, %dma_wait3A_256] : memref<8x128x32xf32, #tpu.memory_space<vmem>> -> memref<1x128x32xf32, #tpu.memory_space<vmem>>
        %dma_wait3A_258 = tpu.memref_squeeze %dma_wait3A_257 : memref<1x128x32xf32, #tpu.memory_space<vmem>> -> memref<128x32xf32, #tpu.memory_space<vmem>>
        %dma_wait3A_259 = arith.constant 0 : i32
        %dma_wait3A_260 = tpu.memref_slice %arg8[%run_scoped3A_232, %dma_wait3A_259] : memref<8x128xi32, #tpu.memory_space<vmem>> -> memref<1x128xi32, #tpu.memory_space<vmem>>
        %dma_wait3A_261 = tpu.memref_squeeze %dma_wait3A_260 : memref<1x128xi32, #tpu.memory_space<vmem>> -> memref<128xi32, #tpu.memory_space<vmem>>
        %dma_wait3A_262 = arith.constant 0 : i32
        %dma_wait3A_263 = arith.constant 0 : i32
        %dma_wait3A_264 = tpu.memref_slice %arg10[%dma_wait3A_262, %dma_wait3A_263] : memref<32768x32xf32, #tpu.memory_space<vmem_shared>> -> memref<32768x32xf32, #tpu.memory_space<vmem_shared>>
        tpu.wait_indirect_dma semaphore(%run_scoped3A_244 : memref<!tpu.dma_semaphore, #tpu.memory_space<semaphore_mem>>) src(%dma_wait3A_258 : memref<128x32xf32, #tpu.memory_space<vmem>>) dst(%dma_wait3A_264 : memref<32768x32xf32, #tpu.memory_space<vmem_shared>>)
        tpu.yield
      }) : () -> ()
      %run_scoped3A_233 = arith.constant 3 : i32
      %run_scoped3A_234 = arith.constant 3 : i32
      "tpu.region"() ({
        %run_scoped3A_244 = tpu.sem_alloc : memref<!tpu.dma_semaphore, #tpu.memory_space<semaphore_mem>>
        %dma_start3A_245 = arith.constant 0 : i32
        %dma_start3A_246 = arith.constant 0 : i32
        %dma_start3A_247 = tpu.memref_slice %arg9[%run_scoped3A_233, %dma_start3A_245, %dma_start3A_246] : memref<8x128x32xf32, #tpu.memory_space<vmem>> -> memref<1x128x32xf32, #tpu.memory_space<vmem>>
        %dma_start3A_248 = tpu.memref_squeeze %dma_start3A_247 : memref<1x128x32xf32, #tpu.memory_space<vmem>> -> memref<128x32xf32, #tpu.memory_space<vmem>>
        %dma_start3A_249 = arith.constant 0 : i32
        %dma_start3A_250 = tpu.memref_slice %arg8[%run_scoped3A_234, %dma_start3A_249] : memref<8x128xi32, #tpu.memory_space<vmem>> -> memref<1x128xi32, #tpu.memory_space<vmem>>
        %dma_start3A_251 = tpu.memref_squeeze %dma_start3A_250 : memref<1x128xi32, #tpu.memory_space<vmem>> -> memref<128xi32, #tpu.memory_space<vmem>>
        %dma_start3A_252 = arith.constant 0 : i32
        %dma_start3A_253 = arith.constant 0 : i32
        %dma_start3A_254 = tpu.memref_slice %arg10[%dma_start3A_252, %dma_start3A_253] : memref<32768x32xf32, #tpu.memory_space<vmem_shared>> -> memref<32768x32xf32, #tpu.memory_space<vmem_shared>>
        tpu.enqueue_indirect_dma source(%dma_start3A_248 : memref<128x32xf32, #tpu.memory_space<vmem>>) target(%dma_start3A_254 : memref<32768x32xf32, #tpu.memory_space<vmem_shared>>) offsets(%dma_start3A_251 : memref<128xi32, #tpu.memory_space<vmem>>) semaphore(%run_scoped3A_244 : memref<!tpu.dma_semaphore, #tpu.memory_space<semaphore_mem>>) {add = true}
        %dma_wait3A_255 = arith.constant 0 : i32
        %dma_wait3A_256 = arith.constant 0 : i32
        %dma_wait3A_257 = tpu.memref_slice %arg9[%run_scoped3A_233, %dma_wait3A_255, %dma_wait3A_256] : memref<8x128x32xf32, #tpu.memory_space<vmem>> -> memref<1x128x32xf32, #tpu.memory_space<vmem>>
        %dma_wait3A_258 = tpu.memref_squeeze %dma_wait3A_257 : memref<1x128x32xf32, #tpu.memory_space<vmem>> -> memref<128x32xf32, #tpu.memory_space<vmem>>
        %dma_wait3A_259 = arith.constant 0 : i32
        %dma_wait3A_260 = tpu.memref_slice %arg8[%run_scoped3A_234, %dma_wait3A_259] : memref<8x128xi32, #tpu.memory_space<vmem>> -> memref<1x128xi32, #tpu.memory_space<vmem>>
        %dma_wait3A_261 = tpu.memref_squeeze %dma_wait3A_260 : memref<1x128xi32, #tpu.memory_space<vmem>> -> memref<128xi32, #tpu.memory_space<vmem>>
        %dma_wait3A_262 = arith.constant 0 : i32
        %dma_wait3A_263 = arith.constant 0 : i32
        %dma_wait3A_264 = tpu.memref_slice %arg10[%dma_wait3A_262, %dma_wait3A_263] : memref<32768x32xf32, #tpu.memory_space<vmem_shared>> -> memref<32768x32xf32, #tpu.memory_space<vmem_shared>>
        tpu.wait_indirect_dma semaphore(%run_scoped3A_244 : memref<!tpu.dma_semaphore, #tpu.memory_space<semaphore_mem>>) src(%dma_wait3A_258 : memref<128x32xf32, #tpu.memory_space<vmem>>) dst(%dma_wait3A_264 : memref<32768x32xf32, #tpu.memory_space<vmem_shared>>)
        tpu.yield
      }) : () -> ()
      %run_scoped3A_235 = arith.constant 4 : i32
      %run_scoped3A_236 = arith.constant 4 : i32
      "tpu.region"() ({
        %run_scoped3A_244 = tpu.sem_alloc : memref<!tpu.dma_semaphore, #tpu.memory_space<semaphore_mem>>
        %dma_start3A_245 = arith.constant 0 : i32
        %dma_start3A_246 = arith.constant 0 : i32
        %dma_start3A_247 = tpu.memref_slice %arg9[%run_scoped3A_235, %dma_start3A_245, %dma_start3A_246] : memref<8x128x32xf32, #tpu.memory_space<vmem>> -> memref<1x128x32xf32, #tpu.memory_space<vmem>>
        %dma_start3A_248 = tpu.memref_squeeze %dma_start3A_247 : memref<1x128x32xf32, #tpu.memory_space<vmem>> -> memref<128x32xf32, #tpu.memory_space<vmem>>
        %dma_start3A_249 = arith.constant 0 : i32
        %dma_start3A_250 = tpu.memref_slice %arg8[%run_scoped3A_236, %dma_start3A_249] : memref<8x128xi32, #tpu.memory_space<vmem>> -> memref<1x128xi32, #tpu.memory_space<vmem>>
        %dma_start3A_251 = tpu.memref_squeeze %dma_start3A_250 : memref<1x128xi32, #tpu.memory_space<vmem>> -> memref<128xi32, #tpu.memory_space<vmem>>
        %dma_start3A_252 = arith.constant 0 : i32
        %dma_start3A_253 = arith.constant 0 : i32
        %dma_start3A_254 = tpu.memref_slice %arg10[%dma_start3A_252, %dma_start3A_253] : memref<32768x32xf32, #tpu.memory_space<vmem_shared>> -> memref<32768x32xf32, #tpu.memory_space<vmem_shared>>
        tpu.enqueue_indirect_dma source(%dma_start3A_248 : memref<128x32xf32, #tpu.memory_space<vmem>>) target(%dma_start3A_254 : memref<32768x32xf32, #tpu.memory_space<vmem_shared>>) offsets(%dma_start3A_251 : memref<128xi32, #tpu.memory_space<vmem>>) semaphore(%run_scoped3A_244 : memref<!tpu.dma_semaphore, #tpu.memory_space<semaphore_mem>>) {add = true}
        %dma_wait3A_255 = arith.constant 0 : i32
        %dma_wait3A_256 = arith.constant 0 : i32
        %dma_wait3A_257 = tpu.memref_slice %arg9[%run_scoped3A_235, %dma_wait3A_255, %dma_wait3A_256] : memref<8x128x32xf32, #tpu.memory_space<vmem>> -> memref<1x128x32xf32, #tpu.memory_space<vmem>>
        %dma_wait3A_258 = tpu.memref_squeeze %dma_wait3A_257 : memref<1x128x32xf32, #tpu.memory_space<vmem>> -> memref<128x32xf32, #tpu.memory_space<vmem>>
        %dma_wait3A_259 = arith.constant 0 : i32
        %dma_wait3A_260 = tpu.memref_slice %arg8[%run_scoped3A_236, %dma_wait3A_259] : memref<8x128xi32, #tpu.memory_space<vmem>> -> memref<1x128xi32, #tpu.memory_space<vmem>>
        %dma_wait3A_261 = tpu.memref_squeeze %dma_wait3A_260 : memref<1x128xi32, #tpu.memory_space<vmem>> -> memref<128xi32, #tpu.memory_space<vmem>>
        %dma_wait3A_262 = arith.constant 0 : i32
        %dma_wait3A_263 = arith.constant 0 : i32
        %dma_wait3A_264 = tpu.memref_slice %arg10[%dma_wait3A_262, %dma_wait3A_263] : memref<32768x32xf32, #tpu.memory_space<vmem_shared>> -> memref<32768x32xf32, #tpu.memory_space<vmem_shared>>
        tpu.wait_indirect_dma semaphore(%run_scoped3A_244 : memref<!tpu.dma_semaphore, #tpu.memory_space<semaphore_mem>>) src(%dma_wait3A_258 : memref<128x32xf32, #tpu.memory_space<vmem>>) dst(%dma_wait3A_264 : memref<32768x32xf32, #tpu.memory_space<vmem_shared>>)
        tpu.yield
      }) : () -> ()
      %run_scoped3A_237 = arith.constant 5 : i32
      %run_scoped3A_238 = arith.constant 5 : i32
      "tpu.region"() ({
        %run_scoped3A_244 = tpu.sem_alloc : memref<!tpu.dma_semaphore, #tpu.memory_space<semaphore_mem>>
        %dma_start3A_245 = arith.constant 0 : i32
        %dma_start3A_246 = arith.constant 0 : i32
        %dma_start3A_247 = tpu.memref_slice %arg9[%run_scoped3A_237, %dma_start3A_245, %dma_start3A_246] : memref<8x128x32xf32, #tpu.memory_space<vmem>> -> memref<1x128x32xf32, #tpu.memory_space<vmem>>
        %dma_start3A_248 = tpu.memref_squeeze %dma_start3A_247 : memref<1x128x32xf32, #tpu.memory_space<vmem>> -> memref<128x32xf32, #tpu.memory_space<vmem>>
        %dma_start3A_249 = arith.constant 0 : i32
        %dma_start3A_250 = tpu.memref_slice %arg8[%run_scoped3A_238, %dma_start3A_249] : memref<8x128xi32, #tpu.memory_space<vmem>> -> memref<1x128xi32, #tpu.memory_space<vmem>>
        %dma_start3A_251 = tpu.memref_squeeze %dma_start3A_250 : memref<1x128xi32, #tpu.memory_space<vmem>> -> memref<128xi32, #tpu.memory_space<vmem>>
        %dma_start3A_252 = arith.constant 0 : i32
        %dma_start3A_253 = arith.constant 0 : i32
        %dma_start3A_254 = tpu.memref_slice %arg10[%dma_start3A_252, %dma_start3A_253] : memref<32768x32xf32, #tpu.memory_space<vmem_shared>> -> memref<32768x32xf32, #tpu.memory_space<vmem_shared>>
        tpu.enqueue_indirect_dma source(%dma_start3A_248 : memref<128x32xf32, #tpu.memory_space<vmem>>) target(%dma_start3A_254 : memref<32768x32xf32, #tpu.memory_space<vmem_shared>>) offsets(%dma_start3A_251 : memref<128xi32, #tpu.memory_space<vmem>>) semaphore(%run_scoped3A_244 : memref<!tpu.dma_semaphore, #tpu.memory_space<semaphore_mem>>) {add = true}
        %dma_wait3A_255 = arith.constant 0 : i32
        %dma_wait3A_256 = arith.constant 0 : i32
        %dma_wait3A_257 = tpu.memref_slice %arg9[%run_scoped3A_237, %dma_wait3A_255, %dma_wait3A_256] : memref<8x128x32xf32, #tpu.memory_space<vmem>> -> memref<1x128x32xf32, #tpu.memory_space<vmem>>
        %dma_wait3A_258 = tpu.memref_squeeze %dma_wait3A_257 : memref<1x128x32xf32, #tpu.memory_space<vmem>> -> memref<128x32xf32, #tpu.memory_space<vmem>>
        %dma_wait3A_259 = arith.constant 0 : i32
        %dma_wait3A_260 = tpu.memref_slice %arg8[%run_scoped3A_238, %dma_wait3A_259] : memref<8x128xi32, #tpu.memory_space<vmem>> -> memref<1x128xi32, #tpu.memory_space<vmem>>
        %dma_wait3A_261 = tpu.memref_squeeze %dma_wait3A_260 : memref<1x128xi32, #tpu.memory_space<vmem>> -> memref<128xi32, #tpu.memory_space<vmem>>
        %dma_wait3A_262 = arith.constant 0 : i32
        %dma_wait3A_263 = arith.constant 0 : i32
        %dma_wait3A_264 = tpu.memref_slice %arg10[%dma_wait3A_262, %dma_wait3A_263] : memref<32768x32xf32, #tpu.memory_space<vmem_shared>> -> memref<32768x32xf32, #tpu.memory_space<vmem_shared>>
        tpu.wait_indirect_dma semaphore(%run_scoped3A_244 : memref<!tpu.dma_semaphore, #tpu.memory_space<semaphore_mem>>) src(%dma_wait3A_258 : memref<128x32xf32, #tpu.memory_space<vmem>>) dst(%dma_wait3A_264 : memref<32768x32xf32, #tpu.memory_space<vmem_shared>>)
        tpu.yield
      }) : () -> ()
      %run_scoped3A_239 = arith.constant 6 : i32
      %run_scoped3A_240 = arith.constant 6 : i32
      "tpu.region"() ({
        %run_scoped3A_244 = tpu.sem_alloc : memref<!tpu.dma_semaphore, #tpu.memory_space<semaphore_mem>>
        %dma_start3A_245 = arith.constant 0 : i32
        %dma_start3A_246 = arith.constant 0 : i32
        %dma_start3A_247 = tpu.memref_slice %arg9[%run_scoped3A_239, %dma_start3A_245, %dma_start3A_246] : memref<8x128x32xf32, #tpu.memory_space<vmem>> -> memref<1x128x32xf32, #tpu.memory_space<vmem>>
        %dma_start3A_248 = tpu.memref_squeeze %dma_start3A_247 : memref<1x128x32xf32, #tpu.memory_space<vmem>> -> memref<128x32xf32, #tpu.memory_space<vmem>>
        %dma_start3A_249 = arith.constant 0 : i32
        %dma_start3A_250 = tpu.memref_slice %arg8[%run_scoped3A_240, %dma_start3A_249] : memref<8x128xi32, #tpu.memory_space<vmem>> -> memref<1x128xi32, #tpu.memory_space<vmem>>
        %dma_start3A_251 = tpu.memref_squeeze %dma_start3A_250 : memref<1x128xi32, #tpu.memory_space<vmem>> -> memref<128xi32, #tpu.memory_space<vmem>>
        %dma_start3A_252 = arith.constant 0 : i32
        %dma_start3A_253 = arith.constant 0 : i32
        %dma_start3A_254 = tpu.memref_slice %arg10[%dma_start3A_252, %dma_start3A_253] : memref<32768x32xf32, #tpu.memory_space<vmem_shared>> -> memref<32768x32xf32, #tpu.memory_space<vmem_shared>>
        tpu.enqueue_indirect_dma source(%dma_start3A_248 : memref<128x32xf32, #tpu.memory_space<vmem>>) target(%dma_start3A_254 : memref<32768x32xf32, #tpu.memory_space<vmem_shared>>) offsets(%dma_start3A_251 : memref<128xi32, #tpu.memory_space<vmem>>) semaphore(%run_scoped3A_244 : memref<!tpu.dma_semaphore, #tpu.memory_space<semaphore_mem>>) {add = true}
        %dma_wait3A_255 = arith.constant 0 : i32
        %dma_wait3A_256 = arith.constant 0 : i32
        %dma_wait3A_257 = tpu.memref_slice %arg9[%run_scoped3A_239, %dma_wait3A_255, %dma_wait3A_256] : memref<8x128x32xf32, #tpu.memory_space<vmem>> -> memref<1x128x32xf32, #tpu.memory_space<vmem>>
        %dma_wait3A_258 = tpu.memref_squeeze %dma_wait3A_257 : memref<1x128x32xf32, #tpu.memory_space<vmem>> -> memref<128x32xf32, #tpu.memory_space<vmem>>
        %dma_wait3A_259 = arith.constant 0 : i32
        %dma_wait3A_260 = tpu.memref_slice %arg8[%run_scoped3A_240, %dma_wait3A_259] : memref<8x128xi32, #tpu.memory_space<vmem>> -> memref<1x128xi32, #tpu.memory_space<vmem>>
        %dma_wait3A_261 = tpu.memref_squeeze %dma_wait3A_260 : memref<1x128xi32, #tpu.memory_space<vmem>> -> memref<128xi32, #tpu.memory_space<vmem>>
        %dma_wait3A_262 = arith.constant 0 : i32
        %dma_wait3A_263 = arith.constant 0 : i32
        %dma_wait3A_264 = tpu.memref_slice %arg10[%dma_wait3A_262, %dma_wait3A_263] : memref<32768x32xf32, #tpu.memory_space<vmem_shared>> -> memref<32768x32xf32, #tpu.memory_space<vmem_shared>>
        tpu.wait_indirect_dma semaphore(%run_scoped3A_244 : memref<!tpu.dma_semaphore, #tpu.memory_space<semaphore_mem>>) src(%dma_wait3A_258 : memref<128x32xf32, #tpu.memory_space<vmem>>) dst(%dma_wait3A_264 : memref<32768x32xf32, #tpu.memory_space<vmem_shared>>)
        tpu.yield
      }) : () -> ()
      %run_scoped3A_241 = arith.constant 7 : i32
      %run_scoped3A_242 = arith.constant 7 : i32
      "tpu.region"() ({
        %run_scoped3A_244 = tpu.sem_alloc : memref<!tpu.dma_semaphore, #tpu.memory_space<semaphore_mem>>
        %dma_start3A_245 = arith.constant 0 : i32
        %dma_start3A_246 = arith.constant 0 : i32
        %dma_start3A_247 = tpu.memref_slice %arg9[%run_scoped3A_241, %dma_start3A_245, %dma_start3A_246] : memref<8x128x32xf32, #tpu.memory_space<vmem>> -> memref<1x128x32xf32, #tpu.memory_space<vmem>>
        %dma_start3A_248 = tpu.memref_squeeze %dma_start3A_247 : memref<1x128x32xf32, #tpu.memory_space<vmem>> -> memref<128x32xf32, #tpu.memory_space<vmem>>
        %dma_start3A_249 = arith.constant 0 : i32
        %dma_start3A_250 = tpu.memref_slice %arg8[%run_scoped3A_242, %dma_start3A_249] : memref<8x128xi32, #tpu.memory_space<vmem>> -> memref<1x128xi32, #tpu.memory_space<vmem>>
        %dma_start3A_251 = tpu.memref_squeeze %dma_start3A_250 : memref<1x128xi32, #tpu.memory_space<vmem>> -> memref<128xi32, #tpu.memory_space<vmem>>
        %dma_start3A_252 = arith.constant 0 : i32
        %dma_start3A_253 = arith.constant 0 : i32
        %dma_start3A_254 = tpu.memref_slice %arg10[%dma_start3A_252, %dma_start3A_253] : memref<32768x32xf32, #tpu.memory_space<vmem_shared>> -> memref<32768x32xf32, #tpu.memory_space<vmem_shared>>
        tpu.enqueue_indirect_dma source(%dma_start3A_248 : memref<128x32xf32, #tpu.memory_space<vmem>>) target(%dma_start3A_254 : memref<32768x32xf32, #tpu.memory_space<vmem_shared>>) offsets(%dma_start3A_251 : memref<128xi32, #tpu.memory_space<vmem>>) semaphore(%run_scoped3A_244 : memref<!tpu.dma_semaphore, #tpu.memory_space<semaphore_mem>>) {add = true}
        %dma_wait3A_255 = arith.constant 0 : i32
        %dma_wait3A_256 = arith.constant 0 : i32
        %dma_wait3A_257 = tpu.memref_slice %arg9[%run_scoped3A_241, %dma_wait3A_255, %dma_wait3A_256] : memref<8x128x32xf32, #tpu.memory_space<vmem>> -> memref<1x128x32xf32, #tpu.memory_space<vmem>>
        %dma_wait3A_258 = tpu.memref_squeeze %dma_wait3A_257 : memref<1x128x32xf32, #tpu.memory_space<vmem>> -> memref<128x32xf32, #tpu.memory_space<vmem>>
        %dma_wait3A_259 = arith.constant 0 : i32
        %dma_wait3A_260 = tpu.memref_slice %arg8[%run_scoped3A_242, %dma_wait3A_259] : memref<8x128xi32, #tpu.memory_space<vmem>> -> memref<1x128xi32, #tpu.memory_space<vmem>>
        %dma_wait3A_261 = tpu.memref_squeeze %dma_wait3A_260 : memref<1x128xi32, #tpu.memory_space<vmem>> -> memref<128xi32, #tpu.memory_space<vmem>>
        %dma_wait3A_262 = arith.constant 0 : i32
        %dma_wait3A_263 = arith.constant 0 : i32
        %dma_wait3A_264 = tpu.memref_slice %arg10[%dma_wait3A_262, %dma_wait3A_263] : memref<32768x32xf32, #tpu.memory_space<vmem_shared>> -> memref<32768x32xf32, #tpu.memory_space<vmem_shared>>
        tpu.wait_indirect_dma semaphore(%run_scoped3A_244 : memref<!tpu.dma_semaphore, #tpu.memory_space<semaphore_mem>>) src(%dma_wait3A_258 : memref<128x32xf32, #tpu.memory_space<vmem>>) dst(%dma_wait3A_264 : memref<32768x32xf32, #tpu.memory_space<vmem_shared>>)
        tpu.yield
      }) : () -> ()
      %scan3A_243 = arith.constant 0 : i32
      scf.yield %scan3A_243 : i32
    }
    %scan3A_22 = arith.constant 16 : i32
    %barrier3A_23 = arith.constant 0 : index
    tpu.barrier barrier_id(%barrier3A_23)
    %scan3A_24 = arith.constant 0 : i32
    %scan3A_25 = arith.constant 0 : i32
    %scan3A_26 = arith.constant 16 : i32
    %scan3A_27 = arith.addi %scan3A_25, %scan3A_26 : i32
    %scan3A_28 = arith.constant 1 : i32
    %scan3A_29 = scf.for %scan3A_31 = %scan3A_25 to %scan3A_27 step %scan3A_28 iter_args(%scan3A_32 = %scan3A_24) -> (i32)  : i32 {
      %mul3A_33 = arith.constant 2048 : i32
      %mul3A_34 = arith.muli %arg1, %mul3A_33 : i32
      %mul3A_35 = arith.constant 128 : i32
      %mul3A_36 = arith.muli %scan3A_31, %mul3A_35 : i32
      %add3A_37 = arith.addi %mul3A_34, %mul3A_36 : i32
      "tpu.region"() ({
        %run_scoped3A = tpu.sem_alloc : memref<!tpu.dma_semaphore, #tpu.memory_space<semaphore_mem>>
        %dma_start3A = arith.constant 0 : i32
        %dma_start3A_39 = tpu.memref_slice %arg5[%arg0, %add3A_37, %dma_start3A] : memref<2x32768x32xf32, #tpu.memory_space<hbm>> -> memref<1x128x32xf32, #tpu.memory_space<hbm>>
        %dma_start3A_40 = tpu.memref_squeeze %dma_start3A_39 : memref<1x128x32xf32, #tpu.memory_space<hbm>> -> memref<128x32xf32, #tpu.memory_space<hbm>>
        %dma_start3A_41 = arith.constant 0 : i32
        %dma_start3A_42 = tpu.memref_slice %arg10[%add3A_37, %dma_start3A_41] : memref<32768x32xf32, #tpu.memory_space<vmem_shared>> -> memref<128x32xf32, #tpu.memory_space<vmem_shared>>
        tpu.enqueue_dma source(%dma_start3A_42 : memref<128x32xf32, #tpu.memory_space<vmem_shared>>) target(%dma_start3A_40 : memref<128x32xf32, #tpu.memory_space<hbm>>) target_semaphore(%run_scoped3A : memref<!tpu.dma_semaphore, #tpu.memory_space<semaphore_mem>>)
        %dma_wait3A = arith.constant 0 : i32
        %dma_wait3A_43 = tpu.memref_slice %arg5[%arg0, %add3A_37, %dma_wait3A] : memref<2x32768x32xf32, #tpu.memory_space<hbm>> -> memref<1x128x32xf32, #tpu.memory_space<hbm>>
        %dma_wait3A_44 = tpu.memref_squeeze %dma_wait3A_43 : memref<1x128x32xf32, #tpu.memory_space<hbm>> -> memref<128x32xf32, #tpu.memory_space<hbm>>
        %dma_wait3A_45 = arith.constant 0 : i32
        %dma_wait3A_46 = tpu.memref_slice %arg10[%add3A_37, %dma_wait3A_45] : memref<32768x32xf32, #tpu.memory_space<vmem_shared>> -> memref<128x32xf32, #tpu.memory_space<vmem_shared>>
        tpu.wait_dma2 semaphore(%run_scoped3A : memref<!tpu.dma_semaphore, #tpu.memory_space<semaphore_mem>>) src(%dma_wait3A_46 : memref<128x32xf32, #tpu.memory_space<vmem_shared>>) dst(%dma_wait3A_44 : memref<128x32xf32, #tpu.memory_space<hbm>>)
        tpu.yield
      }) : () -> ()
      %scan3A_38 = arith.constant 0 : i32
      scf.yield %scan3A_38 : i32
    }
    %scan3A_30 = arith.constant 16 : i32
    return
  }
}

#map = affine_map<(d0, d1) -> (0, 0)>
#map1 = affine_map<(d0, d1) -> (0, 0, 0)>
module attributes {stable_mosaic.version = 14 : i64} {
  func.func @k(%arg0: i32, %arg1: i32, %arg2: memref<4096x128xi32, #tpu.memory_space<hbm>>, %arg3: memref<4096x128xi32, #tpu.memory_space<hbm>>, %arg4: memref<32768x32xf32, #tpu.memory_space<hbm>>, %arg5: memref<2x32768x32xf32, #tpu.memory_space<hbm>>, %arg6: memref<128x32xf32, #tpu.memory_space<vmem>>, %arg7: memref<8x128xi32, #tpu.memory_space<vmem>>, %arg8: memref<8x128xi32, #tpu.memory_space<vmem>>, %arg9: memref<8x128x32xf32, #tpu.memory_space<vmem>>, %arg10: memref<32768x32xf32, #tpu.memory_space<vmem_shared>>, %arg11: memref<!tpu.dma_semaphore, #tpu.memory_space<semaphore_mem>>) attributes {dimension_semantics = [#tpu.dimension_semantics<core_parallel>, #tpu.dimension_semantics<subcore_parallel>], iteration_bounds = array<i64: 2, 16>, scalar_prefetch = 0 : i64, scratch_operands = 6 : i64, tpu.core_type = #tpu.core_type<sc_vector_subcore>, window_params = [{transform_indices = #map}, {transform_indices = #map}, {transform_indices = #map}, {transform_indices = #map1}]} {
    %mul3A = arith.constant 16 : i32
    %mul3A_0 = arith.muli %arg0, %mul3A : i32
    %add3A = arith.addi %mul3A_0, %arg1 : i32
    %scan3A = arith.constant 0 : i32
    %scan3A_1 = arith.constant 0 : i32
    %scan3A_2 = arith.constant 128 : i32
    %scan3A_3 = arith.addi %scan3A_1, %scan3A_2 : i32
    %scan3A_4 = arith.constant 1 : i32
    %scan3A_5 = scf.for %scan3A_31 = %scan3A_1 to %scan3A_3 step %scan3A_4 iter_args(%scan3A_32 = %scan3A) -> (i32)  : i32 {
      %broadcast_in_dim3A = arith.constant 0.000000e+00 : f32
      %broadcast_in_dim3A_33 = vector.broadcast %broadcast_in_dim3A : f32 to vector<16xf32>
      %swap3A = arith.index_cast %scan3A_31 : i32 to index
      %swap3A_34 = arith.constant 0 : index
      %swap3A_35 = tpu.vector_load %arg6[%swap3A, %swap3A_34] {strides = array<i32>} : memref<128x32xf32, #tpu.memory_space<vmem>>, vector<1x16xf32>,
      %swap3A_36 = vector.shape_cast %swap3A_35 : vector<1x16xf32> to vector<16xf32>
      %swap3A_37 = vector.shape_cast %broadcast_in_dim3A_33 : vector<16xf32> to vector<1x16xf32>
      tpu.vector_store %arg6[%swap3A, %swap3A_34], %swap3A_37 {strides = array<i32>} : memref<128x32xf32, #tpu.memory_space<vmem>>, vector<1x16xf32>,
      %broadcast_in_dim3A_38 = arith.constant 0.000000e+00 : f32
      %broadcast_in_dim3A_39 = vector.broadcast %broadcast_in_dim3A_38 : f32 to vector<16xf32>
      %swap3A_40 = arith.index_cast %scan3A_31 : i32 to index
      %swap3A_41 = arith.constant 16 : index
      %swap3A_42 = tpu.vector_load %arg6[%swap3A_40, %swap3A_41] {strides = array<i32>} : memref<128x32xf32, #tpu.memory_space<vmem>>, vector<1x16xf32>,
      %swap3A_43 = vector.shape_cast %swap3A_42 : vector<1x16xf32> to vector<16xf32>
      %swap3A_44 = vector.shape_cast %broadcast_in_dim3A_39 : vector<16xf32> to vector<1x16xf32>
      tpu.vector_store %arg6[%swap3A_40, %swap3A_41], %swap3A_44 {strides = array<i32>} : memref<128x32xf32, #tpu.memory_space<vmem>>, vector<1x16xf32>,
      %scan3A_45 = arith.constant 0 : i32
      scf.yield %scan3A_45 : i32
    }
    %scan3A_6 = arith.constant 128 : i32
    %mul3A_7 = arith.constant 2048 : i32
    %mul3A_8 = arith.muli %arg1, %mul3A_7 : i32
    %scan3A_9 = arith.constant 0 : i32
    %scan3A_10 = arith.constant 0 : i32
    %scan3A_11 = arith.constant 16 : i32
    %scan3A_12 = arith.addi %scan3A_10, %scan3A_11 : i32
    %scan3A_13 = arith.constant 1 : i32
    %scan3A_14 = scf.for %scan3A_31 = %scan3A_10 to %scan3A_12 step %scan3A_13 iter_args(%scan3A_32 = %scan3A_9) -> (i32)  : i32 {
      %mul3A_33 = arith.constant 128 : i32
      %mul3A_34 = arith.muli %scan3A_31, %mul3A_33 : i32
      %add3A_35 = arith.addi %mul3A_8, %mul3A_34 : i32
      "tpu.region"() ({
        %run_scoped3A = tpu.sem_alloc : memref<!tpu.dma_semaphore, #tpu.memory_space<semaphore_mem>>
        %dma_start3A = arith.constant 0 : i32
        %dma_start3A_37 = tpu.memref_slice %arg10[%add3A_35, %dma_start3A] : memref<32768x32xf32, #tpu.memory_space<vmem_shared>> -> memref<128x32xf32, #tpu.memory_space<vmem_shared>>
        %dma_start3A_38 = arith.constant 0 : i32
        %dma_start3A_39 = tpu.memref_slice %arg10[%add3A_35, %dma_start3A_38] : memref<32768x32xf32, #tpu.memory_space<vmem_shared>> -> memref<128x32xf32, #tpu.memory_space<vmem_shared>>
        tpu.enqueue_dma source(%arg6 : memref<128x32xf32, #tpu.memory_space<vmem>>) target(%dma_start3A_39 : memref<128x32xf32, #tpu.memory_space<vmem_shared>>) target_semaphore(%run_scoped3A : memref<!tpu.dma_semaphore, #tpu.memory_space<semaphore_mem>>)
        %dma_wait3A = arith.constant 0 : i32
        %dma_wait3A_40 = tpu.memref_slice %arg10[%add3A_35, %dma_wait3A] : memref<32768x32xf32, #tpu.memory_space<vmem_shared>> -> memref<128x32xf32, #tpu.memory_space<vmem_shared>>
        %dma_wait3A_41 = arith.constant 0 : i32
        %dma_wait3A_42 = tpu.memref_slice %arg10[%add3A_35, %dma_wait3A_41] : memref<32768x32xf32, #tpu.memory_space<vmem_shared>> -> memref<128x32xf32, #tpu.memory_space<vmem_shared>>
        tpu.wait_dma2 semaphore(%run_scoped3A : memref<!tpu.dma_semaphore, #tpu.memory_space<semaphore_mem>>) src(%arg6 : memref<128x32xf32, #tpu.memory_space<vmem>>) dst(%dma_wait3A_42 : memref<128x32xf32, #tpu.memory_space<vmem_shared>>)
        tpu.yield
      }) : () -> ()
      %scan3A_36 = arith.constant 0 : i32
      scf.yield %scan3A_36 : i32
    }
    %scan3A_15 = arith.constant 16 : i32
    %barrier3A = arith.constant 0 : index
    tpu.barrier barrier_id(%barrier3A)
    %scan3A_16 = arith.constant 0 : i32
    %scan3A_17 = arith.constant 0 : i32
    %scan3A_18 = arith.constant 16 : i32
    %scan3A_19 = arith.addi %scan3A_17, %scan3A_18 : i32
    %scan3A_20 = arith.constant 1 : i32
    %scan3A_21 = scf.for %scan3A_31 = %scan3A_17 to %scan3A_19 step %scan3A_20 iter_args(%scan3A_32 = %scan3A_16) -> (i32)  : i32 {
      %mul3A_33 = arith.constant 128 : i32
      %mul3A_34 = arith.muli %add3A, %mul3A_33 : i32
      %mul3A_35 = arith.constant 8 : i32
      %mul3A_36 = arith.muli %scan3A_31, %mul3A_35 : i32
      %add3A_37 = arith.addi %mul3A_34, %mul3A_36 : i32
      "tpu.region"() ({
        %run_scoped3A_244 = tpu.sem_alloc : memref<!tpu.dma_semaphore, #tpu.memory_space<semaphore_mem>>
        %dma_start3A_245 = arith.constant 0 : i32
        %dma_start3A_246 = tpu.memref_slice %arg2[%add3A_37, %dma_start3A_245] : memref<4096x128xi32, #tpu.memory_space<hbm>> -> memref<8x128xi32, #tpu.memory_space<hbm>>
        %dma_start3A_247 = arith.constant 0 : i32
        %dma_start3A_248 = tpu.memref_slice %arg2[%add3A_37, %dma_start3A_247] : memref<4096x128xi32, #tpu.memory_space<hbm>> -> memref<8x128xi32, #tpu.memory_space<hbm>>
        tpu.enqueue_dma source(%dma_start3A_248 : memref<8x128xi32, #tpu.memory_space<hbm>>) target(%arg7 : memref<8x128xi32, #tpu.memory_space<vmem>>) target_semaphore(%run_scoped3A_244 : memref<!tpu.dma_semaphore, #tpu.memory_space<semaphore_mem>>)
        %dma_wait3A_249 = arith.constant 0 : i32
        %dma_wait3A_250 = tpu.memref_slice %arg2[%add3A_37, %dma_wait3A_249] : memref<4096x128xi32, #tpu.memory_space<hbm>> -> memref<8x128xi32, #tpu.memory_space<hbm>>
        %dma_wait3A_251 = arith.constant 0 : i32
        %dma_wait3A_252 = tpu.memref_slice %arg2[%add3A_37, %dma_wait3A_251] : memref<4096x128xi32, #tpu.memory_space<hbm>> -> memref<8x128xi32, #tpu.memory_space<hbm>>
        tpu.wait_dma2 semaphore(%run_scoped3A_244 : memref<!tpu.dma_semaphore, #tpu.memory_space<semaphore_mem>>) src(%dma_wait3A_252 : memref<8x128xi32, #tpu.memory_space<hbm>>) dst(%arg7 : memref<8x128xi32, #tpu.memory_space<vmem>>)
        tpu.yield
      }) : () -> ()
      "tpu.region"() ({
        %run_scoped3A_244 = tpu.sem_alloc : memref<!tpu.dma_semaphore, #tpu.memory_space<semaphore_mem>>
        %dma_start3A_245 = arith.constant 0 : i32
        %dma_start3A_246 = tpu.memref_slice %arg3[%add3A_37, %dma_start3A_245] : memref<4096x128xi32, #tpu.memory_space<hbm>> -> memref<8x128xi32, #tpu.memory_space<hbm>>
        %dma_start3A_247 = arith.constant 0 : i32
        %dma_start3A_248 = tpu.memref_slice %arg3[%add3A_37, %dma_start3A_247] : memref<4096x128xi32, #tpu.memory_space<hbm>> -> memref<8x128xi32, #tpu.memory_space<hbm>>
        tpu.enqueue_dma source(%dma_start3A_248 : memref<8x128xi32, #tpu.memory_space<hbm>>) target(%arg8 : memref<8x128xi32, #tpu.memory_space<vmem>>) target_semaphore(%run_scoped3A_244 : memref<!tpu.dma_semaphore, #tpu.memory_space<semaphore_mem>>)
        %dma_wait3A_249 = arith.constant 0 : i32
        %dma_wait3A_250 = tpu.memref_slice %arg3[%add3A_37, %dma_wait3A_249] : memref<4096x128xi32, #tpu.memory_space<hbm>> -> memref<8x128xi32, #tpu.memory_space<hbm>>
        %dma_wait3A_251 = arith.constant 0 : i32
        %dma_wait3A_252 = tpu.memref_slice %arg3[%add3A_37, %dma_wait3A_251] : memref<4096x128xi32, #tpu.memory_space<hbm>> -> memref<8x128xi32, #tpu.memory_space<hbm>>
        tpu.wait_dma2 semaphore(%run_scoped3A_244 : memref<!tpu.dma_semaphore, #tpu.memory_space<semaphore_mem>>) src(%dma_wait3A_252 : memref<8x128xi32, #tpu.memory_space<hbm>>) dst(%arg8 : memref<8x128xi32, #tpu.memory_space<vmem>>)
        tpu.yield
      }) : () -> ()
      %dma_start3A = arith.constant 0 : i32
      %dma_start3A_38 = arith.constant 0 : i32
      %dma_start3A_39 = arith.constant 0 : i32
      %dma_start3A_40 = arith.constant 0 : i32
      %dma_start3A_41 = tpu.memref_slice %arg9[%dma_start3A_38, %dma_start3A_39, %dma_start3A_40] : memref<8x128x32xf32, #tpu.memory_space<vmem>> -> memref<1x128x32xf32, #tpu.memory_space<vmem>>
      %dma_start3A_42 = tpu.memref_squeeze %dma_start3A_41 : memref<1x128x32xf32, #tpu.memory_space<vmem>> -> memref<128x32xf32, #tpu.memory_space<vmem>>
      %dma_start3A_43 = arith.constant 0 : i32
      %dma_start3A_44 = tpu.memref_slice %arg7[%dma_start3A, %dma_start3A_43] : memref<8x128xi32, #tpu.memory_space<vmem>> -> memref<1x128xi32, #tpu.memory_space<vmem>>
      %dma_start3A_45 = tpu.memref_squeeze %dma_start3A_44 : memref<1x128xi32, #tpu.memory_space<vmem>> -> memref<128xi32, #tpu.memory_space<vmem>>
      %dma_start3A_46 = arith.constant 0 : i32
      %dma_start3A_47 = arith.constant 0 : i32
      %dma_start3A_48 = tpu.memref_slice %arg4[%dma_start3A_46, %dma_start3A_47] : memref<32768x32xf32, #tpu.memory_space<hbm>> -> memref<32768x32xf32, #tpu.memory_space<hbm>>
      tpu.enqueue_indirect_dma source(%dma_start3A_48 : memref<32768x32xf32, #tpu.memory_space<hbm>>) target(%dma_start3A_42 : memref<128x32xf32, #tpu.memory_space<vmem>>) offsets(%dma_start3A_45 : memref<128xi32, #tpu.memory_space<vmem>>) semaphore(%arg11 : memref<!tpu.dma_semaphore, #tpu.memory_space<semaphore_mem>>)
      %dma_start3A_49 = arith.constant 1 : i32
      %dma_start3A_50 = arith.constant 1 : i32
      %dma_start3A_51 = arith.constant 0 : i32
      %dma_start3A_52 = arith.constant 0 : i32
      %dma_start3A_53 = tpu.memref_slice %arg9[%dma_start3A_50, %dma_start3A_51, %dma_start3A_52] : memref<8x128x32xf32, #tpu.memory_space<vmem>> -> memref<1x128x32xf32, #tpu.memory_space<vmem>>
      %dma_start3A_54 = tpu.memref_squeeze %dma_start3A_53 : memref<1x128x32xf32, #tpu.memory_space<vmem>> -> memref<128x32xf32, #tpu.memory_space<vmem>>
      %dma_start3A_55 = arith.constant 0 : i32
      %dma_start3A_56 = tpu.memref_slice %arg7[%dma_start3A_49, %dma_start3A_55] : memref<8x128xi32, #tpu.memory_space<vmem>> -> memref<1x128xi32, #tpu.memory_space<vmem>>
      %dma_start3A_57 = tpu.memref_squeeze %dma_start3A_56 : memref<1x128xi32, #tpu.memory_space<vmem>> -> memref<128xi32, #tpu.memory_space<vmem>>
      %dma_start3A_58 = arith.constant 0 : i32
      %dma_start3A_59 = arith.constant 0 : i32
      %dma_start3A_60 = tpu.memref_slice %arg4[%dma_start3A_58, %dma_start3A_59] : memref<32768x32xf32, #tpu.memory_space<hbm>> -> memref<32768x32xf32, #tpu.memory_space<hbm>>
      tpu.enqueue_indirect_dma source(%dma_start3A_60 : memref<32768x32xf32, #tpu.memory_space<hbm>>) target(%dma_start3A_54 : memref<128x32xf32, #tpu.memory_space<vmem>>) offsets(%dma_start3A_57 : memref<128xi32, #tpu.memory_space<vmem>>) semaphore(%arg11 : memref<!tpu.dma_semaphore, #tpu.memory_space<semaphore_mem>>)
      %dma_start3A_61 = arith.constant 2 : i32
      %dma_start3A_62 = arith.constant 2 : i32
      %dma_start3A_63 = arith.constant 0 : i32
      %dma_start3A_64 = arith.constant 0 : i32
      %dma_start3A_65 = tpu.memref_slice %arg9[%dma_start3A_62, %dma_start3A_63, %dma_start3A_64] : memref<8x128x32xf32, #tpu.memory_space<vmem>> -> memref<1x128x32xf32, #tpu.memory_space<vmem>>
      %dma_start3A_66 = tpu.memref_squeeze %dma_start3A_65 : memref<1x128x32xf32, #tpu.memory_space<vmem>> -> memref<128x32xf32, #tpu.memory_space<vmem>>
      %dma_start3A_67 = arith.constant 0 : i32
      %dma_start3A_68 = tpu.memref_slice %arg7[%dma_start3A_61, %dma_start3A_67] : memref<8x128xi32, #tpu.memory_space<vmem>> -> memref<1x128xi32, #tpu.memory_space<vmem>>
      %dma_start3A_69 = tpu.memref_squeeze %dma_start3A_68 : memref<1x128xi32, #tpu.memory_space<vmem>> -> memref<128xi32, #tpu.memory_space<vmem>>
      %dma_start3A_70 = arith.constant 0 : i32
      %dma_start3A_71 = arith.constant 0 : i32
      %dma_start3A_72 = tpu.memref_slice %arg4[%dma_start3A_70, %dma_start3A_71] : memref<32768x32xf32, #tpu.memory_space<hbm>> -> memref<32768x32xf32, #tpu.memory_space<hbm>>
      tpu.enqueue_indirect_dma source(%dma_start3A_72 : memref<32768x32xf32, #tpu.memory_space<hbm>>) target(%dma_start3A_66 : memref<128x32xf32, #tpu.memory_space<vmem>>) offsets(%dma_start3A_69 : memref<128xi32, #tpu.memory_space<vmem>>) semaphore(%arg11 : memref<!tpu.dma_semaphore, #tpu.memory_space<semaphore_mem>>)
      %dma_start3A_73 = arith.constant 3 : i32
      %dma_start3A_74 = arith.constant 3 : i32
      %dma_start3A_75 = arith.constant 0 : i32
      %dma_start3A_76 = arith.constant 0 : i32
      %dma_start3A_77 = tpu.memref_slice %arg9[%dma_start3A_74, %dma_start3A_75, %dma_start3A_76] : memref<8x128x32xf32, #tpu.memory_space<vmem>> -> memref<1x128x32xf32, #tpu.memory_space<vmem>>
      %dma_start3A_78 = tpu.memref_squeeze %dma_start3A_77 : memref<1x128x32xf32, #tpu.memory_space<vmem>> -> memref<128x32xf32, #tpu.memory_space<vmem>>
      %dma_start3A_79 = arith.constant 0 : i32
      %dma_start3A_80 = tpu.memref_slice %arg7[%dma_start3A_73, %dma_start3A_79] : memref<8x128xi32, #tpu.memory_space<vmem>> -> memref<1x128xi32, #tpu.memory_space<vmem>>
      %dma_start3A_81 = tpu.memref_squeeze %dma_start3A_80 : memref<1x128xi32, #tpu.memory_space<vmem>> -> memref<128xi32, #tpu.memory_space<vmem>>
      %dma_start3A_82 = arith.constant 0 : i32
      %dma_start3A_83 = arith.constant 0 : i32
      %dma_start3A_84 = tpu.memref_slice %arg4[%dma_start3A_82, %dma_start3A_83] : memref<32768x32xf32, #tpu.memory_space<hbm>> -> memref<32768x32xf32, #tpu.memory_space<hbm>>
      tpu.enqueue_indirect_dma source(%dma_start3A_84 : memref<32768x32xf32, #tpu.memory_space<hbm>>) target(%dma_start3A_78 : memref<128x32xf32, #tpu.memory_space<vmem>>) offsets(%dma_start3A_81 : memref<128xi32, #tpu.memory_space<vmem>>) semaphore(%arg11 : memref<!tpu.dma_semaphore, #tpu.memory_space<semaphore_mem>>)
      %dma_start3A_85 = arith.constant 4 : i32
      %dma_start3A_86 = arith.constant 4 : i32
      %dma_start3A_87 = arith.constant 0 : i32
      %dma_start3A_88 = arith.constant 0 : i32
      %dma_start3A_89 = tpu.memref_slice %arg9[%dma_start3A_86, %dma_start3A_87, %dma_start3A_88] : memref<8x128x32xf32, #tpu.memory_space<vmem>> -> memref<1x128x32xf32, #tpu.memory_space<vmem>>
      %dma_start3A_90 = tpu.memref_squeeze %dma_start3A_89 : memref<1x128x32xf32, #tpu.memory_space<vmem>> -> memref<128x32xf32, #tpu.memory_space<vmem>>
      %dma_start3A_91 = arith.constant 0 : i32
      %dma_start3A_92 = tpu.memref_slice %arg7[%dma_start3A_85, %dma_start3A_91] : memref<8x128xi32, #tpu.memory_space<vmem>> -> memref<1x128xi32, #tpu.memory_space<vmem>>
      %dma_start3A_93 = tpu.memref_squeeze %dma_start3A_92 : memref<1x128xi32, #tpu.memory_space<vmem>> -> memref<128xi32, #tpu.memory_space<vmem>>
      %dma_start3A_94 = arith.constant 0 : i32
      %dma_start3A_95 = arith.constant 0 : i32
      %dma_start3A_96 = tpu.memref_slice %arg4[%dma_start3A_94, %dma_start3A_95] : memref<32768x32xf32, #tpu.memory_space<hbm>> -> memref<32768x32xf32, #tpu.memory_space<hbm>>
      tpu.enqueue_indirect_dma source(%dma_start3A_96 : memref<32768x32xf32, #tpu.memory_space<hbm>>) target(%dma_start3A_90 : memref<128x32xf32, #tpu.memory_space<vmem>>) offsets(%dma_start3A_93 : memref<128xi32, #tpu.memory_space<vmem>>) semaphore(%arg11 : memref<!tpu.dma_semaphore, #tpu.memory_space<semaphore_mem>>)
      %dma_start3A_97 = arith.constant 5 : i32
      %dma_start3A_98 = arith.constant 5 : i32
      %dma_start3A_99 = arith.constant 0 : i32
      %dma_start3A_100 = arith.constant 0 : i32
      %dma_start3A_101 = tpu.memref_slice %arg9[%dma_start3A_98, %dma_start3A_99, %dma_start3A_100] : memref<8x128x32xf32, #tpu.memory_space<vmem>> -> memref<1x128x32xf32, #tpu.memory_space<vmem>>
      %dma_start3A_102 = tpu.memref_squeeze %dma_start3A_101 : memref<1x128x32xf32, #tpu.memory_space<vmem>> -> memref<128x32xf32, #tpu.memory_space<vmem>>
      %dma_start3A_103 = arith.constant 0 : i32
      %dma_start3A_104 = tpu.memref_slice %arg7[%dma_start3A_97, %dma_start3A_103] : memref<8x128xi32, #tpu.memory_space<vmem>> -> memref<1x128xi32, #tpu.memory_space<vmem>>
      %dma_start3A_105 = tpu.memref_squeeze %dma_start3A_104 : memref<1x128xi32, #tpu.memory_space<vmem>> -> memref<128xi32, #tpu.memory_space<vmem>>
      %dma_start3A_106 = arith.constant 0 : i32
      %dma_start3A_107 = arith.constant 0 : i32
      %dma_start3A_108 = tpu.memref_slice %arg4[%dma_start3A_106, %dma_start3A_107] : memref<32768x32xf32, #tpu.memory_space<hbm>> -> memref<32768x32xf32, #tpu.memory_space<hbm>>
      tpu.enqueue_indirect_dma source(%dma_start3A_108 : memref<32768x32xf32, #tpu.memory_space<hbm>>) target(%dma_start3A_102 : memref<128x32xf32, #tpu.memory_space<vmem>>) offsets(%dma_start3A_105 : memref<128xi32, #tpu.memory_space<vmem>>) semaphore(%arg11 : memref<!tpu.dma_semaphore, #tpu.memory_space<semaphore_mem>>)
      %dma_start3A_109 = arith.constant 6 : i32
      %dma_start3A_110 = arith.constant 6 : i32
      %dma_start3A_111 = arith.constant 0 : i32
      %dma_start3A_112 = arith.constant 0 : i32
      %dma_start3A_113 = tpu.memref_slice %arg9[%dma_start3A_110, %dma_start3A_111, %dma_start3A_112] : memref<8x128x32xf32, #tpu.memory_space<vmem>> -> memref<1x128x32xf32, #tpu.memory_space<vmem>>
      %dma_start3A_114 = tpu.memref_squeeze %dma_start3A_113 : memref<1x128x32xf32, #tpu.memory_space<vmem>> -> memref<128x32xf32, #tpu.memory_space<vmem>>
      %dma_start3A_115 = arith.constant 0 : i32
      %dma_start3A_116 = tpu.memref_slice %arg7[%dma_start3A_109, %dma_start3A_115] : memref<8x128xi32, #tpu.memory_space<vmem>> -> memref<1x128xi32, #tpu.memory_space<vmem>>
      %dma_start3A_117 = tpu.memref_squeeze %dma_start3A_116 : memref<1x128xi32, #tpu.memory_space<vmem>> -> memref<128xi32, #tpu.memory_space<vmem>>
      %dma_start3A_118 = arith.constant 0 : i32
      %dma_start3A_119 = arith.constant 0 : i32
      %dma_start3A_120 = tpu.memref_slice %arg4[%dma_start3A_118, %dma_start3A_119] : memref<32768x32xf32, #tpu.memory_space<hbm>> -> memref<32768x32xf32, #tpu.memory_space<hbm>>
      tpu.enqueue_indirect_dma source(%dma_start3A_120 : memref<32768x32xf32, #tpu.memory_space<hbm>>) target(%dma_start3A_114 : memref<128x32xf32, #tpu.memory_space<vmem>>) offsets(%dma_start3A_117 : memref<128xi32, #tpu.memory_space<vmem>>) semaphore(%arg11 : memref<!tpu.dma_semaphore, #tpu.memory_space<semaphore_mem>>)
      %dma_start3A_121 = arith.constant 7 : i32
      %dma_start3A_122 = arith.constant 7 : i32
      %dma_start3A_123 = arith.constant 0 : i32
      %dma_start3A_124 = arith.constant 0 : i32
      %dma_start3A_125 = tpu.memref_slice %arg9[%dma_start3A_122, %dma_start3A_123, %dma_start3A_124] : memref<8x128x32xf32, #tpu.memory_space<vmem>> -> memref<1x128x32xf32, #tpu.memory_space<vmem>>
      %dma_start3A_126 = tpu.memref_squeeze %dma_start3A_125 : memref<1x128x32xf32, #tpu.memory_space<vmem>> -> memref<128x32xf32, #tpu.memory_space<vmem>>
      %dma_start3A_127 = arith.constant 0 : i32
      %dma_start3A_128 = tpu.memref_slice %arg7[%dma_start3A_121, %dma_start3A_127] : memref<8x128xi32, #tpu.memory_space<vmem>> -> memref<1x128xi32, #tpu.memory_space<vmem>>
      %dma_start3A_129 = tpu.memref_squeeze %dma_start3A_128 : memref<1x128xi32, #tpu.memory_space<vmem>> -> memref<128xi32, #tpu.memory_space<vmem>>
      %dma_start3A_130 = arith.constant 0 : i32
      %dma_start3A_131 = arith.constant 0 : i32
      %dma_start3A_132 = tpu.memref_slice %arg4[%dma_start3A_130, %dma_start3A_131] : memref<32768x32xf32, #tpu.memory_space<hbm>> -> memref<32768x32xf32, #tpu.memory_space<hbm>>
      tpu.enqueue_indirect_dma source(%dma_start3A_132 : memref<32768x32xf32, #tpu.memory_space<hbm>>) target(%dma_start3A_126 : memref<128x32xf32, #tpu.memory_space<vmem>>) offsets(%dma_start3A_129 : memref<128xi32, #tpu.memory_space<vmem>>) semaphore(%arg11 : memref<!tpu.dma_semaphore, #tpu.memory_space<semaphore_mem>>)
      %dma_wait3A = arith.constant 0 : i32
      %dma_wait3A_133 = arith.constant 0 : i32
      %dma_wait3A_134 = arith.constant 0 : i32
      %dma_wait3A_135 = arith.constant 0 : i32
      %dma_wait3A_136 = tpu.memref_slice %arg9[%dma_wait3A_133, %dma_wait3A_134, %dma_wait3A_135] : memref<8x128x32xf32, #tpu.memory_space<vmem>> -> memref<1x128x32xf32, #tpu.memory_space<vmem>>
      %dma_wait3A_137 = tpu.memref_squeeze %dma_wait3A_136 : memref<1x128x32xf32, #tpu.memory_space<vmem>> -> memref<128x32xf32, #tpu.memory_space<vmem>>
      %dma_wait3A_138 = arith.constant 0 : i32
      %dma_wait3A_139 = tpu.memref_slice %arg7[%dma_wait3A, %dma_wait3A_138] : memref<8x128xi32, #tpu.memory_space<vmem>> -> memref<1x128xi32, #tpu.memory_space<vmem>>
      %dma_wait3A_140 = tpu.memref_squeeze %dma_wait3A_139 : memref<1x128xi32, #tpu.memory_space<vmem>> -> memref<128xi32, #tpu.memory_space<vmem>>
      %dma_wait3A_141 = arith.constant 0 : i32
      %dma_wait3A_142 = arith.constant 0 : i32
      %dma_wait3A_143 = tpu.memref_slice %arg4[%dma_wait3A_141, %dma_wait3A_142] : memref<32768x32xf32, #tpu.memory_space<hbm>> -> memref<32768x32xf32, #tpu.memory_space<hbm>>
      tpu.wait_indirect_dma semaphore(%arg11 : memref<!tpu.dma_semaphore, #tpu.memory_space<semaphore_mem>>) src(%dma_wait3A_143 : memref<32768x32xf32, #tpu.memory_space<hbm>>) dst(%dma_wait3A_137 : memref<128x32xf32, #tpu.memory_space<vmem>>)
      %dma_wait3A_144 = arith.constant 1 : i32
      %dma_wait3A_145 = arith.constant 1 : i32
      %dma_wait3A_146 = arith.constant 0 : i32
      %dma_wait3A_147 = arith.constant 0 : i32
      %dma_wait3A_148 = tpu.memref_slice %arg9[%dma_wait3A_145, %dma_wait3A_146, %dma_wait3A_147] : memref<8x128x32xf32, #tpu.memory_space<vmem>> -> memref<1x128x32xf32, #tpu.memory_space<vmem>>
      %dma_wait3A_149 = tpu.memref_squeeze %dma_wait3A_148 : memref<1x128x32xf32, #tpu.memory_space<vmem>> -> memref<128x32xf32, #tpu.memory_space<vmem>>
      %dma_wait3A_150 = arith.constant 0 : i32
      %dma_wait3A_151 = tpu.memref_slice %arg7[%dma_wait3A_144, %dma_wait3A_150] : memref<8x128xi32, #tpu.memory_space<vmem>> -> memref<1x128xi32, #tpu.memory_space<vmem>>
      %dma_wait3A_152 = tpu.memref_squeeze %dma_wait3A_151 : memref<1x128xi32, #tpu.memory_space<vmem>> -> memref<128xi32, #tpu.memory_space<vmem>>
      %dma_wait3A_153 = arith.constant 0 : i32
      %dma_wait3A_154 = arith.constant 0 : i32
      %dma_wait3A_155 = tpu.memref_slice %arg4[%dma_wait3A_153, %dma_wait3A_154] : memref<32768x32xf32, #tpu.memory_space<hbm>> -> memref<32768x32xf32, #tpu.memory_space<hbm>>
      tpu.wait_indirect_dma semaphore(%arg11 : memref<!tpu.dma_semaphore, #tpu.memory_space<semaphore_mem>>) src(%dma_wait3A_155 : memref<32768x32xf32, #tpu.memory_space<hbm>>) dst(%dma_wait3A_149 : memref<128x32xf32, #tpu.memory_space<vmem>>)
      %dma_wait3A_156 = arith.constant 2 : i32
      %dma_wait3A_157 = arith.constant 2 : i32
      %dma_wait3A_158 = arith.constant 0 : i32
      %dma_wait3A_159 = arith.constant 0 : i32
      %dma_wait3A_160 = tpu.memref_slice %arg9[%dma_wait3A_157, %dma_wait3A_158, %dma_wait3A_159] : memref<8x128x32xf32, #tpu.memory_space<vmem>> -> memref<1x128x32xf32, #tpu.memory_space<vmem>>
      %dma_wait3A_161 = tpu.memref_squeeze %dma_wait3A_160 : memref<1x128x32xf32, #tpu.memory_space<vmem>> -> memref<128x32xf32, #tpu.memory_space<vmem>>
      %dma_wait3A_162 = arith.constant 0 : i32
      %dma_wait3A_163 = tpu.memref_slice %arg7[%dma_wait3A_156, %dma_wait3A_162] : memref<8x128xi32, #tpu.memory_space<vmem>> -> memref<1x128xi32, #tpu.memory_space<vmem>>
      %dma_wait3A_164 = tpu.memref_squeeze %dma_wait3A_163 : memref<1x128xi32, #tpu.memory_space<vmem>> -> memref<128xi32, #tpu.memory_space<vmem>>
      %dma_wait3A_165 = arith.constant 0 : i32
      %dma_wait3A_166 = arith.constant 0 : i32
      %dma_wait3A_167 = tpu.memref_slice %arg4[%dma_wait3A_165, %dma_wait3A_166] : memref<32768x32xf32, #tpu.memory_space<hbm>> -> memref<32768x32xf32, #tpu.memory_space<hbm>>
      tpu.wait_indirect_dma semaphore(%arg11 : memref<!tpu.dma_semaphore, #tpu.memory_space<semaphore_mem>>) src(%dma_wait3A_167 : memref<32768x32xf32, #tpu.memory_space<hbm>>) dst(%dma_wait3A_161 : memref<128x32xf32, #tpu.memory_space<vmem>>)
      %dma_wait3A_168 = arith.constant 3 : i32
      %dma_wait3A_169 = arith.constant 3 : i32
      %dma_wait3A_170 = arith.constant 0 : i32
      %dma_wait3A_171 = arith.constant 0 : i32
      %dma_wait3A_172 = tpu.memref_slice %arg9[%dma_wait3A_169, %dma_wait3A_170, %dma_wait3A_171] : memref<8x128x32xf32, #tpu.memory_space<vmem>> -> memref<1x128x32xf32, #tpu.memory_space<vmem>>
      %dma_wait3A_173 = tpu.memref_squeeze %dma_wait3A_172 : memref<1x128x32xf32, #tpu.memory_space<vmem>> -> memref<128x32xf32, #tpu.memory_space<vmem>>
      %dma_wait3A_174 = arith.constant 0 : i32
      %dma_wait3A_175 = tpu.memref_slice %arg7[%dma_wait3A_168, %dma_wait3A_174] : memref<8x128xi32, #tpu.memory_space<vmem>> -> memref<1x128xi32, #tpu.memory_space<vmem>>
      %dma_wait3A_176 = tpu.memref_squeeze %dma_wait3A_175 : memref<1x128xi32, #tpu.memory_space<vmem>> -> memref<128xi32, #tpu.memory_space<vmem>>
      %dma_wait3A_177 = arith.constant 0 : i32
      %dma_wait3A_178 = arith.constant 0 : i32
      %dma_wait3A_179 = tpu.memref_slice %arg4[%dma_wait3A_177, %dma_wait3A_178] : memref<32768x32xf32, #tpu.memory_space<hbm>> -> memref<32768x32xf32, #tpu.memory_space<hbm>>
      tpu.wait_indirect_dma semaphore(%arg11 : memref<!tpu.dma_semaphore, #tpu.memory_space<semaphore_mem>>) src(%dma_wait3A_179 : memref<32768x32xf32, #tpu.memory_space<hbm>>) dst(%dma_wait3A_173 : memref<128x32xf32, #tpu.memory_space<vmem>>)
      %dma_wait3A_180 = arith.constant 4 : i32
      %dma_wait3A_181 = arith.constant 4 : i32
      %dma_wait3A_182 = arith.constant 0 : i32
      %dma_wait3A_183 = arith.constant 0 : i32
      %dma_wait3A_184 = tpu.memref_slice %arg9[%dma_wait3A_181, %dma_wait3A_182, %dma_wait3A_183] : memref<8x128x32xf32, #tpu.memory_space<vmem>> -> memref<1x128x32xf32, #tpu.memory_space<vmem>>
      %dma_wait3A_185 = tpu.memref_squeeze %dma_wait3A_184 : memref<1x128x32xf32, #tpu.memory_space<vmem>> -> memref<128x32xf32, #tpu.memory_space<vmem>>
      %dma_wait3A_186 = arith.constant 0 : i32
      %dma_wait3A_187 = tpu.memref_slice %arg7[%dma_wait3A_180, %dma_wait3A_186] : memref<8x128xi32, #tpu.memory_space<vmem>> -> memref<1x128xi32, #tpu.memory_space<vmem>>
      %dma_wait3A_188 = tpu.memref_squeeze %dma_wait3A_187 : memref<1x128xi32, #tpu.memory_space<vmem>> -> memref<128xi32, #tpu.memory_space<vmem>>
      %dma_wait3A_189 = arith.constant 0 : i32
      %dma_wait3A_190 = arith.constant 0 : i32
      %dma_wait3A_191 = tpu.memref_slice %arg4[%dma_wait3A_189, %dma_wait3A_190] : memref<32768x32xf32, #tpu.memory_space<hbm>> -> memref<32768x32xf32, #tpu.memory_space<hbm>>
      tpu.wait_indirect_dma semaphore(%arg11 : memref<!tpu.dma_semaphore, #tpu.memory_space<semaphore_mem>>) src(%dma_wait3A_191 : memref<32768x32xf32, #tpu.memory_space<hbm>>) dst(%dma_wait3A_185 : memref<128x32xf32, #tpu.memory_space<vmem>>)
      %dma_wait3A_192 = arith.constant 5 : i32
      %dma_wait3A_193 = arith.constant 5 : i32
      %dma_wait3A_194 = arith.constant 0 : i32
      %dma_wait3A_195 = arith.constant 0 : i32
      %dma_wait3A_196 = tpu.memref_slice %arg9[%dma_wait3A_193, %dma_wait3A_194, %dma_wait3A_195] : memref<8x128x32xf32, #tpu.memory_space<vmem>> -> memref<1x128x32xf32, #tpu.memory_space<vmem>>
      %dma_wait3A_197 = tpu.memref_squeeze %dma_wait3A_196 : memref<1x128x32xf32, #tpu.memory_space<vmem>> -> memref<128x32xf32, #tpu.memory_space<vmem>>
      %dma_wait3A_198 = arith.constant 0 : i32
      %dma_wait3A_199 = tpu.memref_slice %arg7[%dma_wait3A_192, %dma_wait3A_198] : memref<8x128xi32, #tpu.memory_space<vmem>> -> memref<1x128xi32, #tpu.memory_space<vmem>>
      %dma_wait3A_200 = tpu.memref_squeeze %dma_wait3A_199 : memref<1x128xi32, #tpu.memory_space<vmem>> -> memref<128xi32, #tpu.memory_space<vmem>>
      %dma_wait3A_201 = arith.constant 0 : i32
      %dma_wait3A_202 = arith.constant 0 : i32
      %dma_wait3A_203 = tpu.memref_slice %arg4[%dma_wait3A_201, %dma_wait3A_202] : memref<32768x32xf32, #tpu.memory_space<hbm>> -> memref<32768x32xf32, #tpu.memory_space<hbm>>
      tpu.wait_indirect_dma semaphore(%arg11 : memref<!tpu.dma_semaphore, #tpu.memory_space<semaphore_mem>>) src(%dma_wait3A_203 : memref<32768x32xf32, #tpu.memory_space<hbm>>) dst(%dma_wait3A_197 : memref<128x32xf32, #tpu.memory_space<vmem>>)
      %dma_wait3A_204 = arith.constant 6 : i32
      %dma_wait3A_205 = arith.constant 6 : i32
      %dma_wait3A_206 = arith.constant 0 : i32
      %dma_wait3A_207 = arith.constant 0 : i32
      %dma_wait3A_208 = tpu.memref_slice %arg9[%dma_wait3A_205, %dma_wait3A_206, %dma_wait3A_207] : memref<8x128x32xf32, #tpu.memory_space<vmem>> -> memref<1x128x32xf32, #tpu.memory_space<vmem>>
      %dma_wait3A_209 = tpu.memref_squeeze %dma_wait3A_208 : memref<1x128x32xf32, #tpu.memory_space<vmem>> -> memref<128x32xf32, #tpu.memory_space<vmem>>
      %dma_wait3A_210 = arith.constant 0 : i32
      %dma_wait3A_211 = tpu.memref_slice %arg7[%dma_wait3A_204, %dma_wait3A_210] : memref<8x128xi32, #tpu.memory_space<vmem>> -> memref<1x128xi32, #tpu.memory_space<vmem>>
      %dma_wait3A_212 = tpu.memref_squeeze %dma_wait3A_211 : memref<1x128xi32, #tpu.memory_space<vmem>> -> memref<128xi32, #tpu.memory_space<vmem>>
      %dma_wait3A_213 = arith.constant 0 : i32
      %dma_wait3A_214 = arith.constant 0 : i32
      %dma_wait3A_215 = tpu.memref_slice %arg4[%dma_wait3A_213, %dma_wait3A_214] : memref<32768x32xf32, #tpu.memory_space<hbm>> -> memref<32768x32xf32, #tpu.memory_space<hbm>>
      tpu.wait_indirect_dma semaphore(%arg11 : memref<!tpu.dma_semaphore, #tpu.memory_space<semaphore_mem>>) src(%dma_wait3A_215 : memref<32768x32xf32, #tpu.memory_space<hbm>>) dst(%dma_wait3A_209 : memref<128x32xf32, #tpu.memory_space<vmem>>)
      %dma_wait3A_216 = arith.constant 7 : i32
      %dma_wait3A_217 = arith.constant 7 : i32
      %dma_wait3A_218 = arith.constant 0 : i32
      %dma_wait3A_219 = arith.constant 0 : i32
      %dma_wait3A_220 = tpu.memref_slice %arg9[%dma_wait3A_217, %dma_wait3A_218, %dma_wait3A_219] : memref<8x128x32xf32, #tpu.memory_space<vmem>> -> memref<1x128x32xf32, #tpu.memory_space<vmem>>
      %dma_wait3A_221 = tpu.memref_squeeze %dma_wait3A_220 : memref<1x128x32xf32, #tpu.memory_space<vmem>> -> memref<128x32xf32, #tpu.memory_space<vmem>>
      %dma_wait3A_222 = arith.constant 0 : i32
      %dma_wait3A_223 = tpu.memref_slice %arg7[%dma_wait3A_216, %dma_wait3A_222] : memref<8x128xi32, #tpu.memory_space<vmem>> -> memref<1x128xi32, #tpu.memory_space<vmem>>
      %dma_wait3A_224 = tpu.memref_squeeze %dma_wait3A_223 : memref<1x128xi32, #tpu.memory_space<vmem>> -> memref<128xi32, #tpu.memory_space<vmem>>
      %dma_wait3A_225 = arith.constant 0 : i32
      %dma_wait3A_226 = arith.constant 0 : i32
      %dma_wait3A_227 = tpu.memref_slice %arg4[%dma_wait3A_225, %dma_wait3A_226] : memref<32768x32xf32, #tpu.memory_space<hbm>> -> memref<32768x32xf32, #tpu.memory_space<hbm>>
      tpu.wait_indirect_dma semaphore(%arg11 : memref<!tpu.dma_semaphore, #tpu.memory_space<semaphore_mem>>) src(%dma_wait3A_227 : memref<32768x32xf32, #tpu.memory_space<hbm>>) dst(%dma_wait3A_221 : memref<128x32xf32, #tpu.memory_space<vmem>>)
      %run_scoped3A = arith.constant 0 : i32
      %run_scoped3A_228 = arith.constant 0 : i32
      "tpu.region"() ({
        %run_scoped3A_244 = tpu.sem_alloc : memref<!tpu.dma_semaphore, #tpu.memory_space<semaphore_mem>>
        %dma_start3A_245 = arith.constant 0 : i32
        %dma_start3A_246 = arith.constant 0 : i32
        %dma_start3A_247 = tpu.memref_slice %arg9[%run_scoped3A, %dma_start3A_245, %dma_start3A_246] : memref<8x128x32xf32, #tpu.memory_space<vmem>> -> memref<1x128x32xf32, #tpu.memory_space<vmem>>
        %dma_start3A_248 = tpu.memref_squeeze %dma_start3A_247 : memref<1x128x32xf32, #tpu.memory_space<vmem>> -> memref<128x32xf32, #tpu.memory_space<vmem>>
        %dma_start3A_249 = arith.constant 0 : i32
        %dma_start3A_250 = tpu.memref_slice %arg8[%run_scoped3A_228, %dma_start3A_249] : memref<8x128xi32, #tpu.memory_space<vmem>> -> memref<1x128xi32, #tpu.memory_space<vmem>>
        %dma_start3A_251 = tpu.memref_squeeze %dma_start3A_250 : memref<1x128xi32, #tpu.memory_space<vmem>> -> memref<128xi32, #tpu.memory_space<vmem>>
        %dma_start3A_252 = arith.constant 0 : i32
        %dma_start3A_253 = arith.constant 0 : i32
        %dma_start3A_254 = tpu.memref_slice %arg10[%dma_start3A_252, %dma_start3A_253] : memref<32768x32xf32, #tpu.memory_space<vmem_shared>> -> memref<32768x32xf32, #tpu.memory_space<vmem_shared>>
        tpu.enqueue_indirect_dma source(%dma_start3A_248 : memref<128x32xf32, #tpu.memory_space<vmem>>) target(%dma_start3A_254 : memref<32768x32xf32, #tpu.memory_space<vmem_shared>>) offsets(%dma_start3A_251 : memref<128xi32, #tpu.memory_space<vmem>>) semaphore(%run_scoped3A_244 : memref<!tpu.dma_semaphore, #tpu.memory_space<semaphore_mem>>) {add = true}
        %dma_wait3A_255 = arith.constant 0 : i32
        %dma_wait3A_256 = arith.constant 0 : i32
        %dma_wait3A_257 = tpu.memref_slice %arg9[%run_scoped3A, %dma_wait3A_255, %dma_wait3A_256] : memref<8x128x32xf32, #tpu.memory_space<vmem>> -> memref<1x128x32xf32, #tpu.memory_space<vmem>>
        %dma_wait3A_258 = tpu.memref_squeeze %dma_wait3A_257 : memref<1x128x32xf32, #tpu.memory_space<vmem>> -> memref<128x32xf32, #tpu.memory_space<vmem>>
        %dma_wait3A_259 = arith.constant 0 : i32
        %dma_wait3A_260 = tpu.memref_slice %arg8[%run_scoped3A_228, %dma_wait3A_259] : memref<8x128xi32, #tpu.memory_space<vmem>> -> memref<1x128xi32, #tpu.memory_space<vmem>>
        %dma_wait3A_261 = tpu.memref_squeeze %dma_wait3A_260 : memref<1x128xi32, #tpu.memory_space<vmem>> -> memref<128xi32, #tpu.memory_space<vmem>>
        %dma_wait3A_262 = arith.constant 0 : i32
        %dma_wait3A_263 = arith.constant 0 : i32
        %dma_wait3A_264 = tpu.memref_slice %arg10[%dma_wait3A_262, %dma_wait3A_263] : memref<32768x32xf32, #tpu.memory_space<vmem_shared>> -> memref<32768x32xf32, #tpu.memory_space<vmem_shared>>
        tpu.wait_indirect_dma semaphore(%run_scoped3A_244 : memref<!tpu.dma_semaphore, #tpu.memory_space<semaphore_mem>>) src(%dma_wait3A_258 : memref<128x32xf32, #tpu.memory_space<vmem>>) dst(%dma_wait3A_264 : memref<32768x32xf32, #tpu.memory_space<vmem_shared>>)
        tpu.yield
      }) : () -> ()
      %run_scoped3A_229 = arith.constant 1 : i32
      %run_scoped3A_230 = arith.constant 1 : i32
      "tpu.region"() ({
        %run_scoped3A_244 = tpu.sem_alloc : memref<!tpu.dma_semaphore, #tpu.memory_space<semaphore_mem>>
        %dma_start3A_245 = arith.constant 0 : i32
        %dma_start3A_246 = arith.constant 0 : i32
        %dma_start3A_247 = tpu.memref_slice %arg9[%run_scoped3A_229, %dma_start3A_245, %dma_start3A_246] : memref<8x128x32xf32, #tpu.memory_space<vmem>> -> memref<1x128x32xf32, #tpu.memory_space<vmem>>
        %dma_start3A_248 = tpu.memref_squeeze %dma_start3A_247 : memref<1x128x32xf32, #tpu.memory_space<vmem>> -> memref<128x32xf32, #tpu.memory_space<vmem>>
        %dma_start3A_249 = arith.constant 0 : i32
        %dma_start3A_250 = tpu.memref_slice %arg8[%run_scoped3A_230, %dma_start3A_249] : memref<8x128xi32, #tpu.memory_space<vmem>> -> memref<1x128xi32, #tpu.memory_space<vmem>>
        %dma_start3A_251 = tpu.memref_squeeze %dma_start3A_250 : memref<1x128xi32, #tpu.memory_space<vmem>> -> memref<128xi32, #tpu.memory_space<vmem>>
        %dma_start3A_252 = arith.constant 0 : i32
        %dma_start3A_253 = arith.constant 0 : i32
        %dma_start3A_254 = tpu.memref_slice %arg10[%dma_start3A_252, %dma_start3A_253] : memref<32768x32xf32, #tpu.memory_space<vmem_shared>> -> memref<32768x32xf32, #tpu.memory_space<vmem_shared>>
        tpu.enqueue_indirect_dma source(%dma_start3A_248 : memref<128x32xf32, #tpu.memory_space<vmem>>) target(%dma_start3A_254 : memref<32768x32xf32, #tpu.memory_space<vmem_shared>>) offsets(%dma_start3A_251 : memref<128xi32, #tpu.memory_space<vmem>>) semaphore(%run_scoped3A_244 : memref<!tpu.dma_semaphore, #tpu.memory_space<semaphore_mem>>) {add = true}
        %dma_wait3A_255 = arith.constant 0 : i32
        %dma_wait3A_256 = arith.constant 0 : i32
        %dma_wait3A_257 = tpu.memref_slice %arg9[%run_scoped3A_229, %dma_wait3A_255, %dma_wait3A_256] : memref<8x128x32xf32, #tpu.memory_space<vmem>> -> memref<1x128x32xf32, #tpu.memory_space<vmem>>
        %dma_wait3A_258 = tpu.memref_squeeze %dma_wait3A_257 : memref<1x128x32xf32, #tpu.memory_space<vmem>> -> memref<128x32xf32, #tpu.memory_space<vmem>>
        %dma_wait3A_259 = arith.constant 0 : i32
        %dma_wait3A_260 = tpu.memref_slice %arg8[%run_scoped3A_230, %dma_wait3A_259] : memref<8x128xi32, #tpu.memory_space<vmem>> -> memref<1x128xi32, #tpu.memory_space<vmem>>
        %dma_wait3A_261 = tpu.memref_squeeze %dma_wait3A_260 : memref<1x128xi32, #tpu.memory_space<vmem>> -> memref<128xi32, #tpu.memory_space<vmem>>
        %dma_wait3A_262 = arith.constant 0 : i32
        %dma_wait3A_263 = arith.constant 0 : i32
        %dma_wait3A_264 = tpu.memref_slice %arg10[%dma_wait3A_262, %dma_wait3A_263] : memref<32768x32xf32, #tpu.memory_space<vmem_shared>> -> memref<32768x32xf32, #tpu.memory_space<vmem_shared>>
        tpu.wait_indirect_dma semaphore(%run_scoped3A_244 : memref<!tpu.dma_semaphore, #tpu.memory_space<semaphore_mem>>) src(%dma_wait3A_258 : memref<128x32xf32, #tpu.memory_space<vmem>>) dst(%dma_wait3A_264 : memref<32768x32xf32, #tpu.memory_space<vmem_shared>>)
        tpu.yield
      }) : () -> ()
      %run_scoped3A_231 = arith.constant 2 : i32
      %run_scoped3A_232 = arith.constant 2 : i32
      "tpu.region"() ({
        %run_scoped3A_244 = tpu.sem_alloc : memref<!tpu.dma_semaphore, #tpu.memory_space<semaphore_mem>>
        %dma_start3A_245 = arith.constant 0 : i32
        %dma_start3A_246 = arith.constant 0 : i32
        %dma_start3A_247 = tpu.memref_slice %arg9[%run_scoped3A_231, %dma_start3A_245, %dma_start3A_246] : memref<8x128x32xf32, #tpu.memory_space<vmem>> -> memref<1x128x32xf32, #tpu.memory_space<vmem>>
        %dma_start3A_248 = tpu.memref_squeeze %dma_start3A_247 : memref<1x128x32xf32, #tpu.memory_space<vmem>> -> memref<128x32xf32, #tpu.memory_space<vmem>>
        %dma_start3A_249 = arith.constant 0 : i32
        %dma_start3A_250 = tpu.memref_slice %arg8[%run_scoped3A_232, %dma_start3A_249] : memref<8x128xi32, #tpu.memory_space<vmem>> -> memref<1x128xi32, #tpu.memory_space<vmem>>
        %dma_start3A_251 = tpu.memref_squeeze %dma_start3A_250 : memref<1x128xi32, #tpu.memory_space<vmem>> -> memref<128xi32, #tpu.memory_space<vmem>>
        %dma_start3A_252 = arith.constant 0 : i32
        %dma_start3A_253 = arith.constant 0 : i32
        %dma_start3A_254 = tpu.memref_slice %arg10[%dma_start3A_252, %dma_start3A_253] : memref<32768x32xf32, #tpu.memory_space<vmem_shared>> -> memref<32768x32xf32, #tpu.memory_space<vmem_shared>>
        tpu.enqueue_indirect_dma source(%dma_start3A_248 : memref<128x32xf32, #tpu.memory_space<vmem>>) target(%dma_start3A_254 : memref<32768x32xf32, #tpu.memory_space<vmem_shared>>) offsets(%dma_start3A_251 : memref<128xi32, #tpu.memory_space<vmem>>) semaphore(%run_scoped3A_244 : memref<!tpu.dma_semaphore, #tpu.memory_space<semaphore_mem>>) {add = true}
        %dma_wait3A_255 = arith.constant 0 : i32
        %dma_wait3A_256 = arith.constant 0 : i32
        %dma_wait3A_257 = tpu.memref_slice %arg9[%run_scoped3A_231, %dma_wait3A_255, %dma_wait3A_256] : memref<8x128x32xf32, #tpu.memory_space<vmem>> -> memref<1x128x32xf32, #tpu.memory_space<vmem>>
        %dma_wait3A_258 = tpu.memref_squeeze %dma_wait3A_257 : memref<1x128x32xf32, #tpu.memory_space<vmem>> -> memref<128x32xf32, #tpu.memory_space<vmem>>
        %dma_wait3A_259 = arith.constant 0 : i32
        %dma_wait3A_260 = tpu.memref_slice %arg8[%run_scoped3A_232, %dma_wait3A_259] : memref<8x128xi32, #tpu.memory_space<vmem>> -> memref<1x128xi32, #tpu.memory_space<vmem>>
        %dma_wait3A_261 = tpu.memref_squeeze %dma_wait3A_260 : memref<1x128xi32, #tpu.memory_space<vmem>> -> memref<128xi32, #tpu.memory_space<vmem>>
        %dma_wait3A_262 = arith.constant 0 : i32
        %dma_wait3A_263 = arith.constant 0 : i32
        %dma_wait3A_264 = tpu.memref_slice %arg10[%dma_wait3A_262, %dma_wait3A_263] : memref<32768x32xf32, #tpu.memory_space<vmem_shared>> -> memref<32768x32xf32, #tpu.memory_space<vmem_shared>>
        tpu.wait_indirect_dma semaphore(%run_scoped3A_244 : memref<!tpu.dma_semaphore, #tpu.memory_space<semaphore_mem>>) src(%dma_wait3A_258 : memref<128x32xf32, #tpu.memory_space<vmem>>) dst(%dma_wait3A_264 : memref<32768x32xf32, #tpu.memory_space<vmem_shared>>)
        tpu.yield
      }) : () -> ()
      %run_scoped3A_233 = arith.constant 3 : i32
      %run_scoped3A_234 = arith.constant 3 : i32
      "tpu.region"() ({
        %run_scoped3A_244 = tpu.sem_alloc : memref<!tpu.dma_semaphore, #tpu.memory_space<semaphore_mem>>
        %dma_start3A_245 = arith.constant 0 : i32
        %dma_start3A_246 = arith.constant 0 : i32
        %dma_start3A_247 = tpu.memref_slice %arg9[%run_scoped3A_233, %dma_start3A_245, %dma_start3A_246] : memref<8x128x32xf32, #tpu.memory_space<vmem>> -> memref<1x128x32xf32, #tpu.memory_space<vmem>>
        %dma_start3A_248 = tpu.memref_squeeze %dma_start3A_247 : memref<1x128x32xf32, #tpu.memory_space<vmem>> -> memref<128x32xf32, #tpu.memory_space<vmem>>
        %dma_start3A_249 = arith.constant 0 : i32
        %dma_start3A_250 = tpu.memref_slice %arg8[%run_scoped3A_234, %dma_start3A_249] : memref<8x128xi32, #tpu.memory_space<vmem>> -> memref<1x128xi32, #tpu.memory_space<vmem>>
        %dma_start3A_251 = tpu.memref_squeeze %dma_start3A_250 : memref<1x128xi32, #tpu.memory_space<vmem>> -> memref<128xi32, #tpu.memory_space<vmem>>
        %dma_start3A_252 = arith.constant 0 : i32
        %dma_start3A_253 = arith.constant 0 : i32
        %dma_start3A_254 = tpu.memref_slice %arg10[%dma_start3A_252, %dma_start3A_253] : memref<32768x32xf32, #tpu.memory_space<vmem_shared>> -> memref<32768x32xf32, #tpu.memory_space<vmem_shared>>
        tpu.enqueue_indirect_dma source(%dma_start3A_248 : memref<128x32xf32, #tpu.memory_space<vmem>>) target(%dma_start3A_254 : memref<32768x32xf32, #tpu.memory_space<vmem_shared>>) offsets(%dma_start3A_251 : memref<128xi32, #tpu.memory_space<vmem>>) semaphore(%run_scoped3A_244 : memref<!tpu.dma_semaphore, #tpu.memory_space<semaphore_mem>>) {add = true}
        %dma_wait3A_255 = arith.constant 0 : i32
        %dma_wait3A_256 = arith.constant 0 : i32
        %dma_wait3A_257 = tpu.memref_slice %arg9[%run_scoped3A_233, %dma_wait3A_255, %dma_wait3A_256] : memref<8x128x32xf32, #tpu.memory_space<vmem>> -> memref<1x128x32xf32, #tpu.memory_space<vmem>>
        %dma_wait3A_258 = tpu.memref_squeeze %dma_wait3A_257 : memref<1x128x32xf32, #tpu.memory_space<vmem>> -> memref<128x32xf32, #tpu.memory_space<vmem>>
        %dma_wait3A_259 = arith.constant 0 : i32
        %dma_wait3A_260 = tpu.memref_slice %arg8[%run_scoped3A_234, %dma_wait3A_259] : memref<8x128xi32, #tpu.memory_space<vmem>> -> memref<1x128xi32, #tpu.memory_space<vmem>>
        %dma_wait3A_261 = tpu.memref_squeeze %dma_wait3A_260 : memref<1x128xi32, #tpu.memory_space<vmem>> -> memref<128xi32, #tpu.memory_space<vmem>>
        %dma_wait3A_262 = arith.constant 0 : i32
        %dma_wait3A_263 = arith.constant 0 : i32
        %dma_wait3A_264 = tpu.memref_slice %arg10[%dma_wait3A_262, %dma_wait3A_263] : memref<32768x32xf32, #tpu.memory_space<vmem_shared>> -> memref<32768x32xf32, #tpu.memory_space<vmem_shared>>
        tpu.wait_indirect_dma semaphore(%run_scoped3A_244 : memref<!tpu.dma_semaphore, #tpu.memory_space<semaphore_mem>>) src(%dma_wait3A_258 : memref<128x32xf32, #tpu.memory_space<vmem>>) dst(%dma_wait3A_264 : memref<32768x32xf32, #tpu.memory_space<vmem_shared>>)
        tpu.yield
      }) : () -> ()
      %run_scoped3A_235 = arith.constant 4 : i32
      %run_scoped3A_236 = arith.constant 4 : i32
      "tpu.region"() ({
        %run_scoped3A_244 = tpu.sem_alloc : memref<!tpu.dma_semaphore, #tpu.memory_space<semaphore_mem>>
        %dma_start3A_245 = arith.constant 0 : i32
        %dma_start3A_246 = arith.constant 0 : i32
        %dma_start3A_247 = tpu.memref_slice %arg9[%run_scoped3A_235, %dma_start3A_245, %dma_start3A_246] : memref<8x128x32xf32, #tpu.memory_space<vmem>> -> memref<1x128x32xf32, #tpu.memory_space<vmem>>
        %dma_start3A_248 = tpu.memref_squeeze %dma_start3A_247 : memref<1x128x32xf32, #tpu.memory_space<vmem>> -> memref<128x32xf32, #tpu.memory_space<vmem>>
        %dma_start3A_249 = arith.constant 0 : i32
        %dma_start3A_250 = tpu.memref_slice %arg8[%run_scoped3A_236, %dma_start3A_249] : memref<8x128xi32, #tpu.memory_space<vmem>> -> memref<1x128xi32, #tpu.memory_space<vmem>>
        %dma_start3A_251 = tpu.memref_squeeze %dma_start3A_250 : memref<1x128xi32, #tpu.memory_space<vmem>> -> memref<128xi32, #tpu.memory_space<vmem>>
        %dma_start3A_252 = arith.constant 0 : i32
        %dma_start3A_253 = arith.constant 0 : i32
        %dma_start3A_254 = tpu.memref_slice %arg10[%dma_start3A_252, %dma_start3A_253] : memref<32768x32xf32, #tpu.memory_space<vmem_shared>> -> memref<32768x32xf32, #tpu.memory_space<vmem_shared>>
        tpu.enqueue_indirect_dma source(%dma_start3A_248 : memref<128x32xf32, #tpu.memory_space<vmem>>) target(%dma_start3A_254 : memref<32768x32xf32, #tpu.memory_space<vmem_shared>>) offsets(%dma_start3A_251 : memref<128xi32, #tpu.memory_space<vmem>>) semaphore(%run_scoped3A_244 : memref<!tpu.dma_semaphore, #tpu.memory_space<semaphore_mem>>) {add = true}
        %dma_wait3A_255 = arith.constant 0 : i32
        %dma_wait3A_256 = arith.constant 0 : i32
        %dma_wait3A_257 = tpu.memref_slice %arg9[%run_scoped3A_235, %dma_wait3A_255, %dma_wait3A_256] : memref<8x128x32xf32, #tpu.memory_space<vmem>> -> memref<1x128x32xf32, #tpu.memory_space<vmem>>
        %dma_wait3A_258 = tpu.memref_squeeze %dma_wait3A_257 : memref<1x128x32xf32, #tpu.memory_space<vmem>> -> memref<128x32xf32, #tpu.memory_space<vmem>>
        %dma_wait3A_259 = arith.constant 0 : i32
        %dma_wait3A_260 = tpu.memref_slice %arg8[%run_scoped3A_236, %dma_wait3A_259] : memref<8x128xi32, #tpu.memory_space<vmem>> -> memref<1x128xi32, #tpu.memory_space<vmem>>
        %dma_wait3A_261 = tpu.memref_squeeze %dma_wait3A_260 : memref<1x128xi32, #tpu.memory_space<vmem>> -> memref<128xi32, #tpu.memory_space<vmem>>
        %dma_wait3A_262 = arith.constant 0 : i32
        %dma_wait3A_263 = arith.constant 0 : i32
        %dma_wait3A_264 = tpu.memref_slice %arg10[%dma_wait3A_262, %dma_wait3A_263] : memref<32768x32xf32, #tpu.memory_space<vmem_shared>> -> memref<32768x32xf32, #tpu.memory_space<vmem_shared>>
        tpu.wait_indirect_dma semaphore(%run_scoped3A_244 : memref<!tpu.dma_semaphore, #tpu.memory_space<semaphore_mem>>) src(%dma_wait3A_258 : memref<128x32xf32, #tpu.memory_space<vmem>>) dst(%dma_wait3A_264 : memref<32768x32xf32, #tpu.memory_space<vmem_shared>>)
        tpu.yield
      }) : () -> ()
      %run_scoped3A_237 = arith.constant 5 : i32
      %run_scoped3A_238 = arith.constant 5 : i32
      "tpu.region"() ({
        %run_scoped3A_244 = tpu.sem_alloc : memref<!tpu.dma_semaphore, #tpu.memory_space<semaphore_mem>>
        %dma_start3A_245 = arith.constant 0 : i32
        %dma_start3A_246 = arith.constant 0 : i32
        %dma_start3A_247 = tpu.memref_slice %arg9[%run_scoped3A_237, %dma_start3A_245, %dma_start3A_246] : memref<8x128x32xf32, #tpu.memory_space<vmem>> -> memref<1x128x32xf32, #tpu.memory_space<vmem>>
        %dma_start3A_248 = tpu.memref_squeeze %dma_start3A_247 : memref<1x128x32xf32, #tpu.memory_space<vmem>> -> memref<128x32xf32, #tpu.memory_space<vmem>>
        %dma_start3A_249 = arith.constant 0 : i32
        %dma_start3A_250 = tpu.memref_slice %arg8[%run_scoped3A_238, %dma_start3A_249] : memref<8x128xi32, #tpu.memory_space<vmem>> -> memref<1x128xi32, #tpu.memory_space<vmem>>
        %dma_start3A_251 = tpu.memref_squeeze %dma_start3A_250 : memref<1x128xi32, #tpu.memory_space<vmem>> -> memref<128xi32, #tpu.memory_space<vmem>>
        %dma_start3A_252 = arith.constant 0 : i32
        %dma_start3A_253 = arith.constant 0 : i32
        %dma_start3A_254 = tpu.memref_slice %arg10[%dma_start3A_252, %dma_start3A_253] : memref<32768x32xf32, #tpu.memory_space<vmem_shared>> -> memref<32768x32xf32, #tpu.memory_space<vmem_shared>>
        tpu.enqueue_indirect_dma source(%dma_start3A_248 : memref<128x32xf32, #tpu.memory_space<vmem>>) target(%dma_start3A_254 : memref<32768x32xf32, #tpu.memory_space<vmem_shared>>) offsets(%dma_start3A_251 : memref<128xi32, #tpu.memory_space<vmem>>) semaphore(%run_scoped3A_244 : memref<!tpu.dma_semaphore, #tpu.memory_space<semaphore_mem>>) {add = true}
        %dma_wait3A_255 = arith.constant 0 : i32
        %dma_wait3A_256 = arith.constant 0 : i32
        %dma_wait3A_257 = tpu.memref_slice %arg9[%run_scoped3A_237, %dma_wait3A_255, %dma_wait3A_256] : memref<8x128x32xf32, #tpu.memory_space<vmem>> -> memref<1x128x32xf32, #tpu.memory_space<vmem>>
        %dma_wait3A_258 = tpu.memref_squeeze %dma_wait3A_257 : memref<1x128x32xf32, #tpu.memory_space<vmem>> -> memref<128x32xf32, #tpu.memory_space<vmem>>
        %dma_wait3A_259 = arith.constant 0 : i32
        %dma_wait3A_260 = tpu.memref_slice %arg8[%run_scoped3A_238, %dma_wait3A_259] : memref<8x128xi32, #tpu.memory_space<vmem>> -> memref<1x128xi32, #tpu.memory_space<vmem>>
        %dma_wait3A_261 = tpu.memref_squeeze %dma_wait3A_260 : memref<1x128xi32, #tpu.memory_space<vmem>> -> memref<128xi32, #tpu.memory_space<vmem>>
        %dma_wait3A_262 = arith.constant 0 : i32
        %dma_wait3A_263 = arith.constant 0 : i32
        %dma_wait3A_264 = tpu.memref_slice %arg10[%dma_wait3A_262, %dma_wait3A_263] : memref<32768x32xf32, #tpu.memory_space<vmem_shared>> -> memref<32768x32xf32, #tpu.memory_space<vmem_shared>>
        tpu.wait_indirect_dma semaphore(%run_scoped3A_244 : memref<!tpu.dma_semaphore, #tpu.memory_space<semaphore_mem>>) src(%dma_wait3A_258 : memref<128x32xf32, #tpu.memory_space<vmem>>) dst(%dma_wait3A_264 : memref<32768x32xf32, #tpu.memory_space<vmem_shared>>)
        tpu.yield
      }) : () -> ()
      %run_scoped3A_239 = arith.constant 6 : i32
      %run_scoped3A_240 = arith.constant 6 : i32
      "tpu.region"() ({
        %run_scoped3A_244 = tpu.sem_alloc : memref<!tpu.dma_semaphore, #tpu.memory_space<semaphore_mem>>
        %dma_start3A_245 = arith.constant 0 : i32
        %dma_start3A_246 = arith.constant 0 : i32
        %dma_start3A_247 = tpu.memref_slice %arg9[%run_scoped3A_239, %dma_start3A_245, %dma_start3A_246] : memref<8x128x32xf32, #tpu.memory_space<vmem>> -> memref<1x128x32xf32, #tpu.memory_space<vmem>>
        %dma_start3A_248 = tpu.memref_squeeze %dma_start3A_247 : memref<1x128x32xf32, #tpu.memory_space<vmem>> -> memref<128x32xf32, #tpu.memory_space<vmem>>
        %dma_start3A_249 = arith.constant 0 : i32
        %dma_start3A_250 = tpu.memref_slice %arg8[%run_scoped3A_240, %dma_start3A_249] : memref<8x128xi32, #tpu.memory_space<vmem>> -> memref<1x128xi32, #tpu.memory_space<vmem>>
        %dma_start3A_251 = tpu.memref_squeeze %dma_start3A_250 : memref<1x128xi32, #tpu.memory_space<vmem>> -> memref<128xi32, #tpu.memory_space<vmem>>
        %dma_start3A_252 = arith.constant 0 : i32
        %dma_start3A_253 = arith.constant 0 : i32
        %dma_start3A_254 = tpu.memref_slice %arg10[%dma_start3A_252, %dma_start3A_253] : memref<32768x32xf32, #tpu.memory_space<vmem_shared>> -> memref<32768x32xf32, #tpu.memory_space<vmem_shared>>
        tpu.enqueue_indirect_dma source(%dma_start3A_248 : memref<128x32xf32, #tpu.memory_space<vmem>>) target(%dma_start3A_254 : memref<32768x32xf32, #tpu.memory_space<vmem_shared>>) offsets(%dma_start3A_251 : memref<128xi32, #tpu.memory_space<vmem>>) semaphore(%run_scoped3A_244 : memref<!tpu.dma_semaphore, #tpu.memory_space<semaphore_mem>>) {add = true}
        %dma_wait3A_255 = arith.constant 0 : i32
        %dma_wait3A_256 = arith.constant 0 : i32
        %dma_wait3A_257 = tpu.memref_slice %arg9[%run_scoped3A_239, %dma_wait3A_255, %dma_wait3A_256] : memref<8x128x32xf32, #tpu.memory_space<vmem>> -> memref<1x128x32xf32, #tpu.memory_space<vmem>>
        %dma_wait3A_258 = tpu.memref_squeeze %dma_wait3A_257 : memref<1x128x32xf32, #tpu.memory_space<vmem>> -> memref<128x32xf32, #tpu.memory_space<vmem>>
        %dma_wait3A_259 = arith.constant 0 : i32
        %dma_wait3A_260 = tpu.memref_slice %arg8[%run_scoped3A_240, %dma_wait3A_259] : memref<8x128xi32, #tpu.memory_space<vmem>> -> memref<1x128xi32, #tpu.memory_space<vmem>>
        %dma_wait3A_261 = tpu.memref_squeeze %dma_wait3A_260 : memref<1x128xi32, #tpu.memory_space<vmem>> -> memref<128xi32, #tpu.memory_space<vmem>>
        %dma_wait3A_262 = arith.constant 0 : i32
        %dma_wait3A_263 = arith.constant 0 : i32
        %dma_wait3A_264 = tpu.memref_slice %arg10[%dma_wait3A_262, %dma_wait3A_263] : memref<32768x32xf32, #tpu.memory_space<vmem_shared>> -> memref<32768x32xf32, #tpu.memory_space<vmem_shared>>
        tpu.wait_indirect_dma semaphore(%run_scoped3A_244 : memref<!tpu.dma_semaphore, #tpu.memory_space<semaphore_mem>>) src(%dma_wait3A_258 : memref<128x32xf32, #tpu.memory_space<vmem>>) dst(%dma_wait3A_264 : memref<32768x32xf32, #tpu.memory_space<vmem_shared>>)
        tpu.yield
      }) : () -> ()
      %run_scoped3A_241 = arith.constant 7 : i32
      %run_scoped3A_242 = arith.constant 7 : i32
      "tpu.region"() ({
        %run_scoped3A_244 = tpu.sem_alloc : memref<!tpu.dma_semaphore, #tpu.memory_space<semaphore_mem>>
        %dma_start3A_245 = arith.constant 0 : i32
        %dma_start3A_246 = arith.constant 0 : i32
        %dma_start3A_247 = tpu.memref_slice %arg9[%run_scoped3A_241, %dma_start3A_245, %dma_start3A_246] : memref<8x128x32xf32, #tpu.memory_space<vmem>> -> memref<1x128x32xf32, #tpu.memory_space<vmem>>
        %dma_start3A_248 = tpu.memref_squeeze %dma_start3A_247 : memref<1x128x32xf32, #tpu.memory_space<vmem>> -> memref<128x32xf32, #tpu.memory_space<vmem>>
        %dma_start3A_249 = arith.constant 0 : i32
        %dma_start3A_250 = tpu.memref_slice %arg8[%run_scoped3A_242, %dma_start3A_249] : memref<8x128xi32, #tpu.memory_space<vmem>> -> memref<1x128xi32, #tpu.memory_space<vmem>>
        %dma_start3A_251 = tpu.memref_squeeze %dma_start3A_250 : memref<1x128xi32, #tpu.memory_space<vmem>> -> memref<128xi32, #tpu.memory_space<vmem>>
        %dma_start3A_252 = arith.constant 0 : i32
        %dma_start3A_253 = arith.constant 0 : i32
        %dma_start3A_254 = tpu.memref_slice %arg10[%dma_start3A_252, %dma_start3A_253] : memref<32768x32xf32, #tpu.memory_space<vmem_shared>> -> memref<32768x32xf32, #tpu.memory_space<vmem_shared>>
        tpu.enqueue_indirect_dma source(%dma_start3A_248 : memref<128x32xf32, #tpu.memory_space<vmem>>) target(%dma_start3A_254 : memref<32768x32xf32, #tpu.memory_space<vmem_shared>>) offsets(%dma_start3A_251 : memref<128xi32, #tpu.memory_space<vmem>>) semaphore(%run_scoped3A_244 : memref<!tpu.dma_semaphore, #tpu.memory_space<semaphore_mem>>) {add = true}
        %dma_wait3A_255 = arith.constant 0 : i32
        %dma_wait3A_256 = arith.constant 0 : i32
        %dma_wait3A_257 = tpu.memref_slice %arg9[%run_scoped3A_241, %dma_wait3A_255, %dma_wait3A_256] : memref<8x128x32xf32, #tpu.memory_space<vmem>> -> memref<1x128x32xf32, #tpu.memory_space<vmem>>
        %dma_wait3A_258 = tpu.memref_squeeze %dma_wait3A_257 : memref<1x128x32xf32, #tpu.memory_space<vmem>> -> memref<128x32xf32, #tpu.memory_space<vmem>>
        %dma_wait3A_259 = arith.constant 0 : i32
        %dma_wait3A_260 = tpu.memref_slice %arg8[%run_scoped3A_242, %dma_wait3A_259] : memref<8x128xi32, #tpu.memory_space<vmem>> -> memref<1x128xi32, #tpu.memory_space<vmem>>
        %dma_wait3A_261 = tpu.memref_squeeze %dma_wait3A_260 : memref<1x128xi32, #tpu.memory_space<vmem>> -> memref<128xi32, #tpu.memory_space<vmem>>
        %dma_wait3A_262 = arith.constant 0 : i32
        %dma_wait3A_263 = arith.constant 0 : i32
        %dma_wait3A_264 = tpu.memref_slice %arg10[%dma_wait3A_262, %dma_wait3A_263] : memref<32768x32xf32, #tpu.memory_space<vmem_shared>> -> memref<32768x32xf32, #tpu.memory_space<vmem_shared>>
        tpu.wait_indirect_dma semaphore(%run_scoped3A_244 : memref<!tpu.dma_semaphore, #tpu.memory_space<semaphore_mem>>) src(%dma_wait3A_258 : memref<128x32xf32, #tpu.memory_space<vmem>>) dst(%dma_wait3A_264 : memref<32768x32xf32, #tpu.memory_space<vmem_shared>>)
        tpu.yield
      }) : () -> ()
      %scan3A_243 = arith.constant 0 : i32
      scf.yield %scan3A_243 : i32
    }
    %scan3A_22 = arith.constant 16 : i32
    %barrier3A_23 = arith.constant 0 : index
    tpu.barrier barrier_id(%barrier3A_23)
    %scan3A_24 = arith.constant 0 : i32
    %scan3A_25 = arith.constant 0 : i32
    %scan3A_26 = arith.constant 16 : i32
    %scan3A_27 = arith.addi %scan3A_25, %scan3A_26 : i32
    %scan3A_28 = arith.constant 1 : i32
    %scan3A_29 = scf.for %scan3A_31 = %scan3A_25 to %scan3A_27 step %scan3A_28 iter_args(%scan3A_32 = %scan3A_24) -> (i32)  : i32 {
      %mul3A_33 = arith.constant 2048 : i32
      %mul3A_34 = arith.muli %arg1, %mul3A_33 : i32
      %mul3A_35 = arith.constant 128 : i32
      %mul3A_36 = arith.muli %scan3A_31, %mul3A_35 : i32
      %add3A_37 = arith.addi %mul3A_34, %mul3A_36 : i32
      "tpu.region"() ({
        %run_scoped3A = tpu.sem_alloc : memref<!tpu.dma_semaphore, #tpu.memory_space<semaphore_mem>>
        %dma_start3A = arith.constant 0 : i32
        %dma_start3A_39 = tpu.memref_slice %arg5[%arg0, %add3A_37, %dma_start3A] : memref<2x32768x32xf32, #tpu.memory_space<hbm>> -> memref<1x128x32xf32, #tpu.memory_space<hbm>>
        %dma_start3A_40 = tpu.memref_squeeze %dma_start3A_39 : memref<1x128x32xf32, #tpu.memory_space<hbm>> -> memref<128x32xf32, #tpu.memory_space<hbm>>
        %dma_start3A_41 = arith.constant 0 : i32
        %dma_start3A_42 = tpu.memref_slice %arg10[%add3A_37, %dma_start3A_41] : memref<32768x32xf32, #tpu.memory_space<vmem_shared>> -> memref<128x32xf32, #tpu.memory_space<vmem_shared>>
        tpu.enqueue_dma source(%dma_start3A_42 : memref<128x32xf32, #tpu.memory_space<vmem_shared>>) target(%dma_start3A_40 : memref<128x32xf32, #tpu.memory_space<hbm>>) target_semaphore(%run_scoped3A : memref<!tpu.dma_semaphore, #tpu.memory_space<semaphore_mem>>)
        %dma_wait3A = arith.constant 0 : i32
        %dma_wait3A_43 = tpu.memref_slice %arg5[%arg0, %add3A_37, %dma_wait3A] : memref<2x32768x32xf32, #tpu.memory_space<hbm>> -> memref<1x128x32xf32, #tpu.memory_space<hbm>>
        %dma_wait3A_44 = tpu.memref_squeeze %dma_wait3A_43 : memref<1x128x32xf32, #tpu.memory_space<hbm>> -> memref<128x32xf32, #tpu.memory_space<hbm>>
        %dma_wait3A_45 = arith.constant 0 : i32
        %dma_wait3A_46 = tpu.memref_slice %arg10[%add3A_37, %dma_wait3A_45] : memref<32768x32xf32, #tpu.memory_space<vmem_shared>> -> memref<128x32xf32, #tpu.memory_space<vmem_shared>>
        tpu.wait_dma2 semaphore(%run_scoped3A : memref<!tpu.dma_semaphore, #tpu.memory_space<semaphore_mem>>) src(%dma_wait3A_46 : memref<128x32xf32, #tpu.memory_space<vmem_shared>>) dst(%dma_wait3A_44 : memref<128x32xf32, #tpu.memory_space<hbm>>)
        tpu.yield
      }) : () -> ()
      %scan3A_38 = arith.constant 0 : i32
      scf.yield %scan3A_38 : i32
    }
    %scan3A_30 = arith.constant 16 : i32
    return
  }
}

#map = affine_map<(d0, d1) -> (0, 0)>
#map1 = affine_map<(d0, d1) -> (0, 0, 0)>
module attributes {stable_mosaic.version = 14 : i64} {
  func.func @k(%arg0: i32, %arg1: i32, %arg2: memref<4096x128xi32, #tpu.memory_space<hbm>>, %arg3: memref<256x128xi32, #tpu.memory_space<hbm>>, %arg4: memref<128x128xi32, #tpu.memory_space<hbm>>, %arg5: memref<8129x64xf32, #tpu.memory_space<hbm>>, %arg6: memref<2x32768x16xf32, #tpu.memory_space<hbm>>, %arg7: memref<2x256x16xf32, #tpu.memory_space<hbm>>, %arg8: memref<16384x64xf32, #tpu.memory_space<hbm>>, %arg9: memref<128x16xf32, #tpu.memory_space<vmem>>, %arg10: memref<128x16xf32, #tpu.memory_space<vmem>>, %arg11: memref<128xi32, #tpu.memory_space<vmem>>, %arg12: memref<128xi32, #tpu.memory_space<vmem>>, %arg13: memref<128x64xf32, #tpu.memory_space<vmem>>, %arg14: memref<32768x16xf32, #tpu.memory_space<vmem_shared>>, %arg15: memref<256x16xf32, #tpu.memory_space<vmem_shared>>, %arg16: memref<!tpu.dma_semaphore, #tpu.memory_space<semaphore_mem>>) attributes {dimension_semantics = [#tpu.dimension_semantics<core_parallel>, #tpu.dimension_semantics<subcore_parallel>], iteration_bounds = array<i64: 2, 16>, scalar_prefetch = 0 : i64, scratch_operands = 8 : i64, tpu.core_type = #tpu.core_type<sc_vector_subcore>, window_params = [{transform_indices = #map}, {transform_indices = #map}, {transform_indices = #map}, {transform_indices = #map}, {transform_indices = #map1}, {transform_indices = #map1}, {transform_indices = #map}]} {
    %mul3A = arith.constant 16 : i32
    %mul3A_0 = arith.muli %arg0, %mul3A : i32
    %add3A = arith.addi %mul3A_0, %arg1 : i32
    %scan3A = arith.constant 0 : i32
    %scan3A_1 = arith.constant 0 : i32
    %scan3A_2 = arith.constant 128 : i32
    %scan3A_3 = arith.addi %scan3A_1, %scan3A_2 : i32
    %scan3A_4 = arith.constant 1 : i32
    %scan3A_5 = scf.for %scan3A_98 = %scan3A_1 to %scan3A_3 step %scan3A_4 iter_args(%scan3A_99 = %scan3A) -> (i32)  : i32 {
      %broadcast_in_dim3A = arith.constant 1.000000e+00 : f32
      %broadcast_in_dim3A_100 = vector.broadcast %broadcast_in_dim3A : f32 to vector<16xf32>
      %swap3A = arith.index_cast %scan3A_98 : i32 to index
      %swap3A_101 = arith.constant 0 : index
      %swap3A_102 = tpu.vector_load %arg9[%swap3A, %swap3A_101] {strides = array<i32>} : memref<128x16xf32, #tpu.memory_space<vmem>>, vector<1x16xf32>,
      %swap3A_103 = vector.shape_cast %swap3A_102 : vector<1x16xf32> to vector<16xf32>
      %swap3A_104 = vector.shape_cast %broadcast_in_dim3A_100 : vector<16xf32> to vector<1x16xf32>
      tpu.vector_store %arg9[%swap3A, %swap3A_101], %swap3A_104 {strides = array<i32>} : memref<128x16xf32, #tpu.memory_space<vmem>>, vector<1x16xf32>,
      %scan3A_105 = arith.constant 0 : i32
      scf.yield %scan3A_105 : i32
    }
    %scan3A_6 = arith.constant 128 : i32
    %scan3A_7 = arith.constant 0 : i32
    %scan3A_8 = arith.constant 0 : i32
    %scan3A_9 = arith.constant 128 : i32
    %scan3A_10 = arith.addi %scan3A_8, %scan3A_9 : i32
    %scan3A_11 = arith.constant 1 : i32
    %scan3A_12 = scf.for %scan3A_98 = %scan3A_8 to %scan3A_10 step %scan3A_11 iter_args(%scan3A_99 = %scan3A_7) -> (i32)  : i32 {
      %broadcast_in_dim3A = arith.constant 0.000000e+00 : f32
      %broadcast_in_dim3A_100 = vector.broadcast %broadcast_in_dim3A : f32 to vector<16xf32>
      %swap3A = arith.index_cast %scan3A_98 : i32 to index
      %swap3A_101 = arith.constant 0 : index
      %swap3A_102 = tpu.vector_load %arg10[%swap3A, %swap3A_101] {strides = array<i32>} : memref<128x16xf32, #tpu.memory_space<vmem>>, vector<1x16xf32>,
      %swap3A_103 = vector.shape_cast %swap3A_102 : vector<1x16xf32> to vector<16xf32>
      %swap3A_104 = vector.shape_cast %broadcast_in_dim3A_100 : vector<16xf32> to vector<1x16xf32>
      tpu.vector_store %arg10[%swap3A, %swap3A_101], %swap3A_104 {strides = array<i32>} : memref<128x16xf32, #tpu.memory_space<vmem>>, vector<1x16xf32>,
      %scan3A_105 = arith.constant 0 : i32
      scf.yield %scan3A_105 : i32
    }
    %scan3A_13 = arith.constant 128 : i32
    %mul3A_14 = arith.constant 2048 : i32
    %mul3A_15 = arith.muli %arg1, %mul3A_14 : i32
    %scan3A_16 = arith.constant 0 : i32
    %scan3A_17 = arith.constant 0 : i32
    %scan3A_18 = arith.constant 16 : i32
    %scan3A_19 = arith.addi %scan3A_17, %scan3A_18 : i32
    %scan3A_20 = arith.constant 1 : i32
    %scan3A_21 = scf.for %scan3A_98 = %scan3A_17 to %scan3A_19 step %scan3A_20 iter_args(%scan3A_99 = %scan3A_16) -> (i32)  : i32 {
      %mul3A_100 = arith.constant 128 : i32
      %mul3A_101 = arith.muli %scan3A_98, %mul3A_100 : i32
      %add3A_102 = arith.addi %mul3A_15, %mul3A_101 : i32
      "tpu.region"() ({
        %run_scoped3A = tpu.sem_alloc : memref<!tpu.dma_semaphore, #tpu.memory_space<semaphore_mem>>
        %dma_start3A_104 = arith.constant 0 : i32
        %dma_start3A_105 = tpu.memref_slice %arg14[%add3A_102, %dma_start3A_104] : memref<32768x16xf32, #tpu.memory_space<vmem_shared>> -> memref<128x16xf32, #tpu.memory_space<vmem_shared>>
        %dma_start3A_106 = arith.constant 0 : i32
        %dma_start3A_107 = tpu.memref_slice %arg14[%add3A_102, %dma_start3A_106] : memref<32768x16xf32, #tpu.memory_space<vmem_shared>> -> memref<128x16xf32, #tpu.memory_space<vmem_shared>>
        tpu.enqueue_dma source(%arg10 : memref<128x16xf32, #tpu.memory_space<vmem>>) target(%dma_start3A_107 : memref<128x16xf32, #tpu.memory_space<vmem_shared>>) target_semaphore(%run_scoped3A : memref<!tpu.dma_semaphore, #tpu.memory_space<semaphore_mem>>)
        %dma_wait3A_108 = arith.constant 0 : i32
        %dma_wait3A_109 = tpu.memref_slice %arg14[%add3A_102, %dma_wait3A_108] : memref<32768x16xf32, #tpu.memory_space<vmem_shared>> -> memref<128x16xf32, #tpu.memory_space<vmem_shared>>
        %dma_wait3A_110 = arith.constant 0 : i32
        %dma_wait3A_111 = tpu.memref_slice %arg14[%add3A_102, %dma_wait3A_110] : memref<32768x16xf32, #tpu.memory_space<vmem_shared>> -> memref<128x16xf32, #tpu.memory_space<vmem_shared>>
        tpu.wait_dma2 semaphore(%run_scoped3A : memref<!tpu.dma_semaphore, #tpu.memory_space<semaphore_mem>>) src(%arg10 : memref<128x16xf32, #tpu.memory_space<vmem>>) dst(%dma_wait3A_111 : memref<128x16xf32, #tpu.memory_space<vmem_shared>>)
        tpu.yield
      }) : () -> ()
      %scan3A_103 = arith.constant 0 : i32
      scf.yield %scan3A_103 : i32
    }
    %scan3A_22 = arith.constant 16 : i32
    %eq3A = arith.constant 0 : i32
    %eq3A_23 = arith.cmpi eq, %arg1, %eq3A : i32
    %convert_element_type3A = arith.extui %eq3A_23 : i1 to i32
    %cond3A = arith.constant 0 : i32
    %cond3A_24 = arith.cmpi ne, %convert_element_type3A, %cond3A : i32
    scf.if %cond3A_24 {
      %scan3A_98 = arith.constant 0 : i32
      %scan3A_99 = arith.constant 0 : i32
      %scan3A_100 = arith.constant 2 : i32
      %scan3A_101 = arith.addi %scan3A_99, %scan3A_100 : i32
      %scan3A_102 = arith.constant 1 : i32
      %scan3A_103 = scf.for %scan3A_105 = %scan3A_99 to %scan3A_101 step %scan3A_102 iter_args(%scan3A_106 = %scan3A_98) -> (i32)  : i32 {
        %mul3A_107 = arith.constant 128 : i32
        %mul3A_108 = arith.muli %scan3A_105, %mul3A_107 : i32
        %add3A_109 = arith.constant 0 : i32
        %add3A_110 = arith.addi %add3A_109, %mul3A_108 : i32
        "tpu.region"() ({
          %run_scoped3A = tpu.sem_alloc : memref<!tpu.dma_semaphore, #tpu.memory_space<semaphore_mem>>
          %dma_start3A_112 = arith.constant 0 : i32
          %dma_start3A_113 = tpu.memref_slice %arg15[%add3A_110, %dma_start3A_112] : memref<256x16xf32, #tpu.memory_space<vmem_shared>> -> memref<128x16xf32, #tpu.memory_space<vmem_shared>>
          %dma_start3A_114 = arith.constant 0 : i32
          %dma_start3A_115 = tpu.memref_slice %arg15[%add3A_110, %dma_start3A_114] : memref<256x16xf32, #tpu.memory_space<vmem_shared>> -> memref<128x16xf32, #tpu.memory_space<vmem_shared>>
          tpu.enqueue_dma source(%arg10 : memref<128x16xf32, #tpu.memory_space<vmem>>) target(%dma_start3A_115 : memref<128x16xf32, #tpu.memory_space<vmem_shared>>) target_semaphore(%run_scoped3A : memref<!tpu.dma_semaphore, #tpu.memory_space<semaphore_mem>>)
          %dma_wait3A_116 = arith.constant 0 : i32
          %dma_wait3A_117 = tpu.memref_slice %arg15[%add3A_110, %dma_wait3A_116] : memref<256x16xf32, #tpu.memory_space<vmem_shared>> -> memref<128x16xf32, #tpu.memory_space<vmem_shared>>
          %dma_wait3A_118 = arith.constant 0 : i32
          %dma_wait3A_119 = tpu.memref_slice %arg15[%add3A_110, %dma_wait3A_118] : memref<256x16xf32, #tpu.memory_space<vmem_shared>> -> memref<128x16xf32, #tpu.memory_space<vmem_shared>>
          tpu.wait_dma2 semaphore(%run_scoped3A : memref<!tpu.dma_semaphore, #tpu.memory_space<semaphore_mem>>) src(%arg10 : memref<128x16xf32, #tpu.memory_space<vmem>>) dst(%dma_wait3A_119 : memref<128x16xf32, #tpu.memory_space<vmem_shared>>)
          tpu.yield
        }) : () -> ()
        %scan3A_111 = arith.constant 0 : i32
        scf.yield %scan3A_111 : i32
      }
      %scan3A_104 = arith.constant 2 : i32
    } else {
    }
    %barrier3A = arith.constant 0 : index
    tpu.barrier barrier_id(%barrier3A)
    %scan3A_25 = arith.constant 0 : i32
    %scan3A_26 = arith.constant 0 : i32
    %scan3A_27 = arith.constant 128 : i32
    %scan3A_28 = arith.addi %scan3A_26, %scan3A_27 : i32
    %scan3A_29 = arith.constant 1 : i32
    %scan3A_30 = scf.for %scan3A_98 = %scan3A_26 to %scan3A_28 step %scan3A_29 iter_args(%scan3A_99 = %scan3A_25) -> (i32)  : i32 {
      %mul3A_100 = arith.constant 128 : i32
      %mul3A_101 = arith.muli %add3A, %mul3A_100 : i32
      %add3A_102 = arith.addi %mul3A_101, %scan3A_98 : i32
      "tpu.region"() ({
        %run_scoped3A = tpu.sem_alloc : memref<!tpu.dma_semaphore, #tpu.memory_space<semaphore_mem>>
        %dma_start3A_104 = arith.constant 0 : i32
        %dma_start3A_105 = tpu.memref_slice %arg2[%add3A_102, %dma_start3A_104] : memref<4096x128xi32, #tpu.memory_space<hbm>> -> memref<1x128xi32, #tpu.memory_space<hbm>>
        %dma_start3A_106 = tpu.memref_squeeze %dma_start3A_105 : memref<1x128xi32, #tpu.memory_space<hbm>> -> memref<128xi32, #tpu.memory_space<hbm>>
        %dma_start3A_107 = arith.constant 0 : i32
        %dma_start3A_108 = tpu.memref_slice %arg2[%add3A_102, %dma_start3A_107] : memref<4096x128xi32, #tpu.memory_space<hbm>> -> memref<1x128xi32, #tpu.memory_space<hbm>>
        %dma_start3A_109 = tpu.memref_squeeze %dma_start3A_108 : memref<1x128xi32, #tpu.memory_space<hbm>> -> memref<128xi32, #tpu.memory_space<hbm>>
        tpu.enqueue_dma source(%dma_start3A_109 : memref<128xi32, #tpu.memory_space<hbm>>) target(%arg11 : memref<128xi32, #tpu.memory_space<vmem>>) target_semaphore(%run_scoped3A : memref<!tpu.dma_semaphore, #tpu.memory_space<semaphore_mem>>)
        %dma_wait3A_110 = arith.constant 0 : i32
        %dma_wait3A_111 = tpu.memref_slice %arg2[%add3A_102, %dma_wait3A_110] : memref<4096x128xi32, #tpu.memory_space<hbm>> -> memref<1x128xi32, #tpu.memory_space<hbm>>
        %dma_wait3A_112 = tpu.memref_squeeze %dma_wait3A_111 : memref<1x128xi32, #tpu.memory_space<hbm>> -> memref<128xi32, #tpu.memory_space<hbm>>
        %dma_wait3A_113 = arith.constant 0 : i32
        %dma_wait3A_114 = tpu.memref_slice %arg2[%add3A_102, %dma_wait3A_113] : memref<4096x128xi32, #tpu.memory_space<hbm>> -> memref<1x128xi32, #tpu.memory_space<hbm>>
        %dma_wait3A_115 = tpu.memref_squeeze %dma_wait3A_114 : memref<1x128xi32, #tpu.memory_space<hbm>> -> memref<128xi32, #tpu.memory_space<hbm>>
        tpu.wait_dma2 semaphore(%run_scoped3A : memref<!tpu.dma_semaphore, #tpu.memory_space<semaphore_mem>>) src(%dma_wait3A_115 : memref<128xi32, #tpu.memory_space<hbm>>) dst(%arg11 : memref<128xi32, #tpu.memory_space<vmem>>)
        tpu.yield
      }) : () -> ()
      "tpu.region"() ({
        %run_scoped3A = tpu.sem_alloc : memref<!tpu.dma_semaphore, #tpu.memory_space<semaphore_mem>>
        %dma_start3A_104 = arith.constant 0 : i32
        %dma_start3A_105 = arith.constant 0 : i32
        %dma_start3A_106 = tpu.memref_slice %arg14[%dma_start3A_104, %dma_start3A_105] : memref<32768x16xf32, #tpu.memory_space<vmem_shared>> -> memref<32768x16xf32, #tpu.memory_space<vmem_shared>>
        tpu.enqueue_indirect_dma source(%arg9 : memref<128x16xf32, #tpu.memory_space<vmem>>) target(%dma_start3A_106 : memref<32768x16xf32, #tpu.memory_space<vmem_shared>>) offsets(%arg11 : memref<128xi32, #tpu.memory_space<vmem>>) semaphore(%run_scoped3A : memref<!tpu.dma_semaphore, #tpu.memory_space<semaphore_mem>>) {add = true}
        %dma_wait3A_107 = arith.constant 0 : i32
        %dma_wait3A_108 = arith.constant 0 : i32
        %dma_wait3A_109 = tpu.memref_slice %arg14[%dma_wait3A_107, %dma_wait3A_108] : memref<32768x16xf32, #tpu.memory_space<vmem_shared>> -> memref<32768x16xf32, #tpu.memory_space<vmem_shared>>
        tpu.wait_indirect_dma semaphore(%run_scoped3A : memref<!tpu.dma_semaphore, #tpu.memory_space<semaphore_mem>>) src(%arg9 : memref<128x16xf32, #tpu.memory_space<vmem>>) dst(%dma_wait3A_109 : memref<32768x16xf32, #tpu.memory_space<vmem_shared>>)
        tpu.yield
      }) : () -> ()
      %scan3A_103 = arith.constant 0 : i32
      scf.yield %scan3A_103 : i32
    }
    %scan3A_31 = arith.constant 128 : i32
    %scan3A_32 = arith.constant 0 : i32
    %scan3A_33 = arith.constant 0 : i32
    %scan3A_34 = arith.constant 8 : i32
    %scan3A_35 = arith.addi %scan3A_33, %scan3A_34 : i32
    %scan3A_36 = arith.constant 1 : i32
    %scan3A_37 = scf.for %scan3A_98 = %scan3A_33 to %scan3A_35 step %scan3A_36 iter_args(%scan3A_99 = %scan3A_32) -> (i32)  : i32 {
      %mul3A_100 = arith.constant 8 : i32
      %mul3A_101 = arith.muli %add3A, %mul3A_100 : i32
      %add3A_102 = arith.addi %mul3A_101, %scan3A_98 : i32
      "tpu.region"() ({
        %run_scoped3A = tpu.sem_alloc : memref<!tpu.dma_semaphore, #tpu.memory_space<semaphore_mem>>
        %dma_start3A_104 = arith.constant 0 : i32
        %dma_start3A_105 = tpu.memref_slice %arg3[%add3A_102, %dma_start3A_104] : memref<256x128xi32, #tpu.memory_space<hbm>> -> memref<1x128xi32, #tpu.memory_space<hbm>>
        %dma_start3A_106 = tpu.memref_squeeze %dma_start3A_105 : memref<1x128xi32, #tpu.memory_space<hbm>> -> memref<128xi32, #tpu.memory_space<hbm>>
        %dma_start3A_107 = arith.constant 0 : i32
        %dma_start3A_108 = tpu.memref_slice %arg3[%add3A_102, %dma_start3A_107] : memref<256x128xi32, #tpu.memory_space<hbm>> -> memref<1x128xi32, #tpu.memory_space<hbm>>
        %dma_start3A_109 = tpu.memref_squeeze %dma_start3A_108 : memref<1x128xi32, #tpu.memory_space<hbm>> -> memref<128xi32, #tpu.memory_space<hbm>>
        tpu.enqueue_dma source(%dma_start3A_109 : memref<128xi32, #tpu.memory_space<hbm>>) target(%arg11 : memref<128xi32, #tpu.memory_space<vmem>>) target_semaphore(%run_scoped3A : memref<!tpu.dma_semaphore, #tpu.memory_space<semaphore_mem>>)
        %dma_wait3A_110 = arith.constant 0 : i32
        %dma_wait3A_111 = tpu.memref_slice %arg3[%add3A_102, %dma_wait3A_110] : memref<256x128xi32, #tpu.memory_space<hbm>> -> memref<1x128xi32, #tpu.memory_space<hbm>>
        %dma_wait3A_112 = tpu.memref_squeeze %dma_wait3A_111 : memref<1x128xi32, #tpu.memory_space<hbm>> -> memref<128xi32, #tpu.memory_space<hbm>>
        %dma_wait3A_113 = arith.constant 0 : i32
        %dma_wait3A_114 = tpu.memref_slice %arg3[%add3A_102, %dma_wait3A_113] : memref<256x128xi32, #tpu.memory_space<hbm>> -> memref<1x128xi32, #tpu.memory_space<hbm>>
        %dma_wait3A_115 = tpu.memref_squeeze %dma_wait3A_114 : memref<1x128xi32, #tpu.memory_space<hbm>> -> memref<128xi32, #tpu.memory_space<hbm>>
        tpu.wait_dma2 semaphore(%run_scoped3A : memref<!tpu.dma_semaphore, #tpu.memory_space<semaphore_mem>>) src(%dma_wait3A_115 : memref<128xi32, #tpu.memory_space<hbm>>) dst(%arg11 : memref<128xi32, #tpu.memory_space<vmem>>)
        tpu.yield
      }) : () -> ()
      "tpu.region"() ({
        %run_scoped3A = tpu.sem_alloc : memref<!tpu.dma_semaphore, #tpu.memory_space<semaphore_mem>>
        %dma_start3A_104 = arith.constant 0 : i32
        %dma_start3A_105 = arith.constant 0 : i32
        %dma_start3A_106 = tpu.memref_slice %arg15[%dma_start3A_104, %dma_start3A_105] : memref<256x16xf32, #tpu.memory_space<vmem_shared>> -> memref<256x16xf32, #tpu.memory_space<vmem_shared>>
        tpu.enqueue_indirect_dma source(%arg9 : memref<128x16xf32, #tpu.memory_space<vmem>>) target(%dma_start3A_106 : memref<256x16xf32, #tpu.memory_space<vmem_shared>>) offsets(%arg11 : memref<128xi32, #tpu.memory_space<vmem>>) semaphore(%run_scoped3A : memref<!tpu.dma_semaphore, #tpu.memory_space<semaphore_mem>>) {add = true}
        %dma_wait3A_107 = arith.constant 0 : i32
        %dma_wait3A_108 = arith.constant 0 : i32
        %dma_wait3A_109 = tpu.memref_slice %arg15[%dma_wait3A_107, %dma_wait3A_108] : memref<256x16xf32, #tpu.memory_space<vmem_shared>> -> memref<256x16xf32, #tpu.memory_space<vmem_shared>>
        tpu.wait_indirect_dma semaphore(%run_scoped3A : memref<!tpu.dma_semaphore, #tpu.memory_space<semaphore_mem>>) src(%arg9 : memref<128x16xf32, #tpu.memory_space<vmem>>) dst(%dma_wait3A_109 : memref<256x16xf32, #tpu.memory_space<vmem_shared>>)
        tpu.yield
      }) : () -> ()
      %scan3A_103 = arith.constant 0 : i32
      scf.yield %scan3A_103 : i32
    }
    %scan3A_38 = arith.constant 8 : i32
    %mul3A_39 = arith.constant 4 : i32
    %mul3A_40 = arith.muli %add3A, %mul3A_39 : i32
    %add3A_41 = arith.constant 0 : i32
    %add3A_42 = arith.addi %mul3A_40, %add3A_41 : i32
    "tpu.region"() ({
      %run_scoped3A = tpu.sem_alloc : memref<!tpu.dma_semaphore, #tpu.memory_space<semaphore_mem>>
      %dma_start3A_98 = arith.constant 0 : i32
      %dma_start3A_99 = tpu.memref_slice %arg4[%add3A_42, %dma_start3A_98] : memref<128x128xi32, #tpu.memory_space<hbm>> -> memref<1x128xi32, #tpu.memory_space<hbm>>
      %dma_start3A_100 = tpu.memref_squeeze %dma_start3A_99 : memref<1x128xi32, #tpu.memory_space<hbm>> -> memref<128xi32, #tpu.memory_space<hbm>>
      %dma_start3A_101 = arith.constant 0 : i32
      %dma_start3A_102 = tpu.memref_slice %arg4[%add3A_42, %dma_start3A_101] : memref<128x128xi32, #tpu.memory_space<hbm>> -> memref<1x128xi32, #tpu.memory_space<hbm>>
      %dma_start3A_103 = tpu.memref_squeeze %dma_start3A_102 : memref<1x128xi32, #tpu.memory_space<hbm>> -> memref<128xi32, #tpu.memory_space<hbm>>
      tpu.enqueue_dma source(%dma_start3A_103 : memref<128xi32, #tpu.memory_space<hbm>>) target(%arg12 : memref<128xi32, #tpu.memory_space<vmem>>) target_semaphore(%run_scoped3A : memref<!tpu.dma_semaphore, #tpu.memory_space<semaphore_mem>>)
      %dma_wait3A_104 = arith.constant 0 : i32
      %dma_wait3A_105 = tpu.memref_slice %arg4[%add3A_42, %dma_wait3A_104] : memref<128x128xi32, #tpu.memory_space<hbm>> -> memref<1x128xi32, #tpu.memory_space<hbm>>
      %dma_wait3A_106 = tpu.memref_squeeze %dma_wait3A_105 : memref<1x128xi32, #tpu.memory_space<hbm>> -> memref<128xi32, #tpu.memory_space<hbm>>
      %dma_wait3A_107 = arith.constant 0 : i32
      %dma_wait3A_108 = tpu.memref_slice %arg4[%add3A_42, %dma_wait3A_107] : memref<128x128xi32, #tpu.memory_space<hbm>> -> memref<1x128xi32, #tpu.memory_space<hbm>>
      %dma_wait3A_109 = tpu.memref_squeeze %dma_wait3A_108 : memref<1x128xi32, #tpu.memory_space<hbm>> -> memref<128xi32, #tpu.memory_space<hbm>>
      tpu.wait_dma2 semaphore(%run_scoped3A : memref<!tpu.dma_semaphore, #tpu.memory_space<semaphore_mem>>) src(%dma_wait3A_109 : memref<128xi32, #tpu.memory_space<hbm>>) dst(%arg12 : memref<128xi32, #tpu.memory_space<vmem>>)
      tpu.yield
    }) : () -> ()
    %dma_start3A = arith.constant 0 : i32
    %dma_start3A_43 = arith.constant 0 : i32
    %dma_start3A_44 = tpu.memref_slice %arg5[%dma_start3A, %dma_start3A_43] : memref<8129x64xf32, #tpu.memory_space<hbm>> -> memref<8129x64xf32, #tpu.memory_space<hbm>>
    tpu.enqueue_indirect_dma source(%dma_start3A_44 : memref<8129x64xf32, #tpu.memory_space<hbm>>) target(%arg13 : memref<128x64xf32, #tpu.memory_space<vmem>>) offsets(%arg12 : memref<128xi32, #tpu.memory_space<vmem>>) semaphore(%arg16 : memref<!tpu.dma_semaphore, #tpu.memory_space<semaphore_mem>>)
    %dma_wait3A = arith.constant 0 : i32
    %dma_wait3A_45 = arith.constant 0 : i32
    %dma_wait3A_46 = tpu.memref_slice %arg5[%dma_wait3A, %dma_wait3A_45] : memref<8129x64xf32, #tpu.memory_space<hbm>> -> memref<8129x64xf32, #tpu.memory_space<hbm>>
    tpu.wait_indirect_dma semaphore(%arg16 : memref<!tpu.dma_semaphore, #tpu.memory_space<semaphore_mem>>) src(%dma_wait3A_46 : memref<8129x64xf32, #tpu.memory_space<hbm>>) dst(%arg13 : memref<128x64xf32, #tpu.memory_space<vmem>>)
    %mul3A_47 = arith.constant 128 : i32
    %mul3A_48 = arith.muli %add3A_42, %mul3A_47 : i32
    "tpu.region"() ({
      %run_scoped3A = tpu.sem_alloc : memref<!tpu.dma_semaphore, #tpu.memory_space<semaphore_mem>>
      %dma_start3A_98 = arith.constant 0 : i32
      %dma_start3A_99 = tpu.memref_slice %arg8[%mul3A_48, %dma_start3A_98] : memref<16384x64xf32, #tpu.memory_space<hbm>> -> memref<128x64xf32, #tpu.memory_space<hbm>>
      %dma_start3A_100 = arith.constant 0 : i32
      %dma_start3A_101 = tpu.memref_slice %arg8[%mul3A_48, %dma_start3A_100] : memref<16384x64xf32, #tpu.memory_space<hbm>> -> memref<128x64xf32, #tpu.memory_space<hbm>>
      tpu.enqueue_dma source(%arg13 : memref<128x64xf32, #tpu.memory_space<vmem>>) target(%dma_start3A_101 : memref<128x64xf32, #tpu.memory_space<hbm>>) target_semaphore(%run_scoped3A : memref<!tpu.dma_semaphore, #tpu.memory_space<semaphore_mem>>)
      %dma_wait3A_102 = arith.constant 0 : i32
      %dma_wait3A_103 = tpu.memref_slice %arg8[%mul3A_48, %dma_wait3A_102] : memref<16384x64xf32, #tpu.memory_space<hbm>> -> memref<128x64xf32, #tpu.memory_space<hbm>>
      %dma_wait3A_104 = arith.constant 0 : i32
      %dma_wait3A_105 = tpu.memref_slice %arg8[%mul3A_48, %dma_wait3A_104] : memref<16384x64xf32, #tpu.memory_space<hbm>> -> memref<128x64xf32, #tpu.memory_space<hbm>>
      tpu.wait_dma2 semaphore(%run_scoped3A : memref<!tpu.dma_semaphore, #tpu.memory_space<semaphore_mem>>) src(%arg13 : memref<128x64xf32, #tpu.memory_space<vmem>>) dst(%dma_wait3A_105 : memref<128x64xf32, #tpu.memory_space<hbm>>)
      tpu.yield
    }) : () -> ()
    %mul3A_49 = arith.constant 4 : i32
    %mul3A_50 = arith.muli %add3A, %mul3A_49 : i32
    %add3A_51 = arith.constant 1 : i32
    %add3A_52 = arith.addi %mul3A_50, %add3A_51 : i32
    "tpu.region"() ({
      %run_scoped3A = tpu.sem_alloc : memref<!tpu.dma_semaphore, #tpu.memory_space<semaphore_mem>>
      %dma_start3A_98 = arith.constant 0 : i32
      %dma_start3A_99 = tpu.memref_slice %arg4[%add3A_52, %dma_start3A_98] : memref<128x128xi32, #tpu.memory_space<hbm>> -> memref<1x128xi32, #tpu.memory_space<hbm>>
      %dma_start3A_100 = tpu.memref_squeeze %dma_start3A_99 : memref<1x128xi32, #tpu.memory_space<hbm>> -> memref<128xi32, #tpu.memory_space<hbm>>
      %dma_start3A_101 = arith.constant 0 : i32
      %dma_start3A_102 = tpu.memref_slice %arg4[%add3A_52, %dma_start3A_101] : memref<128x128xi32, #tpu.memory_space<hbm>> -> memref<1x128xi32, #tpu.memory_space<hbm>>
      %dma_start3A_103 = tpu.memref_squeeze %dma_start3A_102 : memref<1x128xi32, #tpu.memory_space<hbm>> -> memref<128xi32, #tpu.memory_space<hbm>>
      tpu.enqueue_dma source(%dma_start3A_103 : memref<128xi32, #tpu.memory_space<hbm>>) target(%arg12 : memref<128xi32, #tpu.memory_space<vmem>>) target_semaphore(%run_scoped3A : memref<!tpu.dma_semaphore, #tpu.memory_space<semaphore_mem>>)
      %dma_wait3A_104 = arith.constant 0 : i32
      %dma_wait3A_105 = tpu.memref_slice %arg4[%add3A_52, %dma_wait3A_104] : memref<128x128xi32, #tpu.memory_space<hbm>> -> memref<1x128xi32, #tpu.memory_space<hbm>>
      %dma_wait3A_106 = tpu.memref_squeeze %dma_wait3A_105 : memref<1x128xi32, #tpu.memory_space<hbm>> -> memref<128xi32, #tpu.memory_space<hbm>>
      %dma_wait3A_107 = arith.constant 0 : i32
      %dma_wait3A_108 = tpu.memref_slice %arg4[%add3A_52, %dma_wait3A_107] : memref<128x128xi32, #tpu.memory_space<hbm>> -> memref<1x128xi32, #tpu.memory_space<hbm>>
      %dma_wait3A_109 = tpu.memref_squeeze %dma_wait3A_108 : memref<1x128xi32, #tpu.memory_space<hbm>> -> memref<128xi32, #tpu.memory_space<hbm>>
      tpu.wait_dma2 semaphore(%run_scoped3A : memref<!tpu.dma_semaphore, #tpu.memory_space<semaphore_mem>>) src(%dma_wait3A_109 : memref<128xi32, #tpu.memory_space<hbm>>) dst(%arg12 : memref<128xi32, #tpu.memory_space<vmem>>)
      tpu.yield
    }) : () -> ()
    %dma_start3A_53 = arith.constant 0 : i32
    %dma_start3A_54 = arith.constant 0 : i32
    %dma_start3A_55 = tpu.memref_slice %arg5[%dma_start3A_53, %dma_start3A_54] : memref<8129x64xf32, #tpu.memory_space<hbm>> -> memref<8129x64xf32, #tpu.memory_space<hbm>>
    tpu.enqueue_indirect_dma source(%dma_start3A_55 : memref<8129x64xf32, #tpu.memory_space<hbm>>) target(%arg13 : memref<128x64xf32, #tpu.memory_space<vmem>>) offsets(%arg12 : memref<128xi32, #tpu.memory_space<vmem>>) semaphore(%arg16 : memref<!tpu.dma_semaphore, #tpu.memory_space<semaphore_mem>>)
    %dma_wait3A_56 = arith.constant 0 : i32
    %dma_wait3A_57 = arith.constant 0 : i32
    %dma_wait3A_58 = tpu.memref_slice %arg5[%dma_wait3A_56, %dma_wait3A_57] : memref<8129x64xf32, #tpu.memory_space<hbm>> -> memref<8129x64xf32, #tpu.memory_space<hbm>>
    tpu.wait_indirect_dma semaphore(%arg16 : memref<!tpu.dma_semaphore, #tpu.memory_space<semaphore_mem>>) src(%dma_wait3A_58 : memref<8129x64xf32, #tpu.memory_space<hbm>>) dst(%arg13 : memref<128x64xf32, #tpu.memory_space<vmem>>)
    %mul3A_59 = arith.constant 128 : i32
    %mul3A_60 = arith.muli %add3A_52, %mul3A_59 : i32
    "tpu.region"() ({
      %run_scoped3A = tpu.sem_alloc : memref<!tpu.dma_semaphore, #tpu.memory_space<semaphore_mem>>
      %dma_start3A_98 = arith.constant 0 : i32
      %dma_start3A_99 = tpu.memref_slice %arg8[%mul3A_60, %dma_start3A_98] : memref<16384x64xf32, #tpu.memory_space<hbm>> -> memref<128x64xf32, #tpu.memory_space<hbm>>
      %dma_start3A_100 = arith.constant 0 : i32
      %dma_start3A_101 = tpu.memref_slice %arg8[%mul3A_60, %dma_start3A_100] : memref<16384x64xf32, #tpu.memory_space<hbm>> -> memref<128x64xf32, #tpu.memory_space<hbm>>
      tpu.enqueue_dma source(%arg13 : memref<128x64xf32, #tpu.memory_space<vmem>>) target(%dma_start3A_101 : memref<128x64xf32, #tpu.memory_space<hbm>>) target_semaphore(%run_scoped3A : memref<!tpu.dma_semaphore, #tpu.memory_space<semaphore_mem>>)
      %dma_wait3A_102 = arith.constant 0 : i32
      %dma_wait3A_103 = tpu.memref_slice %arg8[%mul3A_60, %dma_wait3A_102] : memref<16384x64xf32, #tpu.memory_space<hbm>> -> memref<128x64xf32, #tpu.memory_space<hbm>>
      %dma_wait3A_104 = arith.constant 0 : i32
      %dma_wait3A_105 = tpu.memref_slice %arg8[%mul3A_60, %dma_wait3A_104] : memref<16384x64xf32, #tpu.memory_space<hbm>> -> memref<128x64xf32, #tpu.memory_space<hbm>>
      tpu.wait_dma2 semaphore(%run_scoped3A : memref<!tpu.dma_semaphore, #tpu.memory_space<semaphore_mem>>) src(%arg13 : memref<128x64xf32, #tpu.memory_space<vmem>>) dst(%dma_wait3A_105 : memref<128x64xf32, #tpu.memory_space<hbm>>)
      tpu.yield
    }) : () -> ()
    %mul3A_61 = arith.constant 4 : i32
    %mul3A_62 = arith.muli %add3A, %mul3A_61 : i32
    %add3A_63 = arith.constant 2 : i32
    %add3A_64 = arith.addi %mul3A_62, %add3A_63 : i32
    "tpu.region"() ({
      %run_scoped3A = tpu.sem_alloc : memref<!tpu.dma_semaphore, #tpu.memory_space<semaphore_mem>>
      %dma_start3A_98 = arith.constant 0 : i32
      %dma_start3A_99 = tpu.memref_slice %arg4[%add3A_64, %dma_start3A_98] : memref<128x128xi32, #tpu.memory_space<hbm>> -> memref<1x128xi32, #tpu.memory_space<hbm>>
      %dma_start3A_100 = tpu.memref_squeeze %dma_start3A_99 : memref<1x128xi32, #tpu.memory_space<hbm>> -> memref<128xi32, #tpu.memory_space<hbm>>
      %dma_start3A_101 = arith.constant 0 : i32
      %dma_start3A_102 = tpu.memref_slice %arg4[%add3A_64, %dma_start3A_101] : memref<128x128xi32, #tpu.memory_space<hbm>> -> memref<1x128xi32, #tpu.memory_space<hbm>>
      %dma_start3A_103 = tpu.memref_squeeze %dma_start3A_102 : memref<1x128xi32, #tpu.memory_space<hbm>> -> memref<128xi32, #tpu.memory_space<hbm>>
      tpu.enqueue_dma source(%dma_start3A_103 : memref<128xi32, #tpu.memory_space<hbm>>) target(%arg12 : memref<128xi32, #tpu.memory_space<vmem>>) target_semaphore(%run_scoped3A : memref<!tpu.dma_semaphore, #tpu.memory_space<semaphore_mem>>)
      %dma_wait3A_104 = arith.constant 0 : i32
      %dma_wait3A_105 = tpu.memref_slice %arg4[%add3A_64, %dma_wait3A_104] : memref<128x128xi32, #tpu.memory_space<hbm>> -> memref<1x128xi32, #tpu.memory_space<hbm>>
      %dma_wait3A_106 = tpu.memref_squeeze %dma_wait3A_105 : memref<1x128xi32, #tpu.memory_space<hbm>> -> memref<128xi32, #tpu.memory_space<hbm>>
      %dma_wait3A_107 = arith.constant 0 : i32
      %dma_wait3A_108 = tpu.memref_slice %arg4[%add3A_64, %dma_wait3A_107] : memref<128x128xi32, #tpu.memory_space<hbm>> -> memref<1x128xi32, #tpu.memory_space<hbm>>
      %dma_wait3A_109 = tpu.memref_squeeze %dma_wait3A_108 : memref<1x128xi32, #tpu.memory_space<hbm>> -> memref<128xi32, #tpu.memory_space<hbm>>
      tpu.wait_dma2 semaphore(%run_scoped3A : memref<!tpu.dma_semaphore, #tpu.memory_space<semaphore_mem>>) src(%dma_wait3A_109 : memref<128xi32, #tpu.memory_space<hbm>>) dst(%arg12 : memref<128xi32, #tpu.memory_space<vmem>>)
      tpu.yield
    }) : () -> ()
    %dma_start3A_65 = arith.constant 0 : i32
    %dma_start3A_66 = arith.constant 0 : i32
    %dma_start3A_67 = tpu.memref_slice %arg5[%dma_start3A_65, %dma_start3A_66] : memref<8129x64xf32, #tpu.memory_space<hbm>> -> memref<8129x64xf32, #tpu.memory_space<hbm>>
    tpu.enqueue_indirect_dma source(%dma_start3A_67 : memref<8129x64xf32, #tpu.memory_space<hbm>>) target(%arg13 : memref<128x64xf32, #tpu.memory_space<vmem>>) offsets(%arg12 : memref<128xi32, #tpu.memory_space<vmem>>) semaphore(%arg16 : memref<!tpu.dma_semaphore, #tpu.memory_space<semaphore_mem>>)
    %dma_wait3A_68 = arith.constant 0 : i32
    %dma_wait3A_69 = arith.constant 0 : i32
    %dma_wait3A_70 = tpu.memref_slice %arg5[%dma_wait3A_68, %dma_wait3A_69] : memref<8129x64xf32, #tpu.memory_space<hbm>> -> memref<8129x64xf32, #tpu.memory_space<hbm>>
    tpu.wait_indirect_dma semaphore(%arg16 : memref<!tpu.dma_semaphore, #tpu.memory_space<semaphore_mem>>) src(%dma_wait3A_70 : memref<8129x64xf32, #tpu.memory_space<hbm>>) dst(%arg13 : memref<128x64xf32, #tpu.memory_space<vmem>>)
    %mul3A_71 = arith.constant 128 : i32
    %mul3A_72 = arith.muli %add3A_64, %mul3A_71 : i32
    "tpu.region"() ({
      %run_scoped3A = tpu.sem_alloc : memref<!tpu.dma_semaphore, #tpu.memory_space<semaphore_mem>>
      %dma_start3A_98 = arith.constant 0 : i32
      %dma_start3A_99 = tpu.memref_slice %arg8[%mul3A_72, %dma_start3A_98] : memref<16384x64xf32, #tpu.memory_space<hbm>> -> memref<128x64xf32, #tpu.memory_space<hbm>>
      %dma_start3A_100 = arith.constant 0 : i32
      %dma_start3A_101 = tpu.memref_slice %arg8[%mul3A_72, %dma_start3A_100] : memref<16384x64xf32, #tpu.memory_space<hbm>> -> memref<128x64xf32, #tpu.memory_space<hbm>>
      tpu.enqueue_dma source(%arg13 : memref<128x64xf32, #tpu.memory_space<vmem>>) target(%dma_start3A_101 : memref<128x64xf32, #tpu.memory_space<hbm>>) target_semaphore(%run_scoped3A : memref<!tpu.dma_semaphore, #tpu.memory_space<semaphore_mem>>)
      %dma_wait3A_102 = arith.constant 0 : i32
      %dma_wait3A_103 = tpu.memref_slice %arg8[%mul3A_72, %dma_wait3A_102] : memref<16384x64xf32, #tpu.memory_space<hbm>> -> memref<128x64xf32, #tpu.memory_space<hbm>>
      %dma_wait3A_104 = arith.constant 0 : i32
      %dma_wait3A_105 = tpu.memref_slice %arg8[%mul3A_72, %dma_wait3A_104] : memref<16384x64xf32, #tpu.memory_space<hbm>> -> memref<128x64xf32, #tpu.memory_space<hbm>>
      tpu.wait_dma2 semaphore(%run_scoped3A : memref<!tpu.dma_semaphore, #tpu.memory_space<semaphore_mem>>) src(%arg13 : memref<128x64xf32, #tpu.memory_space<vmem>>) dst(%dma_wait3A_105 : memref<128x64xf32, #tpu.memory_space<hbm>>)
      tpu.yield
    }) : () -> ()
    %mul3A_73 = arith.constant 4 : i32
    %mul3A_74 = arith.muli %add3A, %mul3A_73 : i32
    %add3A_75 = arith.constant 3 : i32
    %add3A_76 = arith.addi %mul3A_74, %add3A_75 : i32
    "tpu.region"() ({
      %run_scoped3A = tpu.sem_alloc : memref<!tpu.dma_semaphore, #tpu.memory_space<semaphore_mem>>
      %dma_start3A_98 = arith.constant 0 : i32
      %dma_start3A_99 = tpu.memref_slice %arg4[%add3A_76, %dma_start3A_98] : memref<128x128xi32, #tpu.memory_space<hbm>> -> memref<1x128xi32, #tpu.memory_space<hbm>>
      %dma_start3A_100 = tpu.memref_squeeze %dma_start3A_99 : memref<1x128xi32, #tpu.memory_space<hbm>> -> memref<128xi32, #tpu.memory_space<hbm>>
      %dma_start3A_101 = arith.constant 0 : i32
      %dma_start3A_102 = tpu.memref_slice %arg4[%add3A_76, %dma_start3A_101] : memref<128x128xi32, #tpu.memory_space<hbm>> -> memref<1x128xi32, #tpu.memory_space<hbm>>
      %dma_start3A_103 = tpu.memref_squeeze %dma_start3A_102 : memref<1x128xi32, #tpu.memory_space<hbm>> -> memref<128xi32, #tpu.memory_space<hbm>>
      tpu.enqueue_dma source(%dma_start3A_103 : memref<128xi32, #tpu.memory_space<hbm>>) target(%arg12 : memref<128xi32, #tpu.memory_space<vmem>>) target_semaphore(%run_scoped3A : memref<!tpu.dma_semaphore, #tpu.memory_space<semaphore_mem>>)
      %dma_wait3A_104 = arith.constant 0 : i32
      %dma_wait3A_105 = tpu.memref_slice %arg4[%add3A_76, %dma_wait3A_104] : memref<128x128xi32, #tpu.memory_space<hbm>> -> memref<1x128xi32, #tpu.memory_space<hbm>>
      %dma_wait3A_106 = tpu.memref_squeeze %dma_wait3A_105 : memref<1x128xi32, #tpu.memory_space<hbm>> -> memref<128xi32, #tpu.memory_space<hbm>>
      %dma_wait3A_107 = arith.constant 0 : i32
      %dma_wait3A_108 = tpu.memref_slice %arg4[%add3A_76, %dma_wait3A_107] : memref<128x128xi32, #tpu.memory_space<hbm>> -> memref<1x128xi32, #tpu.memory_space<hbm>>
      %dma_wait3A_109 = tpu.memref_squeeze %dma_wait3A_108 : memref<1x128xi32, #tpu.memory_space<hbm>> -> memref<128xi32, #tpu.memory_space<hbm>>
      tpu.wait_dma2 semaphore(%run_scoped3A : memref<!tpu.dma_semaphore, #tpu.memory_space<semaphore_mem>>) src(%dma_wait3A_109 : memref<128xi32, #tpu.memory_space<hbm>>) dst(%arg12 : memref<128xi32, #tpu.memory_space<vmem>>)
      tpu.yield
    }) : () -> ()
    %dma_start3A_77 = arith.constant 0 : i32
    %dma_start3A_78 = arith.constant 0 : i32
    %dma_start3A_79 = tpu.memref_slice %arg5[%dma_start3A_77, %dma_start3A_78] : memref<8129x64xf32, #tpu.memory_space<hbm>> -> memref<8129x64xf32, #tpu.memory_space<hbm>>
    tpu.enqueue_indirect_dma source(%dma_start3A_79 : memref<8129x64xf32, #tpu.memory_space<hbm>>) target(%arg13 : memref<128x64xf32, #tpu.memory_space<vmem>>) offsets(%arg12 : memref<128xi32, #tpu.memory_space<vmem>>) semaphore(%arg16 : memref<!tpu.dma_semaphore, #tpu.memory_space<semaphore_mem>>)
    %dma_wait3A_80 = arith.constant 0 : i32
    %dma_wait3A_81 = arith.constant 0 : i32
    %dma_wait3A_82 = tpu.memref_slice %arg5[%dma_wait3A_80, %dma_wait3A_81] : memref<8129x64xf32, #tpu.memory_space<hbm>> -> memref<8129x64xf32, #tpu.memory_space<hbm>>
    tpu.wait_indirect_dma semaphore(%arg16 : memref<!tpu.dma_semaphore, #tpu.memory_space<semaphore_mem>>) src(%dma_wait3A_82 : memref<8129x64xf32, #tpu.memory_space<hbm>>) dst(%arg13 : memref<128x64xf32, #tpu.memory_space<vmem>>)
    %mul3A_83 = arith.constant 128 : i32
    %mul3A_84 = arith.muli %add3A_76, %mul3A_83 : i32
    "tpu.region"() ({
      %run_scoped3A = tpu.sem_alloc : memref<!tpu.dma_semaphore, #tpu.memory_space<semaphore_mem>>
      %dma_start3A_98 = arith.constant 0 : i32
      %dma_start3A_99 = tpu.memref_slice %arg8[%mul3A_84, %dma_start3A_98] : memref<16384x64xf32, #tpu.memory_space<hbm>> -> memref<128x64xf32, #tpu.memory_space<hbm>>
      %dma_start3A_100 = arith.constant 0 : i32
      %dma_start3A_101 = tpu.memref_slice %arg8[%mul3A_84, %dma_start3A_100] : memref<16384x64xf32, #tpu.memory_space<hbm>> -> memref<128x64xf32, #tpu.memory_space<hbm>>
      tpu.enqueue_dma source(%arg13 : memref<128x64xf32, #tpu.memory_space<vmem>>) target(%dma_start3A_101 : memref<128x64xf32, #tpu.memory_space<hbm>>) target_semaphore(%run_scoped3A : memref<!tpu.dma_semaphore, #tpu.memory_space<semaphore_mem>>)
      %dma_wait3A_102 = arith.constant 0 : i32
      %dma_wait3A_103 = tpu.memref_slice %arg8[%mul3A_84, %dma_wait3A_102] : memref<16384x64xf32, #tpu.memory_space<hbm>> -> memref<128x64xf32, #tpu.memory_space<hbm>>
      %dma_wait3A_104 = arith.constant 0 : i32
      %dma_wait3A_105 = tpu.memref_slice %arg8[%mul3A_84, %dma_wait3A_104] : memref<16384x64xf32, #tpu.memory_space<hbm>> -> memref<128x64xf32, #tpu.memory_space<hbm>>
      tpu.wait_dma2 semaphore(%run_scoped3A : memref<!tpu.dma_semaphore, #tpu.memory_space<semaphore_mem>>) src(%arg13 : memref<128x64xf32, #tpu.memory_space<vmem>>) dst(%dma_wait3A_105 : memref<128x64xf32, #tpu.memory_space<hbm>>)
      tpu.yield
    }) : () -> ()
    %barrier3A_85 = arith.constant 0 : index
    tpu.barrier barrier_id(%barrier3A_85)
    %scan3A_86 = arith.constant 0 : i32
    %scan3A_87 = arith.constant 0 : i32
    %scan3A_88 = arith.constant 16 : i32
    %scan3A_89 = arith.addi %scan3A_87, %scan3A_88 : i32
    %scan3A_90 = arith.constant 1 : i32
    %scan3A_91 = scf.for %scan3A_98 = %scan3A_87 to %scan3A_89 step %scan3A_90 iter_args(%scan3A_99 = %scan3A_86) -> (i32)  : i32 {
      %mul3A_100 = arith.constant 2048 : i32
      %mul3A_101 = arith.muli %arg1, %mul3A_100 : i32
      %mul3A_102 = arith.constant 128 : i32
      %mul3A_103 = arith.muli %scan3A_98, %mul3A_102 : i32
      %add3A_104 = arith.addi %mul3A_101, %mul3A_103 : i32
      "tpu.region"() ({
        %run_scoped3A = tpu.sem_alloc : memref<!tpu.dma_semaphore, #tpu.memory_space<semaphore_mem>>
        %dma_start3A_106 = arith.constant 0 : i32
        %dma_start3A_107 = tpu.memref_slice %arg6[%arg0, %add3A_104, %dma_start3A_106] : memref<2x32768x16xf32, #tpu.memory_space<hbm>> -> memref<1x128x16xf32, #tpu.memory_space<hbm>>
        %dma_start3A_108 = tpu.memref_squeeze %dma_start3A_107 : memref<1x128x16xf32, #tpu.memory_space<hbm>> -> memref<128x16xf32, #tpu.memory_space<hbm>>
        %dma_start3A_109 = arith.constant 0 : i32
        %dma_start3A_110 = tpu.memref_slice %arg14[%add3A_104, %dma_start3A_109] : memref<32768x16xf32, #tpu.memory_space<vmem_shared>> -> memref<128x16xf32, #tpu.memory_space<vmem_shared>>
        tpu.enqueue_dma source(%dma_start3A_110 : memref<128x16xf32, #tpu.memory_space<vmem_shared>>) target(%dma_start3A_108 : memref<128x16xf32, #tpu.memory_space<hbm>>) target_semaphore(%run_scoped3A : memref<!tpu.dma_semaphore, #tpu.memory_space<semaphore_mem>>)
        %dma_wait3A_111 = arith.constant 0 : i32
        %dma_wait3A_112 = tpu.memref_slice %arg6[%arg0, %add3A_104, %dma_wait3A_111] : memref<2x32768x16xf32, #tpu.memory_space<hbm>> -> memref<1x128x16xf32, #tpu.memory_space<hbm>>
        %dma_wait3A_113 = tpu.memref_squeeze %dma_wait3A_112 : memref<1x128x16xf32, #tpu.memory_space<hbm>> -> memref<128x16xf32, #tpu.memory_space<hbm>>
        %dma_wait3A_114 = arith.constant 0 : i32
        %dma_wait3A_115 = tpu.memref_slice %arg14[%add3A_104, %dma_wait3A_114] : memref<32768x16xf32, #tpu.memory_space<vmem_shared>> -> memref<128x16xf32, #tpu.memory_space<vmem_shared>>
        tpu.wait_dma2 semaphore(%run_scoped3A : memref<!tpu.dma_semaphore, #tpu.memory_space<semaphore_mem>>) src(%dma_wait3A_115 : memref<128x16xf32, #tpu.memory_space<vmem_shared>>) dst(%dma_wait3A_113 : memref<128x16xf32, #tpu.memory_space<hbm>>)
        tpu.yield
      }) : () -> ()
      %scan3A_105 = arith.constant 0 : i32
      scf.yield %scan3A_105 : i32
    }
    %scan3A_92 = arith.constant 16 : i32
    %eq3A_93 = arith.constant 0 : i32
    %eq3A_94 = arith.cmpi eq, %arg1, %eq3A_93 : i32
    %convert_element_type3A_95 = arith.extui %eq3A_94 : i1 to i32
    %cond3A_96 = arith.constant 0 : i32
    %cond3A_97 = arith.cmpi ne, %convert_element_type3A_95, %cond3A_96 : i32
    scf.if %cond3A_97 {
      "tpu.region"() ({
        %run_scoped3A = tpu.sem_alloc : memref<!tpu.dma_semaphore, #tpu.memory_space<semaphore_mem>>
        %dma_start3A_98 = arith.constant 0 : i32
        %dma_start3A_99 = arith.constant 0 : i32
        %dma_start3A_100 = tpu.memref_slice %arg7[%arg0, %dma_start3A_98, %dma_start3A_99] : memref<2x256x16xf32, #tpu.memory_space<hbm>> -> memref<1x128x16xf32, #tpu.memory_space<hbm>>
        %dma_start3A_101 = tpu.memref_squeeze %dma_start3A_100 : memref<1x128x16xf32, #tpu.memory_space<hbm>> -> memref<128x16xf32, #tpu.memory_space<hbm>>
        %dma_start3A_102 = arith.constant 0 : i32
        %dma_start3A_103 = arith.constant 0 : i32
        %dma_start3A_104 = tpu.memref_slice %arg15[%dma_start3A_102, %dma_start3A_103] : memref<256x16xf32, #tpu.memory_space<vmem_shared>> -> memref<128x16xf32, #tpu.memory_space<vmem_shared>>
        tpu.enqueue_dma source(%dma_start3A_104 : memref<128x16xf32, #tpu.memory_space<vmem_shared>>) target(%dma_start3A_101 : memref<128x16xf32, #tpu.memory_space<hbm>>) target_semaphore(%run_scoped3A : memref<!tpu.dma_semaphore, #tpu.memory_space<semaphore_mem>>)
        %dma_wait3A_105 = arith.constant 0 : i32
        %dma_wait3A_106 = arith.constant 0 : i32
        %dma_wait3A_107 = tpu.memref_slice %arg7[%arg0, %dma_wait3A_105, %dma_wait3A_106] : memref<2x256x16xf32, #tpu.memory_space<hbm>> -> memref<1x128x16xf32, #tpu.memory_space<hbm>>
        %dma_wait3A_108 = tpu.memref_squeeze %dma_wait3A_107 : memref<1x128x16xf32, #tpu.memory_space<hbm>> -> memref<128x16xf32, #tpu.memory_space<hbm>>
        %dma_wait3A_109 = arith.constant 0 : i32
        %dma_wait3A_110 = arith.constant 0 : i32
        %dma_wait3A_111 = tpu.memref_slice %arg15[%dma_wait3A_109, %dma_wait3A_110] : memref<256x16xf32, #tpu.memory_space<vmem_shared>> -> memref<128x16xf32, #tpu.memory_space<vmem_shared>>
        tpu.wait_dma2 semaphore(%run_scoped3A : memref<!tpu.dma_semaphore, #tpu.memory_space<semaphore_mem>>) src(%dma_wait3A_111 : memref<128x16xf32, #tpu.memory_space<vmem_shared>>) dst(%dma_wait3A_108 : memref<128x16xf32, #tpu.memory_space<hbm>>)
        tpu.yield
      }) : () -> ()
      "tpu.region"() ({
        %run_scoped3A = tpu.sem_alloc : memref<!tpu.dma_semaphore, #tpu.memory_space<semaphore_mem>>
        %dma_start3A_98 = arith.constant 128 : i32
        %dma_start3A_99 = arith.constant 0 : i32
        %dma_start3A_100 = tpu.memref_slice %arg7[%arg0, %dma_start3A_98, %dma_start3A_99] : memref<2x256x16xf32, #tpu.memory_space<hbm>> -> memref<1x128x16xf32, #tpu.memory_space<hbm>>
        %dma_start3A_101 = tpu.memref_squeeze %dma_start3A_100 : memref<1x128x16xf32, #tpu.memory_space<hbm>> -> memref<128x16xf32, #tpu.memory_space<hbm>>
        %dma_start3A_102 = arith.constant 128 : i32
        %dma_start3A_103 = arith.constant 0 : i32
        %dma_start3A_104 = tpu.memref_slice %arg15[%dma_start3A_102, %dma_start3A_103] : memref<256x16xf32, #tpu.memory_space<vmem_shared>> -> memref<128x16xf32, #tpu.memory_space<vmem_shared>>
        tpu.enqueue_dma source(%dma_start3A_104 : memref<128x16xf32, #tpu.memory_space<vmem_shared>>) target(%dma_start3A_101 : memref<128x16xf32, #tpu.memory_space<hbm>>) target_semaphore(%run_scoped3A : memref<!tpu.dma_semaphore, #tpu.memory_space<semaphore_mem>>)
        %dma_wait3A_105 = arith.constant 128 : i32
        %dma_wait3A_106 = arith.constant 0 : i32
        %dma_wait3A_107 = tpu.memref_slice %arg7[%arg0, %dma_wait3A_105, %dma_wait3A_106] : memref<2x256x16xf32, #tpu.memory_space<hbm>> -> memref<1x128x16xf32, #tpu.memory_space<hbm>>
        %dma_wait3A_108 = tpu.memref_squeeze %dma_wait3A_107 : memref<1x128x16xf32, #tpu.memory_space<hbm>> -> memref<128x16xf32, #tpu.memory_space<hbm>>
        %dma_wait3A_109 = arith.constant 128 : i32
        %dma_wait3A_110 = arith.constant 0 : i32
        %dma_wait3A_111 = tpu.memref_slice %arg15[%dma_wait3A_109, %dma_wait3A_110] : memref<256x16xf32, #tpu.memory_space<vmem_shared>> -> memref<128x16xf32, #tpu.memory_space<vmem_shared>>
        tpu.wait_dma2 semaphore(%run_scoped3A : memref<!tpu.dma_semaphore, #tpu.memory_space<semaphore_mem>>) src(%dma_wait3A_111 : memref<128x16xf32, #tpu.memory_space<vmem_shared>>) dst(%dma_wait3A_108 : memref<128x16xf32, #tpu.memory_space<hbm>>)
        tpu.yield
      }) : () -> ()
    } else {
    }
    return
  }
}

#map = affine_map<(d0, d1) -> (0, 0)>
#map1 = affine_map<(d0, d1) -> (0, 0, 0)>
module attributes {stable_mosaic.version = 14 : i64} {
  func.func @k(%arg0: i32, %arg1: i32, %arg2: memref<4096x128xi32, #tpu.memory_space<hbm>>, %arg3: memref<4096x128xi32, #tpu.memory_space<hbm>>, %arg4: memref<32768x32xf32, #tpu.memory_space<hbm>>, %arg5: memref<2x32768x32xf32, #tpu.memory_space<hbm>>, %arg6: memref<128x32xf32, #tpu.memory_space<vmem>>, %arg7: memref<8x128xi32, #tpu.memory_space<vmem>>, %arg8: memref<8x128xi32, #tpu.memory_space<vmem>>, %arg9: memref<8x128x32xf32, #tpu.memory_space<vmem>>, %arg10: memref<32768x32xf32, #tpu.memory_space<vmem_shared>>, %arg11: memref<!tpu.dma_semaphore, #tpu.memory_space<semaphore_mem>>) attributes {dimension_semantics = [#tpu.dimension_semantics<core_parallel>, #tpu.dimension_semantics<subcore_parallel>], iteration_bounds = array<i64: 2, 16>, scalar_prefetch = 0 : i64, scratch_operands = 6 : i64, tpu.core_type = #tpu.core_type<sc_vector_subcore>, window_params = [{transform_indices = #map}, {transform_indices = #map}, {transform_indices = #map}, {transform_indices = #map1}]} {
    %mul3A = arith.constant 16 : i32
    %mul3A_0 = arith.muli %arg0, %mul3A : i32
    %add3A = arith.addi %mul3A_0, %arg1 : i32
    %scan3A = arith.constant 0 : i32
    %scan3A_1 = arith.constant 0 : i32
    %scan3A_2 = arith.constant 128 : i32
    %scan3A_3 = arith.addi %scan3A_1, %scan3A_2 : i32
    %scan3A_4 = arith.constant 1 : i32
    %scan3A_5 = scf.for %scan3A_31 = %scan3A_1 to %scan3A_3 step %scan3A_4 iter_args(%scan3A_32 = %scan3A) -> (i32)  : i32 {
      %broadcast_in_dim3A = arith.constant 0.000000e+00 : f32
      %broadcast_in_dim3A_33 = vector.broadcast %broadcast_in_dim3A : f32 to vector<16xf32>
      %swap3A = arith.index_cast %scan3A_31 : i32 to index
      %swap3A_34 = arith.constant 0 : index
      %swap3A_35 = tpu.vector_load %arg6[%swap3A, %swap3A_34] {strides = array<i32>} : memref<128x32xf32, #tpu.memory_space<vmem>>, vector<1x16xf32>,
      %swap3A_36 = vector.shape_cast %swap3A_35 : vector<1x16xf32> to vector<16xf32>
      %swap3A_37 = vector.shape_cast %broadcast_in_dim3A_33 : vector<16xf32> to vector<1x16xf32>
      tpu.vector_store %arg6[%swap3A, %swap3A_34], %swap3A_37 {strides = array<i32>} : memref<128x32xf32, #tpu.memory_space<vmem>>, vector<1x16xf32>,
      %broadcast_in_dim3A_38 = arith.constant 0.000000e+00 : f32
      %broadcast_in_dim3A_39 = vector.broadcast %broadcast_in_dim3A_38 : f32 to vector<16xf32>
      %swap3A_40 = arith.index_cast %scan3A_31 : i32 to index
      %swap3A_41 = arith.constant 16 : index
      %swap3A_42 = tpu.vector_load %arg6[%swap3A_40, %swap3A_41] {strides = array<i32>} : memref<128x32xf32, #tpu.memory_space<vmem>>, vector<1x16xf32>,
      %swap3A_43 = vector.shape_cast %swap3A_42 : vector<1x16xf32> to vector<16xf32>
      %swap3A_44 = vector.shape_cast %broadcast_in_dim3A_39 : vector<16xf32> to vector<1x16xf32>
      tpu.vector_store %arg6[%swap3A_40, %swap3A_41], %swap3A_44 {strides = array<i32>} : memref<128x32xf32, #tpu.memory_space<vmem>>, vector<1x16xf32>,
      %scan3A_45 = arith.constant 0 : i32
      scf.yield %scan3A_45 : i32
    }
    %scan3A_6 = arith.constant 128 : i32
    %mul3A_7 = arith.constant 2048 : i32
    %mul3A_8 = arith.muli %arg1, %mul3A_7 : i32
    %scan3A_9 = arith.constant 0 : i32
    %scan3A_10 = arith.constant 0 : i32
    %scan3A_11 = arith.constant 16 : i32
    %scan3A_12 = arith.addi %scan3A_10, %scan3A_11 : i32
    %scan3A_13 = arith.constant 1 : i32
    %scan3A_14 = scf.for %scan3A_31 = %scan3A_10 to %scan3A_12 step %scan3A_13 iter_args(%scan3A_32 = %scan3A_9) -> (i32)  : i32 {
      %mul3A_33 = arith.constant 128 : i32
      %mul3A_34 = arith.muli %scan3A_31, %mul3A_33 : i32
      %add3A_35 = arith.addi %mul3A_8, %mul3A_34 : i32
      "tpu.region"() ({
        %run_scoped3A = tpu.sem_alloc : memref<!tpu.dma_semaphore, #tpu.memory_space<semaphore_mem>>
        %dma_start3A = arith.constant 0 : i32
        %dma_start3A_37 = tpu.memref_slice %arg10[%add3A_35, %dma_start3A] : memref<32768x32xf32, #tpu.memory_space<vmem_shared>> -> memref<128x32xf32, #tpu.memory_space<vmem_shared>>
        %dma_start3A_38 = arith.constant 0 : i32
        %dma_start3A_39 = tpu.memref_slice %arg10[%add3A_35, %dma_start3A_38] : memref<32768x32xf32, #tpu.memory_space<vmem_shared>> -> memref<128x32xf32, #tpu.memory_space<vmem_shared>>
        tpu.enqueue_dma source(%arg6 : memref<128x32xf32, #tpu.memory_space<vmem>>) target(%dma_start3A_39 : memref<128x32xf32, #tpu.memory_space<vmem_shared>>) target_semaphore(%run_scoped3A : memref<!tpu.dma_semaphore, #tpu.memory_space<semaphore_mem>>)
        %dma_wait3A = arith.constant 0 : i32
        %dma_wait3A_40 = tpu.memref_slice %arg10[%add3A_35, %dma_wait3A] : memref<32768x32xf32, #tpu.memory_space<vmem_shared>> -> memref<128x32xf32, #tpu.memory_space<vmem_shared>>
        %dma_wait3A_41 = arith.constant 0 : i32
        %dma_wait3A_42 = tpu.memref_slice %arg10[%add3A_35, %dma_wait3A_41] : memref<32768x32xf32, #tpu.memory_space<vmem_shared>> -> memref<128x32xf32, #tpu.memory_space<vmem_shared>>
        tpu.wait_dma2 semaphore(%run_scoped3A : memref<!tpu.dma_semaphore, #tpu.memory_space<semaphore_mem>>) src(%arg6 : memref<128x32xf32, #tpu.memory_space<vmem>>) dst(%dma_wait3A_42 : memref<128x32xf32, #tpu.memory_space<vmem_shared>>)
        tpu.yield
      }) : () -> ()
      %scan3A_36 = arith.constant 0 : i32
      scf.yield %scan3A_36 : i32
    }
    %scan3A_15 = arith.constant 16 : i32
    %barrier3A = arith.constant 0 : index
    tpu.barrier barrier_id(%barrier3A)
    %scan3A_16 = arith.constant 0 : i32
    %scan3A_17 = arith.constant 0 : i32
    %scan3A_18 = arith.constant 16 : i32
    %scan3A_19 = arith.addi %scan3A_17, %scan3A_18 : i32
    %scan3A_20 = arith.constant 1 : i32
    %scan3A_21 = scf.for %scan3A_31 = %scan3A_17 to %scan3A_19 step %scan3A_20 iter_args(%scan3A_32 = %scan3A_16) -> (i32)  : i32 {
      %mul3A_33 = arith.constant 128 : i32
      %mul3A_34 = arith.muli %add3A, %mul3A_33 : i32
      %mul3A_35 = arith.constant 8 : i32
      %mul3A_36 = arith.muli %scan3A_31, %mul3A_35 : i32
      %add3A_37 = arith.addi %mul3A_34, %mul3A_36 : i32
      "tpu.region"() ({
        %run_scoped3A_244 = tpu.sem_alloc : memref<!tpu.dma_semaphore, #tpu.memory_space<semaphore_mem>>
        %dma_start3A_245 = arith.constant 0 : i32
        %dma_start3A_246 = tpu.memref_slice %arg2[%add3A_37, %dma_start3A_245] : memref<4096x128xi32, #tpu.memory_space<hbm>> -> memref<8x128xi32, #tpu.memory_space<hbm>>
        %dma_start3A_247 = arith.constant 0 : i32
        %dma_start3A_248 = tpu.memref_slice %arg2[%add3A_37, %dma_start3A_247] : memref<4096x128xi32, #tpu.memory_space<hbm>> -> memref<8x128xi32, #tpu.memory_space<hbm>>
        tpu.enqueue_dma source(%dma_start3A_248 : memref<8x128xi32, #tpu.memory_space<hbm>>) target(%arg7 : memref<8x128xi32, #tpu.memory_space<vmem>>) target_semaphore(%run_scoped3A_244 : memref<!tpu.dma_semaphore, #tpu.memory_space<semaphore_mem>>)
        %dma_wait3A_249 = arith.constant 0 : i32
        %dma_wait3A_250 = tpu.memref_slice %arg2[%add3A_37, %dma_wait3A_249] : memref<4096x128xi32, #tpu.memory_space<hbm>> -> memref<8x128xi32, #tpu.memory_space<hbm>>
        %dma_wait3A_251 = arith.constant 0 : i32
        %dma_wait3A_252 = tpu.memref_slice %arg2[%add3A_37, %dma_wait3A_251] : memref<4096x128xi32, #tpu.memory_space<hbm>> -> memref<8x128xi32, #tpu.memory_space<hbm>>
        tpu.wait_dma2 semaphore(%run_scoped3A_244 : memref<!tpu.dma_semaphore, #tpu.memory_space<semaphore_mem>>) src(%dma_wait3A_252 : memref<8x128xi32, #tpu.memory_space<hbm>>) dst(%arg7 : memref<8x128xi32, #tpu.memory_space<vmem>>)
        tpu.yield
      }) : () -> ()
      "tpu.region"() ({
        %run_scoped3A_244 = tpu.sem_alloc : memref<!tpu.dma_semaphore, #tpu.memory_space<semaphore_mem>>
        %dma_start3A_245 = arith.constant 0 : i32
        %dma_start3A_246 = tpu.memref_slice %arg3[%add3A_37, %dma_start3A_245] : memref<4096x128xi32, #tpu.memory_space<hbm>> -> memref<8x128xi32, #tpu.memory_space<hbm>>
        %dma_start3A_247 = arith.constant 0 : i32
        %dma_start3A_248 = tpu.memref_slice %arg3[%add3A_37, %dma_start3A_247] : memref<4096x128xi32, #tpu.memory_space<hbm>> -> memref<8x128xi32, #tpu.memory_space<hbm>>
        tpu.enqueue_dma source(%dma_start3A_248 : memref<8x128xi32, #tpu.memory_space<hbm>>) target(%arg8 : memref<8x128xi32, #tpu.memory_space<vmem>>) target_semaphore(%run_scoped3A_244 : memref<!tpu.dma_semaphore, #tpu.memory_space<semaphore_mem>>)
        %dma_wait3A_249 = arith.constant 0 : i32
        %dma_wait3A_250 = tpu.memref_slice %arg3[%add3A_37, %dma_wait3A_249] : memref<4096x128xi32, #tpu.memory_space<hbm>> -> memref<8x128xi32, #tpu.memory_space<hbm>>
        %dma_wait3A_251 = arith.constant 0 : i32
        %dma_wait3A_252 = tpu.memref_slice %arg3[%add3A_37, %dma_wait3A_251] : memref<4096x128xi32, #tpu.memory_space<hbm>> -> memref<8x128xi32, #tpu.memory_space<hbm>>
        tpu.wait_dma2 semaphore(%run_scoped3A_244 : memref<!tpu.dma_semaphore, #tpu.memory_space<semaphore_mem>>) src(%dma_wait3A_252 : memref<8x128xi32, #tpu.memory_space<hbm>>) dst(%arg8 : memref<8x128xi32, #tpu.memory_space<vmem>>)
        tpu.yield
      }) : () -> ()
      %dma_start3A = arith.constant 0 : i32
      %dma_start3A_38 = arith.constant 0 : i32
      %dma_start3A_39 = arith.constant 0 : i32
      %dma_start3A_40 = arith.constant 0 : i32
      %dma_start3A_41 = tpu.memref_slice %arg9[%dma_start3A_38, %dma_start3A_39, %dma_start3A_40] : memref<8x128x32xf32, #tpu.memory_space<vmem>> -> memref<1x128x32xf32, #tpu.memory_space<vmem>>
      %dma_start3A_42 = tpu.memref_squeeze %dma_start3A_41 : memref<1x128x32xf32, #tpu.memory_space<vmem>> -> memref<128x32xf32, #tpu.memory_space<vmem>>
      %dma_start3A_43 = arith.constant 0 : i32
      %dma_start3A_44 = tpu.memref_slice %arg7[%dma_start3A, %dma_start3A_43] : memref<8x128xi32, #tpu.memory_space<vmem>> -> memref<1x128xi32, #tpu.memory_space<vmem>>
      %dma_start3A_45 = tpu.memref_squeeze %dma_start3A_44 : memref<1x128xi32, #tpu.memory_space<vmem>> -> memref<128xi32, #tpu.memory_space<vmem>>
      %dma_start3A_46 = arith.constant 0 : i32
      %dma_start3A_47 = arith.constant 0 : i32
      %dma_start3A_48 = tpu.memref_slice %arg4[%dma_start3A_46, %dma_start3A_47] : memref<32768x32xf32, #tpu.memory_space<hbm>> -> memref<32768x32xf32, #tpu.memory_space<hbm>>
      tpu.enqueue_indirect_dma source(%dma_start3A_48 : memref<32768x32xf32, #tpu.memory_space<hbm>>) target(%dma_start3A_42 : memref<128x32xf32, #tpu.memory_space<vmem>>) offsets(%dma_start3A_45 : memref<128xi32, #tpu.memory_space<vmem>>) semaphore(%arg11 : memref<!tpu.dma_semaphore, #tpu.memory_space<semaphore_mem>>)
      %dma_start3A_49 = arith.constant 1 : i32
      %dma_start3A_50 = arith.constant 1 : i32
      %dma_start3A_51 = arith.constant 0 : i32
      %dma_start3A_52 = arith.constant 0 : i32
      %dma_start3A_53 = tpu.memref_slice %arg9[%dma_start3A_50, %dma_start3A_51, %dma_start3A_52] : memref<8x128x32xf32, #tpu.memory_space<vmem>> -> memref<1x128x32xf32, #tpu.memory_space<vmem>>
      %dma_start3A_54 = tpu.memref_squeeze %dma_start3A_53 : memref<1x128x32xf32, #tpu.memory_space<vmem>> -> memref<128x32xf32, #tpu.memory_space<vmem>>
      %dma_start3A_55 = arith.constant 0 : i32
      %dma_start3A_56 = tpu.memref_slice %arg7[%dma_start3A_49, %dma_start3A_55] : memref<8x128xi32, #tpu.memory_space<vmem>> -> memref<1x128xi32, #tpu.memory_space<vmem>>
      %dma_start3A_57 = tpu.memref_squeeze %dma_start3A_56 : memref<1x128xi32, #tpu.memory_space<vmem>> -> memref<128xi32, #tpu.memory_space<vmem>>
      %dma_start3A_58 = arith.constant 0 : i32
      %dma_start3A_59 = arith.constant 0 : i32
      %dma_start3A_60 = tpu.memref_slice %arg4[%dma_start3A_58, %dma_start3A_59] : memref<32768x32xf32, #tpu.memory_space<hbm>> -> memref<32768x32xf32, #tpu.memory_space<hbm>>
      tpu.enqueue_indirect_dma source(%dma_start3A_60 : memref<32768x32xf32, #tpu.memory_space<hbm>>) target(%dma_start3A_54 : memref<128x32xf32, #tpu.memory_space<vmem>>) offsets(%dma_start3A_57 : memref<128xi32, #tpu.memory_space<vmem>>) semaphore(%arg11 : memref<!tpu.dma_semaphore, #tpu.memory_space<semaphore_mem>>)
      %dma_start3A_61 = arith.constant 2 : i32
      %dma_start3A_62 = arith.constant 2 : i32
      %dma_start3A_63 = arith.constant 0 : i32
      %dma_start3A_64 = arith.constant 0 : i32
      %dma_start3A_65 = tpu.memref_slice %arg9[%dma_start3A_62, %dma_start3A_63, %dma_start3A_64] : memref<8x128x32xf32, #tpu.memory_space<vmem>> -> memref<1x128x32xf32, #tpu.memory_space<vmem>>
      %dma_start3A_66 = tpu.memref_squeeze %dma_start3A_65 : memref<1x128x32xf32, #tpu.memory_space<vmem>> -> memref<128x32xf32, #tpu.memory_space<vmem>>
      %dma_start3A_67 = arith.constant 0 : i32
      %dma_start3A_68 = tpu.memref_slice %arg7[%dma_start3A_61, %dma_start3A_67] : memref<8x128xi32, #tpu.memory_space<vmem>> -> memref<1x128xi32, #tpu.memory_space<vmem>>
      %dma_start3A_69 = tpu.memref_squeeze %dma_start3A_68 : memref<1x128xi32, #tpu.memory_space<vmem>> -> memref<128xi32, #tpu.memory_space<vmem>>
      %dma_start3A_70 = arith.constant 0 : i32
      %dma_start3A_71 = arith.constant 0 : i32
      %dma_start3A_72 = tpu.memref_slice %arg4[%dma_start3A_70, %dma_start3A_71] : memref<32768x32xf32, #tpu.memory_space<hbm>> -> memref<32768x32xf32, #tpu.memory_space<hbm>>
      tpu.enqueue_indirect_dma source(%dma_start3A_72 : memref<32768x32xf32, #tpu.memory_space<hbm>>) target(%dma_start3A_66 : memref<128x32xf32, #tpu.memory_space<vmem>>) offsets(%dma_start3A_69 : memref<128xi32, #tpu.memory_space<vmem>>) semaphore(%arg11 : memref<!tpu.dma_semaphore, #tpu.memory_space<semaphore_mem>>)
      %dma_start3A_73 = arith.constant 3 : i32
      %dma_start3A_74 = arith.constant 3 : i32
      %dma_start3A_75 = arith.constant 0 : i32
      %dma_start3A_76 = arith.constant 0 : i32
      %dma_start3A_77 = tpu.memref_slice %arg9[%dma_start3A_74, %dma_start3A_75, %dma_start3A_76] : memref<8x128x32xf32, #tpu.memory_space<vmem>> -> memref<1x128x32xf32, #tpu.memory_space<vmem>>
      %dma_start3A_78 = tpu.memref_squeeze %dma_start3A_77 : memref<1x128x32xf32, #tpu.memory_space<vmem>> -> memref<128x32xf32, #tpu.memory_space<vmem>>
      %dma_start3A_79 = arith.constant 0 : i32
      %dma_start3A_80 = tpu.memref_slice %arg7[%dma_start3A_73, %dma_start3A_79] : memref<8x128xi32, #tpu.memory_space<vmem>> -> memref<1x128xi32, #tpu.memory_space<vmem>>
      %dma_start3A_81 = tpu.memref_squeeze %dma_start3A_80 : memref<1x128xi32, #tpu.memory_space<vmem>> -> memref<128xi32, #tpu.memory_space<vmem>>
      %dma_start3A_82 = arith.constant 0 : i32
      %dma_start3A_83 = arith.constant 0 : i32
      %dma_start3A_84 = tpu.memref_slice %arg4[%dma_start3A_82, %dma_start3A_83] : memref<32768x32xf32, #tpu.memory_space<hbm>> -> memref<32768x32xf32, #tpu.memory_space<hbm>>
      tpu.enqueue_indirect_dma source(%dma_start3A_84 : memref<32768x32xf32, #tpu.memory_space<hbm>>) target(%dma_start3A_78 : memref<128x32xf32, #tpu.memory_space<vmem>>) offsets(%dma_start3A_81 : memref<128xi32, #tpu.memory_space<vmem>>) semaphore(%arg11 : memref<!tpu.dma_semaphore, #tpu.memory_space<semaphore_mem>>)
      %dma_start3A_85 = arith.constant 4 : i32
      %dma_start3A_86 = arith.constant 4 : i32
      %dma_start3A_87 = arith.constant 0 : i32
      %dma_start3A_88 = arith.constant 0 : i32
      %dma_start3A_89 = tpu.memref_slice %arg9[%dma_start3A_86, %dma_start3A_87, %dma_start3A_88] : memref<8x128x32xf32, #tpu.memory_space<vmem>> -> memref<1x128x32xf32, #tpu.memory_space<vmem>>
      %dma_start3A_90 = tpu.memref_squeeze %dma_start3A_89 : memref<1x128x32xf32, #tpu.memory_space<vmem>> -> memref<128x32xf32, #tpu.memory_space<vmem>>
      %dma_start3A_91 = arith.constant 0 : i32
      %dma_start3A_92 = tpu.memref_slice %arg7[%dma_start3A_85, %dma_start3A_91] : memref<8x128xi32, #tpu.memory_space<vmem>> -> memref<1x128xi32, #tpu.memory_space<vmem>>
      %dma_start3A_93 = tpu.memref_squeeze %dma_start3A_92 : memref<1x128xi32, #tpu.memory_space<vmem>> -> memref<128xi32, #tpu.memory_space<vmem>>
      %dma_start3A_94 = arith.constant 0 : i32
      %dma_start3A_95 = arith.constant 0 : i32
      %dma_start3A_96 = tpu.memref_slice %arg4[%dma_start3A_94, %dma_start3A_95] : memref<32768x32xf32, #tpu.memory_space<hbm>> -> memref<32768x32xf32, #tpu.memory_space<hbm>>
      tpu.enqueue_indirect_dma source(%dma_start3A_96 : memref<32768x32xf32, #tpu.memory_space<hbm>>) target(%dma_start3A_90 : memref<128x32xf32, #tpu.memory_space<vmem>>) offsets(%dma_start3A_93 : memref<128xi32, #tpu.memory_space<vmem>>) semaphore(%arg11 : memref<!tpu.dma_semaphore, #tpu.memory_space<semaphore_mem>>)
      %dma_start3A_97 = arith.constant 5 : i32
      %dma_start3A_98 = arith.constant 5 : i32
      %dma_start3A_99 = arith.constant 0 : i32
      %dma_start3A_100 = arith.constant 0 : i32
      %dma_start3A_101 = tpu.memref_slice %arg9[%dma_start3A_98, %dma_start3A_99, %dma_start3A_100] : memref<8x128x32xf32, #tpu.memory_space<vmem>> -> memref<1x128x32xf32, #tpu.memory_space<vmem>>
      %dma_start3A_102 = tpu.memref_squeeze %dma_start3A_101 : memref<1x128x32xf32, #tpu.memory_space<vmem>> -> memref<128x32xf32, #tpu.memory_space<vmem>>
      %dma_start3A_103 = arith.constant 0 : i32
      %dma_start3A_104 = tpu.memref_slice %arg7[%dma_start3A_97, %dma_start3A_103] : memref<8x128xi32, #tpu.memory_space<vmem>> -> memref<1x128xi32, #tpu.memory_space<vmem>>
      %dma_start3A_105 = tpu.memref_squeeze %dma_start3A_104 : memref<1x128xi32, #tpu.memory_space<vmem>> -> memref<128xi32, #tpu.memory_space<vmem>>
      %dma_start3A_106 = arith.constant 0 : i32
      %dma_start3A_107 = arith.constant 0 : i32
      %dma_start3A_108 = tpu.memref_slice %arg4[%dma_start3A_106, %dma_start3A_107] : memref<32768x32xf32, #tpu.memory_space<hbm>> -> memref<32768x32xf32, #tpu.memory_space<hbm>>
      tpu.enqueue_indirect_dma source(%dma_start3A_108 : memref<32768x32xf32, #tpu.memory_space<hbm>>) target(%dma_start3A_102 : memref<128x32xf32, #tpu.memory_space<vmem>>) offsets(%dma_start3A_105 : memref<128xi32, #tpu.memory_space<vmem>>) semaphore(%arg11 : memref<!tpu.dma_semaphore, #tpu.memory_space<semaphore_mem>>)
      %dma_start3A_109 = arith.constant 6 : i32
      %dma_start3A_110 = arith.constant 6 : i32
      %dma_start3A_111 = arith.constant 0 : i32
      %dma_start3A_112 = arith.constant 0 : i32
      %dma_start3A_113 = tpu.memref_slice %arg9[%dma_start3A_110, %dma_start3A_111, %dma_start3A_112] : memref<8x128x32xf32, #tpu.memory_space<vmem>> -> memref<1x128x32xf32, #tpu.memory_space<vmem>>
      %dma_start3A_114 = tpu.memref_squeeze %dma_start3A_113 : memref<1x128x32xf32, #tpu.memory_space<vmem>> -> memref<128x32xf32, #tpu.memory_space<vmem>>
      %dma_start3A_115 = arith.constant 0 : i32
      %dma_start3A_116 = tpu.memref_slice %arg7[%dma_start3A_109, %dma_start3A_115] : memref<8x128xi32, #tpu.memory_space<vmem>> -> memref<1x128xi32, #tpu.memory_space<vmem>>
      %dma_start3A_117 = tpu.memref_squeeze %dma_start3A_116 : memref<1x128xi32, #tpu.memory_space<vmem>> -> memref<128xi32, #tpu.memory_space<vmem>>
      %dma_start3A_118 = arith.constant 0 : i32
      %dma_start3A_119 = arith.constant 0 : i32
      %dma_start3A_120 = tpu.memref_slice %arg4[%dma_start3A_118, %dma_start3A_119] : memref<32768x32xf32, #tpu.memory_space<hbm>> -> memref<32768x32xf32, #tpu.memory_space<hbm>>
      tpu.enqueue_indirect_dma source(%dma_start3A_120 : memref<32768x32xf32, #tpu.memory_space<hbm>>) target(%dma_start3A_114 : memref<128x32xf32, #tpu.memory_space<vmem>>) offsets(%dma_start3A_117 : memref<128xi32, #tpu.memory_space<vmem>>) semaphore(%arg11 : memref<!tpu.dma_semaphore, #tpu.memory_space<semaphore_mem>>)
      %dma_start3A_121 = arith.constant 7 : i32
      %dma_start3A_122 = arith.constant 7 : i32
      %dma_start3A_123 = arith.constant 0 : i32
      %dma_start3A_124 = arith.constant 0 : i32
      %dma_start3A_125 = tpu.memref_slice %arg9[%dma_start3A_122, %dma_start3A_123, %dma_start3A_124] : memref<8x128x32xf32, #tpu.memory_space<vmem>> -> memref<1x128x32xf32, #tpu.memory_space<vmem>>
      %dma_start3A_126 = tpu.memref_squeeze %dma_start3A_125 : memref<1x128x32xf32, #tpu.memory_space<vmem>> -> memref<128x32xf32, #tpu.memory_space<vmem>>
      %dma_start3A_127 = arith.constant 0 : i32
      %dma_start3A_128 = tpu.memref_slice %arg7[%dma_start3A_121, %dma_start3A_127] : memref<8x128xi32, #tpu.memory_space<vmem>> -> memref<1x128xi32, #tpu.memory_space<vmem>>
      %dma_start3A_129 = tpu.memref_squeeze %dma_start3A_128 : memref<1x128xi32, #tpu.memory_space<vmem>> -> memref<128xi32, #tpu.memory_space<vmem>>
      %dma_start3A_130 = arith.constant 0 : i32
      %dma_start3A_131 = arith.constant 0 : i32
      %dma_start3A_132 = tpu.memref_slice %arg4[%dma_start3A_130, %dma_start3A_131] : memref<32768x32xf32, #tpu.memory_space<hbm>> -> memref<32768x32xf32, #tpu.memory_space<hbm>>
      tpu.enqueue_indirect_dma source(%dma_start3A_132 : memref<32768x32xf32, #tpu.memory_space<hbm>>) target(%dma_start3A_126 : memref<128x32xf32, #tpu.memory_space<vmem>>) offsets(%dma_start3A_129 : memref<128xi32, #tpu.memory_space<vmem>>) semaphore(%arg11 : memref<!tpu.dma_semaphore, #tpu.memory_space<semaphore_mem>>)
      %dma_wait3A = arith.constant 0 : i32
      %dma_wait3A_133 = arith.constant 0 : i32
      %dma_wait3A_134 = arith.constant 0 : i32
      %dma_wait3A_135 = arith.constant 0 : i32
      %dma_wait3A_136 = tpu.memref_slice %arg9[%dma_wait3A_133, %dma_wait3A_134, %dma_wait3A_135] : memref<8x128x32xf32, #tpu.memory_space<vmem>> -> memref<1x128x32xf32, #tpu.memory_space<vmem>>
      %dma_wait3A_137 = tpu.memref_squeeze %dma_wait3A_136 : memref<1x128x32xf32, #tpu.memory_space<vmem>> -> memref<128x32xf32, #tpu.memory_space<vmem>>
      %dma_wait3A_138 = arith.constant 0 : i32
      %dma_wait3A_139 = tpu.memref_slice %arg7[%dma_wait3A, %dma_wait3A_138] : memref<8x128xi32, #tpu.memory_space<vmem>> -> memref<1x128xi32, #tpu.memory_space<vmem>>
      %dma_wait3A_140 = tpu.memref_squeeze %dma_wait3A_139 : memref<1x128xi32, #tpu.memory_space<vmem>> -> memref<128xi32, #tpu.memory_space<vmem>>
      %dma_wait3A_141 = arith.constant 0 : i32
      %dma_wait3A_142 = arith.constant 0 : i32
      %dma_wait3A_143 = tpu.memref_slice %arg4[%dma_wait3A_141, %dma_wait3A_142] : memref<32768x32xf32, #tpu.memory_space<hbm>> -> memref<32768x32xf32, #tpu.memory_space<hbm>>
      tpu.wait_indirect_dma semaphore(%arg11 : memref<!tpu.dma_semaphore, #tpu.memory_space<semaphore_mem>>) src(%dma_wait3A_143 : memref<32768x32xf32, #tpu.memory_space<hbm>>) dst(%dma_wait3A_137 : memref<128x32xf32, #tpu.memory_space<vmem>>)
      %dma_wait3A_144 = arith.constant 1 : i32
      %dma_wait3A_145 = arith.constant 1 : i32
      %dma_wait3A_146 = arith.constant 0 : i32
      %dma_wait3A_147 = arith.constant 0 : i32
      %dma_wait3A_148 = tpu.memref_slice %arg9[%dma_wait3A_145, %dma_wait3A_146, %dma_wait3A_147] : memref<8x128x32xf32, #tpu.memory_space<vmem>> -> memref<1x128x32xf32, #tpu.memory_space<vmem>>
      %dma_wait3A_149 = tpu.memref_squeeze %dma_wait3A_148 : memref<1x128x32xf32, #tpu.memory_space<vmem>> -> memref<128x32xf32, #tpu.memory_space<vmem>>
      %dma_wait3A_150 = arith.constant 0 : i32
      %dma_wait3A_151 = tpu.memref_slice %arg7[%dma_wait3A_144, %dma_wait3A_150] : memref<8x128xi32, #tpu.memory_space<vmem>> -> memref<1x128xi32, #tpu.memory_space<vmem>>
      %dma_wait3A_152 = tpu.memref_squeeze %dma_wait3A_151 : memref<1x128xi32, #tpu.memory_space<vmem>> -> memref<128xi32, #tpu.memory_space<vmem>>
      %dma_wait3A_153 = arith.constant 0 : i32
      %dma_wait3A_154 = arith.constant 0 : i32
      %dma_wait3A_155 = tpu.memref_slice %arg4[%dma_wait3A_153, %dma_wait3A_154] : memref<32768x32xf32, #tpu.memory_space<hbm>> -> memref<32768x32xf32, #tpu.memory_space<hbm>>
      tpu.wait_indirect_dma semaphore(%arg11 : memref<!tpu.dma_semaphore, #tpu.memory_space<semaphore_mem>>) src(%dma_wait3A_155 : memref<32768x32xf32, #tpu.memory_space<hbm>>) dst(%dma_wait3A_149 : memref<128x32xf32, #tpu.memory_space<vmem>>)
      %dma_wait3A_156 = arith.constant 2 : i32
      %dma_wait3A_157 = arith.constant 2 : i32
      %dma_wait3A_158 = arith.constant 0 : i32
      %dma_wait3A_159 = arith.constant 0 : i32
      %dma_wait3A_160 = tpu.memref_slice %arg9[%dma_wait3A_157, %dma_wait3A_158, %dma_wait3A_159] : memref<8x128x32xf32, #tpu.memory_space<vmem>> -> memref<1x128x32xf32, #tpu.memory_space<vmem>>
      %dma_wait3A_161 = tpu.memref_squeeze %dma_wait3A_160 : memref<1x128x32xf32, #tpu.memory_space<vmem>> -> memref<128x32xf32, #tpu.memory_space<vmem>>
      %dma_wait3A_162 = arith.constant 0 : i32
      %dma_wait3A_163 = tpu.memref_slice %arg7[%dma_wait3A_156, %dma_wait3A_162] : memref<8x128xi32, #tpu.memory_space<vmem>> -> memref<1x128xi32, #tpu.memory_space<vmem>>
      %dma_wait3A_164 = tpu.memref_squeeze %dma_wait3A_163 : memref<1x128xi32, #tpu.memory_space<vmem>> -> memref<128xi32, #tpu.memory_space<vmem>>
      %dma_wait3A_165 = arith.constant 0 : i32
      %dma_wait3A_166 = arith.constant 0 : i32
      %dma_wait3A_167 = tpu.memref_slice %arg4[%dma_wait3A_165, %dma_wait3A_166] : memref<32768x32xf32, #tpu.memory_space<hbm>> -> memref<32768x32xf32, #tpu.memory_space<hbm>>
      tpu.wait_indirect_dma semaphore(%arg11 : memref<!tpu.dma_semaphore, #tpu.memory_space<semaphore_mem>>) src(%dma_wait3A_167 : memref<32768x32xf32, #tpu.memory_space<hbm>>) dst(%dma_wait3A_161 : memref<128x32xf32, #tpu.memory_space<vmem>>)
      %dma_wait3A_168 = arith.constant 3 : i32
      %dma_wait3A_169 = arith.constant 3 : i32
      %dma_wait3A_170 = arith.constant 0 : i32
      %dma_wait3A_171 = arith.constant 0 : i32
      %dma_wait3A_172 = tpu.memref_slice %arg9[%dma_wait3A_169, %dma_wait3A_170, %dma_wait3A_171] : memref<8x128x32xf32, #tpu.memory_space<vmem>> -> memref<1x128x32xf32, #tpu.memory_space<vmem>>
      %dma_wait3A_173 = tpu.memref_squeeze %dma_wait3A_172 : memref<1x128x32xf32, #tpu.memory_space<vmem>> -> memref<128x32xf32, #tpu.memory_space<vmem>>
      %dma_wait3A_174 = arith.constant 0 : i32
      %dma_wait3A_175 = tpu.memref_slice %arg7[%dma_wait3A_168, %dma_wait3A_174] : memref<8x128xi32, #tpu.memory_space<vmem>> -> memref<1x128xi32, #tpu.memory_space<vmem>>
      %dma_wait3A_176 = tpu.memref_squeeze %dma_wait3A_175 : memref<1x128xi32, #tpu.memory_space<vmem>> -> memref<128xi32, #tpu.memory_space<vmem>>
      %dma_wait3A_177 = arith.constant 0 : i32
      %dma_wait3A_178 = arith.constant 0 : i32
      %dma_wait3A_179 = tpu.memref_slice %arg4[%dma_wait3A_177, %dma_wait3A_178] : memref<32768x32xf32, #tpu.memory_space<hbm>> -> memref<32768x32xf32, #tpu.memory_space<hbm>>
      tpu.wait_indirect_dma semaphore(%arg11 : memref<!tpu.dma_semaphore, #tpu.memory_space<semaphore_mem>>) src(%dma_wait3A_179 : memref<32768x32xf32, #tpu.memory_space<hbm>>) dst(%dma_wait3A_173 : memref<128x32xf32, #tpu.memory_space<vmem>>)
      %dma_wait3A_180 = arith.constant 4 : i32
      %dma_wait3A_181 = arith.constant 4 : i32
      %dma_wait3A_182 = arith.constant 0 : i32
      %dma_wait3A_183 = arith.constant 0 : i32
      %dma_wait3A_184 = tpu.memref_slice %arg9[%dma_wait3A_181, %dma_wait3A_182, %dma_wait3A_183] : memref<8x128x32xf32, #tpu.memory_space<vmem>> -> memref<1x128x32xf32, #tpu.memory_space<vmem>>
      %dma_wait3A_185 = tpu.memref_squeeze %dma_wait3A_184 : memref<1x128x32xf32, #tpu.memory_space<vmem>> -> memref<128x32xf32, #tpu.memory_space<vmem>>
      %dma_wait3A_186 = arith.constant 0 : i32
      %dma_wait3A_187 = tpu.memref_slice %arg7[%dma_wait3A_180, %dma_wait3A_186] : memref<8x128xi32, #tpu.memory_space<vmem>> -> memref<1x128xi32, #tpu.memory_space<vmem>>
      %dma_wait3A_188 = tpu.memref_squeeze %dma_wait3A_187 : memref<1x128xi32, #tpu.memory_space<vmem>> -> memref<128xi32, #tpu.memory_space<vmem>>
      %dma_wait3A_189 = arith.constant 0 : i32
      %dma_wait3A_190 = arith.constant 0 : i32
      %dma_wait3A_191 = tpu.memref_slice %arg4[%dma_wait3A_189, %dma_wait3A_190] : memref<32768x32xf32, #tpu.memory_space<hbm>> -> memref<32768x32xf32, #tpu.memory_space<hbm>>
      tpu.wait_indirect_dma semaphore(%arg11 : memref<!tpu.dma_semaphore, #tpu.memory_space<semaphore_mem>>) src(%dma_wait3A_191 : memref<32768x32xf32, #tpu.memory_space<hbm>>) dst(%dma_wait3A_185 : memref<128x32xf32, #tpu.memory_space<vmem>>)
      %dma_wait3A_192 = arith.constant 5 : i32
      %dma_wait3A_193 = arith.constant 5 : i32
      %dma_wait3A_194 = arith.constant 0 : i32
      %dma_wait3A_195 = arith.constant 0 : i32
      %dma_wait3A_196 = tpu.memref_slice %arg9[%dma_wait3A_193, %dma_wait3A_194, %dma_wait3A_195] : memref<8x128x32xf32, #tpu.memory_space<vmem>> -> memref<1x128x32xf32, #tpu.memory_space<vmem>>
      %dma_wait3A_197 = tpu.memref_squeeze %dma_wait3A_196 : memref<1x128x32xf32, #tpu.memory_space<vmem>> -> memref<128x32xf32, #tpu.memory_space<vmem>>
      %dma_wait3A_198 = arith.constant 0 : i32
      %dma_wait3A_199 = tpu.memref_slice %arg7[%dma_wait3A_192, %dma_wait3A_198] : memref<8x128xi32, #tpu.memory_space<vmem>> -> memref<1x128xi32, #tpu.memory_space<vmem>>
      %dma_wait3A_200 = tpu.memref_squeeze %dma_wait3A_199 : memref<1x128xi32, #tpu.memory_space<vmem>> -> memref<128xi32, #tpu.memory_space<vmem>>
      %dma_wait3A_201 = arith.constant 0 : i32
      %dma_wait3A_202 = arith.constant 0 : i32
      %dma_wait3A_203 = tpu.memref_slice %arg4[%dma_wait3A_201, %dma_wait3A_202] : memref<32768x32xf32, #tpu.memory_space<hbm>> -> memref<32768x32xf32, #tpu.memory_space<hbm>>
      tpu.wait_indirect_dma semaphore(%arg11 : memref<!tpu.dma_semaphore, #tpu.memory_space<semaphore_mem>>) src(%dma_wait3A_203 : memref<32768x32xf32, #tpu.memory_space<hbm>>) dst(%dma_wait3A_197 : memref<128x32xf32, #tpu.memory_space<vmem>>)
      %dma_wait3A_204 = arith.constant 6 : i32
      %dma_wait3A_205 = arith.constant 6 : i32
      %dma_wait3A_206 = arith.constant 0 : i32
      %dma_wait3A_207 = arith.constant 0 : i32
      %dma_wait3A_208 = tpu.memref_slice %arg9[%dma_wait3A_205, %dma_wait3A_206, %dma_wait3A_207] : memref<8x128x32xf32, #tpu.memory_space<vmem>> -> memref<1x128x32xf32, #tpu.memory_space<vmem>>
      %dma_wait3A_209 = tpu.memref_squeeze %dma_wait3A_208 : memref<1x128x32xf32, #tpu.memory_space<vmem>> -> memref<128x32xf32, #tpu.memory_space<vmem>>
      %dma_wait3A_210 = arith.constant 0 : i32
      %dma_wait3A_211 = tpu.memref_slice %arg7[%dma_wait3A_204, %dma_wait3A_210] : memref<8x128xi32, #tpu.memory_space<vmem>> -> memref<1x128xi32, #tpu.memory_space<vmem>>
      %dma_wait3A_212 = tpu.memref_squeeze %dma_wait3A_211 : memref<1x128xi32, #tpu.memory_space<vmem>> -> memref<128xi32, #tpu.memory_space<vmem>>
      %dma_wait3A_213 = arith.constant 0 : i32
      %dma_wait3A_214 = arith.constant 0 : i32
      %dma_wait3A_215 = tpu.memref_slice %arg4[%dma_wait3A_213, %dma_wait3A_214] : memref<32768x32xf32, #tpu.memory_space<hbm>> -> memref<32768x32xf32, #tpu.memory_space<hbm>>
      tpu.wait_indirect_dma semaphore(%arg11 : memref<!tpu.dma_semaphore, #tpu.memory_space<semaphore_mem>>) src(%dma_wait3A_215 : memref<32768x32xf32, #tpu.memory_space<hbm>>) dst(%dma_wait3A_209 : memref<128x32xf32, #tpu.memory_space<vmem>>)
      %dma_wait3A_216 = arith.constant 7 : i32
      %dma_wait3A_217 = arith.constant 7 : i32
      %dma_wait3A_218 = arith.constant 0 : i32
      %dma_wait3A_219 = arith.constant 0 : i32
      %dma_wait3A_220 = tpu.memref_slice %arg9[%dma_wait3A_217, %dma_wait3A_218, %dma_wait3A_219] : memref<8x128x32xf32, #tpu.memory_space<vmem>> -> memref<1x128x32xf32, #tpu.memory_space<vmem>>
      %dma_wait3A_221 = tpu.memref_squeeze %dma_wait3A_220 : memref<1x128x32xf32, #tpu.memory_space<vmem>> -> memref<128x32xf32, #tpu.memory_space<vmem>>
      %dma_wait3A_222 = arith.constant 0 : i32
      %dma_wait3A_223 = tpu.memref_slice %arg7[%dma_wait3A_216, %dma_wait3A_222] : memref<8x128xi32, #tpu.memory_space<vmem>> -> memref<1x128xi32, #tpu.memory_space<vmem>>
      %dma_wait3A_224 = tpu.memref_squeeze %dma_wait3A_223 : memref<1x128xi32, #tpu.memory_space<vmem>> -> memref<128xi32, #tpu.memory_space<vmem>>
      %dma_wait3A_225 = arith.constant 0 : i32
      %dma_wait3A_226 = arith.constant 0 : i32
      %dma_wait3A_227 = tpu.memref_slice %arg4[%dma_wait3A_225, %dma_wait3A_226] : memref<32768x32xf32, #tpu.memory_space<hbm>> -> memref<32768x32xf32, #tpu.memory_space<hbm>>
      tpu.wait_indirect_dma semaphore(%arg11 : memref<!tpu.dma_semaphore, #tpu.memory_space<semaphore_mem>>) src(%dma_wait3A_227 : memref<32768x32xf32, #tpu.memory_space<hbm>>) dst(%dma_wait3A_221 : memref<128x32xf32, #tpu.memory_space<vmem>>)
      %run_scoped3A = arith.constant 0 : i32
      %run_scoped3A_228 = arith.constant 0 : i32
      "tpu.region"() ({
        %run_scoped3A_244 = tpu.sem_alloc : memref<!tpu.dma_semaphore, #tpu.memory_space<semaphore_mem>>
        %dma_start3A_245 = arith.constant 0 : i32
        %dma_start3A_246 = arith.constant 0 : i32
        %dma_start3A_247 = tpu.memref_slice %arg9[%run_scoped3A, %dma_start3A_245, %dma_start3A_246] : memref<8x128x32xf32, #tpu.memory_space<vmem>> -> memref<1x128x32xf32, #tpu.memory_space<vmem>>
        %dma_start3A_248 = tpu.memref_squeeze %dma_start3A_247 : memref<1x128x32xf32, #tpu.memory_space<vmem>> -> memref<128x32xf32, #tpu.memory_space<vmem>>
        %dma_start3A_249 = arith.constant 0 : i32
        %dma_start3A_250 = tpu.memref_slice %arg8[%run_scoped3A_228, %dma_start3A_249] : memref<8x128xi32, #tpu.memory_space<vmem>> -> memref<1x128xi32, #tpu.memory_space<vmem>>
        %dma_start3A_251 = tpu.memref_squeeze %dma_start3A_250 : memref<1x128xi32, #tpu.memory_space<vmem>> -> memref<128xi32, #tpu.memory_space<vmem>>
        %dma_start3A_252 = arith.constant 0 : i32
        %dma_start3A_253 = arith.constant 0 : i32
        %dma_start3A_254 = tpu.memref_slice %arg10[%dma_start3A_252, %dma_start3A_253] : memref<32768x32xf32, #tpu.memory_space<vmem_shared>> -> memref<32768x32xf32, #tpu.memory_space<vmem_shared>>
        tpu.enqueue_indirect_dma source(%dma_start3A_248 : memref<128x32xf32, #tpu.memory_space<vmem>>) target(%dma_start3A_254 : memref<32768x32xf32, #tpu.memory_space<vmem_shared>>) offsets(%dma_start3A_251 : memref<128xi32, #tpu.memory_space<vmem>>) semaphore(%run_scoped3A_244 : memref<!tpu.dma_semaphore, #tpu.memory_space<semaphore_mem>>) {add = true}
        %dma_wait3A_255 = arith.constant 0 : i32
        %dma_wait3A_256 = arith.constant 0 : i32
        %dma_wait3A_257 = tpu.memref_slice %arg9[%run_scoped3A, %dma_wait3A_255, %dma_wait3A_256] : memref<8x128x32xf32, #tpu.memory_space<vmem>> -> memref<1x128x32xf32, #tpu.memory_space<vmem>>
        %dma_wait3A_258 = tpu.memref_squeeze %dma_wait3A_257 : memref<1x128x32xf32, #tpu.memory_space<vmem>> -> memref<128x32xf32, #tpu.memory_space<vmem>>
        %dma_wait3A_259 = arith.constant 0 : i32
        %dma_wait3A_260 = tpu.memref_slice %arg8[%run_scoped3A_228, %dma_wait3A_259] : memref<8x128xi32, #tpu.memory_space<vmem>> -> memref<1x128xi32, #tpu.memory_space<vmem>>
        %dma_wait3A_261 = tpu.memref_squeeze %dma_wait3A_260 : memref<1x128xi32, #tpu.memory_space<vmem>> -> memref<128xi32, #tpu.memory_space<vmem>>
        %dma_wait3A_262 = arith.constant 0 : i32
        %dma_wait3A_263 = arith.constant 0 : i32
        %dma_wait3A_264 = tpu.memref_slice %arg10[%dma_wait3A_262, %dma_wait3A_263] : memref<32768x32xf32, #tpu.memory_space<vmem_shared>> -> memref<32768x32xf32, #tpu.memory_space<vmem_shared>>
        tpu.wait_indirect_dma semaphore(%run_scoped3A_244 : memref<!tpu.dma_semaphore, #tpu.memory_space<semaphore_mem>>) src(%dma_wait3A_258 : memref<128x32xf32, #tpu.memory_space<vmem>>) dst(%dma_wait3A_264 : memref<32768x32xf32, #tpu.memory_space<vmem_shared>>)
        tpu.yield
      }) : () -> ()
      %run_scoped3A_229 = arith.constant 1 : i32
      %run_scoped3A_230 = arith.constant 1 : i32
      "tpu.region"() ({
        %run_scoped3A_244 = tpu.sem_alloc : memref<!tpu.dma_semaphore, #tpu.memory_space<semaphore_mem>>
        %dma_start3A_245 = arith.constant 0 : i32
        %dma_start3A_246 = arith.constant 0 : i32
        %dma_start3A_247 = tpu.memref_slice %arg9[%run_scoped3A_229, %dma_start3A_245, %dma_start3A_246] : memref<8x128x32xf32, #tpu.memory_space<vmem>> -> memref<1x128x32xf32, #tpu.memory_space<vmem>>
        %dma_start3A_248 = tpu.memref_squeeze %dma_start3A_247 : memref<1x128x32xf32, #tpu.memory_space<vmem>> -> memref<128x32xf32, #tpu.memory_space<vmem>>
        %dma_start3A_249 = arith.constant 0 : i32
        %dma_start3A_250 = tpu.memref_slice %arg8[%run_scoped3A_230, %dma_start3A_249] : memref<8x128xi32, #tpu.memory_space<vmem>> -> memref<1x128xi32, #tpu.memory_space<vmem>>
        %dma_start3A_251 = tpu.memref_squeeze %dma_start3A_250 : memref<1x128xi32, #tpu.memory_space<vmem>> -> memref<128xi32, #tpu.memory_space<vmem>>
        %dma_start3A_252 = arith.constant 0 : i32
        %dma_start3A_253 = arith.constant 0 : i32
        %dma_start3A_254 = tpu.memref_slice %arg10[%dma_start3A_252, %dma_start3A_253] : memref<32768x32xf32, #tpu.memory_space<vmem_shared>> -> memref<32768x32xf32, #tpu.memory_space<vmem_shared>>
        tpu.enqueue_indirect_dma source(%dma_start3A_248 : memref<128x32xf32, #tpu.memory_space<vmem>>) target(%dma_start3A_254 : memref<32768x32xf32, #tpu.memory_space<vmem_shared>>) offsets(%dma_start3A_251 : memref<128xi32, #tpu.memory_space<vmem>>) semaphore(%run_scoped3A_244 : memref<!tpu.dma_semaphore, #tpu.memory_space<semaphore_mem>>) {add = true}
        %dma_wait3A_255 = arith.constant 0 : i32
        %dma_wait3A_256 = arith.constant 0 : i32
        %dma_wait3A_257 = tpu.memref_slice %arg9[%run_scoped3A_229, %dma_wait3A_255, %dma_wait3A_256] : memref<8x128x32xf32, #tpu.memory_space<vmem>> -> memref<1x128x32xf32, #tpu.memory_space<vmem>>
        %dma_wait3A_258 = tpu.memref_squeeze %dma_wait3A_257 : memref<1x128x32xf32, #tpu.memory_space<vmem>> -> memref<128x32xf32, #tpu.memory_space<vmem>>
        %dma_wait3A_259 = arith.constant 0 : i32
        %dma_wait3A_260 = tpu.memref_slice %arg8[%run_scoped3A_230, %dma_wait3A_259] : memref<8x128xi32, #tpu.memory_space<vmem>> -> memref<1x128xi32, #tpu.memory_space<vmem>>
        %dma_wait3A_261 = tpu.memref_squeeze %dma_wait3A_260 : memref<1x128xi32, #tpu.memory_space<vmem>> -> memref<128xi32, #tpu.memory_space<vmem>>
        %dma_wait3A_262 = arith.constant 0 : i32
        %dma_wait3A_263 = arith.constant 0 : i32
        %dma_wait3A_264 = tpu.memref_slice %arg10[%dma_wait3A_262, %dma_wait3A_263] : memref<32768x32xf32, #tpu.memory_space<vmem_shared>> -> memref<32768x32xf32, #tpu.memory_space<vmem_shared>>
        tpu.wait_indirect_dma semaphore(%run_scoped3A_244 : memref<!tpu.dma_semaphore, #tpu.memory_space<semaphore_mem>>) src(%dma_wait3A_258 : memref<128x32xf32, #tpu.memory_space<vmem>>) dst(%dma_wait3A_264 : memref<32768x32xf32, #tpu.memory_space<vmem_shared>>)
        tpu.yield
      }) : () -> ()
      %run_scoped3A_231 = arith.constant 2 : i32
      %run_scoped3A_232 = arith.constant 2 : i32
      "tpu.region"() ({
        %run_scoped3A_244 = tpu.sem_alloc : memref<!tpu.dma_semaphore, #tpu.memory_space<semaphore_mem>>
        %dma_start3A_245 = arith.constant 0 : i32
        %dma_start3A_246 = arith.constant 0 : i32
        %dma_start3A_247 = tpu.memref_slice %arg9[%run_scoped3A_231, %dma_start3A_245, %dma_start3A_246] : memref<8x128x32xf32, #tpu.memory_space<vmem>> -> memref<1x128x32xf32, #tpu.memory_space<vmem>>
        %dma_start3A_248 = tpu.memref_squeeze %dma_start3A_247 : memref<1x128x32xf32, #tpu.memory_space<vmem>> -> memref<128x32xf32, #tpu.memory_space<vmem>>
        %dma_start3A_249 = arith.constant 0 : i32
        %dma_start3A_250 = tpu.memref_slice %arg8[%run_scoped3A_232, %dma_start3A_249] : memref<8x128xi32, #tpu.memory_space<vmem>> -> memref<1x128xi32, #tpu.memory_space<vmem>>
        %dma_start3A_251 = tpu.memref_squeeze %dma_start3A_250 : memref<1x128xi32, #tpu.memory_space<vmem>> -> memref<128xi32, #tpu.memory_space<vmem>>
        %dma_start3A_252 = arith.constant 0 : i32
        %dma_start3A_253 = arith.constant 0 : i32
        %dma_start3A_254 = tpu.memref_slice %arg10[%dma_start3A_252, %dma_start3A_253] : memref<32768x32xf32, #tpu.memory_space<vmem_shared>> -> memref<32768x32xf32, #tpu.memory_space<vmem_shared>>
        tpu.enqueue_indirect_dma source(%dma_start3A_248 : memref<128x32xf32, #tpu.memory_space<vmem>>) target(%dma_start3A_254 : memref<32768x32xf32, #tpu.memory_space<vmem_shared>>) offsets(%dma_start3A_251 : memref<128xi32, #tpu.memory_space<vmem>>) semaphore(%run_scoped3A_244 : memref<!tpu.dma_semaphore, #tpu.memory_space<semaphore_mem>>) {add = true}
        %dma_wait3A_255 = arith.constant 0 : i32
        %dma_wait3A_256 = arith.constant 0 : i32
        %dma_wait3A_257 = tpu.memref_slice %arg9[%run_scoped3A_231, %dma_wait3A_255, %dma_wait3A_256] : memref<8x128x32xf32, #tpu.memory_space<vmem>> -> memref<1x128x32xf32, #tpu.memory_space<vmem>>
        %dma_wait3A_258 = tpu.memref_squeeze %dma_wait3A_257 : memref<1x128x32xf32, #tpu.memory_space<vmem>> -> memref<128x32xf32, #tpu.memory_space<vmem>>
        %dma_wait3A_259 = arith.constant 0 : i32
        %dma_wait3A_260 = tpu.memref_slice %arg8[%run_scoped3A_232, %dma_wait3A_259] : memref<8x128xi32, #tpu.memory_space<vmem>> -> memref<1x128xi32, #tpu.memory_space<vmem>>
        %dma_wait3A_261 = tpu.memref_squeeze %dma_wait3A_260 : memref<1x128xi32, #tpu.memory_space<vmem>> -> memref<128xi32, #tpu.memory_space<vmem>>
        %dma_wait3A_262 = arith.constant 0 : i32
        %dma_wait3A_263 = arith.constant 0 : i32
        %dma_wait3A_264 = tpu.memref_slice %arg10[%dma_wait3A_262, %dma_wait3A_263] : memref<32768x32xf32, #tpu.memory_space<vmem_shared>> -> memref<32768x32xf32, #tpu.memory_space<vmem_shared>>
        tpu.wait_indirect_dma semaphore(%run_scoped3A_244 : memref<!tpu.dma_semaphore, #tpu.memory_space<semaphore_mem>>) src(%dma_wait3A_258 : memref<128x32xf32, #tpu.memory_space<vmem>>) dst(%dma_wait3A_264 : memref<32768x32xf32, #tpu.memory_space<vmem_shared>>)
        tpu.yield
      }) : () -> ()
      %run_scoped3A_233 = arith.constant 3 : i32
      %run_scoped3A_234 = arith.constant 3 : i32
      "tpu.region"() ({
        %run_scoped3A_244 = tpu.sem_alloc : memref<!tpu.dma_semaphore, #tpu.memory_space<semaphore_mem>>
        %dma_start3A_245 = arith.constant 0 : i32
        %dma_start3A_246 = arith.constant 0 : i32
        %dma_start3A_247 = tpu.memref_slice %arg9[%run_scoped3A_233, %dma_start3A_245, %dma_start3A_246] : memref<8x128x32xf32, #tpu.memory_space<vmem>> -> memref<1x128x32xf32, #tpu.memory_space<vmem>>
        %dma_start3A_248 = tpu.memref_squeeze %dma_start3A_247 : memref<1x128x32xf32, #tpu.memory_space<vmem>> -> memref<128x32xf32, #tpu.memory_space<vmem>>
        %dma_start3A_249 = arith.constant 0 : i32
        %dma_start3A_250 = tpu.memref_slice %arg8[%run_scoped3A_234, %dma_start3A_249] : memref<8x128xi32, #tpu.memory_space<vmem>> -> memref<1x128xi32, #tpu.memory_space<vmem>>
        %dma_start3A_251 = tpu.memref_squeeze %dma_start3A_250 : memref<1x128xi32, #tpu.memory_space<vmem>> -> memref<128xi32, #tpu.memory_space<vmem>>
        %dma_start3A_252 = arith.constant 0 : i32
        %dma_start3A_253 = arith.constant 0 : i32
        %dma_start3A_254 = tpu.memref_slice %arg10[%dma_start3A_252, %dma_start3A_253] : memref<32768x32xf32, #tpu.memory_space<vmem_shared>> -> memref<32768x32xf32, #tpu.memory_space<vmem_shared>>
        tpu.enqueue_indirect_dma source(%dma_start3A_248 : memref<128x32xf32, #tpu.memory_space<vmem>>) target(%dma_start3A_254 : memref<32768x32xf32, #tpu.memory_space<vmem_shared>>) offsets(%dma_start3A_251 : memref<128xi32, #tpu.memory_space<vmem>>) semaphore(%run_scoped3A_244 : memref<!tpu.dma_semaphore, #tpu.memory_space<semaphore_mem>>) {add = true}
        %dma_wait3A_255 = arith.constant 0 : i32
        %dma_wait3A_256 = arith.constant 0 : i32
        %dma_wait3A_257 = tpu.memref_slice %arg9[%run_scoped3A_233, %dma_wait3A_255, %dma_wait3A_256] : memref<8x128x32xf32, #tpu.memory_space<vmem>> -> memref<1x128x32xf32, #tpu.memory_space<vmem>>
        %dma_wait3A_258 = tpu.memref_squeeze %dma_wait3A_257 : memref<1x128x32xf32, #tpu.memory_space<vmem>> -> memref<128x32xf32, #tpu.memory_space<vmem>>
        %dma_wait3A_259 = arith.constant 0 : i32
        %dma_wait3A_260 = tpu.memref_slice %arg8[%run_scoped3A_234, %dma_wait3A_259] : memref<8x128xi32, #tpu.memory_space<vmem>> -> memref<1x128xi32, #tpu.memory_space<vmem>>
        %dma_wait3A_261 = tpu.memref_squeeze %dma_wait3A_260 : memref<1x128xi32, #tpu.memory_space<vmem>> -> memref<128xi32, #tpu.memory_space<vmem>>
        %dma_wait3A_262 = arith.constant 0 : i32
        %dma_wait3A_263 = arith.constant 0 : i32
        %dma_wait3A_264 = tpu.memref_slice %arg10[%dma_wait3A_262, %dma_wait3A_263] : memref<32768x32xf32, #tpu.memory_space<vmem_shared>> -> memref<32768x32xf32, #tpu.memory_space<vmem_shared>>
        tpu.wait_indirect_dma semaphore(%run_scoped3A_244 : memref<!tpu.dma_semaphore, #tpu.memory_space<semaphore_mem>>) src(%dma_wait3A_258 : memref<128x32xf32, #tpu.memory_space<vmem>>) dst(%dma_wait3A_264 : memref<32768x32xf32, #tpu.memory_space<vmem_shared>>)
        tpu.yield
      }) : () -> ()
      %run_scoped3A_235 = arith.constant 4 : i32
      %run_scoped3A_236 = arith.constant 4 : i32
      "tpu.region"() ({
        %run_scoped3A_244 = tpu.sem_alloc : memref<!tpu.dma_semaphore, #tpu.memory_space<semaphore_mem>>
        %dma_start3A_245 = arith.constant 0 : i32
        %dma_start3A_246 = arith.constant 0 : i32
        %dma_start3A_247 = tpu.memref_slice %arg9[%run_scoped3A_235, %dma_start3A_245, %dma_start3A_246] : memref<8x128x32xf32, #tpu.memory_space<vmem>> -> memref<1x128x32xf32, #tpu.memory_space<vmem>>
        %dma_start3A_248 = tpu.memref_squeeze %dma_start3A_247 : memref<1x128x32xf32, #tpu.memory_space<vmem>> -> memref<128x32xf32, #tpu.memory_space<vmem>>
        %dma_start3A_249 = arith.constant 0 : i32
        %dma_start3A_250 = tpu.memref_slice %arg8[%run_scoped3A_236, %dma_start3A_249] : memref<8x128xi32, #tpu.memory_space<vmem>> -> memref<1x128xi32, #tpu.memory_space<vmem>>
        %dma_start3A_251 = tpu.memref_squeeze %dma_start3A_250 : memref<1x128xi32, #tpu.memory_space<vmem>> -> memref<128xi32, #tpu.memory_space<vmem>>
        %dma_start3A_252 = arith.constant 0 : i32
        %dma_start3A_253 = arith.constant 0 : i32
        %dma_start3A_254 = tpu.memref_slice %arg10[%dma_start3A_252, %dma_start3A_253] : memref<32768x32xf32, #tpu.memory_space<vmem_shared>> -> memref<32768x32xf32, #tpu.memory_space<vmem_shared>>
        tpu.enqueue_indirect_dma source(%dma_start3A_248 : memref<128x32xf32, #tpu.memory_space<vmem>>) target(%dma_start3A_254 : memref<32768x32xf32, #tpu.memory_space<vmem_shared>>) offsets(%dma_start3A_251 : memref<128xi32, #tpu.memory_space<vmem>>) semaphore(%run_scoped3A_244 : memref<!tpu.dma_semaphore, #tpu.memory_space<semaphore_mem>>) {add = true}
        %dma_wait3A_255 = arith.constant 0 : i32
        %dma_wait3A_256 = arith.constant 0 : i32
        %dma_wait3A_257 = tpu.memref_slice %arg9[%run_scoped3A_235, %dma_wait3A_255, %dma_wait3A_256] : memref<8x128x32xf32, #tpu.memory_space<vmem>> -> memref<1x128x32xf32, #tpu.memory_space<vmem>>
        %dma_wait3A_258 = tpu.memref_squeeze %dma_wait3A_257 : memref<1x128x32xf32, #tpu.memory_space<vmem>> -> memref<128x32xf32, #tpu.memory_space<vmem>>
        %dma_wait3A_259 = arith.constant 0 : i32
        %dma_wait3A_260 = tpu.memref_slice %arg8[%run_scoped3A_236, %dma_wait3A_259] : memref<8x128xi32, #tpu.memory_space<vmem>> -> memref<1x128xi32, #tpu.memory_space<vmem>>
        %dma_wait3A_261 = tpu.memref_squeeze %dma_wait3A_260 : memref<1x128xi32, #tpu.memory_space<vmem>> -> memref<128xi32, #tpu.memory_space<vmem>>
        %dma_wait3A_262 = arith.constant 0 : i32
        %dma_wait3A_263 = arith.constant 0 : i32
        %dma_wait3A_264 = tpu.memref_slice %arg10[%dma_wait3A_262, %dma_wait3A_263] : memref<32768x32xf32, #tpu.memory_space<vmem_shared>> -> memref<32768x32xf32, #tpu.memory_space<vmem_shared>>
        tpu.wait_indirect_dma semaphore(%run_scoped3A_244 : memref<!tpu.dma_semaphore, #tpu.memory_space<semaphore_mem>>) src(%dma_wait3A_258 : memref<128x32xf32, #tpu.memory_space<vmem>>) dst(%dma_wait3A_264 : memref<32768x32xf32, #tpu.memory_space<vmem_shared>>)
        tpu.yield
      }) : () -> ()
      %run_scoped3A_237 = arith.constant 5 : i32
      %run_scoped3A_238 = arith.constant 5 : i32
      "tpu.region"() ({
        %run_scoped3A_244 = tpu.sem_alloc : memref<!tpu.dma_semaphore, #tpu.memory_space<semaphore_mem>>
        %dma_start3A_245 = arith.constant 0 : i32
        %dma_start3A_246 = arith.constant 0 : i32
        %dma_start3A_247 = tpu.memref_slice %arg9[%run_scoped3A_237, %dma_start3A_245, %dma_start3A_246] : memref<8x128x32xf32, #tpu.memory_space<vmem>> -> memref<1x128x32xf32, #tpu.memory_space<vmem>>
        %dma_start3A_248 = tpu.memref_squeeze %dma_start3A_247 : memref<1x128x32xf32, #tpu.memory_space<vmem>> -> memref<128x32xf32, #tpu.memory_space<vmem>>
        %dma_start3A_249 = arith.constant 0 : i32
        %dma_start3A_250 = tpu.memref_slice %arg8[%run_scoped3A_238, %dma_start3A_249] : memref<8x128xi32, #tpu.memory_space<vmem>> -> memref<1x128xi32, #tpu.memory_space<vmem>>
        %dma_start3A_251 = tpu.memref_squeeze %dma_start3A_250 : memref<1x128xi32, #tpu.memory_space<vmem>> -> memref<128xi32, #tpu.memory_space<vmem>>
        %dma_start3A_252 = arith.constant 0 : i32
        %dma_start3A_253 = arith.constant 0 : i32
        %dma_start3A_254 = tpu.memref_slice %arg10[%dma_start3A_252, %dma_start3A_253] : memref<32768x32xf32, #tpu.memory_space<vmem_shared>> -> memref<32768x32xf32, #tpu.memory_space<vmem_shared>>
        tpu.enqueue_indirect_dma source(%dma_start3A_248 : memref<128x32xf32, #tpu.memory_space<vmem>>) target(%dma_start3A_254 : memref<32768x32xf32, #tpu.memory_space<vmem_shared>>) offsets(%dma_start3A_251 : memref<128xi32, #tpu.memory_space<vmem>>) semaphore(%run_scoped3A_244 : memref<!tpu.dma_semaphore, #tpu.memory_space<semaphore_mem>>) {add = true}
        %dma_wait3A_255 = arith.constant 0 : i32
        %dma_wait3A_256 = arith.constant 0 : i32
        %dma_wait3A_257 = tpu.memref_slice %arg9[%run_scoped3A_237, %dma_wait3A_255, %dma_wait3A_256] : memref<8x128x32xf32, #tpu.memory_space<vmem>> -> memref<1x128x32xf32, #tpu.memory_space<vmem>>
        %dma_wait3A_258 = tpu.memref_squeeze %dma_wait3A_257 : memref<1x128x32xf32, #tpu.memory_space<vmem>> -> memref<128x32xf32, #tpu.memory_space<vmem>>
        %dma_wait3A_259 = arith.constant 0 : i32
        %dma_wait3A_260 = tpu.memref_slice %arg8[%run_scoped3A_238, %dma_wait3A_259] : memref<8x128xi32, #tpu.memory_space<vmem>> -> memref<1x128xi32, #tpu.memory_space<vmem>>
        %dma_wait3A_261 = tpu.memref_squeeze %dma_wait3A_260 : memref<1x128xi32, #tpu.memory_space<vmem>> -> memref<128xi32, #tpu.memory_space<vmem>>
        %dma_wait3A_262 = arith.constant 0 : i32
        %dma_wait3A_263 = arith.constant 0 : i32
        %dma_wait3A_264 = tpu.memref_slice %arg10[%dma_wait3A_262, %dma_wait3A_263] : memref<32768x32xf32, #tpu.memory_space<vmem_shared>> -> memref<32768x32xf32, #tpu.memory_space<vmem_shared>>
        tpu.wait_indirect_dma semaphore(%run_scoped3A_244 : memref<!tpu.dma_semaphore, #tpu.memory_space<semaphore_mem>>) src(%dma_wait3A_258 : memref<128x32xf32, #tpu.memory_space<vmem>>) dst(%dma_wait3A_264 : memref<32768x32xf32, #tpu.memory_space<vmem_shared>>)
        tpu.yield
      }) : () -> ()
      %run_scoped3A_239 = arith.constant 6 : i32
      %run_scoped3A_240 = arith.constant 6 : i32
      "tpu.region"() ({
        %run_scoped3A_244 = tpu.sem_alloc : memref<!tpu.dma_semaphore, #tpu.memory_space<semaphore_mem>>
        %dma_start3A_245 = arith.constant 0 : i32
        %dma_start3A_246 = arith.constant 0 : i32
        %dma_start3A_247 = tpu.memref_slice %arg9[%run_scoped3A_239, %dma_start3A_245, %dma_start3A_246] : memref<8x128x32xf32, #tpu.memory_space<vmem>> -> memref<1x128x32xf32, #tpu.memory_space<vmem>>
        %dma_start3A_248 = tpu.memref_squeeze %dma_start3A_247 : memref<1x128x32xf32, #tpu.memory_space<vmem>> -> memref<128x32xf32, #tpu.memory_space<vmem>>
        %dma_start3A_249 = arith.constant 0 : i32
        %dma_start3A_250 = tpu.memref_slice %arg8[%run_scoped3A_240, %dma_start3A_249] : memref<8x128xi32, #tpu.memory_space<vmem>> -> memref<1x128xi32, #tpu.memory_space<vmem>>
        %dma_start3A_251 = tpu.memref_squeeze %dma_start3A_250 : memref<1x128xi32, #tpu.memory_space<vmem>> -> memref<128xi32, #tpu.memory_space<vmem>>
        %dma_start3A_252 = arith.constant 0 : i32
        %dma_start3A_253 = arith.constant 0 : i32
        %dma_start3A_254 = tpu.memref_slice %arg10[%dma_start3A_252, %dma_start3A_253] : memref<32768x32xf32, #tpu.memory_space<vmem_shared>> -> memref<32768x32xf32, #tpu.memory_space<vmem_shared>>
        tpu.enqueue_indirect_dma source(%dma_start3A_248 : memref<128x32xf32, #tpu.memory_space<vmem>>) target(%dma_start3A_254 : memref<32768x32xf32, #tpu.memory_space<vmem_shared>>) offsets(%dma_start3A_251 : memref<128xi32, #tpu.memory_space<vmem>>) semaphore(%run_scoped3A_244 : memref<!tpu.dma_semaphore, #tpu.memory_space<semaphore_mem>>) {add = true}
        %dma_wait3A_255 = arith.constant 0 : i32
        %dma_wait3A_256 = arith.constant 0 : i32
        %dma_wait3A_257 = tpu.memref_slice %arg9[%run_scoped3A_239, %dma_wait3A_255, %dma_wait3A_256] : memref<8x128x32xf32, #tpu.memory_space<vmem>> -> memref<1x128x32xf32, #tpu.memory_space<vmem>>
        %dma_wait3A_258 = tpu.memref_squeeze %dma_wait3A_257 : memref<1x128x32xf32, #tpu.memory_space<vmem>> -> memref<128x32xf32, #tpu.memory_space<vmem>>
        %dma_wait3A_259 = arith.constant 0 : i32
        %dma_wait3A_260 = tpu.memref_slice %arg8[%run_scoped3A_240, %dma_wait3A_259] : memref<8x128xi32, #tpu.memory_space<vmem>> -> memref<1x128xi32, #tpu.memory_space<vmem>>
        %dma_wait3A_261 = tpu.memref_squeeze %dma_wait3A_260 : memref<1x128xi32, #tpu.memory_space<vmem>> -> memref<128xi32, #tpu.memory_space<vmem>>
        %dma_wait3A_262 = arith.constant 0 : i32
        %dma_wait3A_263 = arith.constant 0 : i32
        %dma_wait3A_264 = tpu.memref_slice %arg10[%dma_wait3A_262, %dma_wait3A_263] : memref<32768x32xf32, #tpu.memory_space<vmem_shared>> -> memref<32768x32xf32, #tpu.memory_space<vmem_shared>>
        tpu.wait_indirect_dma semaphore(%run_scoped3A_244 : memref<!tpu.dma_semaphore, #tpu.memory_space<semaphore_mem>>) src(%dma_wait3A_258 : memref<128x32xf32, #tpu.memory_space<vmem>>) dst(%dma_wait3A_264 : memref<32768x32xf32, #tpu.memory_space<vmem_shared>>)
        tpu.yield
      }) : () -> ()
      %run_scoped3A_241 = arith.constant 7 : i32
      %run_scoped3A_242 = arith.constant 7 : i32
      "tpu.region"() ({
        %run_scoped3A_244 = tpu.sem_alloc : memref<!tpu.dma_semaphore, #tpu.memory_space<semaphore_mem>>
        %dma_start3A_245 = arith.constant 0 : i32
        %dma_start3A_246 = arith.constant 0 : i32
        %dma_start3A_247 = tpu.memref_slice %arg9[%run_scoped3A_241, %dma_start3A_245, %dma_start3A_246] : memref<8x128x32xf32, #tpu.memory_space<vmem>> -> memref<1x128x32xf32, #tpu.memory_space<vmem>>
        %dma_start3A_248 = tpu.memref_squeeze %dma_start3A_247 : memref<1x128x32xf32, #tpu.memory_space<vmem>> -> memref<128x32xf32, #tpu.memory_space<vmem>>
        %dma_start3A_249 = arith.constant 0 : i32
        %dma_start3A_250 = tpu.memref_slice %arg8[%run_scoped3A_242, %dma_start3A_249] : memref<8x128xi32, #tpu.memory_space<vmem>> -> memref<1x128xi32, #tpu.memory_space<vmem>>
        %dma_start3A_251 = tpu.memref_squeeze %dma_start3A_250 : memref<1x128xi32, #tpu.memory_space<vmem>> -> memref<128xi32, #tpu.memory_space<vmem>>
        %dma_start3A_252 = arith.constant 0 : i32
        %dma_start3A_253 = arith.constant 0 : i32
        %dma_start3A_254 = tpu.memref_slice %arg10[%dma_start3A_252, %dma_start3A_253] : memref<32768x32xf32, #tpu.memory_space<vmem_shared>> -> memref<32768x32xf32, #tpu.memory_space<vmem_shared>>
        tpu.enqueue_indirect_dma source(%dma_start3A_248 : memref<128x32xf32, #tpu.memory_space<vmem>>) target(%dma_start3A_254 : memref<32768x32xf32, #tpu.memory_space<vmem_shared>>) offsets(%dma_start3A_251 : memref<128xi32, #tpu.memory_space<vmem>>) semaphore(%run_scoped3A_244 : memref<!tpu.dma_semaphore, #tpu.memory_space<semaphore_mem>>) {add = true}
        %dma_wait3A_255 = arith.constant 0 : i32
        %dma_wait3A_256 = arith.constant 0 : i32
        %dma_wait3A_257 = tpu.memref_slice %arg9[%run_scoped3A_241, %dma_wait3A_255, %dma_wait3A_256] : memref<8x128x32xf32, #tpu.memory_space<vmem>> -> memref<1x128x32xf32, #tpu.memory_space<vmem>>
        %dma_wait3A_258 = tpu.memref_squeeze %dma_wait3A_257 : memref<1x128x32xf32, #tpu.memory_space<vmem>> -> memref<128x32xf32, #tpu.memory_space<vmem>>
        %dma_wait3A_259 = arith.constant 0 : i32
        %dma_wait3A_260 = tpu.memref_slice %arg8[%run_scoped3A_242, %dma_wait3A_259] : memref<8x128xi32, #tpu.memory_space<vmem>> -> memref<1x128xi32, #tpu.memory_space<vmem>>
        %dma_wait3A_261 = tpu.memref_squeeze %dma_wait3A_260 : memref<1x128xi32, #tpu.memory_space<vmem>> -> memref<128xi32, #tpu.memory_space<vmem>>
        %dma_wait3A_262 = arith.constant 0 : i32
        %dma_wait3A_263 = arith.constant 0 : i32
        %dma_wait3A_264 = tpu.memref_slice %arg10[%dma_wait3A_262, %dma_wait3A_263] : memref<32768x32xf32, #tpu.memory_space<vmem_shared>> -> memref<32768x32xf32, #tpu.memory_space<vmem_shared>>
        tpu.wait_indirect_dma semaphore(%run_scoped3A_244 : memref<!tpu.dma_semaphore, #tpu.memory_space<semaphore_mem>>) src(%dma_wait3A_258 : memref<128x32xf32, #tpu.memory_space<vmem>>) dst(%dma_wait3A_264 : memref<32768x32xf32, #tpu.memory_space<vmem_shared>>)
        tpu.yield
      }) : () -> ()
      %scan3A_243 = arith.constant 0 : i32
      scf.yield %scan3A_243 : i32
    }
    %scan3A_22 = arith.constant 16 : i32
    %barrier3A_23 = arith.constant 0 : index
    tpu.barrier barrier_id(%barrier3A_23)
    %scan3A_24 = arith.constant 0 : i32
    %scan3A_25 = arith.constant 0 : i32
    %scan3A_26 = arith.constant 16 : i32
    %scan3A_27 = arith.addi %scan3A_25, %scan3A_26 : i32
    %scan3A_28 = arith.constant 1 : i32
    %scan3A_29 = scf.for %scan3A_31 = %scan3A_25 to %scan3A_27 step %scan3A_28 iter_args(%scan3A_32 = %scan3A_24) -> (i32)  : i32 {
      %mul3A_33 = arith.constant 2048 : i32
      %mul3A_34 = arith.muli %arg1, %mul3A_33 : i32
      %mul3A_35 = arith.constant 128 : i32
      %mul3A_36 = arith.muli %scan3A_31, %mul3A_35 : i32
      %add3A_37 = arith.addi %mul3A_34, %mul3A_36 : i32
      "tpu.region"() ({
        %run_scoped3A = tpu.sem_alloc : memref<!tpu.dma_semaphore, #tpu.memory_space<semaphore_mem>>
        %dma_start3A = arith.constant 0 : i32
        %dma_start3A_39 = tpu.memref_slice %arg5[%arg0, %add3A_37, %dma_start3A] : memref<2x32768x32xf32, #tpu.memory_space<hbm>> -> memref<1x128x32xf32, #tpu.memory_space<hbm>>
        %dma_start3A_40 = tpu.memref_squeeze %dma_start3A_39 : memref<1x128x32xf32, #tpu.memory_space<hbm>> -> memref<128x32xf32, #tpu.memory_space<hbm>>
        %dma_start3A_41 = arith.constant 0 : i32
        %dma_start3A_42 = tpu.memref_slice %arg10[%add3A_37, %dma_start3A_41] : memref<32768x32xf32, #tpu.memory_space<vmem_shared>> -> memref<128x32xf32, #tpu.memory_space<vmem_shared>>
        tpu.enqueue_dma source(%dma_start3A_42 : memref<128x32xf32, #tpu.memory_space<vmem_shared>>) target(%dma_start3A_40 : memref<128x32xf32, #tpu.memory_space<hbm>>) target_semaphore(%run_scoped3A : memref<!tpu.dma_semaphore, #tpu.memory_space<semaphore_mem>>)
        %dma_wait3A = arith.constant 0 : i32
        %dma_wait3A_43 = tpu.memref_slice %arg5[%arg0, %add3A_37, %dma_wait3A] : memref<2x32768x32xf32, #tpu.memory_space<hbm>> -> memref<1x128x32xf32, #tpu.memory_space<hbm>>
        %dma_wait3A_44 = tpu.memref_squeeze %dma_wait3A_43 : memref<1x128x32xf32, #tpu.memory_space<hbm>> -> memref<128x32xf32, #tpu.memory_space<hbm>>
        %dma_wait3A_45 = arith.constant 0 : i32
        %dma_wait3A_46 = tpu.memref_slice %arg10[%add3A_37, %dma_wait3A_45] : memref<32768x32xf32, #tpu.memory_space<vmem_shared>> -> memref<128x32xf32, #tpu.memory_space<vmem_shared>>
        tpu.wait_dma2 semaphore(%run_scoped3A : memref<!tpu.dma_semaphore, #tpu.memory_space<semaphore_mem>>) src(%dma_wait3A_46 : memref<128x32xf32, #tpu.memory_space<vmem_shared>>) dst(%dma_wait3A_44 : memref<128x32xf32, #tpu.memory_space<hbm>>)
        tpu.yield
      }) : () -> ()
      %scan3A_38 = arith.constant 0 : i32
      scf.yield %scan3A_38 : i32
    }
    %scan3A_30 = arith.constant 16 : i32
    return
  }
}

#map = affine_map<(d0, d1) -> (0, 0)>
#map1 = affine_map<(d0, d1) -> (0, 0, 0, 0)>
module attributes {stable_mosaic.version = 14 : i64} {
  func.func @k(%arg0: i32, %arg1: i32, %arg2: memref<256x128xi32, #tpu.memory_space<hbm>>, %arg3: memref<32768x32xf32, #tpu.memory_space<hbm>>, %arg4: memref<32768x32xf32, #tpu.memory_space<hbm>>, %arg5: memref<32768x32xf32, #tpu.memory_space<hbm>>, %arg6: memref<2x3x256x32xf32, #tpu.memory_space<hbm>>, %arg7: memref<128x32xf32, #tpu.memory_space<vmem>>, %arg8: memref<128xi32, #tpu.memory_space<vmem>>, %arg9: memref<128x32xf32, #tpu.memory_space<vmem>>, %arg10: memref<128x32xf32, #tpu.memory_space<vmem>>, %arg11: memref<128x32xf32, #tpu.memory_space<vmem>>, %arg12: memref<256x32xf32, #tpu.memory_space<vmem_shared>>, %arg13: memref<256x32xf32, #tpu.memory_space<vmem_shared>>, %arg14: memref<256x32xf32, #tpu.memory_space<vmem_shared>>) attributes {dimension_semantics = [#tpu.dimension_semantics<core_parallel>, #tpu.dimension_semantics<subcore_parallel>], iteration_bounds = array<i64: 2, 16>, scalar_prefetch = 0 : i64, scratch_operands = 8 : i64, tpu.core_type = #tpu.core_type<sc_vector_subcore>, window_params = [{transform_indices = #map}, {transform_indices = #map}, {transform_indices = #map}, {transform_indices = #map}, {transform_indices = #map1}]} {
    %mul3A = arith.constant 16 : i32
    %mul3A_0 = arith.muli %arg0, %mul3A : i32
    %add3A = arith.addi %mul3A_0, %arg1 : i32
    %scan3A = arith.constant 0 : i32
    %scan3A_1 = arith.constant 0 : i32
    %scan3A_2 = arith.constant 128 : i32
    %scan3A_3 = arith.addi %scan3A_1, %scan3A_2 : i32
    %scan3A_4 = arith.constant 1 : i32
    %scan3A_5 = scf.for %scan3A_22 = %scan3A_1 to %scan3A_3 step %scan3A_4 iter_args(%scan3A_23 = %scan3A) -> (i32)  : i32 {
      %broadcast_in_dim3A = arith.constant 0.000000e+00 : f32
      %broadcast_in_dim3A_24 = vector.broadcast %broadcast_in_dim3A : f32 to vector<16xf32>
      %swap3A = arith.index_cast %scan3A_22 : i32 to index
      %swap3A_25 = arith.constant 0 : index
      %swap3A_26 = tpu.vector_load %arg7[%swap3A, %swap3A_25] {strides = array<i32>} : memref<128x32xf32, #tpu.memory_space<vmem>>, vector<1x16xf32>,
      %swap3A_27 = vector.shape_cast %swap3A_26 : vector<1x16xf32> to vector<16xf32>
      %swap3A_28 = vector.shape_cast %broadcast_in_dim3A_24 : vector<16xf32> to vector<1x16xf32>
      tpu.vector_store %arg7[%swap3A, %swap3A_25], %swap3A_28 {strides = array<i32>} : memref<128x32xf32, #tpu.memory_space<vmem>>, vector<1x16xf32>,
      %broadcast_in_dim3A_29 = arith.constant 0.000000e+00 : f32
      %broadcast_in_dim3A_30 = vector.broadcast %broadcast_in_dim3A_29 : f32 to vector<16xf32>
      %swap3A_31 = arith.index_cast %scan3A_22 : i32 to index
      %swap3A_32 = arith.constant 16 : index
      %swap3A_33 = tpu.vector_load %arg7[%swap3A_31, %swap3A_32] {strides = array<i32>} : memref<128x32xf32, #tpu.memory_space<vmem>>, vector<1x16xf32>,
      %swap3A_34 = vector.shape_cast %swap3A_33 : vector<1x16xf32> to vector<16xf32>
      %swap3A_35 = vector.shape_cast %broadcast_in_dim3A_30 : vector<16xf32> to vector<1x16xf32>
      tpu.vector_store %arg7[%swap3A_31, %swap3A_32], %swap3A_35 {strides = array<i32>} : memref<128x32xf32, #tpu.memory_space<vmem>>, vector<1x16xf32>,
      %scan3A_36 = arith.constant 0 : i32
      scf.yield %scan3A_36 : i32
    }
    %scan3A_6 = arith.constant 128 : i32
    %eq3A = arith.constant 0 : i32
    %eq3A_7 = arith.cmpi eq, %arg1, %eq3A : i32
    %convert_element_type3A = arith.extui %eq3A_7 : i1 to i32
    %cond3A = arith.constant 0 : i32
    %cond3A_8 = arith.cmpi ne, %convert_element_type3A, %cond3A : i32
    scf.if %cond3A_8 {
      %scan3A_22 = arith.constant 0 : i32
      %scan3A_23 = arith.constant 0 : i32
      %scan3A_24 = arith.constant 2 : i32
      %scan3A_25 = arith.addi %scan3A_23, %scan3A_24 : i32
      %scan3A_26 = arith.constant 1 : i32
      %scan3A_27 = scf.for %scan3A_43 = %scan3A_23 to %scan3A_25 step %scan3A_26 iter_args(%scan3A_44 = %scan3A_22) -> (i32)  : i32 {
        %mul3A_45 = arith.constant 128 : i32
        %mul3A_46 = arith.muli %scan3A_43, %mul3A_45 : i32
        %add3A_47 = arith.constant 0 : i32
        %add3A_48 = arith.addi %add3A_47, %mul3A_46 : i32
        "tpu.region"() ({
          %run_scoped3A = tpu.sem_alloc : memref<!tpu.dma_semaphore, #tpu.memory_space<semaphore_mem>>
          %dma_start3A = arith.constant 0 : i32
          %dma_start3A_50 = tpu.memref_slice %arg12[%add3A_48, %dma_start3A] : memref<256x32xf32, #tpu.memory_space<vmem_shared>> -> memref<128x32xf32, #tpu.memory_space<vmem_shared>>
          %dma_start3A_51 = arith.constant 0 : i32
          %dma_start3A_52 = tpu.memref_slice %arg12[%add3A_48, %dma_start3A_51] : memref<256x32xf32, #tpu.memory_space<vmem_shared>> -> memref<128x32xf32, #tpu.memory_space<vmem_shared>>
          tpu.enqueue_dma source(%arg7 : memref<128x32xf32, #tpu.memory_space<vmem>>) target(%dma_start3A_52 : memref<128x32xf32, #tpu.memory_space<vmem_shared>>) target_semaphore(%run_scoped3A : memref<!tpu.dma_semaphore, #tpu.memory_space<semaphore_mem>>)
          %dma_wait3A = arith.constant 0 : i32
          %dma_wait3A_53 = tpu.memref_slice %arg12[%add3A_48, %dma_wait3A] : memref<256x32xf32, #tpu.memory_space<vmem_shared>> -> memref<128x32xf32, #tpu.memory_space<vmem_shared>>
          %dma_wait3A_54 = arith.constant 0 : i32
          %dma_wait3A_55 = tpu.memref_slice %arg12[%add3A_48, %dma_wait3A_54] : memref<256x32xf32, #tpu.memory_space<vmem_shared>> -> memref<128x32xf32, #tpu.memory_space<vmem_shared>>
          tpu.wait_dma2 semaphore(%run_scoped3A : memref<!tpu.dma_semaphore, #tpu.memory_space<semaphore_mem>>) src(%arg7 : memref<128x32xf32, #tpu.memory_space<vmem>>) dst(%dma_wait3A_55 : memref<128x32xf32, #tpu.memory_space<vmem_shared>>)
          tpu.yield
        }) : () -> ()
        %scan3A_49 = arith.constant 0 : i32
        scf.yield %scan3A_49 : i32
      }
      %scan3A_28 = arith.constant 2 : i32
      %scan3A_29 = arith.constant 0 : i32
      %scan3A_30 = arith.constant 0 : i32
      %scan3A_31 = arith.constant 2 : i32
      %scan3A_32 = arith.addi %scan3A_30, %scan3A_31 : i32
      %scan3A_33 = arith.constant 1 : i32
      %scan3A_34 = scf.for %scan3A_43 = %scan3A_30 to %scan3A_32 step %scan3A_33 iter_args(%scan3A_44 = %scan3A_29) -> (i32)  : i32 {
        %mul3A_45 = arith.constant 128 : i32
        %mul3A_46 = arith.muli %scan3A_43, %mul3A_45 : i32
        %add3A_47 = arith.constant 0 : i32
        %add3A_48 = arith.addi %add3A_47, %mul3A_46 : i32
        "tpu.region"() ({
          %run_scoped3A = tpu.sem_alloc : memref<!tpu.dma_semaphore, #tpu.memory_space<semaphore_mem>>
          %dma_start3A = arith.constant 0 : i32
          %dma_start3A_50 = tpu.memref_slice %arg13[%add3A_48, %dma_start3A] : memref<256x32xf32, #tpu.memory_space<vmem_shared>> -> memref<128x32xf32, #tpu.memory_space<vmem_shared>>
          %dma_start3A_51 = arith.constant 0 : i32
          %dma_start3A_52 = tpu.memref_slice %arg13[%add3A_48, %dma_start3A_51] : memref<256x32xf32, #tpu.memory_space<vmem_shared>> -> memref<128x32xf32, #tpu.memory_space<vmem_shared>>
          tpu.enqueue_dma source(%arg7 : memref<128x32xf32, #tpu.memory_space<vmem>>) target(%dma_start3A_52 : memref<128x32xf32, #tpu.memory_space<vmem_shared>>) target_semaphore(%run_scoped3A : memref<!tpu.dma_semaphore, #tpu.memory_space<semaphore_mem>>)
          %dma_wait3A = arith.constant 0 : i32
          %dma_wait3A_53 = tpu.memref_slice %arg13[%add3A_48, %dma_wait3A] : memref<256x32xf32, #tpu.memory_space<vmem_shared>> -> memref<128x32xf32, #tpu.memory_space<vmem_shared>>
          %dma_wait3A_54 = arith.constant 0 : i32
          %dma_wait3A_55 = tpu.memref_slice %arg13[%add3A_48, %dma_wait3A_54] : memref<256x32xf32, #tpu.memory_space<vmem_shared>> -> memref<128x32xf32, #tpu.memory_space<vmem_shared>>
          tpu.wait_dma2 semaphore(%run_scoped3A : memref<!tpu.dma_semaphore, #tpu.memory_space<semaphore_mem>>) src(%arg7 : memref<128x32xf32, #tpu.memory_space<vmem>>) dst(%dma_wait3A_55 : memref<128x32xf32, #tpu.memory_space<vmem_shared>>)
          tpu.yield
        }) : () -> ()
        %scan3A_49 = arith.constant 0 : i32
        scf.yield %scan3A_49 : i32
      }
      %scan3A_35 = arith.constant 2 : i32
      %scan3A_36 = arith.constant 0 : i32
      %scan3A_37 = arith.constant 0 : i32
      %scan3A_38 = arith.constant 2 : i32
      %scan3A_39 = arith.addi %scan3A_37, %scan3A_38 : i32
      %scan3A_40 = arith.constant 1 : i32
      %scan3A_41 = scf.for %scan3A_43 = %scan3A_37 to %scan3A_39 step %scan3A_40 iter_args(%scan3A_44 = %scan3A_36) -> (i32)  : i32 {
        %mul3A_45 = arith.constant 128 : i32
        %mul3A_46 = arith.muli %scan3A_43, %mul3A_45 : i32
        %add3A_47 = arith.constant 0 : i32
        %add3A_48 = arith.addi %add3A_47, %mul3A_46 : i32
        "tpu.region"() ({
          %run_scoped3A = tpu.sem_alloc : memref<!tpu.dma_semaphore, #tpu.memory_space<semaphore_mem>>
          %dma_start3A = arith.constant 0 : i32
          %dma_start3A_50 = tpu.memref_slice %arg14[%add3A_48, %dma_start3A] : memref<256x32xf32, #tpu.memory_space<vmem_shared>> -> memref<128x32xf32, #tpu.memory_space<vmem_shared>>
          %dma_start3A_51 = arith.constant 0 : i32
          %dma_start3A_52 = tpu.memref_slice %arg14[%add3A_48, %dma_start3A_51] : memref<256x32xf32, #tpu.memory_space<vmem_shared>> -> memref<128x32xf32, #tpu.memory_space<vmem_shared>>
          tpu.enqueue_dma source(%arg7 : memref<128x32xf32, #tpu.memory_space<vmem>>) target(%dma_start3A_52 : memref<128x32xf32, #tpu.memory_space<vmem_shared>>) target_semaphore(%run_scoped3A : memref<!tpu.dma_semaphore, #tpu.memory_space<semaphore_mem>>)
          %dma_wait3A = arith.constant 0 : i32
          %dma_wait3A_53 = tpu.memref_slice %arg14[%add3A_48, %dma_wait3A] : memref<256x32xf32, #tpu.memory_space<vmem_shared>> -> memref<128x32xf32, #tpu.memory_space<vmem_shared>>
          %dma_wait3A_54 = arith.constant 0 : i32
          %dma_wait3A_55 = tpu.memref_slice %arg14[%add3A_48, %dma_wait3A_54] : memref<256x32xf32, #tpu.memory_space<vmem_shared>> -> memref<128x32xf32, #tpu.memory_space<vmem_shared>>
          tpu.wait_dma2 semaphore(%run_scoped3A : memref<!tpu.dma_semaphore, #tpu.memory_space<semaphore_mem>>) src(%arg7 : memref<128x32xf32, #tpu.memory_space<vmem>>) dst(%dma_wait3A_55 : memref<128x32xf32, #tpu.memory_space<vmem_shared>>)
          tpu.yield
        }) : () -> ()
        %scan3A_49 = arith.constant 0 : i32
        scf.yield %scan3A_49 : i32
      }
      %scan3A_42 = arith.constant 2 : i32
    } else {
    }
    %barrier3A = arith.constant 0 : index
    tpu.barrier barrier_id(%barrier3A)
    %scan3A_9 = arith.constant 0 : i32
    %scan3A_10 = arith.constant 0 : i32
    %scan3A_11 = arith.constant 8 : i32
    %scan3A_12 = arith.addi %scan3A_10, %scan3A_11 : i32
    %scan3A_13 = arith.constant 1 : i32
    %scan3A_14 = scf.for %scan3A_22 = %scan3A_10 to %scan3A_12 step %scan3A_13 iter_args(%scan3A_23 = %scan3A_9) -> (i32)  : i32 {
      %mul3A_24 = arith.constant 1024 : i32
      %mul3A_25 = arith.muli %add3A, %mul3A_24 : i32
      %mul3A_26 = arith.constant 128 : i32
      %mul3A_27 = arith.muli %scan3A_22, %mul3A_26 : i32
      %add3A_28 = arith.addi %mul3A_25, %mul3A_27 : i32
      %jit3A = arith.constant 128 : i32
      %div3A = arith.divsi %add3A_28, %jit3A : i32
      %sign3A = arith.constant 0 : i32
      %sign3A_29 = arith.cmpi sgt, %add3A_28, %sign3A : i32
      %sign3A_30 = arith.extui %sign3A_29 : i1 to i32
      %sign3A_31 = arith.constant 0 : i32
      %sign3A_32 = arith.cmpi slt, %add3A_28, %sign3A_31 : i32
      %sign3A_33 = arith.extui %sign3A_32 : i1 to i32
      %sign3A_34 = arith.subi %sign3A_30, %sign3A_33 : i32
      %sign3A_35 = arith.constant 0 : i32
      %sign3A_36 = arith.cmpi sgt, %jit3A, %sign3A_35 : i32
      %sign3A_37 = arith.extui %sign3A_36 : i1 to i32
      %sign3A_38 = arith.constant 0 : i32
      %sign3A_39 = arith.cmpi slt, %jit3A, %sign3A_38 : i32
      %sign3A_40 = arith.extui %sign3A_39 : i1 to i32
      %sign3A_41 = arith.subi %sign3A_37, %sign3A_40 : i32
      %ne3A = arith.cmpi ne, %sign3A_34, %sign3A_41 : i32
      %rem3A = arith.remsi %add3A_28, %jit3A : i32
      %ne3A_42 = arith.constant 0 : i32
      %ne3A_43 = arith.cmpi ne, %rem3A, %ne3A_42 : i32
      %and3A = arith.andi %ne3A, %ne3A_43 : i1
      %sub3A = arith.constant 1 : i32
      %sub3A_44 = arith.subi %div3A, %sub3A : i32
      %select_n3A = arith.select %and3A, %sub3A_44, %div3A : i32
      "tpu.region"() ({
        %run_scoped3A = tpu.sem_alloc : memref<!tpu.dma_semaphore, #tpu.memory_space<semaphore_mem>>
        %dma_start3A = arith.constant 0 : i32
        %dma_start3A_46 = tpu.memref_slice %arg2[%select_n3A, %dma_start3A] : memref<256x128xi32, #tpu.memory_space<hbm>> -> memref<1x128xi32, #tpu.memory_space<hbm>>
        %dma_start3A_47 = tpu.memref_squeeze %dma_start3A_46 : memref<1x128xi32, #tpu.memory_space<hbm>> -> memref<128xi32, #tpu.memory_space<hbm>>
        %dma_start3A_48 = arith.constant 0 : i32
        %dma_start3A_49 = tpu.memref_slice %arg2[%select_n3A, %dma_start3A_48] : memref<256x128xi32, #tpu.memory_space<hbm>> -> memref<1x128xi32, #tpu.memory_space<hbm>>
        %dma_start3A_50 = tpu.memref_squeeze %dma_start3A_49 : memref<1x128xi32, #tpu.memory_space<hbm>> -> memref<128xi32, #tpu.memory_space<hbm>>
        tpu.enqueue_dma source(%dma_start3A_50 : memref<128xi32, #tpu.memory_space<hbm>>) target(%arg8 : memref<128xi32, #tpu.memory_space<vmem>>) target_semaphore(%run_scoped3A : memref<!tpu.dma_semaphore, #tpu.memory_space<semaphore_mem>>)
        %dma_wait3A = arith.constant 0 : i32
        %dma_wait3A_51 = tpu.memref_slice %arg2[%select_n3A, %dma_wait3A] : memref<256x128xi32, #tpu.memory_space<hbm>> -> memref<1x128xi32, #tpu.memory_space<hbm>>
        %dma_wait3A_52 = tpu.memref_squeeze %dma_wait3A_51 : memref<1x128xi32, #tpu.memory_space<hbm>> -> memref<128xi32, #tpu.memory_space<hbm>>
        %dma_wait3A_53 = arith.constant 0 : i32
        %dma_wait3A_54 = tpu.memref_slice %arg2[%select_n3A, %dma_wait3A_53] : memref<256x128xi32, #tpu.memory_space<hbm>> -> memref<1x128xi32, #tpu.memory_space<hbm>>
        %dma_wait3A_55 = tpu.memref_squeeze %dma_wait3A_54 : memref<1x128xi32, #tpu.memory_space<hbm>> -> memref<128xi32, #tpu.memory_space<hbm>>
        tpu.wait_dma2 semaphore(%run_scoped3A : memref<!tpu.dma_semaphore, #tpu.memory_space<semaphore_mem>>) src(%dma_wait3A_55 : memref<128xi32, #tpu.memory_space<hbm>>) dst(%arg8 : memref<128xi32, #tpu.memory_space<vmem>>)
        tpu.yield
      }) : () -> ()
      "tpu.region"() ({
        %run_scoped3A = tpu.sem_alloc : memref<!tpu.dma_semaphore, #tpu.memory_space<semaphore_mem>>
        %dma_start3A = arith.constant 0 : i32
        %dma_start3A_46 = tpu.memref_slice %arg3[%add3A_28, %dma_start3A] : memref<32768x32xf32, #tpu.memory_space<hbm>> -> memref<128x32xf32, #tpu.memory_space<hbm>>
        %dma_start3A_47 = arith.constant 0 : i32
        %dma_start3A_48 = tpu.memref_slice %arg3[%add3A_28, %dma_start3A_47] : memref<32768x32xf32, #tpu.memory_space<hbm>> -> memref<128x32xf32, #tpu.memory_space<hbm>>
        tpu.enqueue_dma source(%dma_start3A_48 : memref<128x32xf32, #tpu.memory_space<hbm>>) target(%arg9 : memref<128x32xf32, #tpu.memory_space<vmem>>) target_semaphore(%run_scoped3A : memref<!tpu.dma_semaphore, #tpu.memory_space<semaphore_mem>>)
        %dma_wait3A = arith.constant 0 : i32
        %dma_wait3A_49 = tpu.memref_slice %arg3[%add3A_28, %dma_wait3A] : memref<32768x32xf32, #tpu.memory_space<hbm>> -> memref<128x32xf32, #tpu.memory_space<hbm>>
        %dma_wait3A_50 = arith.constant 0 : i32
        %dma_wait3A_51 = tpu.memref_slice %arg3[%add3A_28, %dma_wait3A_50] : memref<32768x32xf32, #tpu.memory_space<hbm>> -> memref<128x32xf32, #tpu.memory_space<hbm>>
        tpu.wait_dma2 semaphore(%run_scoped3A : memref<!tpu.dma_semaphore, #tpu.memory_space<semaphore_mem>>) src(%dma_wait3A_51 : memref<128x32xf32, #tpu.memory_space<hbm>>) dst(%arg9 : memref<128x32xf32, #tpu.memory_space<vmem>>)
        tpu.yield
      }) : () -> ()
      "tpu.region"() ({
        %run_scoped3A = tpu.sem_alloc : memref<!tpu.dma_semaphore, #tpu.memory_space<semaphore_mem>>
        %dma_start3A = arith.constant 0 : i32
        %dma_start3A_46 = tpu.memref_slice %arg4[%add3A_28, %dma_start3A] : memref<32768x32xf32, #tpu.memory_space<hbm>> -> memref<128x32xf32, #tpu.memory_space<hbm>>
        %dma_start3A_47 = arith.constant 0 : i32
        %dma_start3A_48 = tpu.memref_slice %arg4[%add3A_28, %dma_start3A_47] : memref<32768x32xf32, #tpu.memory_space<hbm>> -> memref<128x32xf32, #tpu.memory_space<hbm>>
        tpu.enqueue_dma source(%dma_start3A_48 : memref<128x32xf32, #tpu.memory_space<hbm>>) target(%arg10 : memref<128x32xf32, #tpu.memory_space<vmem>>) target_semaphore(%run_scoped3A : memref<!tpu.dma_semaphore, #tpu.memory_space<semaphore_mem>>)
        %dma_wait3A = arith.constant 0 : i32
        %dma_wait3A_49 = tpu.memref_slice %arg4[%add3A_28, %dma_wait3A] : memref<32768x32xf32, #tpu.memory_space<hbm>> -> memref<128x32xf32, #tpu.memory_space<hbm>>
        %dma_wait3A_50 = arith.constant 0 : i32
        %dma_wait3A_51 = tpu.memref_slice %arg4[%add3A_28, %dma_wait3A_50] : memref<32768x32xf32, #tpu.memory_space<hbm>> -> memref<128x32xf32, #tpu.memory_space<hbm>>
        tpu.wait_dma2 semaphore(%run_scoped3A : memref<!tpu.dma_semaphore, #tpu.memory_space<semaphore_mem>>) src(%dma_wait3A_51 : memref<128x32xf32, #tpu.memory_space<hbm>>) dst(%arg10 : memref<128x32xf32, #tpu.memory_space<vmem>>)
        tpu.yield
      }) : () -> ()
      "tpu.region"() ({
        %run_scoped3A = tpu.sem_alloc : memref<!tpu.dma_semaphore, #tpu.memory_space<semaphore_mem>>
        %dma_start3A = arith.constant 0 : i32
        %dma_start3A_46 = tpu.memref_slice %arg5[%add3A_28, %dma_start3A] : memref<32768x32xf32, #tpu.memory_space<hbm>> -> memref<128x32xf32, #tpu.memory_space<hbm>>
        %dma_start3A_47 = arith.constant 0 : i32
        %dma_start3A_48 = tpu.memref_slice %arg5[%add3A_28, %dma_start3A_47] : memref<32768x32xf32, #tpu.memory_space<hbm>> -> memref<128x32xf32, #tpu.memory_space<hbm>>
        tpu.enqueue_dma source(%dma_start3A_48 : memref<128x32xf32, #tpu.memory_space<hbm>>) target(%arg11 : memref<128x32xf32, #tpu.memory_space<vmem>>) target_semaphore(%run_scoped3A : memref<!tpu.dma_semaphore, #tpu.memory_space<semaphore_mem>>)
        %dma_wait3A = arith.constant 0 : i32
        %dma_wait3A_49 = tpu.memref_slice %arg5[%add3A_28, %dma_wait3A] : memref<32768x32xf32, #tpu.memory_space<hbm>> -> memref<128x32xf32, #tpu.memory_space<hbm>>
        %dma_wait3A_50 = arith.constant 0 : i32
        %dma_wait3A_51 = tpu.memref_slice %arg5[%add3A_28, %dma_wait3A_50] : memref<32768x32xf32, #tpu.memory_space<hbm>> -> memref<128x32xf32, #tpu.memory_space<hbm>>
        tpu.wait_dma2 semaphore(%run_scoped3A : memref<!tpu.dma_semaphore, #tpu.memory_space<semaphore_mem>>) src(%dma_wait3A_51 : memref<128x32xf32, #tpu.memory_space<hbm>>) dst(%arg11 : memref<128x32xf32, #tpu.memory_space<vmem>>)
        tpu.yield
      }) : () -> ()
      "tpu.region"() ({
        %run_scoped3A = tpu.sem_alloc : memref<!tpu.dma_semaphore, #tpu.memory_space<semaphore_mem>>
        %dma_start3A = arith.constant 0 : i32
        %dma_start3A_46 = arith.constant 0 : i32
        %dma_start3A_47 = tpu.memref_slice %arg12[%dma_start3A, %dma_start3A_46] : memref<256x32xf32, #tpu.memory_space<vmem_shared>> -> memref<256x32xf32, #tpu.memory_space<vmem_shared>>
        tpu.enqueue_indirect_dma source(%arg9 : memref<128x32xf32, #tpu.memory_space<vmem>>) target(%dma_start3A_47 : memref<256x32xf32, #tpu.memory_space<vmem_shared>>) offsets(%arg8 : memref<128xi32, #tpu.memory_space<vmem>>) semaphore(%run_scoped3A : memref<!tpu.dma_semaphore, #tpu.memory_space<semaphore_mem>>) {add = true}
        %dma_wait3A = arith.constant 0 : i32
        %dma_wait3A_48 = arith.constant 0 : i32
        %dma_wait3A_49 = tpu.memref_slice %arg12[%dma_wait3A, %dma_wait3A_48] : memref<256x32xf32, #tpu.memory_space<vmem_shared>> -> memref<256x32xf32, #tpu.memory_space<vmem_shared>>
        tpu.wait_indirect_dma semaphore(%run_scoped3A : memref<!tpu.dma_semaphore, #tpu.memory_space<semaphore_mem>>) src(%arg9 : memref<128x32xf32, #tpu.memory_space<vmem>>) dst(%dma_wait3A_49 : memref<256x32xf32, #tpu.memory_space<vmem_shared>>)
        tpu.yield
      }) : () -> ()
      "tpu.region"() ({
        %run_scoped3A = tpu.sem_alloc : memref<!tpu.dma_semaphore, #tpu.memory_space<semaphore_mem>>
        %dma_start3A = arith.constant 0 : i32
        %dma_start3A_46 = arith.constant 0 : i32
        %dma_start3A_47 = tpu.memref_slice %arg13[%dma_start3A, %dma_start3A_46] : memref<256x32xf32, #tpu.memory_space<vmem_shared>> -> memref<256x32xf32, #tpu.memory_space<vmem_shared>>
        tpu.enqueue_indirect_dma source(%arg10 : memref<128x32xf32, #tpu.memory_space<vmem>>) target(%dma_start3A_47 : memref<256x32xf32, #tpu.memory_space<vmem_shared>>) offsets(%arg8 : memref<128xi32, #tpu.memory_space<vmem>>) semaphore(%run_scoped3A : memref<!tpu.dma_semaphore, #tpu.memory_space<semaphore_mem>>) {add = true}
        %dma_wait3A = arith.constant 0 : i32
        %dma_wait3A_48 = arith.constant 0 : i32
        %dma_wait3A_49 = tpu.memref_slice %arg13[%dma_wait3A, %dma_wait3A_48] : memref<256x32xf32, #tpu.memory_space<vmem_shared>> -> memref<256x32xf32, #tpu.memory_space<vmem_shared>>
        tpu.wait_indirect_dma semaphore(%run_scoped3A : memref<!tpu.dma_semaphore, #tpu.memory_space<semaphore_mem>>) src(%arg10 : memref<128x32xf32, #tpu.memory_space<vmem>>) dst(%dma_wait3A_49 : memref<256x32xf32, #tpu.memory_space<vmem_shared>>)
        tpu.yield
      }) : () -> ()
      "tpu.region"() ({
        %run_scoped3A = tpu.sem_alloc : memref<!tpu.dma_semaphore, #tpu.memory_space<semaphore_mem>>
        %dma_start3A = arith.constant 0 : i32
        %dma_start3A_46 = arith.constant 0 : i32
        %dma_start3A_47 = tpu.memref_slice %arg14[%dma_start3A, %dma_start3A_46] : memref<256x32xf32, #tpu.memory_space<vmem_shared>> -> memref<256x32xf32, #tpu.memory_space<vmem_shared>>
        tpu.enqueue_indirect_dma source(%arg11 : memref<128x32xf32, #tpu.memory_space<vmem>>) target(%dma_start3A_47 : memref<256x32xf32, #tpu.memory_space<vmem_shared>>) offsets(%arg8 : memref<128xi32, #tpu.memory_space<vmem>>) semaphore(%run_scoped3A : memref<!tpu.dma_semaphore, #tpu.memory_space<semaphore_mem>>) {add = true}
        %dma_wait3A = arith.constant 0 : i32
        %dma_wait3A_48 = arith.constant 0 : i32
        %dma_wait3A_49 = tpu.memref_slice %arg14[%dma_wait3A, %dma_wait3A_48] : memref<256x32xf32, #tpu.memory_space<vmem_shared>> -> memref<256x32xf32, #tpu.memory_space<vmem_shared>>
        tpu.wait_indirect_dma semaphore(%run_scoped3A : memref<!tpu.dma_semaphore, #tpu.memory_space<semaphore_mem>>) src(%arg11 : memref<128x32xf32, #tpu.memory_space<vmem>>) dst(%dma_wait3A_49 : memref<256x32xf32, #tpu.memory_space<vmem_shared>>)
        tpu.yield
      }) : () -> ()
      %scan3A_45 = arith.constant 0 : i32
      scf.yield %scan3A_45 : i32
    }
    %scan3A_15 = arith.constant 8 : i32
    %barrier3A_16 = arith.constant 0 : index
    tpu.barrier barrier_id(%barrier3A_16)
    %eq3A_17 = arith.constant 0 : i32
    %eq3A_18 = arith.cmpi eq, %arg1, %eq3A_17 : i32
    %convert_element_type3A_19 = arith.extui %eq3A_18 : i1 to i32
    %cond3A_20 = arith.constant 0 : i32
    %cond3A_21 = arith.cmpi ne, %convert_element_type3A_19, %cond3A_20 : i32
    scf.if %cond3A_21 {
      %run_scoped3A = arith.constant 0 : i32
      "tpu.region"() ({
        %run_scoped3A_27 = tpu.sem_alloc : memref<!tpu.dma_semaphore, #tpu.memory_space<semaphore_mem>>
        %dma_start3A = arith.constant 0 : i32
        %dma_start3A_28 = arith.constant 0 : i32
        %dma_start3A_29 = tpu.memref_slice %arg6[%arg0, %run_scoped3A, %dma_start3A, %dma_start3A_28] : memref<2x3x256x32xf32, #tpu.memory_space<hbm>> -> memref<1x1x128x32xf32, #tpu.memory_space<hbm>>
        %dma_start3A_30 = tpu.memref_squeeze %dma_start3A_29 : memref<1x1x128x32xf32, #tpu.memory_space<hbm>> -> memref<128x32xf32, #tpu.memory_space<hbm>>
        %dma_start3A_31 = arith.constant 0 : i32
        %dma_start3A_32 = arith.constant 0 : i32
        %dma_start3A_33 = tpu.memref_slice %arg12[%dma_start3A_31, %dma_start3A_32] : memref<256x32xf32, #tpu.memory_space<vmem_shared>> -> memref<128x32xf32, #tpu.memory_space<vmem_shared>>
        tpu.enqueue_dma source(%dma_start3A_33 : memref<128x32xf32, #tpu.memory_space<vmem_shared>>) target(%dma_start3A_30 : memref<128x32xf32, #tpu.memory_space<hbm>>) target_semaphore(%run_scoped3A_27 : memref<!tpu.dma_semaphore, #tpu.memory_space<semaphore_mem>>)
        %dma_wait3A = arith.constant 0 : i32
        %dma_wait3A_34 = arith.constant 0 : i32
        %dma_wait3A_35 = tpu.memref_slice %arg6[%arg0, %run_scoped3A, %dma_wait3A, %dma_wait3A_34] : memref<2x3x256x32xf32, #tpu.memory_space<hbm>> -> memref<1x1x128x32xf32, #tpu.memory_space<hbm>>
        %dma_wait3A_36 = tpu.memref_squeeze %dma_wait3A_35 : memref<1x1x128x32xf32, #tpu.memory_space<hbm>> -> memref<128x32xf32, #tpu.memory_space<hbm>>
        %dma_wait3A_37 = arith.constant 0 : i32
        %dma_wait3A_38 = arith.constant 0 : i32
        %dma_wait3A_39 = tpu.memref_slice %arg12[%dma_wait3A_37, %dma_wait3A_38] : memref<256x32xf32, #tpu.memory_space<vmem_shared>> -> memref<128x32xf32, #tpu.memory_space<vmem_shared>>
        tpu.wait_dma2 semaphore(%run_scoped3A_27 : memref<!tpu.dma_semaphore, #tpu.memory_space<semaphore_mem>>) src(%dma_wait3A_39 : memref<128x32xf32, #tpu.memory_space<vmem_shared>>) dst(%dma_wait3A_36 : memref<128x32xf32, #tpu.memory_space<hbm>>)
        tpu.yield
      }) : () -> ()
      %run_scoped3A_22 = arith.constant 0 : i32
      "tpu.region"() ({
        %run_scoped3A_27 = tpu.sem_alloc : memref<!tpu.dma_semaphore, #tpu.memory_space<semaphore_mem>>
        %dma_start3A = arith.constant 128 : i32
        %dma_start3A_28 = arith.constant 0 : i32
        %dma_start3A_29 = tpu.memref_slice %arg6[%arg0, %run_scoped3A_22, %dma_start3A, %dma_start3A_28] : memref<2x3x256x32xf32, #tpu.memory_space<hbm>> -> memref<1x1x128x32xf32, #tpu.memory_space<hbm>>
        %dma_start3A_30 = tpu.memref_squeeze %dma_start3A_29 : memref<1x1x128x32xf32, #tpu.memory_space<hbm>> -> memref<128x32xf32, #tpu.memory_space<hbm>>
        %dma_start3A_31 = arith.constant 128 : i32
        %dma_start3A_32 = arith.constant 0 : i32
        %dma_start3A_33 = tpu.memref_slice %arg12[%dma_start3A_31, %dma_start3A_32] : memref<256x32xf32, #tpu.memory_space<vmem_shared>> -> memref<128x32xf32, #tpu.memory_space<vmem_shared>>
        tpu.enqueue_dma source(%dma_start3A_33 : memref<128x32xf32, #tpu.memory_space<vmem_shared>>) target(%dma_start3A_30 : memref<128x32xf32, #tpu.memory_space<hbm>>) target_semaphore(%run_scoped3A_27 : memref<!tpu.dma_semaphore, #tpu.memory_space<semaphore_mem>>)
        %dma_wait3A = arith.constant 128 : i32
        %dma_wait3A_34 = arith.constant 0 : i32
        %dma_wait3A_35 = tpu.memref_slice %arg6[%arg0, %run_scoped3A_22, %dma_wait3A, %dma_wait3A_34] : memref<2x3x256x32xf32, #tpu.memory_space<hbm>> -> memref<1x1x128x32xf32, #tpu.memory_space<hbm>>
        %dma_wait3A_36 = tpu.memref_squeeze %dma_wait3A_35 : memref<1x1x128x32xf32, #tpu.memory_space<hbm>> -> memref<128x32xf32, #tpu.memory_space<hbm>>
        %dma_wait3A_37 = arith.constant 128 : i32
        %dma_wait3A_38 = arith.constant 0 : i32
        %dma_wait3A_39 = tpu.memref_slice %arg12[%dma_wait3A_37, %dma_wait3A_38] : memref<256x32xf32, #tpu.memory_space<vmem_shared>> -> memref<128x32xf32, #tpu.memory_space<vmem_shared>>
        tpu.wait_dma2 semaphore(%run_scoped3A_27 : memref<!tpu.dma_semaphore, #tpu.memory_space<semaphore_mem>>) src(%dma_wait3A_39 : memref<128x32xf32, #tpu.memory_space<vmem_shared>>) dst(%dma_wait3A_36 : memref<128x32xf32, #tpu.memory_space<hbm>>)
        tpu.yield
      }) : () -> ()
      %run_scoped3A_23 = arith.constant 1 : i32
      "tpu.region"() ({
        %run_scoped3A_27 = tpu.sem_alloc : memref<!tpu.dma_semaphore, #tpu.memory_space<semaphore_mem>>
        %dma_start3A = arith.constant 0 : i32
        %dma_start3A_28 = arith.constant 0 : i32
        %dma_start3A_29 = tpu.memref_slice %arg6[%arg0, %run_scoped3A_23, %dma_start3A, %dma_start3A_28] : memref<2x3x256x32xf32, #tpu.memory_space<hbm>> -> memref<1x1x128x32xf32, #tpu.memory_space<hbm>>
        %dma_start3A_30 = tpu.memref_squeeze %dma_start3A_29 : memref<1x1x128x32xf32, #tpu.memory_space<hbm>> -> memref<128x32xf32, #tpu.memory_space<hbm>>
        %dma_start3A_31 = arith.constant 0 : i32
        %dma_start3A_32 = arith.constant 0 : i32
        %dma_start3A_33 = tpu.memref_slice %arg13[%dma_start3A_31, %dma_start3A_32] : memref<256x32xf32, #tpu.memory_space<vmem_shared>> -> memref<128x32xf32, #tpu.memory_space<vmem_shared>>
        tpu.enqueue_dma source(%dma_start3A_33 : memref<128x32xf32, #tpu.memory_space<vmem_shared>>) target(%dma_start3A_30 : memref<128x32xf32, #tpu.memory_space<hbm>>) target_semaphore(%run_scoped3A_27 : memref<!tpu.dma_semaphore, #tpu.memory_space<semaphore_mem>>)
        %dma_wait3A = arith.constant 0 : i32
        %dma_wait3A_34 = arith.constant 0 : i32
        %dma_wait3A_35 = tpu.memref_slice %arg6[%arg0, %run_scoped3A_23, %dma_wait3A, %dma_wait3A_34] : memref<2x3x256x32xf32, #tpu.memory_space<hbm>> -> memref<1x1x128x32xf32, #tpu.memory_space<hbm>>
        %dma_wait3A_36 = tpu.memref_squeeze %dma_wait3A_35 : memref<1x1x128x32xf32, #tpu.memory_space<hbm>> -> memref<128x32xf32, #tpu.memory_space<hbm>>
        %dma_wait3A_37 = arith.constant 0 : i32
        %dma_wait3A_38 = arith.constant 0 : i32
        %dma_wait3A_39 = tpu.memref_slice %arg13[%dma_wait3A_37, %dma_wait3A_38] : memref<256x32xf32, #tpu.memory_space<vmem_shared>> -> memref<128x32xf32, #tpu.memory_space<vmem_shared>>
        tpu.wait_dma2 semaphore(%run_scoped3A_27 : memref<!tpu.dma_semaphore, #tpu.memory_space<semaphore_mem>>) src(%dma_wait3A_39 : memref<128x32xf32, #tpu.memory_space<vmem_shared>>) dst(%dma_wait3A_36 : memref<128x32xf32, #tpu.memory_space<hbm>>)
        tpu.yield
      }) : () -> ()
      %run_scoped3A_24 = arith.constant 1 : i32
      "tpu.region"() ({
        %run_scoped3A_27 = tpu.sem_alloc : memref<!tpu.dma_semaphore, #tpu.memory_space<semaphore_mem>>
        %dma_start3A = arith.constant 128 : i32
        %dma_start3A_28 = arith.constant 0 : i32
        %dma_start3A_29 = tpu.memref_slice %arg6[%arg0, %run_scoped3A_24, %dma_start3A, %dma_start3A_28] : memref<2x3x256x32xf32, #tpu.memory_space<hbm>> -> memref<1x1x128x32xf32, #tpu.memory_space<hbm>>
        %dma_start3A_30 = tpu.memref_squeeze %dma_start3A_29 : memref<1x1x128x32xf32, #tpu.memory_space<hbm>> -> memref<128x32xf32, #tpu.memory_space<hbm>>
        %dma_start3A_31 = arith.constant 128 : i32
        %dma_start3A_32 = arith.constant 0 : i32
        %dma_start3A_33 = tpu.memref_slice %arg13[%dma_start3A_31, %dma_start3A_32] : memref<256x32xf32, #tpu.memory_space<vmem_shared>> -> memref<128x32xf32, #tpu.memory_space<vmem_shared>>
        tpu.enqueue_dma source(%dma_start3A_33 : memref<128x32xf32, #tpu.memory_space<vmem_shared>>) target(%dma_start3A_30 : memref<128x32xf32, #tpu.memory_space<hbm>>) target_semaphore(%run_scoped3A_27 : memref<!tpu.dma_semaphore, #tpu.memory_space<semaphore_mem>>)
        %dma_wait3A = arith.constant 128 : i32
        %dma_wait3A_34 = arith.constant 0 : i32
        %dma_wait3A_35 = tpu.memref_slice %arg6[%arg0, %run_scoped3A_24, %dma_wait3A, %dma_wait3A_34] : memref<2x3x256x32xf32, #tpu.memory_space<hbm>> -> memref<1x1x128x32xf32, #tpu.memory_space<hbm>>
        %dma_wait3A_36 = tpu.memref_squeeze %dma_wait3A_35 : memref<1x1x128x32xf32, #tpu.memory_space<hbm>> -> memref<128x32xf32, #tpu.memory_space<hbm>>
        %dma_wait3A_37 = arith.constant 128 : i32
        %dma_wait3A_38 = arith.constant 0 : i32
        %dma_wait3A_39 = tpu.memref_slice %arg13[%dma_wait3A_37, %dma_wait3A_38] : memref<256x32xf32, #tpu.memory_space<vmem_shared>> -> memref<128x32xf32, #tpu.memory_space<vmem_shared>>
        tpu.wait_dma2 semaphore(%run_scoped3A_27 : memref<!tpu.dma_semaphore, #tpu.memory_space<semaphore_mem>>) src(%dma_wait3A_39 : memref<128x32xf32, #tpu.memory_space<vmem_shared>>) dst(%dma_wait3A_36 : memref<128x32xf32, #tpu.memory_space<hbm>>)
        tpu.yield
      }) : () -> ()
      %run_scoped3A_25 = arith.constant 2 : i32
      "tpu.region"() ({
        %run_scoped3A_27 = tpu.sem_alloc : memref<!tpu.dma_semaphore, #tpu.memory_space<semaphore_mem>>
        %dma_start3A = arith.constant 0 : i32
        %dma_start3A_28 = arith.constant 0 : i32
        %dma_start3A_29 = tpu.memref_slice %arg6[%arg0, %run_scoped3A_25, %dma_start3A, %dma_start3A_28] : memref<2x3x256x32xf32, #tpu.memory_space<hbm>> -> memref<1x1x128x32xf32, #tpu.memory_space<hbm>>
        %dma_start3A_30 = tpu.memref_squeeze %dma_start3A_29 : memref<1x1x128x32xf32, #tpu.memory_space<hbm>> -> memref<128x32xf32, #tpu.memory_space<hbm>>
        %dma_start3A_31 = arith.constant 0 : i32
        %dma_start3A_32 = arith.constant 0 : i32
        %dma_start3A_33 = tpu.memref_slice %arg14[%dma_start3A_31, %dma_start3A_32] : memref<256x32xf32, #tpu.memory_space<vmem_shared>> -> memref<128x32xf32, #tpu.memory_space<vmem_shared>>
        tpu.enqueue_dma source(%dma_start3A_33 : memref<128x32xf32, #tpu.memory_space<vmem_shared>>) target(%dma_start3A_30 : memref<128x32xf32, #tpu.memory_space<hbm>>) target_semaphore(%run_scoped3A_27 : memref<!tpu.dma_semaphore, #tpu.memory_space<semaphore_mem>>)
        %dma_wait3A = arith.constant 0 : i32
        %dma_wait3A_34 = arith.constant 0 : i32
        %dma_wait3A_35 = tpu.memref_slice %arg6[%arg0, %run_scoped3A_25, %dma_wait3A, %dma_wait3A_34] : memref<2x3x256x32xf32, #tpu.memory_space<hbm>> -> memref<1x1x128x32xf32, #tpu.memory_space<hbm>>
        %dma_wait3A_36 = tpu.memref_squeeze %dma_wait3A_35 : memref<1x1x128x32xf32, #tpu.memory_space<hbm>> -> memref<128x32xf32, #tpu.memory_space<hbm>>
        %dma_wait3A_37 = arith.constant 0 : i32
        %dma_wait3A_38 = arith.constant 0 : i32
        %dma_wait3A_39 = tpu.memref_slice %arg14[%dma_wait3A_37, %dma_wait3A_38] : memref<256x32xf32, #tpu.memory_space<vmem_shared>> -> memref<128x32xf32, #tpu.memory_space<vmem_shared>>
        tpu.wait_dma2 semaphore(%run_scoped3A_27 : memref<!tpu.dma_semaphore, #tpu.memory_space<semaphore_mem>>) src(%dma_wait3A_39 : memref<128x32xf32, #tpu.memory_space<vmem_shared>>) dst(%dma_wait3A_36 : memref<128x32xf32, #tpu.memory_space<hbm>>)
        tpu.yield
      }) : () -> ()
      %run_scoped3A_26 = arith.constant 2 : i32
      "tpu.region"() ({
        %run_scoped3A_27 = tpu.sem_alloc : memref<!tpu.dma_semaphore, #tpu.memory_space<semaphore_mem>>
        %dma_start3A = arith.constant 128 : i32
        %dma_start3A_28 = arith.constant 0 : i32
        %dma_start3A_29 = tpu.memref_slice %arg6[%arg0, %run_scoped3A_26, %dma_start3A, %dma_start3A_28] : memref<2x3x256x32xf32, #tpu.memory_space<hbm>> -> memref<1x1x128x32xf32, #tpu.memory_space<hbm>>
        %dma_start3A_30 = tpu.memref_squeeze %dma_start3A_29 : memref<1x1x128x32xf32, #tpu.memory_space<hbm>> -> memref<128x32xf32, #tpu.memory_space<hbm>>
        %dma_start3A_31 = arith.constant 128 : i32
        %dma_start3A_32 = arith.constant 0 : i32
        %dma_start3A_33 = tpu.memref_slice %arg14[%dma_start3A_31, %dma_start3A_32] : memref<256x32xf32, #tpu.memory_space<vmem_shared>> -> memref<128x32xf32, #tpu.memory_space<vmem_shared>>
        tpu.enqueue_dma source(%dma_start3A_33 : memref<128x32xf32, #tpu.memory_space<vmem_shared>>) target(%dma_start3A_30 : memref<128x32xf32, #tpu.memory_space<hbm>>) target_semaphore(%run_scoped3A_27 : memref<!tpu.dma_semaphore, #tpu.memory_space<semaphore_mem>>)
        %dma_wait3A = arith.constant 128 : i32
        %dma_wait3A_34 = arith.constant 0 : i32
        %dma_wait3A_35 = tpu.memref_slice %arg6[%arg0, %run_scoped3A_26, %dma_wait3A, %dma_wait3A_34] : memref<2x3x256x32xf32, #tpu.memory_space<hbm>> -> memref<1x1x128x32xf32, #tpu.memory_space<hbm>>
        %dma_wait3A_36 = tpu.memref_squeeze %dma_wait3A_35 : memref<1x1x128x32xf32, #tpu.memory_space<hbm>> -> memref<128x32xf32, #tpu.memory_space<hbm>>
        %dma_wait3A_37 = arith.constant 128 : i32
        %dma_wait3A_38 = arith.constant 0 : i32
        %dma_wait3A_39 = tpu.memref_slice %arg14[%dma_wait3A_37, %dma_wait3A_38] : memref<256x32xf32, #tpu.memory_space<vmem_shared>> -> memref<128x32xf32, #tpu.memory_space<vmem_shared>>
        tpu.wait_dma2 semaphore(%run_scoped3A_27 : memref<!tpu.dma_semaphore, #tpu.memory_space<semaphore_mem>>) src(%dma_wait3A_39 : memref<128x32xf32, #tpu.memory_space<vmem_shared>>) dst(%dma_wait3A_36 : memref<128x32xf32, #tpu.memory_space<hbm>>)
        tpu.yield
      }) : () -> ()
    } else {
    }
    return
  }
}

module attributes {stable_mosaic.version = 14 : i64} {
  func.func @body(%arg0: i32, %arg1: memref<2x2048x16xf32, #tpu.memory_space<vmem>>, %arg2: memref<2048x128xf32, #tpu.memory_space<vmem>>, %arg3: memref<128x32xf32, #tpu.memory_space<vmem>>, %arg4: memref<2048x1xf32, #tpu.memory_space<vmem>>, %arg5: memref<2048x32xf32, #tpu.memory_space<vmem>>) attributes {dimension_semantics = [#tpu.dimension_semantics<arbitrary>], iteration_bounds = array<i64: 16>, scalar_prefetch = 0 : i64, scratch_operands = 0 : i64, tpu.core_type = #tpu.core_type<tc>, window_params = [{transform_indices = @transform_0, window_bounds = array<i64: 2, 2048, 16>}, {transform_indices = @transform_1, window_bounds = array<i64: 2048, 128>}, {pipeline_mode = #tpu.pipeline_mode<synchronous>, transform_indices = @transform_2, window_bounds = array<i64: 128, 32>}, {transform_indices = @transform_3, window_bounds = array<i64: 2048, 1>}, {transform_indices = @transform_4, window_bounds = array<i64: 2048, 32>}]} {
    %get3A = arith.constant 0 : index
    %get3A_0 = arith.constant 0 : index
    %get3A_1 = arith.constant 0 : index
    %get3A_2 = vector.load %arg1[%get3A, %get3A_0, %get3A_1] : memref<2x2048x16xf32, #tpu.memory_space<vmem>>, vector<1x2048x1xf32>
    %get3A_3 = vector.shape_cast %get3A_2 : vector<1x2048x1xf32> to vector<2048x1xf32>
    %get3A_4 = arith.constant 1 : index
    %get3A_5 = arith.constant 0 : index
    %get3A_6 = arith.constant 0 : index
    %get3A_7 = vector.load %arg1[%get3A_4, %get3A_5, %get3A_6] : memref<2x2048x16xf32, #tpu.memory_space<vmem>>, vector<1x2048x1xf32>
    %get3A_8 = vector.shape_cast %get3A_7 : vector<1x2048x1xf32> to vector<2048x1xf32>
    %add3A = arith.addf %get3A_3, %get3A_8 : vector<2048x1xf32>
    %add3A_9 = arith.constant 1.000000e+00 : f32
    %add3A_10 = vector.broadcast %add3A_9 : f32 to vector<2048x1xf32>
    %add3A_11 = arith.addf %add3A, %add3A_10 : vector<2048x1xf32>
    %rsqrt3A = math.rsqrt %add3A_11 : vector<2048x1xf32>
    %swap3A = arith.constant 0 : index
    %swap3A_12 = arith.constant 0 : index
    %swap3A_13 = vector.load %arg4[%swap3A, %swap3A_12] : memref<2048x1xf32, #tpu.memory_space<vmem>>, vector<2048x1xf32>
    tpu.vector_store %arg4[%swap3A, %swap3A_12], %rsqrt3A {strides = array<i32>} : memref<2048x1xf32, #tpu.memory_space<vmem>>, vector<2048x1xf32>,
    %get3A_14 = arith.constant 0 : index
    %get3A_15 = arith.constant 0 : index
    %get3A_16 = vector.load %arg2[%get3A_14, %get3A_15] : memref<2048x128xf32, #tpu.memory_space<vmem>>, vector<2048x128xf32>
    %get3A_17 = arith.constant 0 : index
    %get3A_18 = arith.constant 0 : index
    %get3A_19 = vector.load %arg3[%get3A_17, %get3A_18] : memref<128x32xf32, #tpu.memory_space<vmem>>, vector<128x32xf32>
    %dot_general3A = arith.constant dense<0.000000e+00> : vector<2048x32xf32>
    %dot_general3A_20 = tpu.matmul %get3A_16, %get3A_19, %dot_general3A {dimension_numbers = #tpu.dot_dimension_numbers<[1], [0], [0], [1], [0, 0, 1, 1], [], []>, transpose_lhs_hint = false} : vector<2048x128xf32>, vector<128x32xf32>, vector<2048x32xf32> -> vector<2048x32xf32>
    %mul3A = vector.broadcast %rsqrt3A : vector<2048x1xf32> to vector<2048x32xf32>
    %mul3A_21 = arith.mulf %dot_general3A_20, %mul3A : vector<2048x32xf32>
    %swap3A_22 = arith.constant 0 : index
    %swap3A_23 = arith.constant 0 : index
    %swap3A_24 = vector.load %arg5[%swap3A_22, %swap3A_23] : memref<2048x32xf32, #tpu.memory_space<vmem>>, vector<2048x32xf32>
    tpu.vector_store %arg5[%swap3A_22, %swap3A_23], %mul3A_21 {strides = array<i32>} : memref<2048x32xf32, #tpu.memory_space<vmem>>, vector<2048x32xf32>,
    return
  }
  func.func @transform_0(%arg0: i32) -> (i32, i32, i32) {
    %c0_i32 = arith.constant 0 : i32
    %c0_i32_0 = arith.constant 0 : i32
    %c0_i32_1 = arith.constant 0 : i32
    return %c0_i32, %arg0, %c0_i32_0 : i32, i32, i32
  }
  func.func @transform_1(%arg0: i32) -> (i32, i32) {
    %c0_i32 = arith.constant 0 : i32
    %c0_i32_0 = arith.constant 0 : i32
    return %arg0, %c0_i32 : i32, i32
  }
  func.func @transform_2(%arg0: i32) -> (i32, i32) {
    %c0_i32 = arith.constant 0 : i32
    %c0_i32_0 = arith.constant 0 : i32
    %c0_i32_1 = arith.constant 0 : i32
    return %c0_i32, %c0_i32_0 : i32, i32
  }
  func.func @transform_3(%arg0: i32) -> (i32, i32) {
    %c0_i32 = arith.constant 0 : i32
    %c0_i32_0 = arith.constant 0 : i32
    return %arg0, %c0_i32 : i32, i32
  }
  func.func @transform_4(%arg0: i32) -> (i32, i32) {
    %c0_i32 = arith.constant 0 : i32
    %c0_i32_0 = arith.constant 0 : i32
    return %arg0, %c0_i32 : i32, i32
  }
}

module attributes {stable_mosaic.version = 14 : i64} {
  func.func @body(%arg0: i32, %arg1: memref<2x2048x32xf32, #tpu.memory_space<vmem>>, %arg2: memref<2048x32xf32, #tpu.memory_space<vmem>>, %arg3: memref<2048x1xf32, #tpu.memory_space<vmem>>, %arg4: memref<1x32xf32, #tpu.memory_space<vmem>>, %arg5: memref<32x32xf32, #tpu.memory_space<vmem>>, %arg6: memref<2048x32xf32, #tpu.memory_space<vmem>>, %arg7: memref<2048x32xf32, #tpu.memory_space<vmem>>) attributes {dimension_semantics = [#tpu.dimension_semantics<arbitrary>], iteration_bounds = array<i64: 16>, scalar_prefetch = 0 : i64, scratch_operands = 0 : i64, tpu.core_type = #tpu.core_type<tc>, window_params = [{transform_indices = @transform_0, window_bounds = array<i64: 2, 2048, 32>}, {transform_indices = @transform_1, window_bounds = array<i64: 2048, 32>}, {transform_indices = @transform_2, window_bounds = array<i64: 2048, 1>}, {pipeline_mode = #tpu.pipeline_mode<synchronous>, transform_indices = @transform_3, window_bounds = array<i64: 1, 32>}, {pipeline_mode = #tpu.pipeline_mode<synchronous>, transform_indices = @transform_4, window_bounds = array<i64: 32, 32>}, {transform_indices = @transform_5, window_bounds = array<i64: 2048, 32>}, {transform_indices = @transform_6, window_bounds = array<i64: 2048, 32>}]} {
    %get3A = arith.constant 0 : index
    %get3A_0 = arith.constant 0 : index
    %get3A_1 = arith.constant 0 : index
    %get3A_2 = vector.load %arg1[%get3A, %get3A_0, %get3A_1] : memref<2x2048x32xf32, #tpu.memory_space<vmem>>, vector<1x2048x32xf32>
    %get3A_3 = vector.shape_cast %get3A_2 : vector<1x2048x32xf32> to vector<2048x32xf32>
    %get3A_4 = arith.constant 1 : index
    %get3A_5 = arith.constant 0 : index
    %get3A_6 = arith.constant 0 : index
    %get3A_7 = vector.load %arg1[%get3A_4, %get3A_5, %get3A_6] : memref<2x2048x32xf32, #tpu.memory_space<vmem>>, vector<1x2048x32xf32>
    %get3A_8 = vector.shape_cast %get3A_7 : vector<1x2048x32xf32> to vector<2048x32xf32>
    %add3A = arith.addf %get3A_3, %get3A_8 : vector<2048x32xf32>
    %get3A_9 = arith.constant 0 : index
    %get3A_10 = arith.constant 0 : index
    %get3A_11 = vector.load %arg2[%get3A_9, %get3A_10] : memref<2048x32xf32, #tpu.memory_space<vmem>>, vector<2048x32xf32>
    %add3A_12 = arith.addf %add3A, %get3A_11 : vector<2048x32xf32>
    %get3A_13 = arith.constant 0 : index
    %get3A_14 = arith.constant 0 : index
    %get3A_15 = vector.load %arg3[%get3A_13, %get3A_14] : memref<2048x1xf32, #tpu.memory_space<vmem>>, vector<2048x1xf32>
    %mul3A = vector.broadcast %get3A_15 : vector<2048x1xf32> to vector<2048x32xf32>
    %mul3A_16 = arith.mulf %add3A_12, %mul3A : vector<2048x32xf32>
    %get3A_17 = arith.constant 0 : index
    %get3A_18 = arith.constant 0 : index
    %get3A_19 = vector.load %arg4[%get3A_17, %get3A_18] : memref<1x32xf32, #tpu.memory_space<vmem>>, vector<1x32xf32>
    %add3A_20 = vector.broadcast %get3A_19 : vector<1x32xf32> to vector<2048x32xf32>
    %add3A_21 = arith.addf %mul3A_16, %add3A_20 : vector<2048x32xf32>
    %tanh3A = math.tanh %add3A_21 : vector<2048x32xf32>
    %swap3A = arith.constant 0 : index
    %swap3A_22 = arith.constant 0 : index
    %swap3A_23 = vector.load %arg6[%swap3A, %swap3A_22] : memref<2048x32xf32, #tpu.memory_space<vmem>>, vector<2048x32xf32>
    tpu.vector_store %arg6[%swap3A, %swap3A_22], %tanh3A {strides = array<i32>} : memref<2048x32xf32, #tpu.memory_space<vmem>>, vector<2048x32xf32>,
    %get3A_24 = arith.constant 0 : index
    %get3A_25 = arith.constant 0 : index
    %get3A_26 = vector.load %arg5[%get3A_24, %get3A_25] : memref<32x32xf32, #tpu.memory_space<vmem>>, vector<32x32xf32>
    %dot_general3A = arith.constant dense<0.000000e+00> : vector<2048x32xf32>
    %dot_general3A_27 = tpu.matmul %tanh3A, %get3A_26, %dot_general3A {dimension_numbers = #tpu.dot_dimension_numbers<[1], [0], [0], [1], [0, 0, 1, 1], [], []>, transpose_lhs_hint = false} : vector<2048x32xf32>, vector<32x32xf32>, vector<2048x32xf32> -> vector<2048x32xf32>
    %mul3A_28 = vector.broadcast %get3A_15 : vector<2048x1xf32> to vector<2048x32xf32>
    %mul3A_29 = arith.mulf %dot_general3A_27, %mul3A_28 : vector<2048x32xf32>
    %swap3A_30 = arith.constant 0 : index
    %swap3A_31 = arith.constant 0 : index
    %swap3A_32 = vector.load %arg7[%swap3A_30, %swap3A_31] : memref<2048x32xf32, #tpu.memory_space<vmem>>, vector<2048x32xf32>
    tpu.vector_store %arg7[%swap3A_30, %swap3A_31], %mul3A_29 {strides = array<i32>} : memref<2048x32xf32, #tpu.memory_space<vmem>>, vector<2048x32xf32>,
    return
  }
  func.func @transform_0(%arg0: i32) -> (i32, i32, i32) {
    %c0_i32 = arith.constant 0 : i32
    %c0_i32_0 = arith.constant 0 : i32
    %c0_i32_1 = arith.constant 0 : i32
    return %c0_i32, %arg0, %c0_i32_0 : i32, i32, i32
  }
  func.func @transform_1(%arg0: i32) -> (i32, i32) {
    %c0_i32 = arith.constant 0 : i32
    %c0_i32_0 = arith.constant 0 : i32
    return %arg0, %c0_i32 : i32, i32
  }
  func.func @transform_2(%arg0: i32) -> (i32, i32) {
    %c0_i32 = arith.constant 0 : i32
    %c0_i32_0 = arith.constant 0 : i32
    return %arg0, %c0_i32 : i32, i32
  }
  func.func @transform_3(%arg0: i32) -> (i32, i32) {
    %c0_i32 = arith.constant 0 : i32
    %c0_i32_0 = arith.constant 0 : i32
    %c0_i32_1 = arith.constant 0 : i32
    return %c0_i32, %c0_i32_0 : i32, i32
  }
  func.func @transform_4(%arg0: i32) -> (i32, i32) {
    %c0_i32 = arith.constant 0 : i32
    %c0_i32_0 = arith.constant 0 : i32
    %c0_i32_1 = arith.constant 0 : i32
    return %c0_i32, %c0_i32_0 : i32, i32
  }
  func.func @transform_5(%arg0: i32) -> (i32, i32) {
    %c0_i32 = arith.constant 0 : i32
    %c0_i32_0 = arith.constant 0 : i32
    return %arg0, %c0_i32 : i32, i32
  }
  func.func @transform_6(%arg0: i32) -> (i32, i32) {
    %c0_i32 = arith.constant 0 : i32
    %c0_i32_0 = arith.constant 0 : i32
    return %arg0, %c0_i32 : i32, i32
  }
}

module attributes {stable_mosaic.version = 14 : i64} {
  func.func @body(%arg0: i32, %arg1: memref<2x2048x32xf32, #tpu.memory_space<vmem>>, %arg2: memref<2048x32xf32, #tpu.memory_space<vmem>>, %arg3: memref<2048x1xf32, #tpu.memory_space<vmem>>, %arg4: memref<1x32xf32, #tpu.memory_space<vmem>>, %arg5: memref<2048x32xf32, #tpu.memory_space<vmem>>) attributes {dimension_semantics = [#tpu.dimension_semantics<arbitrary>], iteration_bounds = array<i64: 16>, scalar_prefetch = 0 : i64, scratch_operands = 0 : i64, tpu.core_type = #tpu.core_type<tc>, window_params = [{transform_indices = @transform_0, window_bounds = array<i64: 2, 2048, 32>}, {transform_indices = @transform_1, window_bounds = array<i64: 2048, 32>}, {transform_indices = @transform_2, window_bounds = array<i64: 2048, 1>}, {pipeline_mode = #tpu.pipeline_mode<synchronous>, transform_indices = @transform_3, window_bounds = array<i64: 1, 32>}, {transform_indices = @transform_4, window_bounds = array<i64: 2048, 32>}]} {
    %get3A = arith.constant 0 : index
    %get3A_0 = arith.constant 0 : index
    %get3A_1 = arith.constant 0 : index
    %get3A_2 = vector.load %arg1[%get3A, %get3A_0, %get3A_1] : memref<2x2048x32xf32, #tpu.memory_space<vmem>>, vector<1x2048x32xf32>
    %get3A_3 = vector.shape_cast %get3A_2 : vector<1x2048x32xf32> to vector<2048x32xf32>
    %get3A_4 = arith.constant 1 : index
    %get3A_5 = arith.constant 0 : index
    %get3A_6 = arith.constant 0 : index
    %get3A_7 = vector.load %arg1[%get3A_4, %get3A_5, %get3A_6] : memref<2x2048x32xf32, #tpu.memory_space<vmem>>, vector<1x2048x32xf32>
    %get3A_8 = vector.shape_cast %get3A_7 : vector<1x2048x32xf32> to vector<2048x32xf32>
    %add3A = arith.addf %get3A_3, %get3A_8 : vector<2048x32xf32>
    %get3A_9 = arith.constant 0 : index
    %get3A_10 = arith.constant 0 : index
    %get3A_11 = vector.load %arg2[%get3A_9, %get3A_10] : memref<2048x32xf32, #tpu.memory_space<vmem>>, vector<2048x32xf32>
    %add3A_12 = arith.addf %add3A, %get3A_11 : vector<2048x32xf32>
    %get3A_13 = arith.constant 0 : index
    %get3A_14 = arith.constant 0 : index
    %get3A_15 = vector.load %arg3[%get3A_13, %get3A_14] : memref<2048x1xf32, #tpu.memory_space<vmem>>, vector<2048x1xf32>
    %mul3A = vector.broadcast %get3A_15 : vector<2048x1xf32> to vector<2048x32xf32>
    %mul3A_16 = arith.mulf %add3A_12, %mul3A : vector<2048x32xf32>
    %get3A_17 = arith.constant 0 : index
    %get3A_18 = arith.constant 0 : index
    %get3A_19 = vector.load %arg4[%get3A_17, %get3A_18] : memref<1x32xf32, #tpu.memory_space<vmem>>, vector<1x32xf32>
    %add3A_20 = vector.broadcast %get3A_19 : vector<1x32xf32> to vector<2048x32xf32>
    %add3A_21 = arith.addf %mul3A_16, %add3A_20 : vector<2048x32xf32>
    %tanh3A = math.tanh %add3A_21 : vector<2048x32xf32>
    %swap3A = arith.constant 0 : index
    %swap3A_22 = arith.constant 0 : index
    %swap3A_23 = vector.load %arg5[%swap3A, %swap3A_22] : memref<2048x32xf32, #tpu.memory_space<vmem>>, vector<2048x32xf32>
    tpu.vector_store %arg5[%swap3A, %swap3A_22], %tanh3A {strides = array<i32>} : memref<2048x32xf32, #tpu.memory_space<vmem>>, vector<2048x32xf32>,
    return
  }
  func.func @transform_0(%arg0: i32) -> (i32, i32, i32) {
    %c0_i32 = arith.constant 0 : i32
    %c0_i32_0 = arith.constant 0 : i32
    %c0_i32_1 = arith.constant 0 : i32
    return %c0_i32, %arg0, %c0_i32_0 : i32, i32, i32
  }
  func.func @transform_1(%arg0: i32) -> (i32, i32) {
    %c0_i32 = arith.constant 0 : i32
    %c0_i32_0 = arith.constant 0 : i32
    return %arg0, %c0_i32 : i32, i32
  }
  func.func @transform_2(%arg0: i32) -> (i32, i32) {
    %c0_i32 = arith.constant 0 : i32
    %c0_i32_0 = arith.constant 0 : i32
    return %arg0, %c0_i32 : i32, i32
  }
  func.func @transform_3(%arg0: i32) -> (i32, i32) {
    %c0_i32 = arith.constant 0 : i32
    %c0_i32_0 = arith.constant 0 : i32
    %c0_i32_1 = arith.constant 0 : i32
    return %c0_i32, %c0_i32_0 : i32, i32
  }
  func.func @transform_4(%arg0: i32) -> (i32, i32) {
    %c0_i32 = arith.constant 0 : i32
    %c0_i32_0 = arith.constant 0 : i32
    return %arg0, %c0_i32 : i32, i32
  }
}

module attributes {stable_mosaic.version = 14 : i64} {
  func.func @body(%arg0: i32, %arg1: memref<256x2048xf32, #tpu.memory_space<vmem>>, %arg2: memref<2048x64xf32, #tpu.memory_space<vmem>>, %arg3: memref<2x3x256x32xf32, #tpu.memory_space<vmem>>, %arg4: memref<2x256x16xf32, #tpu.memory_space<vmem>>, %arg5: memref<3x32x64xf32, #tpu.memory_space<vmem>>, %arg6: memref<1x64xf32, #tpu.memory_space<vmem>>, %arg7: memref<1x64xf32, #tpu.memory_space<vmem>>, %arg8: memref<64x32xf32, #tpu.memory_space<vmem>>, %arg9: memref<1x32xf32, #tpu.memory_space<vmem>>, %arg10: memref<32x32xf32, #tpu.memory_space<vmem>>, %arg11: memref<1x32xf32, #tpu.memory_space<vmem>>, %arg12: memref<32x10xf32, #tpu.memory_space<vmem>>, %arg13: memref<1x10xf32, #tpu.memory_space<vmem>>, %arg14: memref<256x10xf32, #tpu.memory_space<vmem>>, %arg15: memref<256x64xf32, #tpu.memory_space<vmem>>) attributes {dimension_semantics = [#tpu.dimension_semantics<arbitrary>], iteration_bounds = array<i64: 8>, scalar_prefetch = 0 : i64, scratch_operands = 1 : i64, tpu.core_type = #tpu.core_type<tc>, window_params = [{transform_indices = @transform_0, window_bounds = array<i64: 256, 2048>}, {transform_indices = @transform_1, window_bounds = array<i64: 2048, 64>}, {pipeline_mode = #tpu.pipeline_mode<synchronous>, transform_indices = @transform_2, window_bounds = array<i64: 2, 3, 256, 32>}, {pipeline_mode = #tpu.pipeline_mode<synchronous>, transform_indices = @transform_3, window_bounds = array<i64: 2, 256, 16>}, {pipeline_mode = #tpu.pipeline_mode<synchronous>, transform_indices = @transform_4, window_bounds = array<i64: 3, 32, 64>}, {pipeline_mode = #tpu.pipeline_mode<synchronous>, transform_indices = @transform_5, window_bounds = array<i64: 1, 64>}, {pipeline_mode = #tpu.pipeline_mode<synchronous>, transform_indices = @transform_6, window_bounds = array<i64: 1, 64>}, {pipeline_mode = #tpu.pipeline_mode<synchronous>, transform_indices = @transform_7, window_bounds = array<i64: 64, 32>}, {pipeline_mode = #tpu.pipeline_mode<synchronous>, transform_indices = @transform_8, window_bounds = array<i64: 1, 32>}, {pipeline_mode = #tpu.pipeline_mode<synchronous>, transform_indices = @transform_9, window_bounds = array<i64: 32, 32>}, {pipeline_mode = #tpu.pipeline_mode<synchronous>, transform_indices = @transform_10, window_bounds = array<i64: 1, 32>}, {pipeline_mode = #tpu.pipeline_mode<synchronous>, transform_indices = @transform_11, window_bounds = array<i64: 32, 10>}, {pipeline_mode = #tpu.pipeline_mode<synchronous>, transform_indices = @transform_12, window_bounds = array<i64: 1, 10>}, {pipeline_mode = #tpu.pipeline_mode<synchronous>, transform_indices = @transform_13, window_bounds = array<i64: 256, 10>}]} {
    %eq3A = arith.constant 0 : i32
    %eq3A_0 = arith.cmpi eq, %arg0, %eq3A : i32
    %convert_element_type3A = arith.extui %eq3A_0 : i1 to i32
    %cond3A = arith.constant 0 : i32
    %cond3A_1 = arith.cmpi ne, %convert_element_type3A, %cond3A : i32
    scf.if %cond3A_1 {
      %broadcast_in_dim3A = arith.constant 0.000000e+00 : f32
      %broadcast_in_dim3A_18 = vector.broadcast %broadcast_in_dim3A : f32 to vector<256x64xf32>
      %swap3A_19 = arith.constant 0 : index
      %swap3A_20 = arith.constant 0 : index
      %swap3A_21 = vector.load %arg15[%swap3A_19, %swap3A_20] : memref<256x64xf32, #tpu.memory_space<vmem>>, vector<256x64xf32>
      tpu.vector_store %arg15[%swap3A_19, %swap3A_20], %broadcast_in_dim3A_18 {strides = array<i32>} : memref<256x64xf32, #tpu.memory_space<vmem>>, vector<256x64xf32>,
    } else {
    }
    %get3A = arith.constant 0 : index
    %get3A_2 = arith.constant 0 : index
    %get3A_3 = vector.load %arg15[%get3A, %get3A_2] : memref<256x64xf32, #tpu.memory_space<vmem>>, vector<256x64xf32>
    %get3A_4 = arith.constant 0 : index
    %get3A_5 = arith.constant 0 : index
    %get3A_6 = vector.load %arg1[%get3A_4, %get3A_5] : memref<256x2048xf32, #tpu.memory_space<vmem>>, vector<256x2048xf32>
    %get3A_7 = arith.constant 0 : index
    %get3A_8 = arith.constant 0 : index
    %get3A_9 = vector.load %arg2[%get3A_7, %get3A_8] : memref<2048x64xf32, #tpu.memory_space<vmem>>, vector<2048x64xf32>
    %dot_general3A = arith.constant dense<0.000000e+00> : vector<256x64xf32>
    %dot_general3A_10 = tpu.matmul %get3A_6, %get3A_9, %dot_general3A {dimension_numbers = #tpu.dot_dimension_numbers<[1], [0], [0], [1], [0, 0, 1, 1], [], []>, transpose_lhs_hint = false} : vector<256x2048xf32>, vector<2048x64xf32>, vector<256x64xf32> -> vector<256x64xf32>
    %add3A = arith.addf %get3A_3, %dot_general3A_10 : vector<256x64xf32>
    %swap3A = arith.constant 0 : index
    %swap3A_11 = arith.constant 0 : index
    %swap3A_12 = vector.load %arg15[%swap3A, %swap3A_11] : memref<256x64xf32, #tpu.memory_space<vmem>>, vector<256x64xf32>
    tpu.vector_store %arg15[%swap3A, %swap3A_11], %add3A {strides = array<i32>} : memref<256x64xf32, #tpu.memory_space<vmem>>, vector<256x64xf32>,
    %eq3A_13 = arith.constant 7 : i32
    %eq3A_14 = arith.cmpi eq, %arg0, %eq3A_13 : i32
    %convert_element_type3A_15 = arith.extui %eq3A_14 : i1 to i32
    %cond3A_16 = arith.constant 0 : i32
    %cond3A_17 = arith.cmpi ne, %convert_element_type3A_15, %cond3A_16 : i32
    scf.if %cond3A_17 {
      %get3A_18 = arith.constant 0 : index
      %get3A_19 = arith.constant 0 : index
      %get3A_20 = arith.constant 0 : index
      %get3A_21 = vector.load %arg4[%get3A_18, %get3A_19, %get3A_20] : memref<2x256x16xf32, #tpu.memory_space<vmem>>, vector<1x256x1xf32>
      %get3A_22 = vector.shape_cast %get3A_21 : vector<1x256x1xf32> to vector<256x1xf32>
      %get3A_23 = arith.constant 1 : index
      %get3A_24 = arith.constant 0 : index
      %get3A_25 = arith.constant 0 : index
      %get3A_26 = vector.load %arg4[%get3A_23, %get3A_24, %get3A_25] : memref<2x256x16xf32, #tpu.memory_space<vmem>>, vector<1x256x1xf32>
      %get3A_27 = vector.shape_cast %get3A_26 : vector<1x256x1xf32> to vector<256x1xf32>
      %add3A_28 = arith.addf %get3A_22, %get3A_27 : vector<256x1xf32>
      %max3A = arith.constant 1.000000e+00 : f32
      %max3A_29 = vector.broadcast %max3A : f32 to vector<256x1xf32>
      %max3A_30 = arith.maximumf %add3A_28, %max3A_29 : vector<256x1xf32>
      %get3A_31 = arith.constant 0 : index
      %get3A_32 = arith.constant 0 : index
      %get3A_33 = vector.load %arg15[%get3A_31, %get3A_32] : memref<256x64xf32, #tpu.memory_space<vmem>>, vector<256x64xf32>
      %get3A_34 = arith.constant 0 : index
      %get3A_35 = arith.constant 0 : index
      %get3A_36 = arith.constant 0 : index
      %get3A_37 = arith.constant 0 : index
      %get3A_38 = vector.load %arg3[%get3A_34, %get3A_35, %get3A_36, %get3A_37] : memref<2x3x256x32xf32, #tpu.memory_space<vmem>>, vector<1x1x256x32xf32>
      %get3A_39 = vector.shape_cast %get3A_38 : vector<1x1x256x32xf32> to vector<256x32xf32>
      %get3A_40 = arith.constant 1 : index
      %get3A_41 = arith.constant 0 : index
      %get3A_42 = arith.constant 0 : index
      %get3A_43 = arith.constant 0 : index
      %get3A_44 = vector.load %arg3[%get3A_40, %get3A_41, %get3A_42, %get3A_43] : memref<2x3x256x32xf32, #tpu.memory_space<vmem>>, vector<1x1x256x32xf32>
      %get3A_45 = vector.shape_cast %get3A_44 : vector<1x1x256x32xf32> to vector<256x32xf32>
      %add3A_46 = arith.addf %get3A_39, %get3A_45 : vector<256x32xf32>
      %div3A = vector.broadcast %max3A_30 : vector<256x1xf32> to vector<256x32xf32>
      %div3A_47 = arith.divf %add3A_46, %div3A : vector<256x32xf32>
      %get3A_48 = arith.constant 0 : index
      %get3A_49 = arith.constant 0 : index
      %get3A_50 = arith.constant 0 : index
      %get3A_51 = vector.load %arg5[%get3A_48, %get3A_49, %get3A_50] : memref<3x32x64xf32, #tpu.memory_space<vmem>>, vector<1x32x64xf32>
      %get3A_52 = vector.shape_cast %get3A_51 : vector<1x32x64xf32> to vector<32x64xf32>
      %dot_general3A_53 = arith.constant dense<0.000000e+00> : vector<256x64xf32>
      %dot_general3A_54 = tpu.matmul %div3A_47, %get3A_52, %dot_general3A_53 {dimension_numbers = #tpu.dot_dimension_numbers<[1], [0], [0], [1], [0, 0, 1, 1], [], []>, transpose_lhs_hint = false} : vector<256x32xf32>, vector<32x64xf32>, vector<256x64xf32> -> vector<256x64xf32>
      %add3A_55 = arith.addf %get3A_33, %dot_general3A_54 : vector<256x64xf32>
      %get3A_56 = arith.constant 0 : index
      %get3A_57 = arith.constant 1 : index
      %get3A_58 = arith.constant 0 : index
      %get3A_59 = arith.constant 0 : index
      %get3A_60 = vector.load %arg3[%get3A_56, %get3A_57, %get3A_58, %get3A_59] : memref<2x3x256x32xf32, #tpu.memory_space<vmem>>, vector<1x1x256x32xf32>
      %get3A_61 = vector.shape_cast %get3A_60 : vector<1x1x256x32xf32> to vector<256x32xf32>
      %get3A_62 = arith.constant 1 : index
      %get3A_63 = arith.constant 1 : index
      %get3A_64 = arith.constant 0 : index
      %get3A_65 = arith.constant 0 : index
      %get3A_66 = vector.load %arg3[%get3A_62, %get3A_63, %get3A_64, %get3A_65] : memref<2x3x256x32xf32, #tpu.memory_space<vmem>>, vector<1x1x256x32xf32>
      %get3A_67 = vector.shape_cast %get3A_66 : vector<1x1x256x32xf32> to vector<256x32xf32>
      %add3A_68 = arith.addf %get3A_61, %get3A_67 : vector<256x32xf32>
      %div3A_69 = vector.broadcast %max3A_30 : vector<256x1xf32> to vector<256x32xf32>
      %div3A_70 = arith.divf %add3A_68, %div3A_69 : vector<256x32xf32>
      %get3A_71 = arith.constant 1 : index
      %get3A_72 = arith.constant 0 : index
      %get3A_73 = arith.constant 0 : index
      %get3A_74 = vector.load %arg5[%get3A_71, %get3A_72, %get3A_73] : memref<3x32x64xf32, #tpu.memory_space<vmem>>, vector<1x32x64xf32>
      %get3A_75 = vector.shape_cast %get3A_74 : vector<1x32x64xf32> to vector<32x64xf32>
      %dot_general3A_76 = arith.constant dense<0.000000e+00> : vector<256x64xf32>
      %dot_general3A_77 = tpu.matmul %div3A_70, %get3A_75, %dot_general3A_76 {dimension_numbers = #tpu.dot_dimension_numbers<[1], [0], [0], [1], [0, 0, 1, 1], [], []>, transpose_lhs_hint = false} : vector<256x32xf32>, vector<32x64xf32>, vector<256x64xf32> -> vector<256x64xf32>
      %add3A_78 = arith.addf %add3A_55, %dot_general3A_77 : vector<256x64xf32>
      %get3A_79 = arith.constant 0 : index
      %get3A_80 = arith.constant 2 : index
      %get3A_81 = arith.constant 0 : index
      %get3A_82 = arith.constant 0 : index
      %get3A_83 = vector.load %arg3[%get3A_79, %get3A_80, %get3A_81, %get3A_82] : memref<2x3x256x32xf32, #tpu.memory_space<vmem>>, vector<1x1x256x32xf32>
      %get3A_84 = vector.shape_cast %get3A_83 : vector<1x1x256x32xf32> to vector<256x32xf32>
      %get3A_85 = arith.constant 1 : index
      %get3A_86 = arith.constant 2 : index
      %get3A_87 = arith.constant 0 : index
      %get3A_88 = arith.constant 0 : index
      %get3A_89 = vector.load %arg3[%get3A_85, %get3A_86, %get3A_87, %get3A_88] : memref<2x3x256x32xf32, #tpu.memory_space<vmem>>, vector<1x1x256x32xf32>
      %get3A_90 = vector.shape_cast %get3A_89 : vector<1x1x256x32xf32> to vector<256x32xf32>
      %add3A_91 = arith.addf %get3A_84, %get3A_90 : vector<256x32xf32>
      %div3A_92 = vector.broadcast %max3A_30 : vector<256x1xf32> to vector<256x32xf32>
      %div3A_93 = arith.divf %add3A_91, %div3A_92 : vector<256x32xf32>
      %get3A_94 = arith.constant 2 : index
      %get3A_95 = arith.constant 0 : index
      %get3A_96 = arith.constant 0 : index
      %get3A_97 = vector.load %arg5[%get3A_94, %get3A_95, %get3A_96] : memref<3x32x64xf32, #tpu.memory_space<vmem>>, vector<1x32x64xf32>
      %get3A_98 = vector.shape_cast %get3A_97 : vector<1x32x64xf32> to vector<32x64xf32>
      %dot_general3A_99 = arith.constant dense<0.000000e+00> : vector<256x64xf32>
      %dot_general3A_100 = tpu.matmul %div3A_93, %get3A_98, %dot_general3A_99 {dimension_numbers = #tpu.dot_dimension_numbers<[1], [0], [0], [1], [0, 0, 1, 1], [], []>, transpose_lhs_hint = false} : vector<256x32xf32>, vector<32x64xf32>, vector<256x64xf32> -> vector<256x64xf32>
      %add3A_101 = arith.addf %add3A_78, %dot_general3A_100 : vector<256x64xf32>
      %get3A_102 = arith.constant 0 : index
      %get3A_103 = arith.constant 0 : index
      %get3A_104 = vector.load %arg6[%get3A_102, %get3A_103] : memref<1x64xf32, #tpu.memory_space<vmem>>, vector<1x64xf32>
      %mul3A = vector.broadcast %get3A_104 : vector<1x64xf32> to vector<256x64xf32>
      %mul3A_105 = arith.mulf %add3A_101, %mul3A : vector<256x64xf32>
      %get3A_106 = arith.constant 0 : index
      %get3A_107 = arith.constant 0 : index
      %get3A_108 = vector.load %arg7[%get3A_106, %get3A_107] : memref<1x64xf32, #tpu.memory_space<vmem>>, vector<1x64xf32>
      %add3A_109 = vector.broadcast %get3A_108 : vector<1x64xf32> to vector<256x64xf32>
      %add3A_110 = arith.addf %mul3A_105, %add3A_109 : vector<256x64xf32>
      %max3A_111 = arith.constant 0.000000e+00 : f32
      %max3A_112 = vector.broadcast %max3A_111 : f32 to vector<256x64xf32>
      %max3A_113 = arith.maximumf %add3A_110, %max3A_112 : vector<256x64xf32>
      %get3A_114 = arith.constant 0 : index
      %get3A_115 = arith.constant 0 : index
      %get3A_116 = vector.load %arg8[%get3A_114, %get3A_115] : memref<64x32xf32, #tpu.memory_space<vmem>>, vector<64x32xf32>
      %dot_general3A_117 = arith.constant dense<0.000000e+00> : vector<256x32xf32>
      %dot_general3A_118 = tpu.matmul %max3A_113, %get3A_116, %dot_general3A_117 {dimension_numbers = #tpu.dot_dimension_numbers<[1], [0], [0], [1], [0, 0, 1, 1], [], []>, transpose_lhs_hint = false} : vector<256x64xf32>, vector<64x32xf32>, vector<256x32xf32> -> vector<256x32xf32>
      %get3A_119 = arith.constant 0 : index
      %get3A_120 = arith.constant 0 : index
      %get3A_121 = vector.load %arg9[%get3A_119, %get3A_120] : memref<1x32xf32, #tpu.memory_space<vmem>>, vector<1x32xf32>
      %add3A_122 = vector.broadcast %get3A_121 : vector<1x32xf32> to vector<256x32xf32>
      %add3A_123 = arith.addf %dot_general3A_118, %add3A_122 : vector<256x32xf32>
      %max3A_124 = arith.constant 0.000000e+00 : f32
      %max3A_125 = vector.broadcast %max3A_124 : f32 to vector<256x32xf32>
      %max3A_126 = arith.maximumf %add3A_123, %max3A_125 : vector<256x32xf32>
      %get3A_127 = arith.constant 0 : index
      %get3A_128 = arith.constant 0 : index
      %get3A_129 = vector.load %arg10[%get3A_127, %get3A_128] : memref<32x32xf32, #tpu.memory_space<vmem>>, vector<32x32xf32>
      %dot_general3A_130 = arith.constant dense<0.000000e+00> : vector<256x32xf32>
      %dot_general3A_131 = tpu.matmul %max3A_126, %get3A_129, %dot_general3A_130 {dimension_numbers = #tpu.dot_dimension_numbers<[1], [0], [0], [1], [0, 0, 1, 1], [], []>, transpose_lhs_hint = false} : vector<256x32xf32>, vector<32x32xf32>, vector<256x32xf32> -> vector<256x32xf32>
      %get3A_132 = arith.constant 0 : index
      %get3A_133 = arith.constant 0 : index
      %get3A_134 = vector.load %arg11[%get3A_132, %get3A_133] : memref<1x32xf32, #tpu.memory_space<vmem>>, vector<1x32xf32>
      %add3A_135 = vector.broadcast %get3A_134 : vector<1x32xf32> to vector<256x32xf32>
      %add3A_136 = arith.addf %dot_general3A_131, %add3A_135 : vector<256x32xf32>
      %max3A_137 = arith.constant 0.000000e+00 : f32
      %max3A_138 = vector.broadcast %max3A_137 : f32 to vector<256x32xf32>
      %max3A_139 = arith.maximumf %add3A_136, %max3A_138 : vector<256x32xf32>
      %get3A_140 = arith.constant 0 : index
      %get3A_141 = arith.constant 0 : index
      %get3A_142 = vector.load %arg12[%get3A_140, %get3A_141] : memref<32x10xf32, #tpu.memory_space<vmem>>, vector<32x10xf32>
      %dot_general3A_143 = arith.constant dense<0.000000e+00> : vector<256x10xf32>
      %dot_general3A_144 = tpu.matmul %max3A_139, %get3A_142, %dot_general3A_143 {dimension_numbers = #tpu.dot_dimension_numbers<[1], [0], [0], [1], [0, 0, 1, 1], [], []>, transpose_lhs_hint = false} : vector<256x32xf32>, vector<32x10xf32>, vector<256x10xf32> -> vector<256x10xf32>
      %get3A_145 = arith.constant 0 : index
      %get3A_146 = arith.constant 0 : index
      %get3A_147 = vector.load %arg13[%get3A_145, %get3A_146] : memref<1x10xf32, #tpu.memory_space<vmem>>, vector<1x10xf32>
      %add3A_148 = vector.broadcast %get3A_147 : vector<1x10xf32> to vector<256x10xf32>
      %add3A_149 = arith.addf %dot_general3A_144, %add3A_148 : vector<256x10xf32>
      %swap3A_150 = arith.constant 0 : index
      %swap3A_151 = arith.constant 0 : index
      %swap3A_152 = vector.load %arg14[%swap3A_150, %swap3A_151] : memref<256x10xf32, #tpu.memory_space<vmem>>, vector<256x10xf32>
      tpu.vector_store %arg14[%swap3A_150, %swap3A_151], %add3A_149 {strides = array<i32>} : memref<256x10xf32, #tpu.memory_space<vmem>>, vector<256x10xf32>,
    } else {
    }
    return
  }
  func.func @transform_0(%arg0: i32) -> (i32, i32) {
    %c0_i32 = arith.constant 0 : i32
    %c0_i32_0 = arith.constant 0 : i32
    return %c0_i32, %arg0 : i32, i32
  }
  func.func @transform_1(%arg0: i32) -> (i32, i32) {
    %c0_i32 = arith.constant 0 : i32
    %c0_i32_0 = arith.constant 0 : i32
    return %arg0, %c0_i32 : i32, i32
  }
  func.func @transform_2(%arg0: i32) -> (i32, i32, i32, i32) {
    %c0_i32 = arith.constant 0 : i32
    %c0_i32_0 = arith.constant 0 : i32
    %c0_i32_1 = arith.constant 0 : i32
    %c0_i32_2 = arith.constant 0 : i32
    %c0_i32_3 = arith.constant 0 : i32
    return %c0_i32, %c0_i32_0, %c0_i32_1, %c0_i32_2 : i32, i32, i32, i32
  }
  func.func @transform_3(%arg0: i32) -> (i32, i32, i32) {
    %c0_i32 = arith.constant 0 : i32
    %c0_i32_0 = arith.constant 0 : i32
    %c0_i32_1 = arith.constant 0 : i32
    %c0_i32_2 = arith.constant 0 : i32
    return %c0_i32, %c0_i32_0, %c0_i32_1 : i32, i32, i32
  }
  func.func @transform_4(%arg0: i32) -> (i32, i32, i32) {
    %c0_i32 = arith.constant 0 : i32
    %c0_i32_0 = arith.constant 0 : i32
    %c0_i32_1 = arith.constant 0 : i32
    %c0_i32_2 = arith.constant 0 : i32
    return %c0_i32, %c0_i32_0, %c0_i32_1 : i32, i32, i32
  }
  func.func @transform_5(%arg0: i32) -> (i32, i32) {
    %c0_i32 = arith.constant 0 : i32
    %c0_i32_0 = arith.constant 0 : i32
    %c0_i32_1 = arith.constant 0 : i32
    return %c0_i32, %c0_i32_0 : i32, i32
  }
  func.func @transform_6(%arg0: i32) -> (i32, i32) {
    %c0_i32 = arith.constant 0 : i32
    %c0_i32_0 = arith.constant 0 : i32
    %c0_i32_1 = arith.constant 0 : i32
    return %c0_i32, %c0_i32_0 : i32, i32
  }
  func.func @transform_7(%arg0: i32) -> (i32, i32) {
    %c0_i32 = arith.constant 0 : i32
    %c0_i32_0 = arith.constant 0 : i32
    %c0_i32_1 = arith.constant 0 : i32
    return %c0_i32, %c0_i32_0 : i32, i32
  }
  func.func @transform_8(%arg0: i32) -> (i32, i32) {
    %c0_i32 = arith.constant 0 : i32
    %c0_i32_0 = arith.constant 0 : i32
    %c0_i32_1 = arith.constant 0 : i32
    return %c0_i32, %c0_i32_0 : i32, i32
  }
  func.func @transform_9(%arg0: i32) -> (i32, i32) {
    %c0_i32 = arith.constant 0 : i32
    %c0_i32_0 = arith.constant 0 : i32
    %c0_i32_1 = arith.constant 0 : i32
    return %c0_i32, %c0_i32_0 : i32, i32
  }
  func.func @transform_10(%arg0: i32) -> (i32, i32) {
    %c0_i32 = arith.constant 0 : i32
    %c0_i32_0 = arith.constant 0 : i32
    %c0_i32_1 = arith.constant 0 : i32
    return %c0_i32, %c0_i32_0 : i32, i32
  }
  func.func @transform_11(%arg0: i32) -> (i32, i32) {
    %c0_i32 = arith.constant 0 : i32
    %c0_i32_0 = arith.constant 0 : i32
    %c0_i32_1 = arith.constant 0 : i32
    return %c0_i32, %c0_i32_0 : i32, i32
  }
  func.func @transform_12(%arg0: i32) -> (i32, i32) {
    %c0_i32 = arith.constant 0 : i32
    %c0_i32_0 = arith.constant 0 : i32
    %c0_i32_1 = arith.constant 0 : i32
    return %c0_i32, %c0_i32_0 : i32, i32
  }
  func.func @transform_13(%arg0: i32) -> (i32, i32) {
    %c0_i32 = arith.constant 0 : i32
    %c0_i32_0 = arith.constant 0 : i32
    %c0_i32_1 = arith.constant 0 : i32
    return %c0_i32, %c0_i32_0 : i32, i32
  }
}

</mosaic_0001>

<sc_bundles>
// kernel: kernel.12.cloned.1.call-start
scs
__scs_entry_jumppad:
0x0: {  	(pc) =	sbr.rel $0x88, $3  }
0x1: {  	(tag) =	ssettag $0x0;
	lr =	simm.s32 $0x1  }
0x2: {  	[smem:$0x3F86] =	sst lr;
	_ =	strace $0xD0000000  }
0x3: {  	_ = 	snop  }
0x4: {  	_ = 	snop  }
0x5: {  	_ = 	snop  }
0x6: {  	_ = 	snop  }
0x7: {  	_ = 	snop  }
__scs_overlays_trampoline_lowered:
0x8: {  	[smem:$0x3F95] =	sst s0  }
0x9: {  	[smem:$0x3F96] =	sst s1  }
0xa: {  	[smem:$0x3F97] =	sst s2  }
0xb: {  	[smem:$0x3F98] =	sst s3  }
0xc: {  	[smem:$0x3F99] =	sst s4  }
0xd: {  	[smem:$0x3F9A] =	sst s5  }
0xe: {  	[smem:$0x3F9B] =	sst s6  }
0xf: {  	[smem:$0x3F9C] =	sst s7  }
0x10: {  	[smem:$0x3F9D] =	sst s8  }
0x11: {  	[smem:$0x3F9E] =	sst s9;
	s0 =	simm.s32 @!p0 $0x0  }
0x12: {  	s1 =	sld [smem:$0x3F84];
	s0 =	simm.s32 @p0 $0x1  }
0x13: {  	[smem:$0x3F9F] =	sst s0;
	s0 =	simm.s32 @!p1 $0x0  }
0x14: {  	s2 =	sld [smem:$0x3F83];
	s0 =	simm.s32 @p1 $0x1  }
0x15: {  	[smem:$0x3FA0] =	sst s0;
	s0 =	simm.s32 @!p2 $0x0  }
0x16: {  	s3 =	sld [smem:$0x3FDB];
	s0 =	simm.s32 @p2 $0x1  }
0x17: {  	s4 =	simm.s32 $0x1BF5;
	[smem:$0x3FA2] =	sst s0  }
0x18: {  	s0 =	sld [smem:$0x3F85];
	_ =	swait.ge [sflag:s4], $0x0  }
0x19: {  	s7 =	sld [smem:$0x3F86]  }
0x1a: {  	s8 =	sadd.s32 $0xFFFFE003, lr  }
0x1b: {  	s9 =	sadd.s32 $0xFFFFFEF7, lr;
	s5 =	simm.s32 $0xFFFFFFFF;
	p2 =	slt.u32 s8, $0xFFFFF086  }
0x1c: {  	p1 =	slt.u32 s9, $0xF7A;
	s5 =	simm.s32 @!p2 $0x0  }
0x1d: {  	s5 =	simm.s32 @p1 $0x1;
	p0 =	seq.s32 s7, s2  }
0x1e: {  	s7 =	smul.u32 @!p0 $0xF7A, s2;
	p2 =	seq.s32 @!p0 s5, $0x0  }
0x1f: {  	s9 =	smul.u32 $0xF7A, s1;
	s8 =	simm.s32 @!p0 $0x1BF5;
	p2 =	por !p2, p0  }
0x20: {  	[sflag:s8] =	ssyncset.s32 @!p0 $0xFFFFF086;
	s6 =	sadd.s32 @!p0 s3, s7;
	s7 =	simm.s32 @!p0 $0x108  }
0x21: {  	s3 =	sadd.s32 s3, s9;
	s6 =	sadd.s32 @!p0 $0x88, s6;
	s7 =	simm.s32 @p2 $0x1082  }
0x22: {  	[simem:s7], [sflag:s8] =	dma.local @!p0 [hbm:s6], $0xF7A  }
0x23: {  	s9 =	sor.u32 $0xD0000000, s2;
	s6 =	simm.s32 $0x108;
	_ =	swait.ge @!p0 [sflag:s8], $0x0  }
0x24: {  	s3 =	sadd.s32 $0x88, s3;
	s6 =	simm.s32 @!p1 $0x1082;
	[sflag:s4] =	ssyncset.s32 $0xFFFFF086  }
0x25: {  	[simem:s6], [sflag:s4] =	dma.local [hbm:s3], $0xF7A  }
0x26: {  	[smem:$0x3F86] =	sst s1;
	(tag) =	ssettag s2;
	_ =	strace s9  }
0x27: {  	s1 =	sld [smem:$0x3F96]  }
0x28: {  	s2 =	sld [smem:$0x3F97]  }
0x29: {  	s4 =	sld [smem:$0x3F99]  }
0x2a: {  	p0 =	seq.s32 s5, $0x0;
	s5 =	sld [smem:$0x3F9A]  }
0x2b: {  	s6 =	sld [smem:$0x3F9B]  }
0x2c: {  	s7 =	sld [smem:$0x3F9C]  }
0x2d: {  	s3 =	simm.s32 $0x108;
	s8 =	sld [smem:$0x3F9D]  }
0x2e: {  	s3 =	simm.s32 @!p0 $0x1082;
	s9 =	sld [smem:$0x3F9E]  }
0x2f: {  	lr =	sadd.s32 s0, s3;
	s0 =	sld [smem:$0x3F95]  }
0x30: {  	s3 =	sld [smem:$0x3F98]  }
0x31: {  	[smem:$0x3FA1] =	sst s10  }
0x32: {  	s10 =	sld [smem:$0x3F9F];
	_ =	sdelay $0x3  }
0x33: {  	p0 =	seq.s32 s10, $0x1;
	s10 =	sld [smem:$0x3FA1];
	_ =	sdelay $0x3  }
0x34: {  	[smem:$0x3FA1] =	sst s10  }
0x35: {  	s10 =	sld [smem:$0x3FA0];
	_ =	sdelay $0x3  }
0x36: {  	p1 =	seq.s32 s10, $0x1;
	s10 =	sld [smem:$0x3FA1];
	_ =	sdelay $0x3  }
0x37: {  	[smem:$0x3FA1] =	sst s10  }
0x38: {  	s10 =	sld [smem:$0x3FA2]  }
0x39: {  	_ = 	snop;
	(pc) =	sbr.ind lr, $3  }
0x3a: {  	_ = 	snop  }
0x3b: {  	_ = 	snop  }
0x3c: {  	p2 =	seq.s32 s10, $0x1;
	s10 =	sld [smem:$0x3FA1]  }
0x3d: {  	_ =	shalt  }
0x3e: {  	_ =	shalt  }
0x3f: {  	_ =	shalt  }
0x40: {  	_ =	shalt  }
0x41: {  	_ =	shalt  }
0x42: {  	_ =	shalt  }
0x43: {  	_ =	shalt  }
0x44: {  	_ =	shalt  }
0x45: {  	_ =	shalt  }
0x46: {  	_ =	shalt  }
0x47: {  	_ =	shalt  }
0x48: {  	_ =	shalt  }
0x49: {  	_ =	shalt  }
0x4a: {  	_ =	shalt  }
0x4b: {  	_ =	shalt  }
0x4c: {  	_ =	shalt  }
0x4d: {  	_ =	shalt  }
0x4e: {  	_ =	shalt  }
0x4f: {  	_ =	shalt  }
0x50: {  	_ =	shalt  }
0x51: {  	_ =	shalt  }
0x52: {  	_ =	shalt  }
0x53: {  	_ =	shalt  }
0x54: {  	_ =	shalt  }
0x55: {  	_ =	shalt  }
0x56: {  	_ =	shalt  }
0x57: {  	_ =	shalt  }
0x58: {  	_ =	shalt  }
0x59: {  	_ =	shalt  }
0x5a: {  	_ =	shalt  }
0x5b: {  	_ =	shalt  }
0x5c: {  	_ =	shalt  }
0x5d: {  	_ =	shalt  }
0x5e: {  	_ =	shalt  }
0x5f: {  	_ =	shalt  }
0x60: {  	_ =	shalt  }
0x61: {  	_ =	shalt  }
0x62: {  	_ =	shalt  }
0x63: {  	_ =	shalt  }
0x64: {  	_ =	shalt  }
0x65: {  	_ =	shalt  }
0x66: {  	_ =	shalt  }
0x67: {  	_ =	shalt  }
0x68: {  	_ =	shalt  }
0x69: {  	_ =	shalt  }
0x6a: {  	_ =	shalt  }
0x6b: {  	_ =	shalt  }
0x6c: {  	_ =	shalt  }
0x6d: {  	_ =	shalt  }
0x6e: {  	_ =	shalt  }
0x6f: {  	_ =	shalt  }
0x70: {  	_ =	shalt  }
0x71: {  	_ =	shalt  }
0x72: {  	_ =	shalt  }
0x73: {  	_ =	shalt  }
0x74: {  	_ =	shalt  }
0x75: {  	_ =	shalt  }
0x76: {  	_ =	shalt  }
0x77: {  	_ =	shalt  }
0x78: {  	_ =	shalt  }
0x79: {  	_ =	shalt  }
0x7a: {  	_ =	shalt  }
0x7b: {  	_ =	shalt  }
0x7c: {  	_ =	shalt  }
0x7d: {  	_ =	shalt  }
0x7e: {  	_ =	shalt  }
0x7f: {  	_ =	shalt  }
0x80: {  	_ =	shalt  }
0x81: {  	_ =	shalt  }
0x82: {  	_ =	shalt  }
0x83: {  	_ =	shalt  }
0x84: {  	_ =	shalt  }
0x85: {  	_ =	shalt  }
0x86: {  	_ =	shalt  }
0x87: {  	_ =	shalt  }
.Lfunc_end0:
.L_simem_size_0:
called_computation_lowered:
.L_overlay_start_0:
0x88: {  	s2 =	sld [smem:$0x3FD9]  }
0x89: {  	s3 =	sld [smem:$0x3FFE];
	_ =	sdelay $0x1  }
0x8a: {  	s1 =	srdreg.scid  }
0x8b: {  	s0 =	sand.u32 $0x1, s1  }
0x8c: {  	s17 =	sshll.u32 s0, $0xA;
	s2 =	sadd.s32 s3, s2  }
0x8d: {  	s2 =	sadd.s32 s2, s17  }
0x8e: {  	[smem:$0x3FAD] =	sst s2  }
0x8f: {  	_ = 	snop  }
0x90: {  	s2 =	sld [smem:$0x3FC7];
	(tm) =	ssettm $0x1  }
0x91: {  	s18 =	sld [smem:$0x3FFB];
	_ =	sdelay $0x3  }
0x92: {  	_ =	strace s18  }
0x93: {  	s3 =	sld [smem:$0x3FFC];
	_ =	sdelay $0x3  }
0x94: {  	_ =	strace s3  }
0x95: {  	s3 =	sld [smem:$0x3FFD];
	_ =	sdelay $0x3  }
0x96: {  	_ =	strace s3  }
0x97: {  	_ =	strace $0x8FFFFFFF  }
0x98: {  	s19 =	sld [smem:$0x3FDB];
	_ =	sdelay $0x1  }
0x99: {  	s4 =	simm.s32 $_scs_section_size  }
0x9a: {  	s5 =	simm.s32 $_size__tile_overlayer_lowered;
	s6 =	simm.s32 $_tile_overlayer_lowered  }
0x9b: {  	s22 =	simm.s32 $0x1BFF;
	s21 =	sshll.u32 s6, $0x1;
	s3 =	sadd.s32 s4, s19  }
0x9c: {  	s7 =	simm.s32 $0x0;
	s20 =	sshll.u32 s5, $0x1;
	s5 =	sadd.s32 s21, s3  }
0x9d: {  	[timem:s7], [sflag:s22] =	dma.local [hbm:s5], s20  }
0x9e: {  	_ =	swait.ge [sflag:s22], s20  }
0x9f: {  	s4 =	ssub.s32 $0x0, s20;
	[sflag:s22] =	ssyncset.done $0x0  }
0xa0: {  	[sflag:s22] =	ssyncadd.s32 s4;
	_ =	sdelay $0x1  }
0xa1: {  	s23 =	simm.s32 $0x1B8B  }
0xa2: {  	_ =	swait.ge [sflag:s23], $0x1  }
0xa3: {  	[sflag:s23] =	ssyncset.done $0x0  }
0xa4: {  	s25 =	simm.s32 $0x1B8E;
	s24 =	sld [smem:$0x3FFE];
	[sflag:s23] =	ssyncadd.s32 $0xFFFFFFFF  }
0xa5: {  	s26 =	simm.s32 $execute0_lowered;
	[smem:$0x3FD2] =	sst s25  }
0xa6: {  	s5 =	sshll.u32 s26, $0x1;
	_ =	strace $0x80000046;
	[dreg:$0x1] =	wrdreg $0xFFFFFFFF  }
0xa7: {  	s28 =	simm.s32 $_size_execute0_lowered;
	s3 =	sadd.s32 s3, s5;
	[dreg:$0x0] =	wrdreg $0x0  }
0xa8: {  	s5 =	sshll.u32 s28, $0x1;
	[dreg:$0x2] =	wrdreg s3  }
0xa9: {  	[dreg:$0x3] =	wrdreg s5  }
0xaa: {  	[dreg:$0x4] =	wrdreg $0xC0  }
0xab: {  	_ =	task [dreg:s7], $0x5FFFF  }
0xac: {  	[dreg:$0x1] =	wrdreg $0xFFFFFFFF  }
0xad: {  	[dreg:$0x0] =	wrdreg $0x60  }
0xae: {  	[dreg:$0x2] =	wrdreg s24  }
0xaf: {  	[dreg:$0x3] =	wrdreg s2  }
0xb0: {  	[dreg:$0x4] =	wrdreg $0x31000  }
0xb1: {  	[dreg:$0x5] =	wrdreg $0xB1000  }
0xb2: {  	[dreg:$0x6] =	wrdreg $0x9  }
0xb3: {  	_ =	task.clear_ibuf [dreg:s7], $0x7FFFF;
	_ =	strace $0x90000046  }
0xb4: {  	s29 =	simm.s32 $0x9;
	_ =	strace $0x80000048  }
0xb5: {  	_ =	swait.ge [sflag:s29], $0x1  }
0xb6: {  	[sflag:s29] =	ssyncadd.s32 $0xFFFFFFFF  }
0xb7: {  	_ =	strace $0x90000048  }
0xb8: {  	_ =	sfence  }
0xb9: {  	s30 =	sld [smem:$0x0];
	_ =	sdelay $0x2  }
0xba: {  	s31 =	sshll.u32 s1, $0xD;
	s1 =	sshrl.u32 s1, $0x2  }
0xbb: {  	s3 =	sand.u32 $0x4000, s31;
	s1 =	sadd.s32 s1, s30  }
0xbc: {  	s0 =	sor.u32 s3, s0;
	s1 =	sshll.u32 s1, $0x11  }
0xbd: {  	s0 =	sor.u32 s1, s0  }
0xbe: {  	s0 =	sadd.s32 $0x8F2B, s0  }
0xbf: {  	[sflag:s0] =	ssyncadd.remote.s32 $0x1  }
0xc0: {  	_ =	sfence.sel $0xFFFF  }
0xc1: {  	[dreg:$0x0] =	wrdreg $0xFFFFFFFF;
	(pc) =	sbr.abs _section_cstart, $3  }
0xc2: {  	[dreg:$0x1] =	wrdreg $0xFFFFFFFF  }
0xc3: {  	_ =	task.clear_ibuf [dreg:s7], $0x2FFFF;
	_ =	strace $0x9FFFFFFF  }
0xc4: {  	(tm) =	ssettm $0x7FFFFFFF  }
0xc5: {  	_ =	shalt  }
tec
execute0_lowered:
.L_overlay_start_1:
0x0: {  	(tag) =	ssettag $0x1  }
0x1: {  	s0 =	rddreg [dreg:$0x0]  }
0x2: {  	s4 =	rddreg [dreg:$0x1]  }
0x3: {  	s1 =	rddreg [dreg:$0x2]  }
0x4: {  	s2 =	rddreg [dreg:$0x3];
	s5 =	srdreg.scid  }
0x5: {  	s3 =	simm.s32 $0x0;
	s16 =	stileid.u32;
	s28 =	simm.s32 $0x1080  }
0x6: {  	s29 =	simm.s32 $0x1100;
	s30 =	simm.s32 $0x1;
	s31 =	simm.s32 $0x0  }
0x7: {  	s6 =	sand.u32 $0x1, s5;
	[smem:$0x7FF] =	sst s3;
	s7 =	sshll.u32 s16, $0xF  }
0x8: {  	p0 =	sne.s32 s16, $0x0;
	s5 =	sshll.u32 s6, $0x13;
	_ =	strace $0x80000047  }
0x9: {  	s8 =	sshll.u32 s6, $0xF;
	s11 =	sshll.u32 s6, $0x9;
	s12 =	ssub.s32 $0x2, s6  }
0xa: {  	s6 =	sshll.u32 s6, $0x4;
	s5 =	sor.u32 s7, s5;
	s9 =	sadd.s32 s8, s0  }
0xb: {  	s8 =	sadd.s32 $0x38200, s0;
	s11 =	sadd.s32 s11, s0;
	s13 =	sshrl.u32 s12, $0x1  }
0xc: {  	s14 =	sor.u32 s16, s6;
	s6 =	sadd.s32 s7, s1;
	s10 =	sshrl.u32 s5, $0x3  }
0xd: {  	s5 =	sadd.s32 $0x28200, s0;
	s12 =	ssub.s32 s12, s13;
	s22 =	sshll.u32 s14, $0x7  }
0xe: {  	s23 =	sshll.u32 s14, $0x9;
	s24 =	sshll.u32 s14, $0x6;
	s25 =	sshll.u32 s14, $0xC  }
0xf: {  	s14 =	sadd.s32 $0x2800, s6;
	s10 =	sadd.s32 s10, s0;
	s0 =	sadd.s32 $0x58A00, s0  }
0x10: {  	s7 =	sadd.s32 s4, s22;
	s13 =	sadd.s32 s8, s24;
	s26 =	sor.u32 $0x80, s23  }
0x11: {  	s15 =	sor.u32 $0x100, s23;
	s4 =	sor.u32 $0x180, s23;
	[dreg:$0x13] =	wrdreg s14  }
0x12: {  	s23 =	sadd.s32 $0x78A00, s11;
	s24 =	sadd.s32 $0x78B00, s11;
	[dreg:$0x5] =	wrdreg s13  }
0x13: {  	s11 =	sadd.s32 $0x1000, s6;
	s13 =	sadd.s32 s0, s25;
	[dreg:$0xd] =	wrdreg s23  }
0x14: {  	s17 =	sshrl.u32 s26, $0x3;
	s18 =	sshll.u32 s26, $0x3;
	[dreg:$0xe] =	wrdreg s24  }
0x15: {  	s19 =	sshrl.u32 s15, $0x3;
	s21 =	sshll.u32 s15, $0x3;
	[dreg:$0x10] =	wrdreg s11  }
0x16: {  	s22 =	sshrl.u32 s4, $0x3;
	s25 =	smax.u32 s12, $0x1;
	[dreg:$0x6] =	wrdreg s13  }
0x17: {  	s4 =	sshll.u32 s4, $0x3;
	s12 =	sadd.s32 $0x1800, s6;
	[dreg:$0xf] =	wrdreg s25  }
0x18: {  	s26 =	sshll.u32 s16, $0xB;
	s15 =	sadd.s32 $0x3000, s6;
	[dreg:$0x11] =	wrdreg s12  }
0x19: {  	s16 =	sadd.s32 $0x3800, s6;
	s23 =	sadd.s32 $0x6800, s6;
	[dreg:$0x14] =	wrdreg s15  }
0x1a: {  	s11 =	sadd.s32 $0x7800, s6;
	s14 =	sadd.s32 $0x30, s7;
	[dreg:$0x15] =	wrdreg s16  }
0x1b: {  	s13 =	sadd.s32 s8, s17;
	s20 =	sadd.s32 s8, s19;
	[dreg:$0x1b] =	wrdreg s23  }
0x1c: {  	s8 =	sadd.s32 s8, s22;
	s25 =	sadd.s32 $0x38A00, s10;
	[dreg:$0x7] =	wrdreg s13  }
0x1d: {  	s17 =	sadd.s32 $0x4000, s6;
	s19 =	sadd.s32 $0x4800, s6;
	[dreg:$0x9] =	wrdreg s20  }
0x1e: {  	s22 =	sadd.s32 $0x6000, s6;
	s12 =	sadd.s32 $0x10, s7;
	[dreg:$0xb] =	wrdreg s8  }
0x1f: {  	s15 =	sadd.s32 $0x40, s7;
	s16 =	sadd.s32 $0x50, s7;
	[dreg:$0x16] =	wrdreg s17  }
0x20: {  	s23 =	simm.s32 $0x1000;
	s13 =	sadd.s32 s0, s18;
	[dreg:$0x17] =	wrdreg s19  }
0x21: {  	s18 =	sadd.s32 $0x800, s2;
	s8 =	sadd.s32 $0x800, s6;
	[dreg:$0x1a] =	wrdreg s22  }
0x22: {  	s20 =	sadd.s32 $0x5000, s6;
	s17 =	sadd.s32 $0x60, s7;
	[dreg:$0x8] =	wrdreg s13  }
0x23: {  	s19 =	sadd.s32 $0x70, s7;
	s13 =	sadd.s32 s0, s21;
	[dreg:$0x18] =	wrdreg s20  }
0x24: {  	s22 =	simm.s32 $0x2;
	s0 =	sadd.s32 s0, s4;
	[dreg:$0xa] =	wrdreg s13  }
0x25: {  	s21 =	sadd.s32 $0x5800, s6;
	[dreg:$0xc] =	wrdreg s0;
	s0 =	sadd.s32 s26, s9  }
0x26: {  	s13 =	sadd.s32 $0x2000, s6;
	[dreg:$0x19] =	wrdreg s21;
	s26 =	sadd.s32 $0x7000, s6  }
0x27: {  	s21 =	simm.s32 $0x800;
	[dreg:$0x12] =	wrdreg s13;
	s24 =	sadd.s32 $0x18200, s0  }
0x28: {  	v0 =	vimm.f32 $1.000000000e+00;
	v1 =	vimm.f32 $0.0e+00;
	[dreg:$0x1c] =	wrdreg s26;
	s13 =	sadd.s32 $0x20, s7;
	s26 =	simm.s32 $0x80  }
.LBB2_1:
0x29: {  	s0 =	simm.s32 $0x0  }
.LBB2_2:
0x2a: {  	p1 =	sne.s32 s0, $0x1FC0  }
.Ltmp0:
0x2b: {  	_ = 	snop;
	(pc) =	sbr.rel @p1 .LBB2_2-.Ltmp0, $3  }
0x2c: {  	_ =	sdelay $0x1  }
0x2d: {  	s4 =	sshra.s32 s0, $0x2  }
0x2e: {  	s0 =	sadd.s32 $0x40, s0;
	[tilespmem:s4+$0x0] =	vst v0  }
0x2f: {  	s0 =	simm.s32 $0x40;
	s4 =	simm.s32 $0x0  }
.LBB2_4:
0x30: {  	p1 =	sne.s32 s0, $0x1FC0;
	[tilespmem:s4+$0x800] =	vst v1;
	s4 =	smov.u32 s0;
	s0 =	sadd.s32 $0x40, s0  }
.Ltmp1:
0x31: {  	(pc) =	sbr.rel @p1 .LBB2_4-.Ltmp1, $2  }
0x32: {  	_ =	sdelay $0x2  }
0x33: {  	s4 =	sshra.s32 s4, $0x2  }
0x34: {  	[tilespmem:s4+$0x800] =	vst v1  }
0x35: {  	[spmem:s6] =	stream.linear.scatter [tilespmem:s21], [sflag:$0x2], $0x800, $0x38;
	[tilespmem:$0xB200] =	vst v63  }
0x36: {  	_ =	swait.ge [sflag:s22], $0x800  }
0x37: {  	[sflag:s22] =	ssyncset.done $0x0  }
0x38: {  	[sflag:s22] =	ssyncadd.s32 $0xFFFFF800  }
0x39: {  	[spmem:s8] =	stream.linear.scatter [tilespmem:s21], [sflag:$0x2], $0x800, $0x38;
	[tilespmem:$0xB200] =	vst v63  }
0x3a: {  	_ =	swait.ge [sflag:s22], $0x800  }
0x3b: {  	[sflag:s22] =	ssyncset.done $0x0  }
0x3c: {  	s0 =	rddreg [dreg:$0x10];
	[sflag:s22] =	ssyncadd.s32 $0xFFFFF800  }
0x3d: {  	[spmem:s0] =	stream.linear.scatter [tilespmem:s21], [sflag:$0x2], $0x800, $0x38;
	[tilespmem:$0xB200] =	vst v63  }
0x3e: {  	_ =	swait.ge [sflag:s22], $0x800  }
0x3f: {  	[sflag:s22] =	ssyncset.done $0x0  }
0x40: {  	s20 =	rddreg [dreg:$0x11];
	[sflag:s22] =	ssyncadd.s32 $0xFFFFF800  }
0x41: {  	[spmem:s20] =	stream.linear.scatter [tilespmem:s21], [sflag:$0x2], $0x800, $0x38;
	[tilespmem:$0xB200] =	vst v63  }
0x42: {  	_ =	swait.ge [sflag:s22], $0x800  }
0x43: {  	[sflag:s22] =	ssyncset.done $0x0  }
0x44: {  	s4 =	rddreg [dreg:$0x12];
	[sflag:s22] =	ssyncadd.s32 $0xFFFFF800  }
0x45: {  	[spmem:s4] =	stream.linear.scatter [tilespmem:s21], [sflag:$0x2], $0x800, $0x38;
	[tilespmem:$0xB200] =	vst v63  }
0x46: {  	_ =	swait.ge [sflag:s22], $0x800  }
0x47: {  	[sflag:s22] =	ssyncset.done $0x0  }
0x48: {  	s9 =	rddreg [dreg:$0x13];
	[sflag:s22] =	ssyncadd.s32 $0xFFFFF800  }
0x49: {  	[spmem:s9] =	stream.linear.scatter [tilespmem:s21], [sflag:$0x2], $0x800, $0x38;
	[tilespmem:$0xB200] =	vst v63  }
0x4a: {  	_ =	swait.ge [sflag:s22], $0x800  }
0x4b: {  	[sflag:s22] =	ssyncset.done $0x0  }
0x4c: {  	s10 =	rddreg [dreg:$0x14];
	[sflag:s22] =	ssyncadd.s32 $0xFFFFF800  }
0x4d: {  	[spmem:s10] =	stream.linear.scatter [tilespmem:s21], [sflag:$0x2], $0x800, $0x38;
	[tilespmem:$0xB200] =	vst v63  }
0x4e: {  	_ =	swait.ge [sflag:s22], $0x800  }
0x4f: {  	[sflag:s22] =	ssyncset.done $0x0  }
0x50: {  	s20 =	rddreg [dreg:$0x15];
	[sflag:s22] =	ssyncadd.s32 $0xFFFFF800  }
0x51: {  	[spmem:s20] =	stream.linear.scatter [tilespmem:s21], [sflag:$0x2], $0x800, $0x38;
	[tilespmem:$0xB200] =	vst v63  }
0x52: {  	_ =	swait.ge [sflag:s22], $0x800  }
0x53: {  	[sflag:s22] =	ssyncset.done $0x0  }
0x54: {  	s4 =	rddreg [dreg:$0x16];
	[sflag:s22] =	ssyncadd.s32 $0xFFFFF800  }
0x55: {  	[spmem:s4] =	stream.linear.scatter [tilespmem:s21], [sflag:$0x2], $0x800, $0x38;
	[tilespmem:$0xB200] =	vst v63  }
0x56: {  	_ =	swait.ge [sflag:s22], $0x800  }
0x57: {  	[sflag:s22] =	ssyncset.done $0x0  }
0x58: {  	s9 =	rddreg [dreg:$0x17];
	[sflag:s22] =	ssyncadd.s32 $0xFFFFF800  }
0x59: {  	[spmem:s9] =	stream.linear.scatter [tilespmem:s21], [sflag:$0x2], $0x800, $0x38;
	[tilespmem:$0xB200] =	vst v63  }
0x5a: {  	_ =	swait.ge [sflag:s22], $0x800  }
0x5b: {  	[sflag:s22] =	ssyncset.done $0x0  }
0x5c: {  	s10 =	rddreg [dreg:$0x18];
	[sflag:s22] =	ssyncadd.s32 $0xFFFFF800  }
0x5d: {  	[spmem:s10] =	stream.linear.scatter [tilespmem:s21], [sflag:$0x2], $0x800, $0x38;
	[tilespmem:$0xB200] =	vst v63  }
0x5e: {  	_ =	swait.ge [sflag:s22], $0x800  }
0x5f: {  	[sflag:s22] =	ssyncset.done $0x0  }
0x60: {  	s20 =	rddreg [dreg:$0x19];
	[sflag:s22] =	ssyncadd.s32 $0xFFFFF800  }
0x61: {  	[spmem:s20] =	stream.linear.scatter [tilespmem:s21], [sflag:$0x2], $0x800, $0x38;
	[tilespmem:$0xB200] =	vst v63  }
0x62: {  	_ =	swait.ge [sflag:s22], $0x800  }
0x63: {  	[sflag:s22] =	ssyncset.done $0x0  }
0x64: {  	s4 =	rddreg [dreg:$0x1a];
	[sflag:s22] =	ssyncadd.s32 $0xFFFFF800  }
0x65: {  	[spmem:s4] =	stream.linear.scatter [tilespmem:s21], [sflag:$0x2], $0x800, $0x38;
	[tilespmem:$0xB200] =	vst v63  }
0x66: {  	_ =	swait.ge [sflag:s22], $0x800  }
0x67: {  	[sflag:s22] =	ssyncset.done $0x0  }
0x68: {  	s9 =	rddreg [dreg:$0x1b];
	[sflag:s22] =	ssyncadd.s32 $0xFFFFF800  }
0x69: {  	[spmem:s9] =	stream.linear.scatter [tilespmem:s21], [sflag:$0x2], $0x800, $0x38;
	[tilespmem:$0xB200] =	vst v63  }
0x6a: {  	_ =	swait.ge [sflag:s22], $0x800  }
0x6b: {  	[sflag:s22] =	ssyncset.done $0x0  }
0x6c: {  	s10 =	rddreg [dreg:$0x1c];
	[sflag:s22] =	ssyncadd.s32 $0xFFFFF800  }
0x6d: {  	[spmem:s10] =	stream.linear.scatter [tilespmem:s21], [sflag:$0x2], $0x800, $0x38;
	[tilespmem:$0xB200] =	vst v63  }
0x6e: {  	_ =	swait.ge [sflag:s22], $0x800  }
0x6f: {  	[sflag:s22] =	ssyncset.done $0x0  }
0x70: {  	[sflag:s22] =	ssyncadd.s32 $0xFFFFF800  }
0x71: {  	[spmem:s11] =	stream.linear.scatter [tilespmem:s21], [sflag:$0x2], $0x800, $0x38;
	[tilespmem:$0xB200] =	vst v63  }
0x72: {  	_ =	swait.ge [sflag:s22], $0x800  }
0x73: {  	[sflag:s22] =	ssyncset.done $0x0  }
0x74: {  	s0 =	simm.s32 @!p0 $0x800;
	s4 =	simm.s32 @!p0 $0x2;
	[sflag:s22] =	ssyncadd.s32 $0xFFFFF800  }
0x75: {  	[spmem:s2] =	stream.linear.scatter @!p0 [tilespmem:s0], [sflag:$0x2], $0x800, $0x38;
	[tilespmem:$0xB200] =	vst v63  }
0x76: {  	_ =	swait.ge @!p0 [sflag:s4], $0x800  }
0x77: {  	[sflag:s4] =	ssyncset.done @!p0 $0x0  }
0x78: {  	[sflag:s4] =	ssyncadd.s32 @!p0 $0xFFFFF800  }
0x79: {  	[spmem:s18] =	stream.linear.scatter @!p0 [tilespmem:s0], [sflag:$0x2], $0x800, $0x38;
	[tilespmem:$0xB200] =	vst v63  }
0x7a: {  	_ =	swait.ge @!p0 [sflag:s4], $0x800  }
0x7b: {  	[sflag:s4] =	ssyncset.done @!p0 $0x0  }
0x7c: {  	[sflag:s4] =	ssyncadd.s32 @!p0 $0xFFFFF800  }
0x7d: {  	s20 =	sadd.s32 $0x0, s24;
	[bflag:$0x0] =	sbarrier.arrive $0xFFFF  }
0x7e: {  	[tilespmem:s23], [sflag:$0x2] =	stream.linear.gather [hbm4b:s20+s3], $0x80, $0x38;
	[tilespmem:$0xB200] =	vst v63  }
0x7f: {  	_ =	swait.ge [sflag:s22], $0x80  }
0x80: {  	[sflag:s22] =	ssyncset.done $0x0  }
0x81: {  	[sflag:s22] =	ssyncadd.s32 $0xFFFFFF80  }
0x82: {  	[spmem:s1] =	stream.indirect.scatter.add.f32 [tilespmem:s3], [sflag:$0x2], $0x10, s23, s26, $0xb8;
	[tilespmem:$0xB200] =	vst v63  }
0x83: {  	_ =	swait.ge [sflag:s22], $0x800  }
0x84: {  	s0 =	simm.s32 $0x10;
	s4 =	simm.s32 $0x20;
	[sflag:s22] =	ssyncset.done $0x0  }
.LBB2_6:
0x85: {  	s20 =	sadd.s32 s0, s24  }
0x86: {  	[sflag:s22] =	ssyncadd.s32 $0xFFFFF800;
	s0 =	smov.u32 s4;
	s9 =	sadd.s32 $0x10, s4  }
0x87: {  	[tilespmem:s23], [sflag:$0x2] =	stream.linear.gather [hbm4b:s20+s3], $0x80, $0x38;
	[tilespmem:$0xB200] =	vst v63  }
0x88: {  	p1 =	seq.s32 s4, $0x7F0;
	_ =	swait.ge [sflag:s22], $0x80  }
.Ltmp2:
0x89: {  	[sflag:s22] =	ssyncset.done $0x0;
	(pc) =	sbr.rel @!p1 .LBB2_6-.Ltmp2, $4  }
0x8a: {  	[sflag:s22] =	ssyncadd.s32 $0xFFFFFF80  }
0x8b: {  	[spmem:s1] =	stream.indirect.scatter.add.f32 [tilespmem:s3], [sflag:$0x2], $0x10, s23, s26, $0xb8;
	[tilespmem:$0xB200] =	vst v63  }
0x8c: {  	_ =	swait.ge [sflag:s22], $0x800  }
0x8d: {  	s4 =	smov.u32 s9;
	[sflag:s22] =	ssyncset.done $0x0  }
0x8e: {  	s0 =	sadd.s32 s0, s24;
	[sflag:s22] =	ssyncadd.s32 $0xFFFFF800  }
0x8f: {  	[tilespmem:s23], [sflag:$0x2] =	stream.linear.gather [hbm4b:s0+s3], $0x80, $0x38;
	[tilespmem:$0xB200] =	vst v63  }
0x90: {  	_ =	swait.ge [sflag:s22], $0x80  }
0x91: {  	[sflag:s22] =	ssyncset.done $0x0  }
0x92: {  	[sflag:s22] =	ssyncadd.s32 $0xFFFFFF80  }
0x93: {  	[spmem:s1] =	stream.indirect.scatter.add.f32 [tilespmem:s3], [sflag:$0x2], $0x10, s23, s26, $0xb8;
	[tilespmem:$0xB200] =	vst v63  }
0x94: {  	_ =	swait.ge [sflag:s22], $0x800  }
0x95: {  	[sflag:s22] =	ssyncset.done $0x0  }
0x96: {  	s0 =	simm.s32 $0x0;
	[sflag:s22] =	ssyncadd.s32 $0xFFFFF800  }
0x97: {  	[tilespmem:s23], [sflag:$0x2] =	stream.linear.gather [hbm4b:s7+s0], $0x80, $0x38;
	[tilespmem:$0xB200] =	vst v63  }
0x98: {  	_ =	swait.ge [sflag:s22], $0x80  }
0x99: {  	[sflag:s22] =	ssyncset.done $0x0  }
0x9a: {  	[sflag:s22] =	ssyncadd.s32 $0xFFFFFF80  }
0x9b: {  	[spmem:s2] =	stream.indirect.scatter.add.f32 [tilespmem:s0], [sflag:$0x2], $0x10, s23, s26, $0xb8;
	[tilespmem:$0xB200] =	vst v63  }
0x9c: {  	_ =	swait.ge [sflag:s22], $0x800  }
0x9d: {  	[sflag:s22] =	ssyncset.done $0x0  }
0x9e: {  	[sflag:s22] =	ssyncadd.s32 $0xFFFFF800  }
0x9f: {  	[tilespmem:s23], [sflag:$0x2] =	stream.linear.gather [hbm4b:s12+s0], $0x80, $0x38;
	[tilespmem:$0xB200] =	vst v63  }
0xa0: {  	_ =	swait.ge [sflag:s22], $0x80  }
0xa1: {  	[sflag:s22] =	ssyncset.done $0x0  }
0xa2: {  	[sflag:s22] =	ssyncadd.s32 $0xFFFFFF80  }
0xa3: {  	[spmem:s2] =	stream.indirect.scatter.add.f32 [tilespmem:s0], [sflag:$0x2], $0x10, s23, s26, $0xb8;
	[tilespmem:$0xB200] =	vst v63  }
0xa4: {  	_ =	swait.ge [sflag:s22], $0x800  }
0xa5: {  	[sflag:s22] =	ssyncset.done $0x0  }
0xa6: {  	[sflag:s22] =	ssyncadd.s32 $0xFFFFF800  }
0xa7: {  	[tilespmem:s23], [sflag:$0x2] =	stream.linear.gather [hbm4b:s13+s0], $0x80, $0x38;
	[tilespmem:$0xB200] =	vst v63  }
0xa8: {  	_ =	swait.ge [sflag:s22], $0x80  }
0xa9: {  	[sflag:s22] =	ssyncset.done $0x0  }
0xaa: {  	[sflag:s22] =	ssyncadd.s32 $0xFFFFFF80  }
0xab: {  	[spmem:s2] =	stream.indirect.scatter.add.f32 [tilespmem:s0], [sflag:$0x2], $0x10, s23, s26, $0xb8;
	[tilespmem:$0xB200] =	vst v63  }
0xac: {  	_ =	swait.ge [sflag:s22], $0x800  }
0xad: {  	[sflag:s22] =	ssyncset.done $0x0  }
0xae: {  	[sflag:s22] =	ssyncadd.s32 $0xFFFFF800  }
0xaf: {  	[tilespmem:s23], [sflag:$0x2] =	stream.linear.gather [hbm4b:s14+s0], $0x80, $0x38;
	[tilespmem:$0xB200] =	vst v63  }
0xb0: {  	_ =	swait.ge [sflag:s22], $0x80  }
0xb1: {  	[sflag:s22] =	ssyncset.done $0x0  }
0xb2: {  	[sflag:s22] =	ssyncadd.s32 $0xFFFFFF80  }
0xb3: {  	[spmem:s2] =	stream.indirect.scatter.add.f32 [tilespmem:s0], [sflag:$0x2], $0x10, s23, s26, $0xb8;
	[tilespmem:$0xB200] =	vst v63  }
0xb4: {  	_ =	swait.ge [sflag:s22], $0x800  }
0xb5: {  	[sflag:s22] =	ssyncset.done $0x0  }
0xb6: {  	[sflag:s22] =	ssyncadd.s32 $0xFFFFF800  }
0xb7: {  	[tilespmem:s23], [sflag:$0x2] =	stream.linear.gather [hbm4b:s15+s0], $0x80, $0x38;
	[tilespmem:$0xB200] =	vst v63  }
0xb8: {  	_ =	swait.ge [sflag:s22], $0x80  }
0xb9: {  	[sflag:s22] =	ssyncset.done $0x0  }
0xba: {  	[sflag:s22] =	ssyncadd.s32 $0xFFFFFF80  }
0xbb: {  	[spmem:s2] =	stream.indirect.scatter.add.f32 [tilespmem:s0], [sflag:$0x2], $0x10, s23, s26, $0xb8;
	[tilespmem:$0xB200] =	vst v63  }
0xbc: {  	_ =	swait.ge [sflag:s22], $0x800  }
0xbd: {  	[sflag:s22] =	ssyncset.done $0x0  }
0xbe: {  	[sflag:s22] =	ssyncadd.s32 $0xFFFFF800  }
0xbf: {  	[tilespmem:s23], [sflag:$0x2] =	stream.linear.gather [hbm4b:s16+s0], $0x80, $0x38;
	[tilespmem:$0xB200] =	vst v63  }
0xc0: {  	_ =	swait.ge [sflag:s22], $0x80  }
0xc1: {  	[sflag:s22] =	ssyncset.done $0x0  }
0xc2: {  	[sflag:s22] =	ssyncadd.s32 $0xFFFFFF80  }
0xc3: {  	[spmem:s2] =	stream.indirect.scatter.add.f32 [tilespmem:s0], [sflag:$0x2], $0x10, s23, s26, $0xb8;
	[tilespmem:$0xB200] =	vst v63  }
0xc4: {  	_ =	swait.ge [sflag:s22], $0x800  }
0xc5: {  	[sflag:s22] =	ssyncset.done $0x0  }
0xc6: {  	[sflag:s22] =	ssyncadd.s32 $0xFFFFF800  }
0xc7: {  	[tilespmem:s23], [sflag:$0x2] =	stream.linear.gather [hbm4b:s17+s0], $0x80, $0x38;
	[tilespmem:$0xB200] =	vst v63  }
0xc8: {  	_ =	swait.ge [sflag:s22], $0x80  }
0xc9: {  	[sflag:s22] =	ssyncset.done $0x0  }
0xca: {  	[sflag:s22] =	ssyncadd.s32 $0xFFFFFF80  }
0xcb: {  	[spmem:s2] =	stream.indirect.scatter.add.f32 [tilespmem:s0], [sflag:$0x2], $0x10, s23, s26, $0xb8;
	[tilespmem:$0xB200] =	vst v63  }
0xcc: {  	_ =	swait.ge [sflag:s22], $0x800  }
0xcd: {  	[sflag:s22] =	ssyncset.done $0x0  }
0xce: {  	[sflag:s22] =	ssyncadd.s32 $0xFFFFF800  }
0xcf: {  	[tilespmem:s23], [sflag:$0x2] =	stream.linear.gather [hbm4b:s19+s0], $0x80, $0x38;
	[tilespmem:$0xB200] =	vst v63  }
0xd0: {  	_ =	swait.ge [sflag:s22], $0x80  }
0xd1: {  	[sflag:s22] =	ssyncset.done $0x0  }
0xd2: {  	[sflag:s22] =	ssyncadd.s32 $0xFFFFFF80  }
0xd3: {  	[spmem:s2] =	stream.indirect.scatter.add.f32 [tilespmem:s0], [sflag:$0x2], $0x10, s23, s26, $0xb8;
	[tilespmem:$0xB200] =	vst v63  }
0xd4: {  	_ =	swait.ge [sflag:s22], $0x800  }
0xd5: {  	[sflag:s22] =	ssyncset.done $0x0  }
0xd6: {  	s4 =	rddreg [dreg:$0x5];
	[sflag:s22] =	ssyncadd.s32 $0xFFFFF800  }
0xd7: {  	[tilespmem:s28], [sflag:$0x2] =	stream.linear.gather [hbm4b:s4+s0], $0x80, $0x38;
	[tilespmem:$0xB200] =	vst v63  }
0xd8: {  	_ =	swait.ge [sflag:s22], $0x80  }
0xd9: {  	[sflag:s22] =	ssyncset.done $0x0  }
0xda: {  	[sflag:s22] =	ssyncadd.s32 $0xFFFFFF80  }
0xdb: {  	[tilespmem:s29], [sflag:$0x1] =	stream.indirect.gather [hbm4b:s5+s26], $0x40, s28, s26, $0xb8;
	[tilespmem:$0xB200] =	vst v63  }
0xdc: {  	_ =	swait.ge [sflag:s30], $0x2000  }
0xdd: {  	[sflag:s30] =	ssyncset.done $0x0  }
0xde: {  	s9 =	rddreg [dreg:$0x6];
	[sflag:s30] =	ssyncadd.s32 $0xFFFFE000  }
0xdf: {  	[hbm4b:s9+s0] =	stream.linear.scatter [tilespmem:s29], [sflag:$0x2], $0x2000, $0x38;
	[tilespmem:$0xB200] =	vst v63  }
0xe0: {  	_ =	swait.ge [sflag:s22], $0x2000  }
0xe1: {  	[sflag:s22] =	ssyncset.done $0x0  }
0xe2: {  	s10 =	rddreg [dreg:$0x7];
	[sflag:s22] =	ssyncadd.s32 $0xFFFFE000  }
0xe3: {  	[tilespmem:s28], [sflag:$0x2] =	stream.linear.gather [hbm4b:s10+s0], $0x80, $0x38;
	[tilespmem:$0xB200] =	vst v63  }
0xe4: {  	_ =	swait.ge [sflag:s22], $0x80  }
0xe5: {  	[sflag:s22] =	ssyncset.done $0x0  }
0xe6: {  	[sflag:s22] =	ssyncadd.s32 $0xFFFFFF80  }
0xe7: {  	[tilespmem:s29], [sflag:$0x1] =	stream.indirect.gather [hbm4b:s5+s26], $0x40, s28, s26, $0xb8;
	[tilespmem:$0xB200] =	vst v63  }
0xe8: {  	_ =	swait.ge [sflag:s30], $0x2000  }
0xe9: {  	[sflag:s30] =	ssyncset.done $0x0  }
0xea: {  	s20 =	rddreg [dreg:$0x8];
	[sflag:s30] =	ssyncadd.s32 $0xFFFFE000  }
0xeb: {  	[hbm4b:s20+s0] =	stream.linear.scatter [tilespmem:s29], [sflag:$0x2], $0x2000, $0x38;
	[tilespmem:$0xB200] =	vst v63  }
0xec: {  	_ =	swait.ge [sflag:s22], $0x2000  }
0xed: {  	[sflag:s22] =	ssyncset.done $0x0  }
0xee: {  	s9 =	rddreg [dreg:$0x9];
	[sflag:s22] =	ssyncadd.s32 $0xFFFFE000  }
0xef: {  	[tilespmem:s28], [sflag:$0x2] =	stream.linear.gather [hbm4b:s9+s0], $0x80, $0x38;
	[tilespmem:$0xB200] =	vst v63  }
0xf0: {  	_ =	swait.ge [sflag:s22], $0x80  }
0xf1: {  	[sflag:s22] =	ssyncset.done $0x0  }
0xf2: {  	[sflag:s22] =	ssyncadd.s32 $0xFFFFFF80  }
0xf3: {  	[tilespmem:s29], [sflag:$0x1] =	stream.indirect.gather [hbm4b:s5+s26], $0x40, s28, s26, $0xb8;
	[tilespmem:$0xB200] =	vst v63  }
0xf4: {  	_ =	swait.ge [sflag:s30], $0x2000  }
0xf5: {  	[sflag:s30] =	ssyncset.done $0x0  }
0xf6: {  	s10 =	rddreg [dreg:$0xa];
	[sflag:s30] =	ssyncadd.s32 $0xFFFFE000  }
0xf7: {  	[hbm4b:s10+s0] =	stream.linear.scatter [tilespmem:s29], [sflag:$0x2], $0x2000, $0x38;
	[tilespmem:$0xB200] =	vst v63  }
0xf8: {  	_ =	swait.ge [sflag:s22], $0x2000  }
0xf9: {  	[sflag:s22] =	ssyncset.done $0x0  }
0xfa: {  	s20 =	rddreg [dreg:$0xb];
	[sflag:s22] =	ssyncadd.s32 $0xFFFFE000  }
0xfb: {  	[tilespmem:s28], [sflag:$0x2] =	stream.linear.gather [hbm4b:s20+s0], $0x80, $0x38;
	[tilespmem:$0xB200] =	vst v63  }
0xfc: {  	_ =	swait.ge [sflag:s22], $0x80  }
0xfd: {  	[sflag:s22] =	ssyncset.done $0x0  }
0xfe: {  	[sflag:s22] =	ssyncadd.s32 $0xFFFFFF80  }
0xff: {  	[tilespmem:s29], [sflag:$0x1] =	stream.indirect.gather [hbm4b:s5+s26], $0x40, s28, s26, $0xb8;
	[tilespmem:$0xB200] =	vst v63  }
0x100: {  	_ =	swait.ge [sflag:s30], $0x2000  }
0x101: {  	[sflag:s30] =	ssyncset.done $0x0  }
0x102: {  	s9 =	rddreg [dreg:$0xc];
	[sflag:s30] =	ssyncadd.s32 $0xFFFFE000  }
0x103: {  	[hbm4b:s9+s0] =	stream.linear.scatter [tilespmem:s29], [sflag:$0x2], $0x2000, $0x38;
	[tilespmem:$0xB200] =	vst v63  }
0x104: {  	_ =	swait.ge [sflag:s22], $0x2000  }
0x105: {  	s10 =	stileid.u32;
	[sflag:s22] =	ssyncset.done $0x0  }
0x106: {  	s20 =	sadd.s32 $0x0, s25;
	s0 =	sshll.u32 s10, $0x6;
	[sflag:s22] =	ssyncadd.s32 $0xFFFFE000  }
0x107: {  	s9 =	sshrl.u32 s6, $0x3;
	s0 =	sor.u32 $0x1C02, s0;
	[bflag:$0x0] =	sbarrier.arrive $0xFFFF  }
0x108: {  	[hbm:s20], [sflag:s0] =	dma.local [spmem:s9], $0x100  }
0x109: {  	s4 =	simm.s32 $0x100;
	s20 =	smov.u32 s8;
	_ =	swait.ge [sflag:s22], $0x100  }
.LBB2_8:
0x10a: {  	s9 =	sadd.s32 s4, s25;
	[sflag:s22] =	ssyncset.done $0x0;
	p1 =	sne.s32 s4, $0xF00  }
.Ltmp3:
0x10b: {  	s10 =	sshrl.u32 s20, $0x3;
	[sflag:s22] =	ssyncadd.s32 $0xFFFFFF00;
	(pc) =	sbr.rel @p1 .LBB2_8-.Ltmp3, $3  }
0x10c: {  	[hbm:s9], [sflag:s0] =	dma.local [spmem:s10], $0x100  }
0x10d: {  	s4 =	sadd.s32 $0x100, s4;
	_ =	sdelay $0x1  }
0x10e: {  	s20 =	sadd.s32 $0x800, s20;
	_ =	swait.ge [sflag:s22], $0x100  }
0x10f: {  	[sflag:s22] =	ssyncset.done $0x0;
	s0 =	sshrl.u32 @!p0 s2, $0x3  }
0x110: {  	s4 =	simm.s32 @!p0 $0x1C02;
	s9 =	rddreg [dreg:$0xd];
	[sflag:s22] =	ssyncadd.s32 $0xFFFFFF00  }
0x111: {  	[hbm:s9], [sflag:s4] =	dma.local @!p0 [spmem:s0], $0x100  }
0x112: {  	s0 =	simm.s32 @!p0 $0x2  }
0x113: {  	_ =	swait.ge @!p0 [sflag:s0], $0x100  }
0x114: {  	[sflag:s0] =	ssyncset.done @!p0 $0x0  }
0x115: {  	s9 =	sshrl.u32 @!p0 s18, $0x3;
	s10 =	rddreg [dreg:$0xe];
	[sflag:s0] =	ssyncadd.s32 @!p0 $0xFFFFFF00  }
0x116: {  	[hbm:s10], [sflag:s4] =	dma.local @!p0 [spmem:s9], $0x100  }
0x117: {  	_ =	swait.ge @!p0 [sflag:s0], $0x100  }
0x118: {  	s31 =	sadd.s32 $0x1, s31;
	s20 =	rddreg [dreg:$0xf]  }
0x119: {  	p1 =	sne.s32 s31, s20  }
.Ltmp4:
0x11a: {  	_ = 	snop;
	(pc) =	sbr.rel @p1 .LBB2_1-.Ltmp4, $3  }
0x11b: {  	_ =	sdelay $0x1  }
0x11c: {  	[sflag:s0] =	ssyncset.done @!p0 $0x0  }
0x11d: {  	[sflag:s0] =	ssyncadd.s32 @!p0 $0xFFFFFF00  }
0x11e: {  	_ =	sfence.sel $0x180000  }
0x11f: {  	[bflag:$0x0] =	sbarrier.arrive $0xFFFF  }
0x120: {  	_ =	strace $0x90000047  }
0x121: {  	[bflag:$0x2] =	sbarrier.arrive $0xFFFF  }
0x122: {  	s0 =	rddreg [dreg:$0x4]  }
0x123: {  	s0 =	sadd.s32 @!p0 $0x100000, s0  }
0x124: {  	[sflag:s0] =	ssyncadd.tile.s32 @!p0 $0x1;
	_ =	shalt  }
.Lfunc_end2:
_tile_overlayer_lowered:
.L_overlay_start_2:
0x125: {  	(tag) =	ssettag $0x2  }
0x126: {  	s0 =	rddreg [dreg:$0x0];
	s2 =	stileid.u32  }
0x127: {  	s1 =	rddreg [dreg:$0x1];
	p0 =	sne.s32 s2, $0x0  }
0x128: {  	s3 =	rddreg [dreg:$0x2];
	[bflag:$0x3] =	sbarrier.arrive $0xFFFF;
	s2 =	simm.s32 @!p0 $0x1C02  }
0x129: {  	[timem:s3], [sflag:s2] =	dma.local @!p0 [hbm:s0], s1  }
0x12a: {  	s0 =	simm.s32 @!p0 $0x2  }
0x12b: {  	_ =	swait.ge @!p0 [sflag:s0], s1  }
0x12c: {  	s1 =	ssub.s32 @!p0 $0x0, s1;
	[sflag:s0] =	ssyncset.done @!p0 $0x0  }
0x12d: {  	[sflag:s0] =	ssyncadd.s32 @!p0 s1  }
0x12e: {  	[bflag:$0x3] =	sbarrier.arrive $0xFFFF  }
0x12f: {  	_ =	shalt  }

// kernel: kernel.15.cloned.1.call-start
scs
__scs_entry_jumppad:
0x0: {  	(pc) =	sbr.rel $0x88, $3  }
0x1: {  	(tag) =	ssettag $0x0;
	lr =	simm.s32 $0x1  }
0x2: {  	[smem:$0x3F86] =	sst lr;
	_ =	strace $0xD0000000  }
0x3: {  	_ = 	snop  }
0x4: {  	_ = 	snop  }
0x5: {  	_ = 	snop  }
0x6: {  	_ = 	snop  }
0x7: {  	_ = 	snop  }
__scs_overlays_trampoline_lowered:
0x8: {  	[smem:$0x3F95] =	sst s0  }
0x9: {  	[smem:$0x3F96] =	sst s1  }
0xa: {  	[smem:$0x3F97] =	sst s2  }
0xb: {  	[smem:$0x3F98] =	sst s3  }
0xc: {  	[smem:$0x3F99] =	sst s4  }
0xd: {  	[smem:$0x3F9A] =	sst s5  }
0xe: {  	[smem:$0x3F9B] =	sst s6  }
0xf: {  	[smem:$0x3F9C] =	sst s7  }
0x10: {  	[smem:$0x3F9D] =	sst s8  }
0x11: {  	[smem:$0x3F9E] =	sst s9;
	s0 =	simm.s32 @!p0 $0x0  }
0x12: {  	s1 =	sld [smem:$0x3F84];
	s0 =	simm.s32 @p0 $0x1  }
0x13: {  	[smem:$0x3F9F] =	sst s0;
	s0 =	simm.s32 @!p1 $0x0  }
0x14: {  	s2 =	sld [smem:$0x3F83];
	s0 =	simm.s32 @p1 $0x1  }
0x15: {  	[smem:$0x3FA0] =	sst s0;
	s0 =	simm.s32 @!p2 $0x0  }
0x16: {  	s3 =	sld [smem:$0x3FDB];
	s0 =	simm.s32 @p2 $0x1  }
0x17: {  	s4 =	simm.s32 $0x1BF5;
	[smem:$0x3FA2] =	sst s0  }
0x18: {  	s0 =	sld [smem:$0x3F85];
	_ =	swait.ge [sflag:s4], $0x0  }
0x19: {  	s7 =	sld [smem:$0x3F86]  }
0x1a: {  	s8 =	sadd.s32 $0xFFFFE003, lr  }
0x1b: {  	s9 =	sadd.s32 $0xFFFFFEF7, lr;
	s5 =	simm.s32 $0xFFFFFFFF;
	p2 =	slt.u32 s8, $0xFFFFF086  }
0x1c: {  	p1 =	slt.u32 s9, $0xF7A;
	s5 =	simm.s32 @!p2 $0x0  }
0x1d: {  	s5 =	simm.s32 @p1 $0x1;
	p0 =	seq.s32 s7, s2  }
0x1e: {  	s7 =	smul.u32 @!p0 $0xF7A, s2;
	p2 =	seq.s32 @!p0 s5, $0x0  }
0x1f: {  	s9 =	smul.u32 $0xF7A, s1;
	s8 =	simm.s32 @!p0 $0x1BF5;
	p2 =	por !p2, p0  }
0x20: {  	[sflag:s8] =	ssyncset.s32 @!p0 $0xFFFFF086;
	s6 =	sadd.s32 @!p0 s3, s7;
	s7 =	simm.s32 @!p0 $0x108  }
0x21: {  	s3 =	sadd.s32 s3, s9;
	s6 =	sadd.s32 @!p0 $0x88, s6;
	s7 =	simm.s32 @p2 $0x1082  }
0x22: {  	[simem:s7], [sflag:s8] =	dma.local @!p0 [hbm:s6], $0xF7A  }
0x23: {  	s9 =	sor.u32 $0xD0000000, s2;
	s6 =	simm.s32 $0x108;
	_ =	swait.ge @!p0 [sflag:s8], $0x0  }
0x24: {  	s3 =	sadd.s32 $0x88, s3;
	s6 =	simm.s32 @!p1 $0x1082;
	[sflag:s4] =	ssyncset.s32 $0xFFFFF086  }
0x25: {  	[simem:s6], [sflag:s4] =	dma.local [hbm:s3], $0xF7A  }
0x26: {  	[smem:$0x3F86] =	sst s1;
	(tag) =	ssettag s2;
	_ =	strace s9  }
0x27: {  	s1 =	sld [smem:$0x3F96]  }
0x28: {  	s2 =	sld [smem:$0x3F97]  }
0x29: {  	s4 =	sld [smem:$0x3F99]  }
0x2a: {  	p0 =	seq.s32 s5, $0x0;
	s5 =	sld [smem:$0x3F9A]  }
0x2b: {  	s6 =	sld [smem:$0x3F9B]  }
0x2c: {  	s7 =	sld [smem:$0x3F9C]  }
0x2d: {  	s3 =	simm.s32 $0x108;
	s8 =	sld [smem:$0x3F9D]  }
0x2e: {  	s3 =	simm.s32 @!p0 $0x1082;
	s9 =	sld [smem:$0x3F9E]  }
0x2f: {  	lr =	sadd.s32 s0, s3;
	s0 =	sld [smem:$0x3F95]  }
0x30: {  	s3 =	sld [smem:$0x3F98]  }
0x31: {  	[smem:$0x3FA1] =	sst s10  }
0x32: {  	s10 =	sld [smem:$0x3F9F];
	_ =	sdelay $0x3  }
0x33: {  	p0 =	seq.s32 s10, $0x1;
	s10 =	sld [smem:$0x3FA1];
	_ =	sdelay $0x3  }
0x34: {  	[smem:$0x3FA1] =	sst s10  }
0x35: {  	s10 =	sld [smem:$0x3FA0];
	_ =	sdelay $0x3  }
0x36: {  	p1 =	seq.s32 s10, $0x1;
	s10 =	sld [smem:$0x3FA1];
	_ =	sdelay $0x3  }
0x37: {  	[smem:$0x3FA1] =	sst s10  }
0x38: {  	s10 =	sld [smem:$0x3FA2]  }
0x39: {  	_ = 	snop;
	(pc) =	sbr.ind lr, $3  }
0x3a: {  	_ = 	snop  }
0x3b: {  	_ = 	snop  }
0x3c: {  	p2 =	seq.s32 s10, $0x1;
	s10 =	sld [smem:$0x3FA1]  }
0x3d: {  	_ =	shalt  }
0x3e: {  	_ =	shalt  }
0x3f: {  	_ =	shalt  }
0x40: {  	_ =	shalt  }
0x41: {  	_ =	shalt  }
0x42: {  	_ =	shalt  }
0x43: {  	_ =	shalt  }
0x44: {  	_ =	shalt  }
0x45: {  	_ =	shalt  }
0x46: {  	_ =	shalt  }
0x47: {  	_ =	shalt  }
0x48: {  	_ =	shalt  }
0x49: {  	_ =	shalt  }
0x4a: {  	_ =	shalt  }
0x4b: {  	_ =	shalt  }
0x4c: {  	_ =	shalt  }
0x4d: {  	_ =	shalt  }
0x4e: {  	_ =	shalt  }
0x4f: {  	_ =	shalt  }
0x50: {  	_ =	shalt  }
0x51: {  	_ =	shalt  }
0x52: {  	_ =	shalt  }
0x53: {  	_ =	shalt  }
0x54: {  	_ =	shalt  }
0x55: {  	_ =	shalt  }
0x56: {  	_ =	shalt  }
0x57: {  	_ =	shalt  }
0x58: {  	_ =	shalt  }
0x59: {  	_ =	shalt  }
0x5a: {  	_ =	shalt  }
0x5b: {  	_ =	shalt  }
0x5c: {  	_ =	shalt  }
0x5d: {  	_ =	shalt  }
0x5e: {  	_ =	shalt  }
0x5f: {  	_ =	shalt  }
0x60: {  	_ =	shalt  }
0x61: {  	_ =	shalt  }
0x62: {  	_ =	shalt  }
0x63: {  	_ =	shalt  }
0x64: {  	_ =	shalt  }
0x65: {  	_ =	shalt  }
0x66: {  	_ =	shalt  }
0x67: {  	_ =	shalt  }
0x68: {  	_ =	shalt  }
0x69: {  	_ =	shalt  }
0x6a: {  	_ =	shalt  }
0x6b: {  	_ =	shalt  }
0x6c: {  	_ =	shalt  }
0x6d: {  	_ =	shalt  }
0x6e: {  	_ =	shalt  }
0x6f: {  	_ =	shalt  }
0x70: {  	_ =	shalt  }
0x71: {  	_ =	shalt  }
0x72: {  	_ =	shalt  }
0x73: {  	_ =	shalt  }
0x74: {  	_ =	shalt  }
0x75: {  	_ =	shalt  }
0x76: {  	_ =	shalt  }
0x77: {  	_ =	shalt  }
0x78: {  	_ =	shalt  }
0x79: {  	_ =	shalt  }
0x7a: {  	_ =	shalt  }
0x7b: {  	_ =	shalt  }
0x7c: {  	_ =	shalt  }
0x7d: {  	_ =	shalt  }
0x7e: {  	_ =	shalt  }
0x7f: {  	_ =	shalt  }
0x80: {  	_ =	shalt  }
0x81: {  	_ =	shalt  }
0x82: {  	_ =	shalt  }
0x83: {  	_ =	shalt  }
0x84: {  	_ =	shalt  }
0x85: {  	_ =	shalt  }
0x86: {  	_ =	shalt  }
0x87: {  	_ =	shalt  }
.Lfunc_end0:
.L_simem_size_0:
called_computation.1_lowered:
.L_overlay_start_0:
0x88: {  	s2 =	sld [smem:$0x3FD9]  }
0x89: {  	s3 =	sld [smem:$0x3FFE];
	_ =	sdelay $0x1  }
0x8a: {  	s1 =	srdreg.scid  }
0x8b: {  	s0 =	sand.u32 $0x1, s1  }
0x8c: {  	s16 =	sshll.u32 s0, $0xA;
	s2 =	sadd.s32 s3, s2  }
0x8d: {  	s2 =	sadd.s32 s2, s16  }
0x8e: {  	[smem:$0x3FAD] =	sst s2  }
0x8f: {  	_ = 	snop  }
0x90: {  	(tm) =	ssettm $0x1  }
0x91: {  	s17 =	sld [smem:$0x3FFB];
	_ =	sdelay $0x3  }
0x92: {  	_ =	strace s17  }
0x93: {  	s2 =	sld [smem:$0x3FFC];
	_ =	sdelay $0x3  }
0x94: {  	_ =	strace s2  }
0x95: {  	s2 =	sld [smem:$0x3FFD];
	_ =	sdelay $0x3  }
0x96: {  	_ =	strace s2  }
0x97: {  	_ =	strace $0x8FFFFFFF  }
0x98: {  	s18 =	sld [smem:$0x3FDB];
	_ =	sdelay $0x1  }
0x99: {  	s19 =	simm.s32 $_scs_section_size  }
0x9a: {  	s4 =	simm.s32 $_size__tile_overlayer_lowered;
	s5 =	simm.s32 $_tile_overlayer_lowered  }
0x9b: {  	s22 =	simm.s32 $0x1BFF;
	s21 =	sshll.u32 s5, $0x1;
	s2 =	sadd.s32 s19, s18  }
0x9c: {  	s6 =	simm.s32 $0x0;
	s20 =	sshll.u32 s4, $0x1;
	s4 =	sadd.s32 s21, s2  }
0x9d: {  	[timem:s6], [sflag:s22] =	dma.local [hbm:s4], s20  }
0x9e: {  	_ =	swait.ge [sflag:s22], s20  }
0x9f: {  	s3 =	ssub.s32 $0x0, s20;
	[sflag:s22] =	ssyncset.done $0x0  }
0xa0: {  	[sflag:s22] =	ssyncadd.s32 s3;
	_ =	sdelay $0x1  }
0xa1: {  	s23 =	simm.s32 $0x1B8B  }
0xa2: {  	_ =	swait.ge [sflag:s23], $0x1  }
0xa3: {  	[sflag:s23] =	ssyncset.done $0x0  }
0xa4: {  	s25 =	simm.s32 $0x1B8E;
	s24 =	sld [smem:$0x3FFE];
	[sflag:s23] =	ssyncadd.s32 $0xFFFFFFFF  }
0xa5: {  	s26 =	simm.s32 $execute0_lowered;
	[smem:$0x3FD2] =	sst s25  }
0xa6: {  	s4 =	sshll.u32 s26, $0x1;
	_ =	strace $0x80000049;
	[dreg:$0x1] =	wrdreg $0xFFFFFFFF  }
0xa7: {  	s28 =	simm.s32 $_size_execute0_lowered;
	s2 =	sadd.s32 s2, s4;
	[dreg:$0x0] =	wrdreg $0x0  }
0xa8: {  	s4 =	sshll.u32 s28, $0x1;
	[dreg:$0x2] =	wrdreg s2  }
0xa9: {  	[dreg:$0x3] =	wrdreg s4  }
0xaa: {  	[dreg:$0x4] =	wrdreg $0xC0  }
0xab: {  	_ =	task [dreg:s6], $0x5FFFF  }
0xac: {  	[dreg:$0x1] =	wrdreg $0xFFFFFFFF  }
0xad: {  	[dreg:$0x0] =	wrdreg $0x60  }
0xae: {  	[dreg:$0x2] =	wrdreg s24  }
0xaf: {  	[dreg:$0x3] =	wrdreg $0x98000  }
0xb0: {  	[dreg:$0x4] =	wrdreg $0x9  }
0xb1: {  	_ =	task.clear_ibuf [dreg:s6], $0x5FFFF;
	_ =	strace $0x90000049  }
0xb2: {  	s29 =	simm.s32 $0x9;
	_ =	strace $0x8000004B  }
0xb3: {  	_ =	swait.ge [sflag:s29], $0x1  }
0xb4: {  	[sflag:s29] =	ssyncadd.s32 $0xFFFFFFFF  }
0xb5: {  	_ =	strace $0x9000004B  }
0xb6: {  	_ =	sfence  }
0xb7: {  	s30 =	sld [smem:$0x0];
	_ =	sdelay $0x2  }
0xb8: {  	s31 =	sshll.u32 s1, $0xD;
	s1 =	sshrl.u32 s1, $0x2  }
0xb9: {  	s3 =	sand.u32 $0x4000, s31;
	s1 =	sadd.s32 s1, s30  }
0xba: {  	s0 =	sor.u32 s3, s0;
	s1 =	sshll.u32 s1, $0x11  }
0xbb: {  	s0 =	sor.u32 s1, s0  }
0xbc: {  	s0 =	sadd.s32 $0x8F2B, s0  }
0xbd: {  	[sflag:s0] =	ssyncadd.remote.s32 $0x1  }
0xbe: {  	_ =	sfence.sel $0xFFFF  }
0xbf: {  	[dreg:$0x0] =	wrdreg $0xFFFFFFFF;
	(pc) =	sbr.abs _section_cstart, $3  }
0xc0: {  	[dreg:$0x1] =	wrdreg $0xFFFFFFFF  }
0xc1: {  	_ =	task.clear_ibuf [dreg:s6], $0x2FFFF;
	_ =	strace $0x9FFFFFFF  }
0xc2: {  	(tm) =	ssettm $0x7FFFFFFF  }
0xc3: {  	_ =	shalt  }
tec
execute0_lowered:
.L_overlay_start_1:
0x0: {  	(tag) =	ssettag $0x1  }
0x1: {  	s0 =	rddreg [dreg:$0x0]  }
0x2: {  	s1 =	rddreg [dreg:$0x1];
	s2 =	simm.s32 $0x0;
	s3 =	srdreg.scid  }
0x3: {  	s9 =	stileid.u32;
	s24 =	simm.s32 $0x1080;
	[smem:$0x7FF] =	sst s2  }
0x4: {  	s3 =	sand.u32 $0x1, s3;
	s6 =	sshll.u32 s9, $0x10;
	_ =	strace $0x8000004A  }
0x5: {  	s4 =	sshll.u32 s3, $0xF;
	s5 =	sshll.u32 s3, $0x14;
	s3 =	ssub.s32 $0x2, s3  }
0x6: {  	[dreg:$0x5] =	wrdreg s24;
	s5 =	sor.u32 s6, s5;
	s6 =	sadd.s32 s6, s1  }
0x7: {  	s8 =	sshrl.u32 s3, $0x1;
	s26 =	sadd.s32 $0x1000, s6;
	[dreg:$0x8] =	wrdreg s6  }
0x8: {  	s3 =	ssub.s32 s3, s8;
	s8 =	sadd.s32 $0x2000, s6;
	[dreg:$0xa] =	wrdreg s26  }
0x9: {  	s25 =	sshll.u32 s9, $0xB;
	s9 =	sadd.s32 $0x3000, s6;
	[dreg:$0xb] =	wrdreg s8  }
0xa: {  	s10 =	sadd.s32 $0x4000, s6;
	[dreg:$0xc] =	wrdreg s9  }
0xb: {  	s11 =	sadd.s32 $0x5000, s6;
	[dreg:$0xd] =	wrdreg s10  }
0xc: {  	s28 =	simm.s32 $0x1800;
	s12 =	sadd.s32 $0x6000, s6;
	[dreg:$0xe] =	wrdreg s11  }
0xd: {  	s29 =	simm.s32 $0x2800;
	s13 =	sadd.s32 $0x7000, s6;
	[dreg:$0xf] =	wrdreg s12  }
0xe: {  	s30 =	simm.s32 $0x3800;
	s14 =	sadd.s32 $0x8000, s6;
	[dreg:$0x10] =	wrdreg s13  }
0xf: {  	s31 =	simm.s32 $0x4800;
	s15 =	sadd.s32 $0x9000, s6;
	[dreg:$0x11] =	wrdreg s14  }
0x10: {  	s24 =	simm.s32 $0x1000;
	s16 =	sadd.s32 $0xA000, s6;
	[dreg:$0x12] =	wrdreg s15  }
0x11: {  	s7 =	sadd.s32 s4, s0;
	s17 =	sadd.s32 $0xB000, s6;
	[dreg:$0x13] =	wrdreg s16  }
0x12: {  	s4 =	sadd.s32 $0x28200, s0;
	s18 =	sadd.s32 $0xC000, s6;
	[dreg:$0x14] =	wrdreg s17  }
0x13: {  	s5 =	sshrl.u32 s5, $0x3;
	s20 =	sadd.s32 $0xD000, s6;
	[dreg:$0x15] =	wrdreg s18  }
0x14: {  	s19 =	sadd.s32 s25, s7;
	s21 =	sadd.s32 $0xE000, s6;
	[dreg:$0x16] =	wrdreg s20  }
0x15: {  	s23 =	sadd.s32 $0xF000, s6;
	s25 =	simm.s32 $0x1100;
	[dreg:$0x17] =	wrdreg s21  }
0x16: {  	s0 =	sadd.s32 s5, s0;
	s3 =	smax.u32 s3, $0x1;
	[dreg:$0x18] =	wrdreg s23  }
0x17: {  	s22 =	sadd.s32 $0x18200, s19;
	s23 =	simm.s32 $0x2;
	[dreg:$0x6] =	wrdreg s25  }
0x18: {  	s26 =	simm.s32 $0x1180;
	s25 =	simm.s32 $0x1400;
	s8 =	simm.s32 $0x6800  }
0x19: {  	s10 =	simm.s32 $0x7800;
	s12 =	simm.s32 $0x8800;
	s13 =	simm.s32 $0x1  }
0x1a: {  	s5 =	simm.s32 $0x0;
	s9 =	simm.s32 $0x1280;
	s11 =	simm.s32 $0x1300  }
0x1b: {  	s14 =	simm.s32 $0x1380;
	s15 =	simm.s32 $0x1480;
	s16 =	simm.s32 $0x1500  }
0x1c: {  	s17 =	simm.s32 $0x1580;
	s18 =	simm.s32 $0x1600;
	[dreg:$0x9] =	wrdreg s3  }
0x1d: {  	s20 =	simm.s32 $0x1700;
	[dreg:$0x3] =	wrdreg s22;
	s3 =	sadd.s32 $0x8200, s19  }
0x1e: {  	s22 =	sadd.s32 $0xF8E00, s0;
	[dreg:$0x7] =	wrdreg s26;
	s26 =	simm.s32 $0x80  }
0x1f: {  	v0 =	vimm.f32 $0.0e+00;
	s19 =	simm.s32 $0x1680;
	[dreg:$0x4] =	wrdreg s3;
	s3 =	simm.s32 $0x5800  }
.LBB2_1:
0x20: {  	[dreg:$0x19] =	wrdreg s5;
	s5 =	simm.s32 $0x80;
	s7 =	simm.s32 $0x0  }
.LBB2_2:
0x21: {  	p0 =	sne.s32 s5, $0x3F80;
	[tilespmem:s7+$0x0] =	vst v0;
	s21 =	smov.u32 s5;
	s5 =	sadd.s32 $0x80, s5  }
.Ltmp0:
0x22: {  	[tilespmem:s7+$0x10] =	vst v0;
	(pc) =	sbr.rel @p0 .LBB2_2-.Ltmp0, $2  }
0x23: {  	_ =	sdelay $0x2  }
0x24: {  	s7 =	sshra.s32 s21, $0x2  }
0x25: {  	[tilespmem:s7+$0x0] =	vst v0  }
0x26: {  	[tilespmem:s7+$0x10] =	vst v0;
	s5 =	simm.s32 $0x0  }
0x27: {  	[spmem:s6] =	stream.linear.scatter [tilespmem:s5], [sflag:$0x2], $0x1000, $0x38;
	[tilespmem:$0x19800] =	vst v63  }
0x28: {  	_ =	swait.ge [sflag:s23], $0x1000  }
0x29: {  	[sflag:s23] =	ssyncset.done $0x0  }
0x2a: {  	s0 =	rddreg [dreg:$0xa];
	[sflag:s23] =	ssyncadd.s32 $0xFFFFF000  }
0x2b: {  	[spmem:s0] =	stream.linear.scatter [tilespmem:s5], [sflag:$0x2], $0x1000, $0x38;
	[tilespmem:$0x19800] =	vst v63  }
0x2c: {  	_ =	swait.ge [sflag:s23], $0x1000  }
0x2d: {  	[sflag:s23] =	ssyncset.done $0x0  }
0x2e: {  	s7 =	rddreg [dreg:$0xb];
	[sflag:s23] =	ssyncadd.s32 $0xFFFFF000  }
0x2f: {  	[spmem:s7] =	stream.linear.scatter [tilespmem:s5], [sflag:$0x2], $0x1000, $0x38;
	[tilespmem:$0x19800] =	vst v63  }
0x30: {  	_ =	swait.ge [sflag:s23], $0x1000  }
0x31: {  	[sflag:s23] =	ssyncset.done $0x0  }
0x32: {  	s21 =	rddreg [dreg:$0xc];
	[sflag:s23] =	ssyncadd.s32 $0xFFFFF000  }
0x33: {  	[spmem:s21] =	stream.linear.scatter [tilespmem:s5], [sflag:$0x2], $0x1000, $0x38;
	[tilespmem:$0x19800] =	vst v63  }
0x34: {  	_ =	swait.ge [sflag:s23], $0x1000  }
0x35: {  	[sflag:s23] =	ssyncset.done $0x0  }
0x36: {  	s6 =	rddreg [dreg:$0xd];
	[sflag:s23] =	ssyncadd.s32 $0xFFFFF000  }
0x37: {  	[spmem:s6] =	stream.linear.scatter [tilespmem:s5], [sflag:$0x2], $0x1000, $0x38;
	[tilespmem:$0x19800] =	vst v63  }
0x38: {  	_ =	swait.ge [sflag:s23], $0x1000  }
0x39: {  	[sflag:s23] =	ssyncset.done $0x0  }
0x3a: {  	s7 =	rddreg [dreg:$0xe];
	[sflag:s23] =	ssyncadd.s32 $0xFFFFF000  }
0x3b: {  	[spmem:s7] =	stream.linear.scatter [tilespmem:s5], [sflag:$0x2], $0x1000, $0x38;
	[tilespmem:$0x19800] =	vst v63  }
0x3c: {  	_ =	swait.ge [sflag:s23], $0x1000  }
0x3d: {  	[sflag:s23] =	ssyncset.done $0x0  }
0x3e: {  	s21 =	rddreg [dreg:$0xf];
	[sflag:s23] =	ssyncadd.s32 $0xFFFFF000  }
0x3f: {  	[spmem:s21] =	stream.linear.scatter [tilespmem:s5], [sflag:$0x2], $0x1000, $0x38;
	[tilespmem:$0x19800] =	vst v63  }
0x40: {  	_ =	swait.ge [sflag:s23], $0x1000  }
0x41: {  	[sflag:s23] =	ssyncset.done $0x0  }
0x42: {  	s6 =	rddreg [dreg:$0x10];
	[sflag:s23] =	ssyncadd.s32 $0xFFFFF000  }
0x43: {  	[spmem:s6] =	stream.linear.scatter [tilespmem:s5], [sflag:$0x2], $0x1000, $0x38;
	[tilespmem:$0x19800] =	vst v63  }
0x44: {  	_ =	swait.ge [sflag:s23], $0x1000  }
0x45: {  	[sflag:s23] =	ssyncset.done $0x0  }
0x46: {  	s7 =	rddreg [dreg:$0x11];
	[sflag:s23] =	ssyncadd.s32 $0xFFFFF000  }
0x47: {  	[spmem:s7] =	stream.linear.scatter [tilespmem:s5], [sflag:$0x2], $0x1000, $0x38;
	[tilespmem:$0x19800] =	vst v63  }
0x48: {  	_ =	swait.ge [sflag:s23], $0x1000  }
0x49: {  	[sflag:s23] =	ssyncset.done $0x0  }
0x4a: {  	s21 =	rddreg [dreg:$0x12];
	[sflag:s23] =	ssyncadd.s32 $0xFFFFF000  }
0x4b: {  	[spmem:s21] =	stream.linear.scatter [tilespmem:s5], [sflag:$0x2], $0x1000, $0x38;
	[tilespmem:$0x19800] =	vst v63  }
0x4c: {  	_ =	swait.ge [sflag:s23], $0x1000  }
0x4d: {  	[sflag:s23] =	ssyncset.done $0x0  }
0x4e: {  	s6 =	rddreg [dreg:$0x13];
	[sflag:s23] =	ssyncadd.s32 $0xFFFFF000  }
0x4f: {  	[spmem:s6] =	stream.linear.scatter [tilespmem:s5], [sflag:$0x2], $0x1000, $0x38;
	[tilespmem:$0x19800] =	vst v63  }
0x50: {  	_ =	swait.ge [sflag:s23], $0x1000  }
0x51: {  	[sflag:s23] =	ssyncset.done $0x0  }
0x52: {  	s7 =	rddreg [dreg:$0x14];
	[sflag:s23] =	ssyncadd.s32 $0xFFFFF000  }
0x53: {  	[spmem:s7] =	stream.linear.scatter [tilespmem:s5], [sflag:$0x2], $0x1000, $0x38;
	[tilespmem:$0x19800] =	vst v63  }
0x54: {  	_ =	swait.ge [sflag:s23], $0x1000  }
0x55: {  	[sflag:s23] =	ssyncset.done $0x0  }
0x56: {  	s21 =	rddreg [dreg:$0x15];
	[sflag:s23] =	ssyncadd.s32 $0xFFFFF000  }
0x57: {  	[spmem:s21] =	stream.linear.scatter [tilespmem:s5], [sflag:$0x2], $0x1000, $0x38;
	[tilespmem:$0x19800] =	vst v63  }
0x58: {  	_ =	swait.ge [sflag:s23], $0x1000  }
0x59: {  	[sflag:s23] =	ssyncset.done $0x0  }
0x5a: {  	s6 =	rddreg [dreg:$0x16];
	[sflag:s23] =	ssyncadd.s32 $0xFFFFF000  }
0x5b: {  	[spmem:s6] =	stream.linear.scatter [tilespmem:s5], [sflag:$0x2], $0x1000, $0x38;
	[tilespmem:$0x19800] =	vst v63  }
0x5c: {  	_ =	swait.ge [sflag:s23], $0x1000  }
0x5d: {  	[sflag:s23] =	ssyncset.done $0x0  }
0x5e: {  	s7 =	rddreg [dreg:$0x17];
	[sflag:s23] =	ssyncadd.s32 $0xFFFFF000  }
0x5f: {  	[spmem:s7] =	stream.linear.scatter [tilespmem:s5], [sflag:$0x2], $0x1000, $0x38;
	[tilespmem:$0x19800] =	vst v63  }
0x60: {  	_ =	swait.ge [sflag:s23], $0x1000  }
0x61: {  	[sflag:s23] =	ssyncset.done $0x0  }
0x62: {  	s21 =	rddreg [dreg:$0x18];
	[sflag:s23] =	ssyncadd.s32 $0xFFFFF000  }
0x63: {  	[spmem:s21] =	stream.linear.scatter [tilespmem:s5], [sflag:$0x2], $0x1000, $0x38;
	[tilespmem:$0x19800] =	vst v63  }
0x64: {  	_ =	swait.ge [sflag:s23], $0x1000  }
0x65: {  	[sflag:s23] =	ssyncset.done $0x0  }
0x66: {  	[sflag:s23] =	ssyncadd.s32 $0xFFFFF000  }
0x67: {  	[bflag:$0x0] =	sbarrier.arrive $0xFFFF  }
0x68: {  	s6 =	rddreg [dreg:$0x4]  }
0x69: {  	s5 =	sadd.s32 $0x0, s6  }
0x6a: {  	[tilespmem:s24], [sflag:$0x2] =	stream.linear.gather [hbm4b:s5+s2], $0x400, $0x38;
	[tilespmem:$0x19800] =	vst v63  }
0x6b: {  	_ =	swait.ge [sflag:s23], $0x400  }
0x6c: {  	s7 =	rddreg [dreg:$0x3];
	[sflag:s23] =	ssyncset.done $0x0  }
0x6d: {  	[sflag:s23] =	ssyncadd.s32 $0xFFFFFC00;
	s5 =	sadd.s32 $0x0, s7  }
0x6e: {  	[tilespmem:s25], [sflag:$0x2] =	stream.linear.gather [hbm4b:s5+s2], $0x400, $0x38;
	[tilespmem:$0x19800] =	vst v63  }
0x6f: {  	_ =	swait.ge [sflag:s23], $0x400  }
0x70: {  	[sflag:s23] =	ssyncset.done $0x0  }
0x71: {  	[sflag:s23] =	ssyncadd.s32 $0xFFFFFC00  }
0x72: {  	[tilespmem:s28], [sflag:$0x1] =	stream.indirect.gather [hbm4b:s4+s26], $0x20, s24, s26, $0xb8;
	[tilespmem:$0x19800] =	vst v63  }
0x73: {  	s21 =	rddreg [dreg:$0x5]  }
0x74: {  	[tilespmem:s29], [sflag:$0x1] =	stream.indirect.gather [hbm4b:s4+s26], $0x20, s21, s26, $0xb8;
	[tilespmem:$0x19800] =	vst v63  }
0x75: {  	s0 =	rddreg [dreg:$0x6]  }
0x76: {  	[tilespmem:s30], [sflag:$0x1] =	stream.indirect.gather [hbm4b:s4+s26], $0x20, s0, s26, $0xb8;
	[tilespmem:$0x19800] =	vst v63  }
0x77: {  	s6 =	rddreg [dreg:$0x7]  }
0x78: {  	[tilespmem:s31], [sflag:$0x1] =	stream.indirect.gather [hbm4b:s4+s26], $0x20, s6, s26, $0xb8;
	[tilespmem:$0x19800] =	vst v63  }
0x79: {  	s6 =	simm.s32 $0x1200  }
0x7a: {  	[tilespmem:s3], [sflag:$0x1] =	stream.indirect.gather [hbm4b:s4+s26], $0x20, s6, s26, $0xb8;
	[tilespmem:$0x19800] =	vst v63  }
0x7b: {  	_ = 	snop  }
0x7c: {  	[tilespmem:s8], [sflag:$0x1] =	stream.indirect.gather [hbm4b:s4+s26], $0x20, s9, s26, $0xb8;
	[tilespmem:$0x19800] =	vst v63  }
0x7d: {  	_ = 	snop  }
0x7e: {  	[tilespmem:s10], [sflag:$0x1] =	stream.indirect.gather [hbm4b:s4+s26], $0x20, s11, s26, $0xb8;
	[tilespmem:$0x19800] =	vst v63  }
0x7f: {  	_ = 	snop  }
0x80: {  	[tilespmem:s12], [sflag:$0x1] =	stream.indirect.gather [hbm4b:s4+s26], $0x20, s14, s26, $0xb8;
	[tilespmem:$0x19800] =	vst v63  }
0x81: {  	_ =	swait.ge [sflag:s13], $0x1000  }
0x82: {  	[sflag:s13] =	ssyncset.done $0x0  }
0x83: {  	[sflag:s13] =	ssyncadd.s32 $0xFFFFF000  }
0x84: {  	_ =	swait.ge [sflag:s13], $0x1000  }
0x85: {  	[sflag:s13] =	ssyncset.done $0x0  }
0x86: {  	[sflag:s13] =	ssyncadd.s32 $0xFFFFF000  }
0x87: {  	_ =	swait.ge [sflag:s13], $0x1000  }
0x88: {  	[sflag:s13] =	ssyncset.done $0x0  }
0x89: {  	[sflag:s13] =	ssyncadd.s32 $0xFFFFF000  }
0x8a: {  	_ =	swait.ge [sflag:s13], $0x1000  }
0x8b: {  	[sflag:s13] =	ssyncset.done $0x0  }
0x8c: {  	[sflag:s13] =	ssyncadd.s32 $0xFFFFF000  }
0x8d: {  	_ =	swait.ge [sflag:s13], $0x1000  }
0x8e: {  	[sflag:s13] =	ssyncset.done $0x0  }
0x8f: {  	[sflag:s13] =	ssyncadd.s32 $0xFFFFF000  }
0x90: {  	_ =	swait.ge [sflag:s13], $0x1000  }
0x91: {  	[sflag:s13] =	ssyncset.done $0x0  }
0x92: {  	[sflag:s13] =	ssyncadd.s32 $0xFFFFF000  }
0x93: {  	_ =	swait.ge [sflag:s13], $0x1000  }
0x94: {  	[sflag:s13] =	ssyncset.done $0x0  }
0x95: {  	[sflag:s13] =	ssyncadd.s32 $0xFFFFF000  }
0x96: {  	_ =	swait.ge [sflag:s13], $0x1000  }
0x97: {  	[sflag:s13] =	ssyncset.done $0x0  }
0x98: {  	[sflag:s13] =	ssyncadd.s32 $0xFFFFF000  }
0x99: {  	[spmem:s1] =	stream.indirect.scatter.add.f32 [tilespmem:s28], [sflag:$0x2], $0x20, s25, s26, $0xb8;
	[tilespmem:$0x19800] =	vst v63  }
0x9a: {  	_ =	swait.ge [sflag:s23], $0x1000  }
0x9b: {  	[sflag:s23] =	ssyncset.done $0x0  }
0x9c: {  	[sflag:s23] =	ssyncadd.s32 $0xFFFFF000  }
0x9d: {  	[spmem:s1] =	stream.indirect.scatter.add.f32 [tilespmem:s29], [sflag:$0x2], $0x20, s15, s26, $0xb8;
	[tilespmem:$0x19800] =	vst v63  }
0x9e: {  	_ =	swait.ge [sflag:s23], $0x1000  }
0x9f: {  	[sflag:s23] =	ssyncset.done $0x0  }
0xa0: {  	[sflag:s23] =	ssyncadd.s32 $0xFFFFF000  }
0xa1: {  	[spmem:s1] =	stream.indirect.scatter.add.f32 [tilespmem:s30], [sflag:$0x2], $0x20, s16, s26, $0xb8;
	[tilespmem:$0x19800] =	vst v63  }
0xa2: {  	_ =	swait.ge [sflag:s23], $0x1000  }
0xa3: {  	[sflag:s23] =	ssyncset.done $0x0  }
0xa4: {  	[sflag:s23] =	ssyncadd.s32 $0xFFFFF000  }
0xa5: {  	[spmem:s1] =	stream.indirect.scatter.add.f32 [tilespmem:s31], [sflag:$0x2], $0x20, s17, s26, $0xb8;
	[tilespmem:$0x19800] =	vst v63  }
0xa6: {  	_ =	swait.ge [sflag:s23], $0x1000  }
0xa7: {  	[sflag:s23] =	ssyncset.done $0x0  }
0xa8: {  	[sflag:s23] =	ssyncadd.s32 $0xFFFFF000  }
0xa9: {  	[spmem:s1] =	stream.indirect.scatter.add.f32 [tilespmem:s3], [sflag:$0x2], $0x20, s18, s26, $0xb8;
	[tilespmem:$0x19800] =	vst v63  }
0xaa: {  	_ =	swait.ge [sflag:s23], $0x1000  }
0xab: {  	[sflag:s23] =	ssyncset.done $0x0  }
0xac: {  	[sflag:s23] =	ssyncadd.s32 $0xFFFFF000  }
0xad: {  	[spmem:s1] =	stream.indirect.scatter.add.f32 [tilespmem:s8], [sflag:$0x2], $0x20, s19, s26, $0xb8;
	[tilespmem:$0x19800] =	vst v63  }
0xae: {  	_ =	swait.ge [sflag:s23], $0x1000  }
0xaf: {  	[sflag:s23] =	ssyncset.done $0x0  }
0xb0: {  	[sflag:s23] =	ssyncadd.s32 $0xFFFFF000  }
0xb1: {  	[spmem:s1] =	stream.indirect.scatter.add.f32 [tilespmem:s10], [sflag:$0x2], $0x20, s20, s26, $0xb8;
	[tilespmem:$0x19800] =	vst v63  }
0xb2: {  	_ =	swait.ge [sflag:s23], $0x1000  }
0xb3: {  	[sflag:s23] =	ssyncset.done $0x0  }
0xb4: {  	s21 =	simm.s32 $0x1780;
	[sflag:s23] =	ssyncadd.s32 $0xFFFFF000  }
0xb5: {  	[spmem:s1] =	stream.indirect.scatter.add.f32 [tilespmem:s12], [sflag:$0x2], $0x20, s21, s26, $0xb8;
	[tilespmem:$0x19800] =	vst v63  }
0xb6: {  	s7 =	simm.s32 $0x80;
	_ =	swait.ge [sflag:s23], $0x1000  }
0xb7: {  	s5 =	simm.s32 $0x100;
	s21 =	rddreg [dreg:$0x4];
	[sflag:s23] =	ssyncset.done $0x0  }
.LBB2_4:
0xb8: {  	[sflag:s23] =	ssyncadd.s32 $0xFFFFF000;
	s21 =	sadd.s32 s7, s21  }
0xb9: {  	[tilespmem:s24], [sflag:$0x2] =	stream.linear.gather [hbm4b:s21+s2], $0x400, $0x38;
	[tilespmem:$0x19800] =	vst v63  }
0xba: {  	_ =	swait.ge [sflag:s23], $0x400  }
0xbb: {  	s21 =	rddreg [dreg:$0x3];
	[sflag:s23] =	ssyncset.done $0x0  }
0xbc: {  	[sflag:s23] =	ssyncadd.s32 $0xFFFFFC00;
	s21 =	sadd.s32 s7, s21  }
0xbd: {  	[tilespmem:s25], [sflag:$0x2] =	stream.linear.gather [hbm4b:s21+s2], $0x400, $0x38;
	[tilespmem:$0x19800] =	vst v63  }
0xbe: {  	_ =	swait.ge [sflag:s23], $0x400  }
0xbf: {  	[sflag:s23] =	ssyncset.done $0x0  }
0xc0: {  	s0 =	smov.u32 s5;
	[sflag:s23] =	ssyncadd.s32 $0xFFFFFC00  }
0xc1: {  	[tilespmem:s28], [sflag:$0x1] =	stream.indirect.gather [hbm4b:s4+s26], $0x20, s24, s26, $0xb8;
	[tilespmem:$0x19800] =	vst v63  }
0xc2: {  	s7 =	smov.u32 s0;
	s0 =	rddreg [dreg:$0x5]  }
0xc3: {  	[tilespmem:s29], [sflag:$0x1] =	stream.indirect.gather [hbm4b:s4+s26], $0x20, s0, s26, $0xb8;
	[tilespmem:$0x19800] =	vst v63  }
0xc4: {  	s21 =	rddreg [dreg:$0x6]  }
0xc5: {  	[tilespmem:s30], [sflag:$0x1] =	stream.indirect.gather [hbm4b:s4+s26], $0x20, s21, s26, $0xb8;
	[tilespmem:$0x19800] =	vst v63  }
0xc6: {  	s0 =	rddreg [dreg:$0x7]  }
0xc7: {  	[tilespmem:s31], [sflag:$0x1] =	stream.indirect.gather [hbm4b:s4+s26], $0x20, s0, s26, $0xb8;
	[tilespmem:$0x19800] =	vst v63  }
0xc8: {  	_ = 	snop  }
0xc9: {  	[tilespmem:s3], [sflag:$0x1] =	stream.indirect.gather [hbm4b:s4+s26], $0x20, s6, s26, $0xb8;
	[tilespmem:$0x19800] =	vst v63  }
0xca: {  	_ = 	snop  }
0xcb: {  	[tilespmem:s8], [sflag:$0x1] =	stream.indirect.gather [hbm4b:s4+s26], $0x20, s9, s26, $0xb8;
	[tilespmem:$0x19800] =	vst v63  }
0xcc: {  	_ = 	snop  }
0xcd: {  	[tilespmem:s10], [sflag:$0x1] =	stream.indirect.gather [hbm4b:s4+s26], $0x20, s11, s26, $0xb8;
	[tilespmem:$0x19800] =	vst v63  }
0xce: {  	_ = 	snop  }
0xcf: {  	[tilespmem:s12], [sflag:$0x1] =	stream.indirect.gather [hbm4b:s4+s26], $0x20, s14, s26, $0xb8;
	[tilespmem:$0x19800] =	vst v63  }
0xd0: {  	_ =	swait.ge [sflag:s13], $0x1000  }
0xd1: {  	[sflag:s13] =	ssyncset.done $0x0  }
0xd2: {  	[sflag:s13] =	ssyncadd.s32 $0xFFFFF000  }
0xd3: {  	_ =	swait.ge [sflag:s13], $0x1000  }
0xd4: {  	[sflag:s13] =	ssyncset.done $0x0  }
0xd5: {  	[sflag:s13] =	ssyncadd.s32 $0xFFFFF000  }
0xd6: {  	_ =	swait.ge [sflag:s13], $0x1000  }
0xd7: {  	[sflag:s13] =	ssyncset.done $0x0  }
0xd8: {  	[sflag:s13] =	ssyncadd.s32 $0xFFFFF000  }
0xd9: {  	_ =	swait.ge [sflag:s13], $0x1000  }
0xda: {  	[sflag:s13] =	ssyncset.done $0x0  }
0xdb: {  	[sflag:s13] =	ssyncadd.s32 $0xFFFFF000  }
0xdc: {  	_ =	swait.ge [sflag:s13], $0x1000  }
0xdd: {  	[sflag:s13] =	ssyncset.done $0x0  }
0xde: {  	[sflag:s13] =	ssyncadd.s32 $0xFFFFF000  }
0xdf: {  	_ =	swait.ge [sflag:s13], $0x1000  }
0xe0: {  	[sflag:s13] =	ssyncset.done $0x0  }
0xe1: {  	[sflag:s13] =	ssyncadd.s32 $0xFFFFF000  }
0xe2: {  	_ =	swait.ge [sflag:s13], $0x1000  }
0xe3: {  	[sflag:s13] =	ssyncset.done $0x0  }
0xe4: {  	[sflag:s13] =	ssyncadd.s32 $0xFFFFF000  }
0xe5: {  	_ =	swait.ge [sflag:s13], $0x1000  }
0xe6: {  	[sflag:s13] =	ssyncset.done $0x0  }
0xe7: {  	[sflag:s13] =	ssyncadd.s32 $0xFFFFF000  }
0xe8: {  	[spmem:s1] =	stream.indirect.scatter.add.f32 [tilespmem:s28], [sflag:$0x2], $0x20, s25, s26, $0xb8;
	[tilespmem:$0x19800] =	vst v63  }
0xe9: {  	_ =	swait.ge [sflag:s23], $0x1000  }
0xea: {  	[sflag:s23] =	ssyncset.done $0x0  }
0xeb: {  	[sflag:s23] =	ssyncadd.s32 $0xFFFFF000  }
0xec: {  	[spmem:s1] =	stream.indirect.scatter.add.f32 [tilespmem:s29], [sflag:$0x2], $0x20, s15, s26, $0xb8;
	[tilespmem:$0x19800] =	vst v63  }
0xed: {  	_ =	swait.ge [sflag:s23], $0x1000  }
0xee: {  	[sflag:s23] =	ssyncset.done $0x0  }
0xef: {  	[sflag:s23] =	ssyncadd.s32 $0xFFFFF000  }
0xf0: {  	[spmem:s1] =	stream.indirect.scatter.add.f32 [tilespmem:s30], [sflag:$0x2], $0x20, s16, s26, $0xb8;
	[tilespmem:$0x19800] =	vst v63  }
0xf1: {  	_ =	swait.ge [sflag:s23], $0x1000  }
0xf2: {  	[sflag:s23] =	ssyncset.done $0x0  }
0xf3: {  	[sflag:s23] =	ssyncadd.s32 $0xFFFFF000  }
0xf4: {  	[spmem:s1] =	stream.indirect.scatter.add.f32 [tilespmem:s31], [sflag:$0x2], $0x20, s17, s26, $0xb8;
	[tilespmem:$0x19800] =	vst v63  }
0xf5: {  	_ =	swait.ge [sflag:s23], $0x1000  }
0xf6: {  	[sflag:s23] =	ssyncset.done $0x0  }
0xf7: {  	[sflag:s23] =	ssyncadd.s32 $0xFFFFF000  }
0xf8: {  	[spmem:s1] =	stream.indirect.scatter.add.f32 [tilespmem:s3], [sflag:$0x2], $0x20, s18, s26, $0xb8;
	[tilespmem:$0x19800] =	vst v63  }
0xf9: {  	_ =	swait.ge [sflag:s23], $0x1000  }
0xfa: {  	[sflag:s23] =	ssyncset.done $0x0  }
0xfb: {  	[sflag:s23] =	ssyncadd.s32 $0xFFFFF000  }
0xfc: {  	[spmem:s1] =	stream.indirect.scatter.add.f32 [tilespmem:s8], [sflag:$0x2], $0x20, s19, s26, $0xb8;
	[tilespmem:$0x19800] =	vst v63  }
0xfd: {  	_ =	swait.ge [sflag:s23], $0x1000  }
0xfe: {  	[sflag:s23] =	ssyncset.done $0x0  }
0xff: {  	[sflag:s23] =	ssyncadd.s32 $0xFFFFF000  }
0x100: {  	[spmem:s1] =	stream.indirect.scatter.add.f32 [tilespmem:s10], [sflag:$0x2], $0x20, s20, s26, $0xb8;
	[tilespmem:$0x19800] =	vst v63  }
0x101: {  	p0 =	sne.s32 s5, $0x780;
	_ =	swait.ge [sflag:s23], $0x1000  }
.Ltmp1:
0x102: {  	[sflag:s23] =	ssyncset.done $0x0;
	(pc) =	sbr.rel @p0 .LBB2_4-.Ltmp1, $4  }
0x103: {  	s21 =	simm.s32 $0x1780;
	[sflag:s23] =	ssyncadd.s32 $0xFFFFF000  }
0x104: {  	[spmem:s1] =	stream.indirect.scatter.add.f32 [tilespmem:s12], [sflag:$0x2], $0x20, s21, s26, $0xb8;
	[tilespmem:$0x19800] =	vst v63  }
0x105: {  	_ =	swait.ge [sflag:s23], $0x1000  }
0x106: {  	s5 =	sadd.s32 $0x80, s5;
	s21 =	rddreg [dreg:$0x4];
	[sflag:s23] =	ssyncset.done $0x0  }
0x107: {  	[sflag:s23] =	ssyncadd.s32 $0xFFFFF000;
	s0 =	sadd.s32 s7, s21  }
0x108: {  	[tilespmem:s24], [sflag:$0x2] =	stream.linear.gather [hbm4b:s0+s2], $0x400, $0x38;
	[tilespmem:$0x19800] =	vst v63  }
0x109: {  	_ =	swait.ge [sflag:s23], $0x400  }
0x10a: {  	s5 =	rddreg [dreg:$0x3];
	[sflag:s23] =	ssyncset.done $0x0  }
0x10b: {  	[sflag:s23] =	ssyncadd.s32 $0xFFFFFC00;
	s0 =	sadd.s32 s7, s5  }
0x10c: {  	[tilespmem:s25], [sflag:$0x2] =	stream.linear.gather [hbm4b:s0+s2], $0x400, $0x38;
	[tilespmem:$0x19800] =	vst v63  }
0x10d: {  	_ =	swait.ge [sflag:s23], $0x400  }
0x10e: {  	[sflag:s23] =	ssyncset.done $0x0  }
0x10f: {  	[sflag:s23] =	ssyncadd.s32 $0xFFFFFC00  }
0x110: {  	[tilespmem:s28], [sflag:$0x1] =	stream.indirect.gather [hbm4b:s4+s26], $0x20, s24, s26, $0xb8;
	[tilespmem:$0x19800] =	vst v63  }
0x111: {  	s21 =	rddreg [dreg:$0x5]  }
0x112: {  	[tilespmem:s29], [sflag:$0x1] =	stream.indirect.gather [hbm4b:s4+s26], $0x20, s21, s26, $0xb8;
	[tilespmem:$0x19800] =	vst v63  }
0x113: {  	s5 =	rddreg [dreg:$0x6]  }
0x114: {  	[tilespmem:s30], [sflag:$0x1] =	stream.indirect.gather [hbm4b:s4+s26], $0x20, s5, s26, $0xb8;
	[tilespmem:$0x19800] =	vst v63  }
0x115: {  	s7 =	rddreg [dreg:$0x7]  }
0x116: {  	[tilespmem:s31], [sflag:$0x1] =	stream.indirect.gather [hbm4b:s4+s26], $0x20, s7, s26, $0xb8;
	[tilespmem:$0x19800] =	vst v63  }
0x117: {  	_ = 	snop  }
0x118: {  	[tilespmem:s3], [sflag:$0x1] =	stream.indirect.gather [hbm4b:s4+s26], $0x20, s6, s26, $0xb8;
	[tilespmem:$0x19800] =	vst v63  }
0x119: {  	_ = 	snop  }
0x11a: {  	[tilespmem:s8], [sflag:$0x1] =	stream.indirect.gather [hbm4b:s4+s26], $0x20, s9, s26, $0xb8;
	[tilespmem:$0x19800] =	vst v63  }
0x11b: {  	_ = 	snop  }
0x11c: {  	[tilespmem:s10], [sflag:$0x1] =	stream.indirect.gather [hbm4b:s4+s26], $0x20, s11, s26, $0xb8;
	[tilespmem:$0x19800] =	vst v63  }
0x11d: {  	_ = 	snop  }
0x11e: {  	[tilespmem:s12], [sflag:$0x1] =	stream.indirect.gather [hbm4b:s4+s26], $0x20, s14, s26, $0xb8;
	[tilespmem:$0x19800] =	vst v63  }
0x11f: {  	_ =	swait.ge [sflag:s13], $0x1000  }
0x120: {  	[sflag:s13] =	ssyncset.done $0x0  }
0x121: {  	[sflag:s13] =	ssyncadd.s32 $0xFFFFF000  }
0x122: {  	_ =	swait.ge [sflag:s13], $0x1000  }
0x123: {  	[sflag:s13] =	ssyncset.done $0x0  }
0x124: {  	[sflag:s13] =	ssyncadd.s32 $0xFFFFF000  }
0x125: {  	_ =	swait.ge [sflag:s13], $0x1000  }
0x126: {  	[sflag:s13] =	ssyncset.done $0x0  }
0x127: {  	[sflag:s13] =	ssyncadd.s32 $0xFFFFF000  }
0x128: {  	_ =	swait.ge [sflag:s13], $0x1000  }
0x129: {  	[sflag:s13] =	ssyncset.done $0x0  }
0x12a: {  	[sflag:s13] =	ssyncadd.s32 $0xFFFFF000  }
0x12b: {  	_ =	swait.ge [sflag:s13], $0x1000  }
0x12c: {  	[sflag:s13] =	ssyncset.done $0x0  }
0x12d: {  	[sflag:s13] =	ssyncadd.s32 $0xFFFFF000  }
0x12e: {  	_ =	swait.ge [sflag:s13], $0x1000  }
0x12f: {  	[sflag:s13] =	ssyncset.done $0x0  }
0x130: {  	[sflag:s13] =	ssyncadd.s32 $0xFFFFF000  }
0x131: {  	_ =	swait.ge [sflag:s13], $0x1000  }
0x132: {  	[sflag:s13] =	ssyncset.done $0x0  }
0x133: {  	[sflag:s13] =	ssyncadd.s32 $0xFFFFF000  }
0x134: {  	_ =	swait.ge [sflag:s13], $0x1000  }
0x135: {  	[sflag:s13] =	ssyncset.done $0x0  }
0x136: {  	[sflag:s13] =	ssyncadd.s32 $0xFFFFF000  }
0x137: {  	[spmem:s1] =	stream.indirect.scatter.add.f32 [tilespmem:s28], [sflag:$0x2], $0x20, s25, s26, $0xb8;
	[tilespmem:$0x19800] =	vst v63  }
0x138: {  	_ =	swait.ge [sflag:s23], $0x1000  }
0x139: {  	[sflag:s23] =	ssyncset.done $0x0  }
0x13a: {  	[sflag:s23] =	ssyncadd.s32 $0xFFFFF000  }
0x13b: {  	[spmem:s1] =	stream.indirect.scatter.add.f32 [tilespmem:s29], [sflag:$0x2], $0x20, s15, s26, $0xb8;
	[tilespmem:$0x19800] =	vst v63  }
0x13c: {  	_ =	swait.ge [sflag:s23], $0x1000  }
0x13d: {  	[sflag:s23] =	ssyncset.done $0x0  }
0x13e: {  	[sflag:s23] =	ssyncadd.s32 $0xFFFFF000  }
0x13f: {  	[spmem:s1] =	stream.indirect.scatter.add.f32 [tilespmem:s30], [sflag:$0x2], $0x20, s16, s26, $0xb8;
	[tilespmem:$0x19800] =	vst v63  }
0x140: {  	_ =	swait.ge [sflag:s23], $0x1000  }
0x141: {  	[sflag:s23] =	ssyncset.done $0x0  }
0x142: {  	[sflag:s23] =	ssyncadd.s32 $0xFFFFF000  }
0x143: {  	[spmem:s1] =	stream.indirect.scatter.add.f32 [tilespmem:s31], [sflag:$0x2], $0x20, s17, s26, $0xb8;
	[tilespmem:$0x19800] =	vst v63  }
0x144: {  	_ =	swait.ge [sflag:s23], $0x1000  }
0x145: {  	[sflag:s23] =	ssyncset.done $0x0  }
0x146: {  	[sflag:s23] =	ssyncadd.s32 $0xFFFFF000  }
0x147: {  	[spmem:s1] =	stream.indirect.scatter.add.f32 [tilespmem:s3], [sflag:$0x2], $0x20, s18, s26, $0xb8;
	[tilespmem:$0x19800] =	vst v63  }
0x148: {  	_ =	swait.ge [sflag:s23], $0x1000  }
0x149: {  	[sflag:s23] =	ssyncset.done $0x0  }
0x14a: {  	[sflag:s23] =	ssyncadd.s32 $0xFFFFF000  }
0x14b: {  	[spmem:s1] =	stream.indirect.scatter.add.f32 [tilespmem:s8], [sflag:$0x2], $0x20, s19, s26, $0xb8;
	[tilespmem:$0x19800] =	vst v63  }
0x14c: {  	_ =	swait.ge [sflag:s23], $0x1000  }
0x14d: {  	[sflag:s23] =	ssyncset.done $0x0  }
0x14e: {  	[sflag:s23] =	ssyncadd.s32 $0xFFFFF000  }
0x14f: {  	[spmem:s1] =	stream.indirect.scatter.add.f32 [tilespmem:s10], [sflag:$0x2], $0x20, s20, s26, $0xb8;
	[tilespmem:$0x19800] =	vst v63  }
0x150: {  	_ =	swait.ge [sflag:s23], $0x1000  }
0x151: {  	[sflag:s23] =	ssyncset.done $0x0  }
0x152: {  	s21 =	simm.s32 $0x1780;
	[sflag:s23] =	ssyncadd.s32 $0xFFFFF000  }
0x153: {  	[spmem:s1] =	stream.indirect.scatter.add.f32 [tilespmem:s12], [sflag:$0x2], $0x20, s21, s26, $0xb8;
	[tilespmem:$0x19800] =	vst v63  }
0x154: {  	_ =	swait.ge [sflag:s23], $0x1000  }
0x155: {  	[sflag:s23] =	ssyncset.done $0x0  }
0x156: {  	[sflag:s23] =	ssyncadd.s32 $0xFFFFF000  }
0x157: {  	s5 =	stileid.u32;
	[bflag:$0x0] =	sbarrier.arrive $0xFFFF  }
0x158: {  	s0 =	sshll.u32 s5, $0x6;
	s21 =	rddreg [dreg:$0x8]  }
0x159: {  	s5 =	sor.u32 $0x1C02, s0;
	s6 =	sadd.s32 $0x0, s22;
	s0 =	sshrl.u32 s21, $0x3  }
0x15a: {  	[hbm:s6], [sflag:s5] =	dma.local [spmem:s0], $0x200  }
0x15b: {  	_ =	swait.ge [sflag:s23], $0x200  }
0x15c: {  	s7 =	simm.s32 $0x200;
	s21 =	rddreg [dreg:$0xa]  }
.LBB2_6:
0x15d: {  	s0 =	sadd.s32 s7, s22;
	[sflag:s23] =	ssyncset.done $0x0;
	p0 =	sne.s32 s7, $0x1E00  }
.Ltmp2:
0x15e: {  	s6 =	sshrl.u32 s21, $0x3;
	[sflag:s23] =	ssyncadd.s32 $0xFFFFFE00;
	(pc) =	sbr.rel @p0 .LBB2_6-.Ltmp2, $3  }
0x15f: {  	[hbm:s0], [sflag:s5] =	dma.local [spmem:s6], $0x200  }
0x160: {  	s7 =	sadd.s32 $0x200, s7;
	_ =	sdelay $0x1  }
0x161: {  	s21 =	sadd.s32 $0x1000, s21;
	_ =	swait.ge [sflag:s23], $0x200  }
0x162: {  	s5 =	rddreg [dreg:$0x19]  }
0x163: {  	s0 =	rddreg [dreg:$0x9];
	s5 =	sadd.s32 $0x1, s5  }
0x164: {  	p0 =	sne.s32 s5, s0  }
.Ltmp3:
0x165: {  	_ = 	snop;
	(pc) =	sbr.rel @p0 .LBB2_1-.Ltmp3, $3  }
0x166: {  	_ =	sdelay $0x1  }
0x167: {  	[sflag:s23] =	ssyncset.done $0x0  }
0x168: {  	s6 =	rddreg [dreg:$0x8];
	[sflag:s23] =	ssyncadd.s32 $0xFFFFFE00  }
0x169: {  	_ =	sfence.sel $0x180000  }
0x16a: {  	[bflag:$0x0] =	sbarrier.arrive $0xFFFF  }
0x16b: {  	_ =	strace $0x9000004A  }
0x16c: {  	s0 =	stileid.u32;
	[bflag:$0x2] =	sbarrier.arrive $0xFFFF  }
0x16d: {  	p0 =	sne.s32 s0, $0x0;
	s0 =	rddreg [dreg:$0x2]  }
0x16e: {  	s0 =	sadd.s32 @!p0 $0x100000, s0  }
0x16f: {  	[sflag:s0] =	ssyncadd.tile.s32 @!p0 $0x1;
	_ =	shalt  }
.Lfunc_end2:
_tile_overlayer_lowered:
.L_overlay_start_2:
0x170: {  	(tag) =	ssettag $0x2  }
0x171: {  	s0 =	rddreg [dreg:$0x0];
	s2 =	stileid.u32  }
0x172: {  	s1 =	rddreg [dreg:$0x1];
	p0 =	sne.s32 s2, $0x0  }
0x173: {  	s3 =	rddreg [dreg:$0x2];
	[bflag:$0x3] =	sbarrier.arrive $0xFFFF;
	s2 =	simm.s32 @!p0 $0x1C02  }
0x174: {  	[timem:s3], [sflag:s2] =	dma.local @!p0 [hbm:s0], s1  }
0x175: {  	s0 =	simm.s32 @!p0 $0x2  }
0x176: {  	_ =	swait.ge @!p0 [sflag:s0], s1  }
0x177: {  	s1 =	ssub.s32 @!p0 $0x0, s1;
	[sflag:s0] =	ssyncset.done @!p0 $0x0  }
0x178: {  	[sflag:s0] =	ssyncadd.s32 @!p0 s1  }
0x179: {  	[bflag:$0x3] =	sbarrier.arrive $0xFFFF  }
0x17a: {  	_ =	shalt  }

// kernel: kernel.18.cloned.1.call-start
scs
__scs_entry_jumppad:
0x0: {  	(pc) =	sbr.rel $0x88, $3  }
0x1: {  	(tag) =	ssettag $0x0;
	lr =	simm.s32 $0x1  }
0x2: {  	[smem:$0x3F86] =	sst lr;
	_ =	strace $0xD0000000  }
0x3: {  	_ = 	snop  }
0x4: {  	_ = 	snop  }
0x5: {  	_ = 	snop  }
0x6: {  	_ = 	snop  }
0x7: {  	_ = 	snop  }
__scs_overlays_trampoline_lowered:
0x8: {  	[smem:$0x3F95] =	sst s0  }
0x9: {  	[smem:$0x3F96] =	sst s1  }
0xa: {  	[smem:$0x3F97] =	sst s2  }
0xb: {  	[smem:$0x3F98] =	sst s3  }
0xc: {  	[smem:$0x3F99] =	sst s4  }
0xd: {  	[smem:$0x3F9A] =	sst s5  }
0xe: {  	[smem:$0x3F9B] =	sst s6  }
0xf: {  	[smem:$0x3F9C] =	sst s7  }
0x10: {  	[smem:$0x3F9D] =	sst s8  }
0x11: {  	[smem:$0x3F9E] =	sst s9;
	s0 =	simm.s32 @!p0 $0x0  }
0x12: {  	s1 =	sld [smem:$0x3F84];
	s0 =	simm.s32 @p0 $0x1  }
0x13: {  	[smem:$0x3F9F] =	sst s0;
	s0 =	simm.s32 @!p1 $0x0  }
0x14: {  	s2 =	sld [smem:$0x3F83];
	s0 =	simm.s32 @p1 $0x1  }
0x15: {  	[smem:$0x3FA0] =	sst s0;
	s0 =	simm.s32 @!p2 $0x0  }
0x16: {  	s3 =	sld [smem:$0x3FDB];
	s0 =	simm.s32 @p2 $0x1  }
0x17: {  	s4 =	simm.s32 $0x1BF5;
	[smem:$0x3FA2] =	sst s0  }
0x18: {  	s0 =	sld [smem:$0x3F85];
	_ =	swait.ge [sflag:s4], $0x0  }
0x19: {  	s7 =	sld [smem:$0x3F86]  }
0x1a: {  	s8 =	sadd.s32 $0xFFFFE003, lr  }
0x1b: {  	s9 =	sadd.s32 $0xFFFFFEF7, lr;
	s5 =	simm.s32 $0xFFFFFFFF;
	p2 =	slt.u32 s8, $0xFFFFF086  }
0x1c: {  	p1 =	slt.u32 s9, $0xF7A;
	s5 =	simm.s32 @!p2 $0x0  }
0x1d: {  	s5 =	simm.s32 @p1 $0x1;
	p0 =	seq.s32 s7, s2  }
0x1e: {  	s7 =	smul.u32 @!p0 $0xF7A, s2;
	p2 =	seq.s32 @!p0 s5, $0x0  }
0x1f: {  	s9 =	smul.u32 $0xF7A, s1;
	s8 =	simm.s32 @!p0 $0x1BF5;
	p2 =	por !p2, p0  }
0x20: {  	[sflag:s8] =	ssyncset.s32 @!p0 $0xFFFFF086;
	s6 =	sadd.s32 @!p0 s3, s7;
	s7 =	simm.s32 @!p0 $0x108  }
0x21: {  	s3 =	sadd.s32 s3, s9;
	s6 =	sadd.s32 @!p0 $0x88, s6;
	s7 =	simm.s32 @p2 $0x1082  }
0x22: {  	[simem:s7], [sflag:s8] =	dma.local @!p0 [hbm:s6], $0xF7A  }
0x23: {  	s9 =	sor.u32 $0xD0000000, s2;
	s6 =	simm.s32 $0x108;
	_ =	swait.ge @!p0 [sflag:s8], $0x0  }
0x24: {  	s3 =	sadd.s32 $0x88, s3;
	s6 =	simm.s32 @!p1 $0x1082;
	[sflag:s4] =	ssyncset.s32 $0xFFFFF086  }
0x25: {  	[simem:s6], [sflag:s4] =	dma.local [hbm:s3], $0xF7A  }
0x26: {  	[smem:$0x3F86] =	sst s1;
	(tag) =	ssettag s2;
	_ =	strace s9  }
0x27: {  	s1 =	sld [smem:$0x3F96]  }
0x28: {  	s2 =	sld [smem:$0x3F97]  }
0x29: {  	s4 =	sld [smem:$0x3F99]  }
0x2a: {  	p0 =	seq.s32 s5, $0x0;
	s5 =	sld [smem:$0x3F9A]  }
0x2b: {  	s6 =	sld [smem:$0x3F9B]  }
0x2c: {  	s7 =	sld [smem:$0x3F9C]  }
0x2d: {  	s3 =	simm.s32 $0x108;
	s8 =	sld [smem:$0x3F9D]  }
0x2e: {  	s3 =	simm.s32 @!p0 $0x1082;
	s9 =	sld [smem:$0x3F9E]  }
0x2f: {  	lr =	sadd.s32 s0, s3;
	s0 =	sld [smem:$0x3F95]  }
0x30: {  	s3 =	sld [smem:$0x3F98]  }
0x31: {  	[smem:$0x3FA1] =	sst s10  }
0x32: {  	s10 =	sld [smem:$0x3F9F];
	_ =	sdelay $0x3  }
0x33: {  	p0 =	seq.s32 s10, $0x1;
	s10 =	sld [smem:$0x3FA1];
	_ =	sdelay $0x3  }
0x34: {  	[smem:$0x3FA1] =	sst s10  }
0x35: {  	s10 =	sld [smem:$0x3FA0];
	_ =	sdelay $0x3  }
0x36: {  	p1 =	seq.s32 s10, $0x1;
	s10 =	sld [smem:$0x3FA1];
	_ =	sdelay $0x3  }
0x37: {  	[smem:$0x3FA1] =	sst s10  }
0x38: {  	s10 =	sld [smem:$0x3FA2]  }
0x39: {  	_ = 	snop;
	(pc) =	sbr.ind lr, $3  }
0x3a: {  	_ = 	snop  }
0x3b: {  	_ = 	snop  }
0x3c: {  	p2 =	seq.s32 s10, $0x1;
	s10 =	sld [smem:$0x3FA1]  }
0x3d: {  	_ =	shalt  }
0x3e: {  	_ =	shalt  }
0x3f: {  	_ =	shalt  }
0x40: {  	_ =	shalt  }
0x41: {  	_ =	shalt  }
0x42: {  	_ =	shalt  }
0x43: {  	_ =	shalt  }
0x44: {  	_ =	shalt  }
0x45: {  	_ =	shalt  }
0x46: {  	_ =	shalt  }
0x47: {  	_ =	shalt  }
0x48: {  	_ =	shalt  }
0x49: {  	_ =	shalt  }
0x4a: {  	_ =	shalt  }
0x4b: {  	_ =	shalt  }
0x4c: {  	_ =	shalt  }
0x4d: {  	_ =	shalt  }
0x4e: {  	_ =	shalt  }
0x4f: {  	_ =	shalt  }
0x50: {  	_ =	shalt  }
0x51: {  	_ =	shalt  }
0x52: {  	_ =	shalt  }
0x53: {  	_ =	shalt  }
0x54: {  	_ =	shalt  }
0x55: {  	_ =	shalt  }
0x56: {  	_ =	shalt  }
0x57: {  	_ =	shalt  }
0x58: {  	_ =	shalt  }
0x59: {  	_ =	shalt  }
0x5a: {  	_ =	shalt  }
0x5b: {  	_ =	shalt  }
0x5c: {  	_ =	shalt  }
0x5d: {  	_ =	shalt  }
0x5e: {  	_ =	shalt  }
0x5f: {  	_ =	shalt  }
0x60: {  	_ =	shalt  }
0x61: {  	_ =	shalt  }
0x62: {  	_ =	shalt  }
0x63: {  	_ =	shalt  }
0x64: {  	_ =	shalt  }
0x65: {  	_ =	shalt  }
0x66: {  	_ =	shalt  }
0x67: {  	_ =	shalt  }
0x68: {  	_ =	shalt  }
0x69: {  	_ =	shalt  }
0x6a: {  	_ =	shalt  }
0x6b: {  	_ =	shalt  }
0x6c: {  	_ =	shalt  }
0x6d: {  	_ =	shalt  }
0x6e: {  	_ =	shalt  }
0x6f: {  	_ =	shalt  }
0x70: {  	_ =	shalt  }
0x71: {  	_ =	shalt  }
0x72: {  	_ =	shalt  }
0x73: {  	_ =	shalt  }
0x74: {  	_ =	shalt  }
0x75: {  	_ =	shalt  }
0x76: {  	_ =	shalt  }
0x77: {  	_ =	shalt  }
0x78: {  	_ =	shalt  }
0x79: {  	_ =	shalt  }
0x7a: {  	_ =	shalt  }
0x7b: {  	_ =	shalt  }
0x7c: {  	_ =	shalt  }
0x7d: {  	_ =	shalt  }
0x7e: {  	_ =	shalt  }
0x7f: {  	_ =	shalt  }
0x80: {  	_ =	shalt  }
0x81: {  	_ =	shalt  }
0x82: {  	_ =	shalt  }
0x83: {  	_ =	shalt  }
0x84: {  	_ =	shalt  }
0x85: {  	_ =	shalt  }
0x86: {  	_ =	shalt  }
0x87: {  	_ =	shalt  }
.Lfunc_end0:
.L_simem_size_0:
called_computation.2_lowered:
.L_overlay_start_0:
0x88: {  	s2 =	sld [smem:$0x3FD9]  }
0x89: {  	s3 =	sld [smem:$0x3FFE];
	_ =	sdelay $0x1  }
0x8a: {  	s1 =	srdreg.scid  }
0x8b: {  	s0 =	sand.u32 $0x1, s1  }
0x8c: {  	s16 =	sshll.u32 s0, $0xA;
	s2 =	sadd.s32 s3, s2  }
0x8d: {  	s2 =	sadd.s32 s2, s16  }
0x8e: {  	[smem:$0x3FAD] =	sst s2  }
0x8f: {  	_ = 	snop  }
0x90: {  	(tm) =	ssettm $0x1  }
0x91: {  	s17 =	sld [smem:$0x3FFB];
	_ =	sdelay $0x3  }
0x92: {  	_ =	strace s17  }
0x93: {  	s2 =	sld [smem:$0x3FFC];
	_ =	sdelay $0x3  }
0x94: {  	_ =	strace s2  }
0x95: {  	s2 =	sld [smem:$0x3FFD];
	_ =	sdelay $0x3  }
0x96: {  	_ =	strace s2  }
0x97: {  	_ =	strace $0x8FFFFFFF  }
0x98: {  	s18 =	sld [smem:$0x3FDB];
	_ =	sdelay $0x1  }
0x99: {  	s19 =	simm.s32 $_scs_section_size  }
0x9a: {  	s4 =	simm.s32 $_size__tile_overlayer_lowered;
	s5 =	simm.s32 $_tile_overlayer_lowered  }
0x9b: {  	s22 =	simm.s32 $0x1BFF;
	s21 =	sshll.u32 s5, $0x1;
	s2 =	sadd.s32 s19, s18  }
0x9c: {  	s6 =	simm.s32 $0x0;
	s20 =	sshll.u32 s4, $0x1;
	s4 =	sadd.s32 s21, s2  }
0x9d: {  	[timem:s6], [sflag:s22] =	dma.local [hbm:s4], s20  }
0x9e: {  	_ =	swait.ge [sflag:s22], s20  }
0x9f: {  	s3 =	ssub.s32 $0x0, s20;
	[sflag:s22] =	ssyncset.done $0x0  }
0xa0: {  	[sflag:s22] =	ssyncadd.s32 s3;
	_ =	sdelay $0x1  }
0xa1: {  	s23 =	simm.s32 $0x1B8B  }
0xa2: {  	_ =	swait.ge [sflag:s23], $0x1  }
0xa3: {  	[sflag:s23] =	ssyncset.done $0x0  }
0xa4: {  	s25 =	simm.s32 $0x1B8E;
	s24 =	sld [smem:$0x3FFE];
	[sflag:s23] =	ssyncadd.s32 $0xFFFFFFFF  }
0xa5: {  	s26 =	simm.s32 $execute0_lowered;
	[smem:$0x3FD2] =	sst s25  }
0xa6: {  	s4 =	sshll.u32 s26, $0x1;
	_ =	strace $0x8000004C;
	[dreg:$0x1] =	wrdreg $0xFFFFFFFF  }
0xa7: {  	s28 =	simm.s32 $_size_execute0_lowered;
	s2 =	sadd.s32 s2, s4;
	[dreg:$0x0] =	wrdreg $0x0  }
0xa8: {  	s4 =	sshll.u32 s28, $0x1;
	[dreg:$0x2] =	wrdreg s2  }
0xa9: {  	[dreg:$0x3] =	wrdreg s4  }
0xaa: {  	[dreg:$0x4] =	wrdreg $0xC0  }
0xab: {  	_ =	task [dreg:s6], $0x5FFFF  }
0xac: {  	[dreg:$0x1] =	wrdreg $0xFFFFFFFF  }
0xad: {  	[dreg:$0x0] =	wrdreg $0x60  }
0xae: {  	[dreg:$0x2] =	wrdreg s24  }
0xaf: {  	[dreg:$0x3] =	wrdreg $0x98000  }
0xb0: {  	[dreg:$0x4] =	wrdreg $0x9  }
0xb1: {  	_ =	task.clear_ibuf [dreg:s6], $0x5FFFF;
	_ =	strace $0x9000004C  }
0xb2: {  	s29 =	simm.s32 $0x9;
	_ =	strace $0x8000004E  }
0xb3: {  	_ =	swait.ge [sflag:s29], $0x1  }
0xb4: {  	[sflag:s29] =	ssyncadd.s32 $0xFFFFFFFF  }
0xb5: {  	_ =	strace $0x9000004E  }
0xb6: {  	_ =	sfence  }
0xb7: {  	s30 =	sld [smem:$0x0];
	_ =	sdelay $0x2  }
0xb8: {  	s31 =	sshll.u32 s1, $0xD;
	s1 =	sshrl.u32 s1, $0x2  }
0xb9: {  	s3 =	sand.u32 $0x4000, s31;
	s1 =	sadd.s32 s1, s30  }
0xba: {  	s0 =	sor.u32 s3, s0;
	s1 =	sshll.u32 s1, $0x11  }
0xbb: {  	s0 =	sor.u32 s1, s0  }
0xbc: {  	s0 =	sadd.s32 $0x8F2B, s0  }
0xbd: {  	[sflag:s0] =	ssyncadd.remote.s32 $0x1  }
0xbe: {  	_ =	sfence.sel $0xFFFF  }
0xbf: {  	[dreg:$0x0] =	wrdreg $0xFFFFFFFF;
	(pc) =	sbr.abs _section_cstart, $3  }
0xc0: {  	[dreg:$0x1] =	wrdreg $0xFFFFFFFF  }
0xc1: {  	_ =	task.clear_ibuf [dreg:s6], $0x2FFFF;
	_ =	strace $0x9FFFFFFF  }
0xc2: {  	(tm) =	ssettm $0x7FFFFFFF  }
0xc3: {  	_ =	shalt  }
tec
execute0_lowered:
.L_overlay_start_1:
0x0: {  	(tag) =	ssettag $0x1  }
0x1: {  	s0 =	rddreg [dreg:$0x0]  }
0x2: {  	s1 =	rddreg [dreg:$0x1];
	s2 =	simm.s32 $0x0;
	s3 =	srdreg.scid  }
0x3: {  	s9 =	stileid.u32;
	s24 =	simm.s32 $0x1080;
	[smem:$0x7FF] =	sst s2  }
0x4: {  	s3 =	sand.u32 $0x1, s3;
	s6 =	sshll.u32 s9, $0x10;
	_ =	strace $0x8000004D  }
0x5: {  	s4 =	sshll.u32 s3, $0xF;
	s5 =	sshll.u32 s3, $0x14;
	s3 =	ssub.s32 $0x2, s3  }
0x6: {  	[dreg:$0x5] =	wrdreg s24;
	s5 =	sor.u32 s6, s5;
	s6 =	sadd.s32 s6, s1  }
0x7: {  	s8 =	sshrl.u32 s3, $0x1;
	s26 =	sadd.s32 $0x1000, s6;
	[dreg:$0x8] =	wrdreg s6  }
0x8: {  	s3 =	ssub.s32 s3, s8;
	s8 =	sadd.s32 $0x2000, s6;
	[dreg:$0xa] =	wrdreg s26  }
0x9: {  	s25 =	sshll.u32 s9, $0xB;
	s9 =	sadd.s32 $0x3000, s6;
	[dreg:$0xb] =	wrdreg s8  }
0xa: {  	s10 =	sadd.s32 $0x4000, s6;
	[dreg:$0xc] =	wrdreg s9  }
0xb: {  	s11 =	sadd.s32 $0x5000, s6;
	[dreg:$0xd] =	wrdreg s10  }
0xc: {  	s28 =	simm.s32 $0x1800;
	s12 =	sadd.s32 $0x6000, s6;
	[dreg:$0xe] =	wrdreg s11  }
0xd: {  	s29 =	simm.s32 $0x2800;
	s13 =	sadd.s32 $0x7000, s6;
	[dreg:$0xf] =	wrdreg s12  }
0xe: {  	s30 =	simm.s32 $0x3800;
	s14 =	sadd.s32 $0x8000, s6;
	[dreg:$0x10] =	wrdreg s13  }
0xf: {  	s31 =	simm.s32 $0x4800;
	s15 =	sadd.s32 $0x9000, s6;
	[dreg:$0x11] =	wrdreg s14  }
0x10: {  	s24 =	simm.s32 $0x1000;
	s16 =	sadd.s32 $0xA000, s6;
	[dreg:$0x12] =	wrdreg s15  }
0x11: {  	s7 =	sadd.s32 s4, s0;
	s17 =	sadd.s32 $0xB000, s6;
	[dreg:$0x13] =	wrdreg s16  }
0x12: {  	s4 =	sadd.s32 $0x28200, s0;
	s18 =	sadd.s32 $0xC000, s6;
	[dreg:$0x14] =	wrdreg s17  }
0x13: {  	s5 =	sshrl.u32 s5, $0x3;
	s20 =	sadd.s32 $0xD000, s6;
	[dreg:$0x15] =	wrdreg s18  }
0x14: {  	s19 =	sadd.s32 s25, s7;
	s21 =	sadd.s32 $0xE000, s6;
	[dreg:$0x16] =	wrdreg s20  }
0x15: {  	s23 =	sadd.s32 $0xF000, s6;
	s25 =	simm.s32 $0x1100;
	[dreg:$0x17] =	wrdreg s21  }
0x16: {  	s0 =	sadd.s32 s5, s0;
	s3 =	smax.u32 s3, $0x1;
	[dreg:$0x18] =	wrdreg s23  }
0x17: {  	s22 =	sadd.s32 $0x18200, s19;
	s23 =	simm.s32 $0x2;
	[dreg:$0x6] =	wrdreg s25  }
0x18: {  	s26 =	simm.s32 $0x1180;
	s25 =	simm.s32 $0x1400;
	s8 =	simm.s32 $0x6800  }
0x19: {  	s10 =	simm.s32 $0x7800;
	s12 =	simm.s32 $0x8800;
	s13 =	simm.s32 $0x1  }
0x1a: {  	s5 =	simm.s32 $0x0;
	s9 =	simm.s32 $0x1280;
	s11 =	simm.s32 $0x1300  }
0x1b: {  	s14 =	simm.s32 $0x1380;
	s15 =	simm.s32 $0x1480;
	s16 =	simm.s32 $0x1500  }
0x1c: {  	s17 =	simm.s32 $0x1580;
	s18 =	simm.s32 $0x1600;
	[dreg:$0x9] =	wrdreg s3  }
0x1d: {  	s20 =	simm.s32 $0x1700;
	[dreg:$0x3] =	wrdreg s22;
	s3 =	sadd.s32 $0x8200, s19  }
0x1e: {  	s22 =	sadd.s32 $0x1F8E00, s0;
	[dreg:$0x7] =	wrdreg s26;
	s26 =	simm.s32 $0x80  }
0x1f: {  	v0 =	vimm.f32 $0.0e+00;
	s19 =	simm.s32 $0x1680;
	[dreg:$0x4] =	wrdreg s3;
	s3 =	simm.s32 $0x5800  }
.LBB2_1:
0x20: {  	[dreg:$0x19] =	wrdreg s5;
	s5 =	simm.s32 $0x80;
	s7 =	simm.s32 $0x0  }
.LBB2_2:
0x21: {  	p0 =	sne.s32 s5, $0x3F80;
	[tilespmem:s7+$0x0] =	vst v0;
	s21 =	smov.u32 s5;
	s5 =	sadd.s32 $0x80, s5  }
.Ltmp0:
0x22: {  	[tilespmem:s7+$0x10] =	vst v0;
	(pc) =	sbr.rel @p0 .LBB2_2-.Ltmp0, $2  }
0x23: {  	_ =	sdelay $0x2  }
0x24: {  	s7 =	sshra.s32 s21, $0x2  }
0x25: {  	[tilespmem:s7+$0x0] =	vst v0  }
0x26: {  	[tilespmem:s7+$0x10] =	vst v0;
	s5 =	simm.s32 $0x0  }
0x27: {  	[spmem:s6] =	stream.linear.scatter [tilespmem:s5], [sflag:$0x2], $0x1000, $0x38;
	[tilespmem:$0x19800] =	vst v63  }
0x28: {  	_ =	swait.ge [sflag:s23], $0x1000  }
0x29: {  	[sflag:s23] =	ssyncset.done $0x0  }
0x2a: {  	s0 =	rddreg [dreg:$0xa];
	[sflag:s23] =	ssyncadd.s32 $0xFFFFF000  }
0x2b: {  	[spmem:s0] =	stream.linear.scatter [tilespmem:s5], [sflag:$0x2], $0x1000, $0x38;
	[tilespmem:$0x19800] =	vst v63  }
0x2c: {  	_ =	swait.ge [sflag:s23], $0x1000  }
0x2d: {  	[sflag:s23] =	ssyncset.done $0x0  }
0x2e: {  	s7 =	rddreg [dreg:$0xb];
	[sflag:s23] =	ssyncadd.s32 $0xFFFFF000  }
0x2f: {  	[spmem:s7] =	stream.linear.scatter [tilespmem:s5], [sflag:$0x2], $0x1000, $0x38;
	[tilespmem:$0x19800] =	vst v63  }
0x30: {  	_ =	swait.ge [sflag:s23], $0x1000  }
0x31: {  	[sflag:s23] =	ssyncset.done $0x0  }
0x32: {  	s21 =	rddreg [dreg:$0xc];
	[sflag:s23] =	ssyncadd.s32 $0xFFFFF000  }
0x33: {  	[spmem:s21] =	stream.linear.scatter [tilespmem:s5], [sflag:$0x2], $0x1000, $0x38;
	[tilespmem:$0x19800] =	vst v63  }
0x34: {  	_ =	swait.ge [sflag:s23], $0x1000  }
0x35: {  	[sflag:s23] =	ssyncset.done $0x0  }
0x36: {  	s6 =	rddreg [dreg:$0xd];
	[sflag:s23] =	ssyncadd.s32 $0xFFFFF000  }
0x37: {  	[spmem:s6] =	stream.linear.scatter [tilespmem:s5], [sflag:$0x2], $0x1000, $0x38;
	[tilespmem:$0x19800] =	vst v63  }
0x38: {  	_ =	swait.ge [sflag:s23], $0x1000  }
0x39: {  	[sflag:s23] =	ssyncset.done $0x0  }
0x3a: {  	s7 =	rddreg [dreg:$0xe];
	[sflag:s23] =	ssyncadd.s32 $0xFFFFF000  }
0x3b: {  	[spmem:s7] =	stream.linear.scatter [tilespmem:s5], [sflag:$0x2], $0x1000, $0x38;
	[tilespmem:$0x19800] =	vst v63  }
0x3c: {  	_ =	swait.ge [sflag:s23], $0x1000  }
0x3d: {  	[sflag:s23] =	ssyncset.done $0x0  }
0x3e: {  	s21 =	rddreg [dreg:$0xf];
	[sflag:s23] =	ssyncadd.s32 $0xFFFFF000  }
0x3f: {  	[spmem:s21] =	stream.linear.scatter [tilespmem:s5], [sflag:$0x2], $0x1000, $0x38;
	[tilespmem:$0x19800] =	vst v63  }
0x40: {  	_ =	swait.ge [sflag:s23], $0x1000  }
0x41: {  	[sflag:s23] =	ssyncset.done $0x0  }
0x42: {  	s6 =	rddreg [dreg:$0x10];
	[sflag:s23] =	ssyncadd.s32 $0xFFFFF000  }
0x43: {  	[spmem:s6] =	stream.linear.scatter [tilespmem:s5], [sflag:$0x2], $0x1000, $0x38;
	[tilespmem:$0x19800] =	vst v63  }
0x44: {  	_ =	swait.ge [sflag:s23], $0x1000  }
0x45: {  	[sflag:s23] =	ssyncset.done $0x0  }
0x46: {  	s7 =	rddreg [dreg:$0x11];
	[sflag:s23] =	ssyncadd.s32 $0xFFFFF000  }
0x47: {  	[spmem:s7] =	stream.linear.scatter [tilespmem:s5], [sflag:$0x2], $0x1000, $0x38;
	[tilespmem:$0x19800] =	vst v63  }
0x48: {  	_ =	swait.ge [sflag:s23], $0x1000  }
0x49: {  	[sflag:s23] =	ssyncset.done $0x0  }
0x4a: {  	s21 =	rddreg [dreg:$0x12];
	[sflag:s23] =	ssyncadd.s32 $0xFFFFF000  }
0x4b: {  	[spmem:s21] =	stream.linear.scatter [tilespmem:s5], [sflag:$0x2], $0x1000, $0x38;
	[tilespmem:$0x19800] =	vst v63  }
0x4c: {  	_ =	swait.ge [sflag:s23], $0x1000  }
0x4d: {  	[sflag:s23] =	ssyncset.done $0x0  }
0x4e: {  	s6 =	rddreg [dreg:$0x13];
	[sflag:s23] =	ssyncadd.s32 $0xFFFFF000  }
0x4f: {  	[spmem:s6] =	stream.linear.scatter [tilespmem:s5], [sflag:$0x2], $0x1000, $0x38;
	[tilespmem:$0x19800] =	vst v63  }
0x50: {  	_ =	swait.ge [sflag:s23], $0x1000  }
0x51: {  	[sflag:s23] =	ssyncset.done $0x0  }
0x52: {  	s7 =	rddreg [dreg:$0x14];
	[sflag:s23] =	ssyncadd.s32 $0xFFFFF000  }
0x53: {  	[spmem:s7] =	stream.linear.scatter [tilespmem:s5], [sflag:$0x2], $0x1000, $0x38;
	[tilespmem:$0x19800] =	vst v63  }
0x54: {  	_ =	swait.ge [sflag:s23], $0x1000  }
0x55: {  	[sflag:s23] =	ssyncset.done $0x0  }
0x56: {  	s21 =	rddreg [dreg:$0x15];
	[sflag:s23] =	ssyncadd.s32 $0xFFFFF000  }
0x57: {  	[spmem:s21] =	stream.linear.scatter [tilespmem:s5], [sflag:$0x2], $0x1000, $0x38;
	[tilespmem:$0x19800] =	vst v63  }
0x58: {  	_ =	swait.ge [sflag:s23], $0x1000  }
0x59: {  	[sflag:s23] =	ssyncset.done $0x0  }
0x5a: {  	s6 =	rddreg [dreg:$0x16];
	[sflag:s23] =	ssyncadd.s32 $0xFFFFF000  }
0x5b: {  	[spmem:s6] =	stream.linear.scatter [tilespmem:s5], [sflag:$0x2], $0x1000, $0x38;
	[tilespmem:$0x19800] =	vst v63  }
0x5c: {  	_ =	swait.ge [sflag:s23], $0x1000  }
0x5d: {  	[sflag:s23] =	ssyncset.done $0x0  }
0x5e: {  	s7 =	rddreg [dreg:$0x17];
	[sflag:s23] =	ssyncadd.s32 $0xFFFFF000  }
0x5f: {  	[spmem:s7] =	stream.linear.scatter [tilespmem:s5], [sflag:$0x2], $0x1000, $0x38;
	[tilespmem:$0x19800] =	vst v63  }
0x60: {  	_ =	swait.ge [sflag:s23], $0x1000  }
0x61: {  	[sflag:s23] =	ssyncset.done $0x0  }
0x62: {  	s21 =	rddreg [dreg:$0x18];
	[sflag:s23] =	ssyncadd.s32 $0xFFFFF000  }
0x63: {  	[spmem:s21] =	stream.linear.scatter [tilespmem:s5], [sflag:$0x2], $0x1000, $0x38;
	[tilespmem:$0x19800] =	vst v63  }
0x64: {  	_ =	swait.ge [sflag:s23], $0x1000  }
0x65: {  	[sflag:s23] =	ssyncset.done $0x0  }
0x66: {  	[sflag:s23] =	ssyncadd.s32 $0xFFFFF000  }
0x67: {  	[bflag:$0x0] =	sbarrier.arrive $0xFFFF  }
0x68: {  	s6 =	rddreg [dreg:$0x4]  }
0x69: {  	s5 =	sadd.s32 $0x0, s6  }
0x6a: {  	[tilespmem:s24], [sflag:$0x2] =	stream.linear.gather [hbm4b:s5+s2], $0x400, $0x38;
	[tilespmem:$0x19800] =	vst v63  }
0x6b: {  	_ =	swait.ge [sflag:s23], $0x400  }
0x6c: {  	s7 =	rddreg [dreg:$0x3];
	[sflag:s23] =	ssyncset.done $0x0  }
0x6d: {  	[sflag:s23] =	ssyncadd.s32 $0xFFFFFC00;
	s5 =	sadd.s32 $0x0, s7  }
0x6e: {  	[tilespmem:s25], [sflag:$0x2] =	stream.linear.gather [hbm4b:s5+s2], $0x400, $0x38;
	[tilespmem:$0x19800] =	vst v63  }
0x6f: {  	_ =	swait.ge [sflag:s23], $0x400  }
0x70: {  	[sflag:s23] =	ssyncset.done $0x0  }
0x71: {  	[sflag:s23] =	ssyncadd.s32 $0xFFFFFC00  }
0x72: {  	[tilespmem:s28], [sflag:$0x1] =	stream.indirect.gather [hbm4b:s4+s26], $0x20, s24, s26, $0xb8;
	[tilespmem:$0x19800] =	vst v63  }
0x73: {  	s21 =	rddreg [dreg:$0x5]  }
0x74: {  	[tilespmem:s29], [sflag:$0x1] =	stream.indirect.gather [hbm4b:s4+s26], $0x20, s21, s26, $0xb8;
	[tilespmem:$0x19800] =	vst v63  }
0x75: {  	s0 =	rddreg [dreg:$0x6]  }
0x76: {  	[tilespmem:s30], [sflag:$0x1] =	stream.indirect.gather [hbm4b:s4+s26], $0x20, s0, s26, $0xb8;
	[tilespmem:$0x19800] =	vst v63  }
0x77: {  	s6 =	rddreg [dreg:$0x7]  }
0x78: {  	[tilespmem:s31], [sflag:$0x1] =	stream.indirect.gather [hbm4b:s4+s26], $0x20, s6, s26, $0xb8;
	[tilespmem:$0x19800] =	vst v63  }
0x79: {  	s6 =	simm.s32 $0x1200  }
0x7a: {  	[tilespmem:s3], [sflag:$0x1] =	stream.indirect.gather [hbm4b:s4+s26], $0x20, s6, s26, $0xb8;
	[tilespmem:$0x19800] =	vst v63  }
0x7b: {  	_ = 	snop  }
0x7c: {  	[tilespmem:s8], [sflag:$0x1] =	stream.indirect.gather [hbm4b:s4+s26], $0x20, s9, s26, $0xb8;
	[tilespmem:$0x19800] =	vst v63  }
0x7d: {  	_ = 	snop  }
0x7e: {  	[tilespmem:s10], [sflag:$0x1] =	stream.indirect.gather [hbm4b:s4+s26], $0x20, s11, s26, $0xb8;
	[tilespmem:$0x19800] =	vst v63  }
0x7f: {  	_ = 	snop  }
0x80: {  	[tilespmem:s12], [sflag:$0x1] =	stream.indirect.gather [hbm4b:s4+s26], $0x20, s14, s26, $0xb8;
	[tilespmem:$0x19800] =	vst v63  }
0x81: {  	_ =	swait.ge [sflag:s13], $0x1000  }
0x82: {  	[sflag:s13] =	ssyncset.done $0x0  }
0x83: {  	[sflag:s13] =	ssyncadd.s32 $0xFFFFF000  }
0x84: {  	_ =	swait.ge [sflag:s13], $0x1000  }
0x85: {  	[sflag:s13] =	ssyncset.done $0x0  }
0x86: {  	[sflag:s13] =	ssyncadd.s32 $0xFFFFF000  }
0x87: {  	_ =	swait.ge [sflag:s13], $0x1000  }
0x88: {  	[sflag:s13] =	ssyncset.done $0x0  }
0x89: {  	[sflag:s13] =	ssyncadd.s32 $0xFFFFF000  }
0x8a: {  	_ =	swait.ge [sflag:s13], $0x1000  }
0x8b: {  	[sflag:s13] =	ssyncset.done $0x0  }
0x8c: {  	[sflag:s13] =	ssyncadd.s32 $0xFFFFF000  }
0x8d: {  	_ =	swait.ge [sflag:s13], $0x1000  }
0x8e: {  	[sflag:s13] =	ssyncset.done $0x0  }
0x8f: {  	[sflag:s13] =	ssyncadd.s32 $0xFFFFF000  }
0x90: {  	_ =	swait.ge [sflag:s13], $0x1000  }
0x91: {  	[sflag:s13] =	ssyncset.done $0x0  }
0x92: {  	[sflag:s13] =	ssyncadd.s32 $0xFFFFF000  }
0x93: {  	_ =	swait.ge [sflag:s13], $0x1000  }
0x94: {  	[sflag:s13] =	ssyncset.done $0x0  }
0x95: {  	[sflag:s13] =	ssyncadd.s32 $0xFFFFF000  }
0x96: {  	_ =	swait.ge [sflag:s13], $0x1000  }
0x97: {  	[sflag:s13] =	ssyncset.done $0x0  }
0x98: {  	[sflag:s13] =	ssyncadd.s32 $0xFFFFF000  }
0x99: {  	[spmem:s1] =	stream.indirect.scatter.add.f32 [tilespmem:s28], [sflag:$0x2], $0x20, s25, s26, $0xb8;
	[tilespmem:$0x19800] =	vst v63  }
0x9a: {  	_ =	swait.ge [sflag:s23], $0x1000  }
0x9b: {  	[sflag:s23] =	ssyncset.done $0x0  }
0x9c: {  	[sflag:s23] =	ssyncadd.s32 $0xFFFFF000  }
0x9d: {  	[spmem:s1] =	stream.indirect.scatter.add.f32 [tilespmem:s29], [sflag:$0x2], $0x20, s15, s26, $0xb8;
	[tilespmem:$0x19800] =	vst v63  }
0x9e: {  	_ =	swait.ge [sflag:s23], $0x1000  }
0x9f: {  	[sflag:s23] =	ssyncset.done $0x0  }
0xa0: {  	[sflag:s23] =	ssyncadd.s32 $0xFFFFF000  }
0xa1: {  	[spmem:s1] =	stream.indirect.scatter.add.f32 [tilespmem:s30], [sflag:$0x2], $0x20, s16, s26, $0xb8;
	[tilespmem:$0x19800] =	vst v63  }
0xa2: {  	_ =	swait.ge [sflag:s23], $0x1000  }
0xa3: {  	[sflag:s23] =	ssyncset.done $0x0  }
0xa4: {  	[sflag:s23] =	ssyncadd.s32 $0xFFFFF000  }
0xa5: {  	[spmem:s1] =	stream.indirect.scatter.add.f32 [tilespmem:s31], [sflag:$0x2], $0x20, s17, s26, $0xb8;
	[tilespmem:$0x19800] =	vst v63  }
0xa6: {  	_ =	swait.ge [sflag:s23], $0x1000  }
0xa7: {  	[sflag:s23] =	ssyncset.done $0x0  }
0xa8: {  	[sflag:s23] =	ssyncadd.s32 $0xFFFFF000  }
0xa9: {  	[spmem:s1] =	stream.indirect.scatter.add.f32 [tilespmem:s3], [sflag:$0x2], $0x20, s18, s26, $0xb8;
	[tilespmem:$0x19800] =	vst v63  }
0xaa: {  	_ =	swait.ge [sflag:s23], $0x1000  }
0xab: {  	[sflag:s23] =	ssyncset.done $0x0  }
0xac: {  	[sflag:s23] =	ssyncadd.s32 $0xFFFFF000  }
0xad: {  	[spmem:s1] =	stream.indirect.scatter.add.f32 [tilespmem:s8], [sflag:$0x2], $0x20, s19, s26, $0xb8;
	[tilespmem:$0x19800] =	vst v63  }
0xae: {  	_ =	swait.ge [sflag:s23], $0x1000  }
0xaf: {  	[sflag:s23] =	ssyncset.done $0x0  }
0xb0: {  	[sflag:s23] =	ssyncadd.s32 $0xFFFFF000  }
0xb1: {  	[spmem:s1] =	stream.indirect.scatter.add.f32 [tilespmem:s10], [sflag:$0x2], $0x20, s20, s26, $0xb8;
	[tilespmem:$0x19800] =	vst v63  }
0xb2: {  	_ =	swait.ge [sflag:s23], $0x1000  }
0xb3: {  	[sflag:s23] =	ssyncset.done $0x0  }
0xb4: {  	s21 =	simm.s32 $0x1780;
	[sflag:s23] =	ssyncadd.s32 $0xFFFFF000  }
0xb5: {  	[spmem:s1] =	stream.indirect.scatter.add.f32 [tilespmem:s12], [sflag:$0x2], $0x20, s21, s26, $0xb8;
	[tilespmem:$0x19800] =	vst v63  }
0xb6: {  	s7 =	simm.s32 $0x80;
	_ =	swait.ge [sflag:s23], $0x1000  }
0xb7: {  	s5 =	simm.s32 $0x100;
	s21 =	rddreg [dreg:$0x4];
	[sflag:s23] =	ssyncset.done $0x0  }
.LBB2_4:
0xb8: {  	[sflag:s23] =	ssyncadd.s32 $0xFFFFF000;
	s21 =	sadd.s32 s7, s21  }
0xb9: {  	[tilespmem:s24], [sflag:$0x2] =	stream.linear.gather [hbm4b:s21+s2], $0x400, $0x38;
	[tilespmem:$0x19800] =	vst v63  }
0xba: {  	_ =	swait.ge [sflag:s23], $0x400  }
0xbb: {  	s21 =	rddreg [dreg:$0x3];
	[sflag:s23] =	ssyncset.done $0x0  }
0xbc: {  	[sflag:s23] =	ssyncadd.s32 $0xFFFFFC00;
	s21 =	sadd.s32 s7, s21  }
0xbd: {  	[tilespmem:s25], [sflag:$0x2] =	stream.linear.gather [hbm4b:s21+s2], $0x400, $0x38;
	[tilespmem:$0x19800] =	vst v63  }
0xbe: {  	_ =	swait.ge [sflag:s23], $0x400  }
0xbf: {  	[sflag:s23] =	ssyncset.done $0x0  }
0xc0: {  	s0 =	smov.u32 s5;
	[sflag:s23] =	ssyncadd.s32 $0xFFFFFC00  }
0xc1: {  	[tilespmem:s28], [sflag:$0x1] =	stream.indirect.gather [hbm4b:s4+s26], $0x20, s24, s26, $0xb8;
	[tilespmem:$0x19800] =	vst v63  }
0xc2: {  	s7 =	smov.u32 s0;
	s0 =	rddreg [dreg:$0x5]  }
0xc3: {  	[tilespmem:s29], [sflag:$0x1] =	stream.indirect.gather [hbm4b:s4+s26], $0x20, s0, s26, $0xb8;
	[tilespmem:$0x19800] =	vst v63  }
0xc4: {  	s21 =	rddreg [dreg:$0x6]  }
0xc5: {  	[tilespmem:s30], [sflag:$0x1] =	stream.indirect.gather [hbm4b:s4+s26], $0x20, s21, s26, $0xb8;
	[tilespmem:$0x19800] =	vst v63  }
0xc6: {  	s0 =	rddreg [dreg:$0x7]  }
0xc7: {  	[tilespmem:s31], [sflag:$0x1] =	stream.indirect.gather [hbm4b:s4+s26], $0x20, s0, s26, $0xb8;
	[tilespmem:$0x19800] =	vst v63  }
0xc8: {  	_ = 	snop  }
0xc9: {  	[tilespmem:s3], [sflag:$0x1] =	stream.indirect.gather [hbm4b:s4+s26], $0x20, s6, s26, $0xb8;
	[tilespmem:$0x19800] =	vst v63  }
0xca: {  	_ = 	snop  }
0xcb: {  	[tilespmem:s8], [sflag:$0x1] =	stream.indirect.gather [hbm4b:s4+s26], $0x20, s9, s26, $0xb8;
	[tilespmem:$0x19800] =	vst v63  }
0xcc: {  	_ = 	snop  }
0xcd: {  	[tilespmem:s10], [sflag:$0x1] =	stream.indirect.gather [hbm4b:s4+s26], $0x20, s11, s26, $0xb8;
	[tilespmem:$0x19800] =	vst v63  }
0xce: {  	_ = 	snop  }
0xcf: {  	[tilespmem:s12], [sflag:$0x1] =	stream.indirect.gather [hbm4b:s4+s26], $0x20, s14, s26, $0xb8;
	[tilespmem:$0x19800] =	vst v63  }
0xd0: {  	_ =	swait.ge [sflag:s13], $0x1000  }
0xd1: {  	[sflag:s13] =	ssyncset.done $0x0  }
0xd2: {  	[sflag:s13] =	ssyncadd.s32 $0xFFFFF000  }
0xd3: {  	_ =	swait.ge [sflag:s13], $0x1000  }
0xd4: {  	[sflag:s13] =	ssyncset.done $0x0  }
0xd5: {  	[sflag:s13] =	ssyncadd.s32 $0xFFFFF000  }
0xd6: {  	_ =	swait.ge [sflag:s13], $0x1000  }
0xd7: {  	[sflag:s13] =	ssyncset.done $0x0  }
0xd8: {  	[sflag:s13] =	ssyncadd.s32 $0xFFFFF000  }
0xd9: {  	_ =	swait.ge [sflag:s13], $0x1000  }
0xda: {  	[sflag:s13] =	ssyncset.done $0x0  }
0xdb: {  	[sflag:s13] =	ssyncadd.s32 $0xFFFFF000  }
0xdc: {  	_ =	swait.ge [sflag:s13], $0x1000  }
0xdd: {  	[sflag:s13] =	ssyncset.done $0x0  }
0xde: {  	[sflag:s13] =	ssyncadd.s32 $0xFFFFF000  }
0xdf: {  	_ =	swait.ge [sflag:s13], $0x1000  }
0xe0: {  	[sflag:s13] =	ssyncset.done $0x0  }
0xe1: {  	[sflag:s13] =	ssyncadd.s32 $0xFFFFF000  }
0xe2: {  	_ =	swait.ge [sflag:s13], $0x1000  }
0xe3: {  	[sflag:s13] =	ssyncset.done $0x0  }
0xe4: {  	[sflag:s13] =	ssyncadd.s32 $0xFFFFF000  }
0xe5: {  	_ =	swait.ge [sflag:s13], $0x1000  }
0xe6: {  	[sflag:s13] =	ssyncset.done $0x0  }
0xe7: {  	[sflag:s13] =	ssyncadd.s32 $0xFFFFF000  }
0xe8: {  	[spmem:s1] =	stream.indirect.scatter.add.f32 [tilespmem:s28], [sflag:$0x2], $0x20, s25, s26, $0xb8;
	[tilespmem:$0x19800] =	vst v63  }
0xe9: {  	_ =	swait.ge [sflag:s23], $0x1000  }
0xea: {  	[sflag:s23] =	ssyncset.done $0x0  }
0xeb: {  	[sflag:s23] =	ssyncadd.s32 $0xFFFFF000  }
0xec: {  	[spmem:s1] =	stream.indirect.scatter.add.f32 [tilespmem:s29], [sflag:$0x2], $0x20, s15, s26, $0xb8;
	[tilespmem:$0x19800] =	vst v63  }
0xed: {  	_ =	swait.ge [sflag:s23], $0x1000  }
0xee: {  	[sflag:s23] =	ssyncset.done $0x0  }
0xef: {  	[sflag:s23] =	ssyncadd.s32 $0xFFFFF000  }
0xf0: {  	[spmem:s1] =	stream.indirect.scatter.add.f32 [tilespmem:s30], [sflag:$0x2], $0x20, s16, s26, $0xb8;
	[tilespmem:$0x19800] =	vst v63  }
0xf1: {  	_ =	swait.ge [sflag:s23], $0x1000  }
0xf2: {  	[sflag:s23] =	ssyncset.done $0x0  }
0xf3: {  	[sflag:s23] =	ssyncadd.s32 $0xFFFFF000  }
0xf4: {  	[spmem:s1] =	stream.indirect.scatter.add.f32 [tilespmem:s31], [sflag:$0x2], $0x20, s17, s26, $0xb8;
	[tilespmem:$0x19800] =	vst v63  }
0xf5: {  	_ =	swait.ge [sflag:s23], $0x1000  }
0xf6: {  	[sflag:s23] =	ssyncset.done $0x0  }
0xf7: {  	[sflag:s23] =	ssyncadd.s32 $0xFFFFF000  }
0xf8: {  	[spmem:s1] =	stream.indirect.scatter.add.f32 [tilespmem:s3], [sflag:$0x2], $0x20, s18, s26, $0xb8;
	[tilespmem:$0x19800] =	vst v63  }
0xf9: {  	_ =	swait.ge [sflag:s23], $0x1000  }
0xfa: {  	[sflag:s23] =	ssyncset.done $0x0  }
0xfb: {  	[sflag:s23] =	ssyncadd.s32 $0xFFFFF000  }
0xfc: {  	[spmem:s1] =	stream.indirect.scatter.add.f32 [tilespmem:s8], [sflag:$0x2], $0x20, s19, s26, $0xb8;
	[tilespmem:$0x19800] =	vst v63  }
0xfd: {  	_ =	swait.ge [sflag:s23], $0x1000  }
0xfe: {  	[sflag:s23] =	ssyncset.done $0x0  }
0xff: {  	[sflag:s23] =	ssyncadd.s32 $0xFFFFF000  }
0x100: {  	[spmem:s1] =	stream.indirect.scatter.add.f32 [tilespmem:s10], [sflag:$0x2], $0x20, s20, s26, $0xb8;
	[tilespmem:$0x19800] =	vst v63  }
0x101: {  	p0 =	sne.s32 s5, $0x780;
	_ =	swait.ge [sflag:s23], $0x1000  }
.Ltmp1:
0x102: {  	[sflag:s23] =	ssyncset.done $0x0;
	(pc) =	sbr.rel @p0 .LBB2_4-.Ltmp1, $4  }
0x103: {  	s21 =	simm.s32 $0x1780;
	[sflag:s23] =	ssyncadd.s32 $0xFFFFF000  }
0x104: {  	[spmem:s1] =	stream.indirect.scatter.add.f32 [tilespmem:s12], [sflag:$0x2], $0x20, s21, s26, $0xb8;
	[tilespmem:$0x19800] =	vst v63  }
0x105: {  	_ =	swait.ge [sflag:s23], $0x1000  }
0x106: {  	s5 =	sadd.s32 $0x80, s5;
	s21 =	rddreg [dreg:$0x4];
	[sflag:s23] =	ssyncset.done $0x0  }
0x107: {  	[sflag:s23] =	ssyncadd.s32 $0xFFFFF000;
	s0 =	sadd.s32 s7, s21  }
0x108: {  	[tilespmem:s24], [sflag:$0x2] =	stream.linear.gather [hbm4b:s0+s2], $0x400, $0x38;
	[tilespmem:$0x19800] =	vst v63  }
0x109: {  	_ =	swait.ge [sflag:s23], $0x400  }
0x10a: {  	s5 =	rddreg [dreg:$0x3];
	[sflag:s23] =	ssyncset.done $0x0  }
0x10b: {  	[sflag:s23] =	ssyncadd.s32 $0xFFFFFC00;
	s0 =	sadd.s32 s7, s5  }
0x10c: {  	[tilespmem:s25], [sflag:$0x2] =	stream.linear.gather [hbm4b:s0+s2], $0x400, $0x38;
	[tilespmem:$0x19800] =	vst v63  }
0x10d: {  	_ =	swait.ge [sflag:s23], $0x400  }
0x10e: {  	[sflag:s23] =	ssyncset.done $0x0  }
0x10f: {  	[sflag:s23] =	ssyncadd.s32 $0xFFFFFC00  }
0x110: {  	[tilespmem:s28], [sflag:$0x1] =	stream.indirect.gather [hbm4b:s4+s26], $0x20, s24, s26, $0xb8;
	[tilespmem:$0x19800] =	vst v63  }
0x111: {  	s21 =	rddreg [dreg:$0x5]  }
0x112: {  	[tilespmem:s29], [sflag:$0x1] =	stream.indirect.gather [hbm4b:s4+s26], $0x20, s21, s26, $0xb8;
	[tilespmem:$0x19800] =	vst v63  }
0x113: {  	s5 =	rddreg [dreg:$0x6]  }
0x114: {  	[tilespmem:s30], [sflag:$0x1] =	stream.indirect.gather [hbm4b:s4+s26], $0x20, s5, s26, $0xb8;
	[tilespmem:$0x19800] =	vst v63  }
0x115: {  	s7 =	rddreg [dreg:$0x7]  }
0x116: {  	[tilespmem:s31], [sflag:$0x1] =	stream.indirect.gather [hbm4b:s4+s26], $0x20, s7, s26, $0xb8;
	[tilespmem:$0x19800] =	vst v63  }
0x117: {  	_ = 	snop  }
0x118: {  	[tilespmem:s3], [sflag:$0x1] =	stream.indirect.gather [hbm4b:s4+s26], $0x20, s6, s26, $0xb8;
	[tilespmem:$0x19800] =	vst v63  }
0x119: {  	_ = 	snop  }
0x11a: {  	[tilespmem:s8], [sflag:$0x1] =	stream.indirect.gather [hbm4b:s4+s26], $0x20, s9, s26, $0xb8;
	[tilespmem:$0x19800] =	vst v63  }
0x11b: {  	_ = 	snop  }
0x11c: {  	[tilespmem:s10], [sflag:$0x1] =	stream.indirect.gather [hbm4b:s4+s26], $0x20, s11, s26, $0xb8;
	[tilespmem:$0x19800] =	vst v63  }
0x11d: {  	_ = 	snop  }
0x11e: {  	[tilespmem:s12], [sflag:$0x1] =	stream.indirect.gather [hbm4b:s4+s26], $0x20, s14, s26, $0xb8;
	[tilespmem:$0x19800] =	vst v63  }
0x11f: {  	_ =	swait.ge [sflag:s13], $0x1000  }
0x120: {  	[sflag:s13] =	ssyncset.done $0x0  }
0x121: {  	[sflag:s13] =	ssyncadd.s32 $0xFFFFF000  }
0x122: {  	_ =	swait.ge [sflag:s13], $0x1000  }
0x123: {  	[sflag:s13] =	ssyncset.done $0x0  }
0x124: {  	[sflag:s13] =	ssyncadd.s32 $0xFFFFF000  }
0x125: {  	_ =	swait.ge [sflag:s13], $0x1000  }
0x126: {  	[sflag:s13] =	ssyncset.done $0x0  }
0x127: {  	[sflag:s13] =	ssyncadd.s32 $0xFFFFF000  }
0x128: {  	_ =	swait.ge [sflag:s13], $0x1000  }
0x129: {  	[sflag:s13] =	ssyncset.done $0x0  }
0x12a: {  	[sflag:s13] =	ssyncadd.s32 $0xFFFFF000  }
0x12b: {  	_ =	swait.ge [sflag:s13], $0x1000  }
0x12c: {  	[sflag:s13] =	ssyncset.done $0x0  }
0x12d: {  	[sflag:s13] =	ssyncadd.s32 $0xFFFFF000  }
0x12e: {  	_ =	swait.ge [sflag:s13], $0x1000  }
0x12f: {  	[sflag:s13] =	ssyncset.done $0x0  }
0x130: {  	[sflag:s13] =	ssyncadd.s32 $0xFFFFF000  }
0x131: {  	_ =	swait.ge [sflag:s13], $0x1000  }
0x132: {  	[sflag:s13] =	ssyncset.done $0x0  }
0x133: {  	[sflag:s13] =	ssyncadd.s32 $0xFFFFF000  }
0x134: {  	_ =	swait.ge [sflag:s13], $0x1000  }
0x135: {  	[sflag:s13] =	ssyncset.done $0x0  }
0x136: {  	[sflag:s13] =	ssyncadd.s32 $0xFFFFF000  }
0x137: {  	[spmem:s1] =	stream.indirect.scatter.add.f32 [tilespmem:s28], [sflag:$0x2], $0x20, s25, s26, $0xb8;
	[tilespmem:$0x19800] =	vst v63  }
0x138: {  	_ =	swait.ge [sflag:s23], $0x1000  }
0x139: {  	[sflag:s23] =	ssyncset.done $0x0  }
0x13a: {  	[sflag:s23] =	ssyncadd.s32 $0xFFFFF000  }
0x13b: {  	[spmem:s1] =	stream.indirect.scatter.add.f32 [tilespmem:s29], [sflag:$0x2], $0x20, s15, s26, $0xb8;
	[tilespmem:$0x19800] =	vst v63  }
0x13c: {  	_ =	swait.ge [sflag:s23], $0x1000  }
0x13d: {  	[sflag:s23] =	ssyncset.done $0x0  }
0x13e: {  	[sflag:s23] =	ssyncadd.s32 $0xFFFFF000  }
0x13f: {  	[spmem:s1] =	stream.indirect.scatter.add.f32 [tilespmem:s30], [sflag:$0x2], $0x20, s16, s26, $0xb8;
	[tilespmem:$0x19800] =	vst v63  }
0x140: {  	_ =	swait.ge [sflag:s23], $0x1000  }
0x141: {  	[sflag:s23] =	ssyncset.done $0x0  }
0x142: {  	[sflag:s23] =	ssyncadd.s32 $0xFFFFF000  }
0x143: {  	[spmem:s1] =	stream.indirect.scatter.add.f32 [tilespmem:s31], [sflag:$0x2], $0x20, s17, s26, $0xb8;
	[tilespmem:$0x19800] =	vst v63  }
0x144: {  	_ =	swait.ge [sflag:s23], $0x1000  }
0x145: {  	[sflag:s23] =	ssyncset.done $0x0  }
0x146: {  	[sflag:s23] =	ssyncadd.s32 $0xFFFFF000  }
0x147: {  	[spmem:s1] =	stream.indirect.scatter.add.f32 [tilespmem:s3], [sflag:$0x2], $0x20, s18, s26, $0xb8;
	[tilespmem:$0x19800] =	vst v63  }
0x148: {  	_ =	swait.ge [sflag:s23], $0x1000  }
0x149: {  	[sflag:s23] =	ssyncset.done $0x0  }
0x14a: {  	[sflag:s23] =	ssyncadd.s32 $0xFFFFF000  }
0x14b: {  	[spmem:s1] =	stream.indirect.scatter.add.f32 [tilespmem:s8], [sflag:$0x2], $0x20, s19, s26, $0xb8;
	[tilespmem:$0x19800] =	vst v63  }
0x14c: {  	_ =	swait.ge [sflag:s23], $0x1000  }
0x14d: {  	[sflag:s23] =	ssyncset.done $0x0  }
0x14e: {  	[sflag:s23] =	ssyncadd.s32 $0xFFFFF000  }
0x14f: {  	[spmem:s1] =	stream.indirect.scatter.add.f32 [tilespmem:s10], [sflag:$0x2], $0x20, s20, s26, $0xb8;
	[tilespmem:$0x19800] =	vst v63  }
0x150: {  	_ =	swait.ge [sflag:s23], $0x1000  }
0x151: {  	[sflag:s23] =	ssyncset.done $0x0  }
0x152: {  	s21 =	simm.s32 $0x1780;
	[sflag:s23] =	ssyncadd.s32 $0xFFFFF000  }
0x153: {  	[spmem:s1] =	stream.indirect.scatter.add.f32 [tilespmem:s12], [sflag:$0x2], $0x20, s21, s26, $0xb8;
	[tilespmem:$0x19800] =	vst v63  }
0x154: {  	_ =	swait.ge [sflag:s23], $0x1000  }
0x155: {  	[sflag:s23] =	ssyncset.done $0x0  }
0x156: {  	[sflag:s23] =	ssyncadd.s32 $0xFFFFF000  }
0x157: {  	s5 =	stileid.u32;
	[bflag:$0x0] =	sbarrier.arrive $0xFFFF  }
0x158: {  	s0 =	sshll.u32 s5, $0x6;
	s21 =	rddreg [dreg:$0x8]  }
0x159: {  	s5 =	sor.u32 $0x1C02, s0;
	s6 =	sadd.s32 $0x0, s22;
	s0 =	sshrl.u32 s21, $0x3  }
0x15a: {  	[hbm:s6], [sflag:s5] =	dma.local [spmem:s0], $0x200  }
0x15b: {  	_ =	swait.ge [sflag:s23], $0x200  }
0x15c: {  	s7 =	simm.s32 $0x200;
	s21 =	rddreg [dreg:$0xa]  }
.LBB2_6:
0x15d: {  	s0 =	sadd.s32 s7, s22;
	[sflag:s23] =	ssyncset.done $0x0;
	p0 =	sne.s32 s7, $0x1E00  }
.Ltmp2:
0x15e: {  	s6 =	sshrl.u32 s21, $0x3;
	[sflag:s23] =	ssyncadd.s32 $0xFFFFFE00;
	(pc) =	sbr.rel @p0 .LBB2_6-.Ltmp2, $3  }
0x15f: {  	[hbm:s0], [sflag:s5] =	dma.local [spmem:s6], $0x200  }
0x160: {  	s7 =	sadd.s32 $0x200, s7;
	_ =	sdelay $0x1  }
0x161: {  	s21 =	sadd.s32 $0x1000, s21;
	_ =	swait.ge [sflag:s23], $0x200  }
0x162: {  	s5 =	rddreg [dreg:$0x19]  }
0x163: {  	s0 =	rddreg [dreg:$0x9];
	s5 =	sadd.s32 $0x1, s5  }
0x164: {  	p0 =	sne.s32 s5, s0  }
.Ltmp3:
0x165: {  	_ = 	snop;
	(pc) =	sbr.rel @p0 .LBB2_1-.Ltmp3, $3  }
0x166: {  	_ =	sdelay $0x1  }
0x167: {  	[sflag:s23] =	ssyncset.done $0x0  }
0x168: {  	s6 =	rddreg [dreg:$0x8];
	[sflag:s23] =	ssyncadd.s32 $0xFFFFFE00  }
0x169: {  	_ =	sfence.sel $0x180000  }
0x16a: {  	[bflag:$0x0] =	sbarrier.arrive $0xFFFF  }
0x16b: {  	_ =	strace $0x9000004D  }
0x16c: {  	s0 =	stileid.u32;
	[bflag:$0x2] =	sbarrier.arrive $0xFFFF  }
0x16d: {  	p0 =	sne.s32 s0, $0x0;
	s0 =	rddreg [dreg:$0x2]  }
0x16e: {  	s0 =	sadd.s32 @!p0 $0x100000, s0  }
0x16f: {  	[sflag:s0] =	ssyncadd.tile.s32 @!p0 $0x1;
	_ =	shalt  }
.Lfunc_end2:
_tile_overlayer_lowered:
.L_overlay_start_2:
0x170: {  	(tag) =	ssettag $0x2  }
0x171: {  	s0 =	rddreg [dreg:$0x0];
	s2 =	stileid.u32  }
0x172: {  	s1 =	rddreg [dreg:$0x1];
	p0 =	sne.s32 s2, $0x0  }
0x173: {  	s3 =	rddreg [dreg:$0x2];
	[bflag:$0x3] =	sbarrier.arrive $0xFFFF;
	s2 =	simm.s32 @!p0 $0x1C02  }
0x174: {  	[timem:s3], [sflag:s2] =	dma.local @!p0 [hbm:s0], s1  }
0x175: {  	s0 =	simm.s32 @!p0 $0x2  }
0x176: {  	_ =	swait.ge @!p0 [sflag:s0], s1  }
0x177: {  	s1 =	ssub.s32 @!p0 $0x0, s1;
	[sflag:s0] =	ssyncset.done @!p0 $0x0  }
0x178: {  	[sflag:s0] =	ssyncadd.s32 @!p0 s1  }
0x179: {  	[bflag:$0x3] =	sbarrier.arrive $0xFFFF  }
0x17a: {  	_ =	shalt  }

// kernel: kernel.21.cloned.1.call-start
scs
__scs_entry_jumppad:
0x0: {  	(pc) =	sbr.rel $0x88, $3  }
0x1: {  	(tag) =	ssettag $0x0;
	lr =	simm.s32 $0x1  }
0x2: {  	[smem:$0x3F86] =	sst lr;
	_ =	strace $0xD0000000  }
0x3: {  	_ = 	snop  }
0x4: {  	_ = 	snop  }
0x5: {  	_ = 	snop  }
0x6: {  	_ = 	snop  }
0x7: {  	_ = 	snop  }
__scs_overlays_trampoline_lowered:
0x8: {  	[smem:$0x3F95] =	sst s0  }
0x9: {  	[smem:$0x3F96] =	sst s1  }
0xa: {  	[smem:$0x3F97] =	sst s2  }
0xb: {  	[smem:$0x3F98] =	sst s3  }
0xc: {  	[smem:$0x3F99] =	sst s4  }
0xd: {  	[smem:$0x3F9A] =	sst s5  }
0xe: {  	[smem:$0x3F9B] =	sst s6  }
0xf: {  	[smem:$0x3F9C] =	sst s7  }
0x10: {  	[smem:$0x3F9D] =	sst s8  }
0x11: {  	[smem:$0x3F9E] =	sst s9;
	s0 =	simm.s32 @!p0 $0x0  }
0x12: {  	s1 =	sld [smem:$0x3F84];
	s0 =	simm.s32 @p0 $0x1  }
0x13: {  	[smem:$0x3F9F] =	sst s0;
	s0 =	simm.s32 @!p1 $0x0  }
0x14: {  	s2 =	sld [smem:$0x3F83];
	s0 =	simm.s32 @p1 $0x1  }
0x15: {  	[smem:$0x3FA0] =	sst s0;
	s0 =	simm.s32 @!p2 $0x0  }
0x16: {  	s3 =	sld [smem:$0x3FDB];
	s0 =	simm.s32 @p2 $0x1  }
0x17: {  	s4 =	simm.s32 $0x1BF5;
	[smem:$0x3FA2] =	sst s0  }
0x18: {  	s0 =	sld [smem:$0x3F85];
	_ =	swait.ge [sflag:s4], $0x0  }
0x19: {  	s7 =	sld [smem:$0x3F86]  }
0x1a: {  	s8 =	sadd.s32 $0xFFFFE003, lr  }
0x1b: {  	s9 =	sadd.s32 $0xFFFFFEF7, lr;
	s5 =	simm.s32 $0xFFFFFFFF;
	p2 =	slt.u32 s8, $0xFFFFF086  }
0x1c: {  	p1 =	slt.u32 s9, $0xF7A;
	s5 =	simm.s32 @!p2 $0x0  }
0x1d: {  	s5 =	simm.s32 @p1 $0x1;
	p0 =	seq.s32 s7, s2  }
0x1e: {  	s7 =	smul.u32 @!p0 $0xF7A, s2;
	p2 =	seq.s32 @!p0 s5, $0x0  }
0x1f: {  	s9 =	smul.u32 $0xF7A, s1;
	s8 =	simm.s32 @!p0 $0x1BF5;
	p2 =	por !p2, p0  }
0x20: {  	[sflag:s8] =	ssyncset.s32 @!p0 $0xFFFFF086;
	s6 =	sadd.s32 @!p0 s3, s7;
	s7 =	simm.s32 @!p0 $0x108  }
0x21: {  	s3 =	sadd.s32 s3, s9;
	s6 =	sadd.s32 @!p0 $0x88, s6;
	s7 =	simm.s32 @p2 $0x1082  }
0x22: {  	[simem:s7], [sflag:s8] =	dma.local @!p0 [hbm:s6], $0xF7A  }
0x23: {  	s9 =	sor.u32 $0xD0000000, s2;
	s6 =	simm.s32 $0x108;
	_ =	swait.ge @!p0 [sflag:s8], $0x0  }
0x24: {  	s3 =	sadd.s32 $0x88, s3;
	s6 =	simm.s32 @!p1 $0x1082;
	[sflag:s4] =	ssyncset.s32 $0xFFFFF086  }
0x25: {  	[simem:s6], [sflag:s4] =	dma.local [hbm:s3], $0xF7A  }
0x26: {  	[smem:$0x3F86] =	sst s1;
	(tag) =	ssettag s2;
	_ =	strace s9  }
0x27: {  	s1 =	sld [smem:$0x3F96]  }
0x28: {  	s2 =	sld [smem:$0x3F97]  }
0x29: {  	s4 =	sld [smem:$0x3F99]  }
0x2a: {  	p0 =	seq.s32 s5, $0x0;
	s5 =	sld [smem:$0x3F9A]  }
0x2b: {  	s6 =	sld [smem:$0x3F9B]  }
0x2c: {  	s7 =	sld [smem:$0x3F9C]  }
0x2d: {  	s3 =	simm.s32 $0x108;
	s8 =	sld [smem:$0x3F9D]  }
0x2e: {  	s3 =	simm.s32 @!p0 $0x1082;
	s9 =	sld [smem:$0x3F9E]  }
0x2f: {  	lr =	sadd.s32 s0, s3;
	s0 =	sld [smem:$0x3F95]  }
0x30: {  	s3 =	sld [smem:$0x3F98]  }
0x31: {  	[smem:$0x3FA1] =	sst s10  }
0x32: {  	s10 =	sld [smem:$0x3F9F];
	_ =	sdelay $0x3  }
0x33: {  	p0 =	seq.s32 s10, $0x1;
	s10 =	sld [smem:$0x3FA1];
	_ =	sdelay $0x3  }
0x34: {  	[smem:$0x3FA1] =	sst s10  }
0x35: {  	s10 =	sld [smem:$0x3FA0];
	_ =	sdelay $0x3  }
0x36: {  	p1 =	seq.s32 s10, $0x1;
	s10 =	sld [smem:$0x3FA1];
	_ =	sdelay $0x3  }
0x37: {  	[smem:$0x3FA1] =	sst s10  }
0x38: {  	s10 =	sld [smem:$0x3FA2]  }
0x39: {  	_ = 	snop;
	(pc) =	sbr.ind lr, $3  }
0x3a: {  	_ = 	snop  }
0x3b: {  	_ = 	snop  }
0x3c: {  	p2 =	seq.s32 s10, $0x1;
	s10 =	sld [smem:$0x3FA1]  }
0x3d: {  	_ =	shalt  }
0x3e: {  	_ =	shalt  }
0x3f: {  	_ =	shalt  }
0x40: {  	_ =	shalt  }
0x41: {  	_ =	shalt  }
0x42: {  	_ =	shalt  }
0x43: {  	_ =	shalt  }
0x44: {  	_ =	shalt  }
0x45: {  	_ =	shalt  }
0x46: {  	_ =	shalt  }
0x47: {  	_ =	shalt  }
0x48: {  	_ =	shalt  }
0x49: {  	_ =	shalt  }
0x4a: {  	_ =	shalt  }
0x4b: {  	_ =	shalt  }
0x4c: {  	_ =	shalt  }
0x4d: {  	_ =	shalt  }
0x4e: {  	_ =	shalt  }
0x4f: {  	_ =	shalt  }
0x50: {  	_ =	shalt  }
0x51: {  	_ =	shalt  }
0x52: {  	_ =	shalt  }
0x53: {  	_ =	shalt  }
0x54: {  	_ =	shalt  }
0x55: {  	_ =	shalt  }
0x56: {  	_ =	shalt  }
0x57: {  	_ =	shalt  }
0x58: {  	_ =	shalt  }
0x59: {  	_ =	shalt  }
0x5a: {  	_ =	shalt  }
0x5b: {  	_ =	shalt  }
0x5c: {  	_ =	shalt  }
0x5d: {  	_ =	shalt  }
0x5e: {  	_ =	shalt  }
0x5f: {  	_ =	shalt  }
0x60: {  	_ =	shalt  }
0x61: {  	_ =	shalt  }
0x62: {  	_ =	shalt  }
0x63: {  	_ =	shalt  }
0x64: {  	_ =	shalt  }
0x65: {  	_ =	shalt  }
0x66: {  	_ =	shalt  }
0x67: {  	_ =	shalt  }
0x68: {  	_ =	shalt  }
0x69: {  	_ =	shalt  }
0x6a: {  	_ =	shalt  }
0x6b: {  	_ =	shalt  }
0x6c: {  	_ =	shalt  }
0x6d: {  	_ =	shalt  }
0x6e: {  	_ =	shalt  }
0x6f: {  	_ =	shalt  }
0x70: {  	_ =	shalt  }
0x71: {  	_ =	shalt  }
0x72: {  	_ =	shalt  }
0x73: {  	_ =	shalt  }
0x74: {  	_ =	shalt  }
0x75: {  	_ =	shalt  }
0x76: {  	_ =	shalt  }
0x77: {  	_ =	shalt  }
0x78: {  	_ =	shalt  }
0x79: {  	_ =	shalt  }
0x7a: {  	_ =	shalt  }
0x7b: {  	_ =	shalt  }
0x7c: {  	_ =	shalt  }
0x7d: {  	_ =	shalt  }
0x7e: {  	_ =	shalt  }
0x7f: {  	_ =	shalt  }
0x80: {  	_ =	shalt  }
0x81: {  	_ =	shalt  }
0x82: {  	_ =	shalt  }
0x83: {  	_ =	shalt  }
0x84: {  	_ =	shalt  }
0x85: {  	_ =	shalt  }
0x86: {  	_ =	shalt  }
0x87: {  	_ =	shalt  }
.Lfunc_end0:
.L_simem_size_0:
called_computation.3_lowered:
.L_overlay_start_0:
0x88: {  	s2 =	sld [smem:$0x3FD9]  }
0x89: {  	s3 =	sld [smem:$0x3FFE];
	_ =	sdelay $0x1  }
0x8a: {  	s1 =	srdreg.scid  }
0x8b: {  	s0 =	sand.u32 $0x1, s1  }
0x8c: {  	s16 =	sshll.u32 s0, $0xA;
	s2 =	sadd.s32 s3, s2  }
0x8d: {  	s2 =	sadd.s32 s2, s16  }
0x8e: {  	[smem:$0x3FAD] =	sst s2  }
0x8f: {  	_ = 	snop  }
0x90: {  	(tm) =	ssettm $0x1  }
0x91: {  	s17 =	sld [smem:$0x3FFB];
	_ =	sdelay $0x3  }
0x92: {  	_ =	strace s17  }
0x93: {  	s2 =	sld [smem:$0x3FFC];
	_ =	sdelay $0x3  }
0x94: {  	_ =	strace s2  }
0x95: {  	s2 =	sld [smem:$0x3FFD];
	_ =	sdelay $0x3  }
0x96: {  	_ =	strace s2  }
0x97: {  	_ =	strace $0x8FFFFFFF  }
0x98: {  	s18 =	sld [smem:$0x3FDB];
	_ =	sdelay $0x1  }
0x99: {  	s19 =	simm.s32 $_scs_section_size  }
0x9a: {  	s4 =	simm.s32 $_size__tile_overlayer_lowered;
	s5 =	simm.s32 $_tile_overlayer_lowered  }
0x9b: {  	s22 =	simm.s32 $0x1BFF;
	s21 =	sshll.u32 s5, $0x1;
	s2 =	sadd.s32 s19, s18  }
0x9c: {  	s6 =	simm.s32 $0x0;
	s20 =	sshll.u32 s4, $0x1;
	s4 =	sadd.s32 s21, s2  }
0x9d: {  	[timem:s6], [sflag:s22] =	dma.local [hbm:s4], s20  }
0x9e: {  	_ =	swait.ge [sflag:s22], s20  }
0x9f: {  	s3 =	ssub.s32 $0x0, s20;
	[sflag:s22] =	ssyncset.done $0x0  }
0xa0: {  	[sflag:s22] =	ssyncadd.s32 s3;
	_ =	sdelay $0x1  }
0xa1: {  	s23 =	simm.s32 $0x1B8B  }
0xa2: {  	_ =	swait.ge [sflag:s23], $0x1  }
0xa3: {  	[sflag:s23] =	ssyncset.done $0x0  }
0xa4: {  	s25 =	simm.s32 $0x1B8E;
	s24 =	sld [smem:$0x3FFE];
	[sflag:s23] =	ssyncadd.s32 $0xFFFFFFFF  }
0xa5: {  	s26 =	simm.s32 $execute0_lowered;
	[smem:$0x3FD2] =	sst s25  }
0xa6: {  	s4 =	sshll.u32 s26, $0x1;
	_ =	strace $0x8000004F;
	[dreg:$0x1] =	wrdreg $0xFFFFFFFF  }
0xa7: {  	s28 =	simm.s32 $_size_execute0_lowered;
	s2 =	sadd.s32 s2, s4;
	[dreg:$0x0] =	wrdreg $0x0  }
0xa8: {  	s4 =	sshll.u32 s28, $0x1;
	[dreg:$0x2] =	wrdreg s2  }
0xa9: {  	[dreg:$0x3] =	wrdreg s4  }
0xaa: {  	[dreg:$0x4] =	wrdreg $0xC0  }
0xab: {  	_ =	task [dreg:s6], $0x5FFFF  }
0xac: {  	[dreg:$0x1] =	wrdreg $0xFFFFFFFF  }
0xad: {  	[dreg:$0x0] =	wrdreg $0x60  }
0xae: {  	[dreg:$0x2] =	wrdreg s24  }
0xaf: {  	[dreg:$0x3] =	wrdreg $0x98000  }
0xb0: {  	[dreg:$0x4] =	wrdreg $0x9  }
0xb1: {  	_ =	task.clear_ibuf [dreg:s6], $0x5FFFF;
	_ =	strace $0x9000004F  }
0xb2: {  	s29 =	simm.s32 $0x9;
	_ =	strace $0x80000051  }
0xb3: {  	_ =	swait.ge [sflag:s29], $0x1  }
0xb4: {  	[sflag:s29] =	ssyncadd.s32 $0xFFFFFFFF  }
0xb5: {  	_ =	strace $0x90000051  }
0xb6: {  	_ =	sfence  }
0xb7: {  	s30 =	sld [smem:$0x0];
	_ =	sdelay $0x2  }
0xb8: {  	s31 =	sshll.u32 s1, $0xD;
	s1 =	sshrl.u32 s1, $0x2  }
0xb9: {  	s3 =	sand.u32 $0x4000, s31;
	s1 =	sadd.s32 s1, s30  }
0xba: {  	s0 =	sor.u32 s3, s0;
	s1 =	sshll.u32 s1, $0x11  }
0xbb: {  	s0 =	sor.u32 s1, s0  }
0xbc: {  	s0 =	sadd.s32 $0x8F2B, s0  }
0xbd: {  	[sflag:s0] =	ssyncadd.remote.s32 $0x1  }
0xbe: {  	_ =	sfence.sel $0xFFFF  }
0xbf: {  	[dreg:$0x0] =	wrdreg $0xFFFFFFFF;
	(pc) =	sbr.abs _section_cstart, $3  }
0xc0: {  	[dreg:$0x1] =	wrdreg $0xFFFFFFFF  }
0xc1: {  	_ =	task.clear_ibuf [dreg:s6], $0x2FFFF;
	_ =	strace $0x9FFFFFFF  }
0xc2: {  	(tm) =	ssettm $0x7FFFFFFF  }
0xc3: {  	_ =	shalt  }
tec
execute0_lowered:
.L_overlay_start_1:
0x0: {  	(tag) =	ssettag $0x1  }
0x1: {  	s0 =	rddreg [dreg:$0x0]  }
0x2: {  	s1 =	rddreg [dreg:$0x1];
	s2 =	simm.s32 $0x0;
	s3 =	srdreg.scid  }
0x3: {  	s9 =	stileid.u32;
	s24 =	simm.s32 $0x1080;
	[smem:$0x7FF] =	sst s2  }
0x4: {  	s3 =	sand.u32 $0x1, s3;
	s6 =	sshll.u32 s9, $0x10;
	_ =	strace $0x80000050  }
0x5: {  	s4 =	sshll.u32 s3, $0xF;
	s5 =	sshll.u32 s3, $0x14;
	s3 =	ssub.s32 $0x2, s3  }
0x6: {  	[dreg:$0x5] =	wrdreg s24;
	s5 =	sor.u32 s6, s5;
	s6 =	sadd.s32 s6, s1  }
0x7: {  	s8 =	sshrl.u32 s3, $0x1;
	s26 =	sadd.s32 $0x1000, s6;
	[dreg:$0x8] =	wrdreg s6  }
0x8: {  	s3 =	ssub.s32 s3, s8;
	s8 =	sadd.s32 $0x2000, s6;
	[dreg:$0xa] =	wrdreg s26  }
0x9: {  	s25 =	sshll.u32 s9, $0xB;
	s9 =	sadd.s32 $0x3000, s6;
	[dreg:$0xb] =	wrdreg s8  }
0xa: {  	s10 =	sadd.s32 $0x4000, s6;
	[dreg:$0xc] =	wrdreg s9  }
0xb: {  	s11 =	sadd.s32 $0x5000, s6;
	[dreg:$0xd] =	wrdreg s10  }
0xc: {  	s28 =	simm.s32 $0x1800;
	s12 =	sadd.s32 $0x6000, s6;
	[dreg:$0xe] =	wrdreg s11  }
0xd: {  	s29 =	simm.s32 $0x2800;
	s13 =	sadd.s32 $0x7000, s6;
	[dreg:$0xf] =	wrdreg s12  }
0xe: {  	s30 =	simm.s32 $0x3800;
	s14 =	sadd.s32 $0x8000, s6;
	[dreg:$0x10] =	wrdreg s13  }
0xf: {  	s31 =	simm.s32 $0x4800;
	s15 =	sadd.s32 $0x9000, s6;
	[dreg:$0x11] =	wrdreg s14  }
0x10: {  	s24 =	simm.s32 $0x1000;
	s16 =	sadd.s32 $0xA000, s6;
	[dreg:$0x12] =	wrdreg s15  }
0x11: {  	s7 =	sadd.s32 s4, s0;
	s17 =	sadd.s32 $0xB000, s6;
	[dreg:$0x13] =	wrdreg s16  }
0x12: {  	s4 =	sadd.s32 $0x28200, s0;
	s18 =	sadd.s32 $0xC000, s6;
	[dreg:$0x14] =	wrdreg s17  }
0x13: {  	s5 =	sshrl.u32 s5, $0x3;
	s20 =	sadd.s32 $0xD000, s6;
	[dreg:$0x15] =	wrdreg s18  }
0x14: {  	s19 =	sadd.s32 s25, s7;
	s21 =	sadd.s32 $0xE000, s6;
	[dreg:$0x16] =	wrdreg s20  }
0x15: {  	s23 =	sadd.s32 $0xF000, s6;
	s25 =	simm.s32 $0x1100;
	[dreg:$0x17] =	wrdreg s21  }
0x16: {  	s0 =	sadd.s32 s5, s0;
	s3 =	smax.u32 s3, $0x1;
	[dreg:$0x18] =	wrdreg s23  }
0x17: {  	s22 =	sadd.s32 $0x18200, s19;
	s23 =	simm.s32 $0x2;
	[dreg:$0x6] =	wrdreg s25  }
0x18: {  	s26 =	simm.s32 $0x1180;
	s25 =	simm.s32 $0x1400;
	s8 =	simm.s32 $0x6800  }
0x19: {  	s10 =	simm.s32 $0x7800;
	s12 =	simm.s32 $0x8800;
	s13 =	simm.s32 $0x1  }
0x1a: {  	s5 =	simm.s32 $0x0;
	s9 =	simm.s32 $0x1280;
	s11 =	simm.s32 $0x1300  }
0x1b: {  	s14 =	simm.s32 $0x1380;
	s15 =	simm.s32 $0x1480;
	s16 =	simm.s32 $0x1500  }
0x1c: {  	s17 =	simm.s32 $0x1580;
	s18 =	simm.s32 $0x1600;
	[dreg:$0x9] =	wrdreg s3  }
0x1d: {  	s20 =	simm.s32 $0x1700;
	[dreg:$0x3] =	wrdreg s22;
	s3 =	sadd.s32 $0x8200, s19  }
0x1e: {  	s22 =	sadd.s32 $0x1F8E00, s0;
	[dreg:$0x7] =	wrdreg s26;
	s26 =	simm.s32 $0x80  }
0x1f: {  	v0 =	vimm.f32 $0.0e+00;
	s19 =	simm.s32 $0x1680;
	[dreg:$0x4] =	wrdreg s3;
	s3 =	simm.s32 $0x5800  }
.LBB2_1:
0x20: {  	[dreg:$0x19] =	wrdreg s5;
	s5 =	simm.s32 $0x80;
	s7 =	simm.s32 $0x0  }
.LBB2_2:
0x21: {  	p0 =	sne.s32 s5, $0x3F80;
	[tilespmem:s7+$0x0] =	vst v0;
	s21 =	smov.u32 s5;
	s5 =	sadd.s32 $0x80, s5  }
.Ltmp0:
0x22: {  	[tilespmem:s7+$0x10] =	vst v0;
	(pc) =	sbr.rel @p0 .LBB2_2-.Ltmp0, $2  }
0x23: {  	_ =	sdelay $0x2  }
0x24: {  	s7 =	sshra.s32 s21, $0x2  }
0x25: {  	[tilespmem:s7+$0x0] =	vst v0  }
0x26: {  	[tilespmem:s7+$0x10] =	vst v0;
	s5 =	simm.s32 $0x0  }
0x27: {  	[spmem:s6] =	stream.linear.scatter [tilespmem:s5], [sflag:$0x2], $0x1000, $0x38;
	[tilespmem:$0x19800] =	vst v63  }
0x28: {  	_ =	swait.ge [sflag:s23], $0x1000  }
0x29: {  	[sflag:s23] =	ssyncset.done $0x0  }
0x2a: {  	s0 =	rddreg [dreg:$0xa];
	[sflag:s23] =	ssyncadd.s32 $0xFFFFF000  }
0x2b: {  	[spmem:s0] =	stream.linear.scatter [tilespmem:s5], [sflag:$0x2], $0x1000, $0x38;
	[tilespmem:$0x19800] =	vst v63  }
0x2c: {  	_ =	swait.ge [sflag:s23], $0x1000  }
0x2d: {  	[sflag:s23] =	ssyncset.done $0x0  }
0x2e: {  	s7 =	rddreg [dreg:$0xb];
	[sflag:s23] =	ssyncadd.s32 $0xFFFFF000  }
0x2f: {  	[spmem:s7] =	stream.linear.scatter [tilespmem:s5], [sflag:$0x2], $0x1000, $0x38;
	[tilespmem:$0x19800] =	vst v63  }
0x30: {  	_ =	swait.ge [sflag:s23], $0x1000  }
0x31: {  	[sflag:s23] =	ssyncset.done $0x0  }
0x32: {  	s21 =	rddreg [dreg:$0xc];
	[sflag:s23] =	ssyncadd.s32 $0xFFFFF000  }
0x33: {  	[spmem:s21] =	stream.linear.scatter [tilespmem:s5], [sflag:$0x2], $0x1000, $0x38;
	[tilespmem:$0x19800] =	vst v63  }
0x34: {  	_ =	swait.ge [sflag:s23], $0x1000  }
0x35: {  	[sflag:s23] =	ssyncset.done $0x0  }
0x36: {  	s6 =	rddreg [dreg:$0xd];
	[sflag:s23] =	ssyncadd.s32 $0xFFFFF000  }
0x37: {  	[spmem:s6] =	stream.linear.scatter [tilespmem:s5], [sflag:$0x2], $0x1000, $0x38;
	[tilespmem:$0x19800] =	vst v63  }
0x38: {  	_ =	swait.ge [sflag:s23], $0x1000  }
0x39: {  	[sflag:s23] =	ssyncset.done $0x0  }
0x3a: {  	s7 =	rddreg [dreg:$0xe];
	[sflag:s23] =	ssyncadd.s32 $0xFFFFF000  }
0x3b: {  	[spmem:s7] =	stream.linear.scatter [tilespmem:s5], [sflag:$0x2], $0x1000, $0x38;
	[tilespmem:$0x19800] =	vst v63  }
0x3c: {  	_ =	swait.ge [sflag:s23], $0x1000  }
0x3d: {  	[sflag:s23] =	ssyncset.done $0x0  }
0x3e: {  	s21 =	rddreg [dreg:$0xf];
	[sflag:s23] =	ssyncadd.s32 $0xFFFFF000  }
0x3f: {  	[spmem:s21] =	stream.linear.scatter [tilespmem:s5], [sflag:$0x2], $0x1000, $0x38;
	[tilespmem:$0x19800] =	vst v63  }
0x40: {  	_ =	swait.ge [sflag:s23], $0x1000  }
0x41: {  	[sflag:s23] =	ssyncset.done $0x0  }
0x42: {  	s6 =	rddreg [dreg:$0x10];
	[sflag:s23] =	ssyncadd.s32 $0xFFFFF000  }
0x43: {  	[spmem:s6] =	stream.linear.scatter [tilespmem:s5], [sflag:$0x2], $0x1000, $0x38;
	[tilespmem:$0x19800] =	vst v63  }
0x44: {  	_ =	swait.ge [sflag:s23], $0x1000  }
0x45: {  	[sflag:s23] =	ssyncset.done $0x0  }
0x46: {  	s7 =	rddreg [dreg:$0x11];
	[sflag:s23] =	ssyncadd.s32 $0xFFFFF000  }
0x47: {  	[spmem:s7] =	stream.linear.scatter [tilespmem:s5], [sflag:$0x2], $0x1000, $0x38;
	[tilespmem:$0x19800] =	vst v63  }
0x48: {  	_ =	swait.ge [sflag:s23], $0x1000  }
0x49: {  	[sflag:s23] =	ssyncset.done $0x0  }
0x4a: {  	s21 =	rddreg [dreg:$0x12];
	[sflag:s23] =	ssyncadd.s32 $0xFFFFF000  }
0x4b: {  	[spmem:s21] =	stream.linear.scatter [tilespmem:s5], [sflag:$0x2], $0x1000, $0x38;
	[tilespmem:$0x19800] =	vst v63  }
0x4c: {  	_ =	swait.ge [sflag:s23], $0x1000  }
0x4d: {  	[sflag:s23] =	ssyncset.done $0x0  }
0x4e: {  	s6 =	rddreg [dreg:$0x13];
	[sflag:s23] =	ssyncadd.s32 $0xFFFFF000  }
0x4f: {  	[spmem:s6] =	stream.linear.scatter [tilespmem:s5], [sflag:$0x2], $0x1000, $0x38;
	[tilespmem:$0x19800] =	vst v63  }
0x50: {  	_ =	swait.ge [sflag:s23], $0x1000  }
0x51: {  	[sflag:s23] =	ssyncset.done $0x0  }
0x52: {  	s7 =	rddreg [dreg:$0x14];
	[sflag:s23] =	ssyncadd.s32 $0xFFFFF000  }
0x53: {  	[spmem:s7] =	stream.linear.scatter [tilespmem:s5], [sflag:$0x2], $0x1000, $0x38;
	[tilespmem:$0x19800] =	vst v63  }
0x54: {  	_ =	swait.ge [sflag:s23], $0x1000  }
0x55: {  	[sflag:s23] =	ssyncset.done $0x0  }
0x56: {  	s21 =	rddreg [dreg:$0x15];
	[sflag:s23] =	ssyncadd.s32 $0xFFFFF000  }
0x57: {  	[spmem:s21] =	stream.linear.scatter [tilespmem:s5], [sflag:$0x2], $0x1000, $0x38;
	[tilespmem:$0x19800] =	vst v63  }
0x58: {  	_ =	swait.ge [sflag:s23], $0x1000  }
0x59: {  	[sflag:s23] =	ssyncset.done $0x0  }
0x5a: {  	s6 =	rddreg [dreg:$0x16];
	[sflag:s23] =	ssyncadd.s32 $0xFFFFF000  }
0x5b: {  	[spmem:s6] =	stream.linear.scatter [tilespmem:s5], [sflag:$0x2], $0x1000, $0x38;
	[tilespmem:$0x19800] =	vst v63  }
0x5c: {  	_ =	swait.ge [sflag:s23], $0x1000  }
0x5d: {  	[sflag:s23] =	ssyncset.done $0x0  }
0x5e: {  	s7 =	rddreg [dreg:$0x17];
	[sflag:s23] =	ssyncadd.s32 $0xFFFFF000  }
0x5f: {  	[spmem:s7] =	stream.linear.scatter [tilespmem:s5], [sflag:$0x2], $0x1000, $0x38;
	[tilespmem:$0x19800] =	vst v63  }
0x60: {  	_ =	swait.ge [sflag:s23], $0x1000  }
0x61: {  	[sflag:s23] =	ssyncset.done $0x0  }
0x62: {  	s21 =	rddreg [dreg:$0x18];
	[sflag:s23] =	ssyncadd.s32 $0xFFFFF000  }
0x63: {  	[spmem:s21] =	stream.linear.scatter [tilespmem:s5], [sflag:$0x2], $0x1000, $0x38;
	[tilespmem:$0x19800] =	vst v63  }
0x64: {  	_ =	swait.ge [sflag:s23], $0x1000  }
0x65: {  	[sflag:s23] =	ssyncset.done $0x0  }
0x66: {  	[sflag:s23] =	ssyncadd.s32 $0xFFFFF000  }
0x67: {  	[bflag:$0x0] =	sbarrier.arrive $0xFFFF  }
0x68: {  	s6 =	rddreg [dreg:$0x4]  }
0x69: {  	s5 =	sadd.s32 $0x0, s6  }
0x6a: {  	[tilespmem:s24], [sflag:$0x2] =	stream.linear.gather [hbm4b:s5+s2], $0x400, $0x38;
	[tilespmem:$0x19800] =	vst v63  }
0x6b: {  	_ =	swait.ge [sflag:s23], $0x400  }
0x6c: {  	s7 =	rddreg [dreg:$0x3];
	[sflag:s23] =	ssyncset.done $0x0  }
0x6d: {  	[sflag:s23] =	ssyncadd.s32 $0xFFFFFC00;
	s5 =	sadd.s32 $0x0, s7  }
0x6e: {  	[tilespmem:s25], [sflag:$0x2] =	stream.linear.gather [hbm4b:s5+s2], $0x400, $0x38;
	[tilespmem:$0x19800] =	vst v63  }
0x6f: {  	_ =	swait.ge [sflag:s23], $0x400  }
0x70: {  	[sflag:s23] =	ssyncset.done $0x0  }
0x71: {  	[sflag:s23] =	ssyncadd.s32 $0xFFFFFC00  }
0x72: {  	[tilespmem:s28], [sflag:$0x1] =	stream.indirect.gather [hbm4b:s4+s26], $0x20, s24, s26, $0xb8;
	[tilespmem:$0x19800] =	vst v63  }
0x73: {  	s21 =	rddreg [dreg:$0x5]  }
0x74: {  	[tilespmem:s29], [sflag:$0x1] =	stream.indirect.gather [hbm4b:s4+s26], $0x20, s21, s26, $0xb8;
	[tilespmem:$0x19800] =	vst v63  }
0x75: {  	s0 =	rddreg [dreg:$0x6]  }
0x76: {  	[tilespmem:s30], [sflag:$0x1] =	stream.indirect.gather [hbm4b:s4+s26], $0x20, s0, s26, $0xb8;
	[tilespmem:$0x19800] =	vst v63  }
0x77: {  	s6 =	rddreg [dreg:$0x7]  }
0x78: {  	[tilespmem:s31], [sflag:$0x1] =	stream.indirect.gather [hbm4b:s4+s26], $0x20, s6, s26, $0xb8;
	[tilespmem:$0x19800] =	vst v63  }
0x79: {  	s6 =	simm.s32 $0x1200  }
0x7a: {  	[tilespmem:s3], [sflag:$0x1] =	stream.indirect.gather [hbm4b:s4+s26], $0x20, s6, s26, $0xb8;
	[tilespmem:$0x19800] =	vst v63  }
0x7b: {  	_ = 	snop  }
0x7c: {  	[tilespmem:s8], [sflag:$0x1] =	stream.indirect.gather [hbm4b:s4+s26], $0x20, s9, s26, $0xb8;
	[tilespmem:$0x19800] =	vst v63  }
0x7d: {  	_ = 	snop  }
0x7e: {  	[tilespmem:s10], [sflag:$0x1] =	stream.indirect.gather [hbm4b:s4+s26], $0x20, s11, s26, $0xb8;
	[tilespmem:$0x19800] =	vst v63  }
0x7f: {  	_ = 	snop  }
0x80: {  	[tilespmem:s12], [sflag:$0x1] =	stream.indirect.gather [hbm4b:s4+s26], $0x20, s14, s26, $0xb8;
	[tilespmem:$0x19800] =	vst v63  }
0x81: {  	_ =	swait.ge [sflag:s13], $0x1000  }
0x82: {  	[sflag:s13] =	ssyncset.done $0x0  }
0x83: {  	[sflag:s13] =	ssyncadd.s32 $0xFFFFF000  }
0x84: {  	_ =	swait.ge [sflag:s13], $0x1000  }
0x85: {  	[sflag:s13] =	ssyncset.done $0x0  }
0x86: {  	[sflag:s13] =	ssyncadd.s32 $0xFFFFF000  }
0x87: {  	_ =	swait.ge [sflag:s13], $0x1000  }
0x88: {  	[sflag:s13] =	ssyncset.done $0x0  }
0x89: {  	[sflag:s13] =	ssyncadd.s32 $0xFFFFF000  }
0x8a: {  	_ =	swait.ge [sflag:s13], $0x1000  }
0x8b: {  	[sflag:s13] =	ssyncset.done $0x0  }
0x8c: {  	[sflag:s13] =	ssyncadd.s32 $0xFFFFF000  }
0x8d: {  	_ =	swait.ge [sflag:s13], $0x1000  }
0x8e: {  	[sflag:s13] =	ssyncset.done $0x0  }
0x8f: {  	[sflag:s13] =	ssyncadd.s32 $0xFFFFF000  }
0x90: {  	_ =	swait.ge [sflag:s13], $0x1000  }
0x91: {  	[sflag:s13] =	ssyncset.done $0x0  }
0x92: {  	[sflag:s13] =	ssyncadd.s32 $0xFFFFF000  }
0x93: {  	_ =	swait.ge [sflag:s13], $0x1000  }
0x94: {  	[sflag:s13] =	ssyncset.done $0x0  }
0x95: {  	[sflag:s13] =	ssyncadd.s32 $0xFFFFF000  }
0x96: {  	_ =	swait.ge [sflag:s13], $0x1000  }
0x97: {  	[sflag:s13] =	ssyncset.done $0x0  }
0x98: {  	[sflag:s13] =	ssyncadd.s32 $0xFFFFF000  }
0x99: {  	[spmem:s1] =	stream.indirect.scatter.add.f32 [tilespmem:s28], [sflag:$0x2], $0x20, s25, s26, $0xb8;
	[tilespmem:$0x19800] =	vst v63  }
0x9a: {  	_ =	swait.ge [sflag:s23], $0x1000  }
0x9b: {  	[sflag:s23] =	ssyncset.done $0x0  }
0x9c: {  	[sflag:s23] =	ssyncadd.s32 $0xFFFFF000  }
0x9d: {  	[spmem:s1] =	stream.indirect.scatter.add.f32 [tilespmem:s29], [sflag:$0x2], $0x20, s15, s26, $0xb8;
	[tilespmem:$0x19800] =	vst v63  }
0x9e: {  	_ =	swait.ge [sflag:s23], $0x1000  }
0x9f: {  	[sflag:s23] =	ssyncset.done $0x0  }
0xa0: {  	[sflag:s23] =	ssyncadd.s32 $0xFFFFF000  }
0xa1: {  	[spmem:s1] =	stream.indirect.scatter.add.f32 [tilespmem:s30], [sflag:$0x2], $0x20, s16, s26, $0xb8;
	[tilespmem:$0x19800] =	vst v63  }
0xa2: {  	_ =	swait.ge [sflag:s23], $0x1000  }
0xa3: {  	[sflag:s23] =	ssyncset.done $0x0  }
0xa4: {  	[sflag:s23] =	ssyncadd.s32 $0xFFFFF000  }
0xa5: {  	[spmem:s1] =	stream.indirect.scatter.add.f32 [tilespmem:s31], [sflag:$0x2], $0x20, s17, s26, $0xb8;
	[tilespmem:$0x19800] =	vst v63  }
0xa6: {  	_ =	swait.ge [sflag:s23], $0x1000  }
0xa7: {  	[sflag:s23] =	ssyncset.done $0x0  }
0xa8: {  	[sflag:s23] =	ssyncadd.s32 $0xFFFFF000  }
0xa9: {  	[spmem:s1] =	stream.indirect.scatter.add.f32 [tilespmem:s3], [sflag:$0x2], $0x20, s18, s26, $0xb8;
	[tilespmem:$0x19800] =	vst v63  }
0xaa: {  	_ =	swait.ge [sflag:s23], $0x1000  }
0xab: {  	[sflag:s23] =	ssyncset.done $0x0  }
0xac: {  	[sflag:s23] =	ssyncadd.s32 $0xFFFFF000  }
0xad: {  	[spmem:s1] =	stream.indirect.scatter.add.f32 [tilespmem:s8], [sflag:$0x2], $0x20, s19, s26, $0xb8;
	[tilespmem:$0x19800] =	vst v63  }
0xae: {  	_ =	swait.ge [sflag:s23], $0x1000  }
0xaf: {  	[sflag:s23] =	ssyncset.done $0x0  }
0xb0: {  	[sflag:s23] =	ssyncadd.s32 $0xFFFFF000  }
0xb1: {  	[spmem:s1] =	stream.indirect.scatter.add.f32 [tilespmem:s10], [sflag:$0x2], $0x20, s20, s26, $0xb8;
	[tilespmem:$0x19800] =	vst v63  }
0xb2: {  	_ =	swait.ge [sflag:s23], $0x1000  }
0xb3: {  	[sflag:s23] =	ssyncset.done $0x0  }
0xb4: {  	s21 =	simm.s32 $0x1780;
	[sflag:s23] =	ssyncadd.s32 $0xFFFFF000  }
0xb5: {  	[spmem:s1] =	stream.indirect.scatter.add.f32 [tilespmem:s12], [sflag:$0x2], $0x20, s21, s26, $0xb8;
	[tilespmem:$0x19800] =	vst v63  }
0xb6: {  	s7 =	simm.s32 $0x80;
	_ =	swait.ge [sflag:s23], $0x1000  }
0xb7: {  	s5 =	simm.s32 $0x100;
	s21 =	rddreg [dreg:$0x4];
	[sflag:s23] =	ssyncset.done $0x0  }
.LBB2_4:
0xb8: {  	[sflag:s23] =	ssyncadd.s32 $0xFFFFF000;
	s21 =	sadd.s32 s7, s21  }
0xb9: {  	[tilespmem:s24], [sflag:$0x2] =	stream.linear.gather [hbm4b:s21+s2], $0x400, $0x38;
	[tilespmem:$0x19800] =	vst v63  }
0xba: {  	_ =	swait.ge [sflag:s23], $0x400  }
0xbb: {  	s21 =	rddreg [dreg:$0x3];
	[sflag:s23] =	ssyncset.done $0x0  }
0xbc: {  	[sflag:s23] =	ssyncadd.s32 $0xFFFFFC00;
	s21 =	sadd.s32 s7, s21  }
0xbd: {  	[tilespmem:s25], [sflag:$0x2] =	stream.linear.gather [hbm4b:s21+s2], $0x400, $0x38;
	[tilespmem:$0x19800] =	vst v63  }
0xbe: {  	_ =	swait.ge [sflag:s23], $0x400  }
0xbf: {  	[sflag:s23] =	ssyncset.done $0x0  }
0xc0: {  	s0 =	smov.u32 s5;
	[sflag:s23] =	ssyncadd.s32 $0xFFFFFC00  }
0xc1: {  	[tilespmem:s28], [sflag:$0x1] =	stream.indirect.gather [hbm4b:s4+s26], $0x20, s24, s26, $0xb8;
	[tilespmem:$0x19800] =	vst v63  }
0xc2: {  	s7 =	smov.u32 s0;
	s0 =	rddreg [dreg:$0x5]  }
0xc3: {  	[tilespmem:s29], [sflag:$0x1] =	stream.indirect.gather [hbm4b:s4+s26], $0x20, s0, s26, $0xb8;
	[tilespmem:$0x19800] =	vst v63  }
0xc4: {  	s21 =	rddreg [dreg:$0x6]  }
0xc5: {  	[tilespmem:s30], [sflag:$0x1] =	stream.indirect.gather [hbm4b:s4+s26], $0x20, s21, s26, $0xb8;
	[tilespmem:$0x19800] =	vst v63  }
0xc6: {  	s0 =	rddreg [dreg:$0x7]  }
0xc7: {  	[tilespmem:s31], [sflag:$0x1] =	stream.indirect.gather [hbm4b:s4+s26], $0x20, s0, s26, $0xb8;
	[tilespmem:$0x19800] =	vst v63  }
0xc8: {  	_ = 	snop  }
0xc9: {  	[tilespmem:s3], [sflag:$0x1] =	stream.indirect.gather [hbm4b:s4+s26], $0x20, s6, s26, $0xb8;
	[tilespmem:$0x19800] =	vst v63  }
0xca: {  	_ = 	snop  }
0xcb: {  	[tilespmem:s8], [sflag:$0x1] =	stream.indirect.gather [hbm4b:s4+s26], $0x20, s9, s26, $0xb8;
	[tilespmem:$0x19800] =	vst v63  }
0xcc: {  	_ = 	snop  }
0xcd: {  	[tilespmem:s10], [sflag:$0x1] =	stream.indirect.gather [hbm4b:s4+s26], $0x20, s11, s26, $0xb8;
	[tilespmem:$0x19800] =	vst v63  }
0xce: {  	_ = 	snop  }
0xcf: {  	[tilespmem:s12], [sflag:$0x1] =	stream.indirect.gather [hbm4b:s4+s26], $0x20, s14, s26, $0xb8;
	[tilespmem:$0x19800] =	vst v63  }
0xd0: {  	_ =	swait.ge [sflag:s13], $0x1000  }
0xd1: {  	[sflag:s13] =	ssyncset.done $0x0  }
0xd2: {  	[sflag:s13] =	ssyncadd.s32 $0xFFFFF000  }
0xd3: {  	_ =	swait.ge [sflag:s13], $0x1000  }
0xd4: {  	[sflag:s13] =	ssyncset.done $0x0  }
0xd5: {  	[sflag:s13] =	ssyncadd.s32 $0xFFFFF000  }
0xd6: {  	_ =	swait.ge [sflag:s13], $0x1000  }
0xd7: {  	[sflag:s13] =	ssyncset.done $0x0  }
0xd8: {  	[sflag:s13] =	ssyncadd.s32 $0xFFFFF000  }
0xd9: {  	_ =	swait.ge [sflag:s13], $0x1000  }
0xda: {  	[sflag:s13] =	ssyncset.done $0x0  }
0xdb: {  	[sflag:s13] =	ssyncadd.s32 $0xFFFFF000  }
0xdc: {  	_ =	swait.ge [sflag:s13], $0x1000  }
0xdd: {  	[sflag:s13] =	ssyncset.done $0x0  }
0xde: {  	[sflag:s13] =	ssyncadd.s32 $0xFFFFF000  }
0xdf: {  	_ =	swait.ge [sflag:s13], $0x1000  }
0xe0: {  	[sflag:s13] =	ssyncset.done $0x0  }
0xe1: {  	[sflag:s13] =	ssyncadd.s32 $0xFFFFF000  }
0xe2: {  	_ =	swait.ge [sflag:s13], $0x1000  }
0xe3: {  	[sflag:s13] =	ssyncset.done $0x0  }
0xe4: {  	[sflag:s13] =	ssyncadd.s32 $0xFFFFF000  }
0xe5: {  	_ =	swait.ge [sflag:s13], $0x1000  }
0xe6: {  	[sflag:s13] =	ssyncset.done $0x0  }
0xe7: {  	[sflag:s13] =	ssyncadd.s32 $0xFFFFF000  }
0xe8: {  	[spmem:s1] =	stream.indirect.scatter.add.f32 [tilespmem:s28], [sflag:$0x2], $0x20, s25, s26, $0xb8;
	[tilespmem:$0x19800] =	vst v63  }
0xe9: {  	_ =	swait.ge [sflag:s23], $0x1000  }
0xea: {  	[sflag:s23] =	ssyncset.done $0x0  }
0xeb: {  	[sflag:s23] =	ssyncadd.s32 $0xFFFFF000  }
0xec: {  	[spmem:s1] =	stream.indirect.scatter.add.f32 [tilespmem:s29], [sflag:$0x2], $0x20, s15, s26, $0xb8;
	[tilespmem:$0x19800] =	vst v63  }
0xed: {  	_ =	swait.ge [sflag:s23], $0x1000  }
0xee: {  	[sflag:s23] =	ssyncset.done $0x0  }
0xef: {  	[sflag:s23] =	ssyncadd.s32 $0xFFFFF000  }
0xf0: {  	[spmem:s1] =	stream.indirect.scatter.add.f32 [tilespmem:s30], [sflag:$0x2], $0x20, s16, s26, $0xb8;
	[tilespmem:$0x19800] =	vst v63  }
0xf1: {  	_ =	swait.ge [sflag:s23], $0x1000  }
0xf2: {  	[sflag:s23] =	ssyncset.done $0x0  }
0xf3: {  	[sflag:s23] =	ssyncadd.s32 $0xFFFFF000  }
0xf4: {  	[spmem:s1] =	stream.indirect.scatter.add.f32 [tilespmem:s31], [sflag:$0x2], $0x20, s17, s26, $0xb8;
	[tilespmem:$0x19800] =	vst v63  }
0xf5: {  	_ =	swait.ge [sflag:s23], $0x1000  }
0xf6: {  	[sflag:s23] =	ssyncset.done $0x0  }
0xf7: {  	[sflag:s23] =	ssyncadd.s32 $0xFFFFF000  }
0xf8: {  	[spmem:s1] =	stream.indirect.scatter.add.f32 [tilespmem:s3], [sflag:$0x2], $0x20, s18, s26, $0xb8;
	[tilespmem:$0x19800] =	vst v63  }
0xf9: {  	_ =	swait.ge [sflag:s23], $0x1000  }
0xfa: {  	[sflag:s23] =	ssyncset.done $0x0  }
0xfb: {  	[sflag:s23] =	ssyncadd.s32 $0xFFFFF000  }
0xfc: {  	[spmem:s1] =	stream.indirect.scatter.add.f32 [tilespmem:s8], [sflag:$0x2], $0x20, s19, s26, $0xb8;
	[tilespmem:$0x19800] =	vst v63  }
0xfd: {  	_ =	swait.ge [sflag:s23], $0x1000  }
0xfe: {  	[sflag:s23] =	ssyncset.done $0x0  }
0xff: {  	[sflag:s23] =	ssyncadd.s32 $0xFFFFF000  }
0x100: {  	[spmem:s1] =	stream.indirect.scatter.add.f32 [tilespmem:s10], [sflag:$0x2], $0x20, s20, s26, $0xb8;
	[tilespmem:$0x19800] =	vst v63  }
0x101: {  	p0 =	sne.s32 s5, $0x780;
	_ =	swait.ge [sflag:s23], $0x1000  }
.Ltmp1:
0x102: {  	[sflag:s23] =	ssyncset.done $0x0;
	(pc) =	sbr.rel @p0 .LBB2_4-.Ltmp1, $4  }
0x103: {  	s21 =	simm.s32 $0x1780;
	[sflag:s23] =	ssyncadd.s32 $0xFFFFF000  }
0x104: {  	[spmem:s1] =	stream.indirect.scatter.add.f32 [tilespmem:s12], [sflag:$0x2], $0x20, s21, s26, $0xb8;
	[tilespmem:$0x19800] =	vst v63  }
0x105: {  	_ =	swait.ge [sflag:s23], $0x1000  }
0x106: {  	s5 =	sadd.s32 $0x80, s5;
	s21 =	rddreg [dreg:$0x4];
	[sflag:s23] =	ssyncset.done $0x0  }
0x107: {  	[sflag:s23] =	ssyncadd.s32 $0xFFFFF000;
	s0 =	sadd.s32 s7, s21  }
0x108: {  	[tilespmem:s24], [sflag:$0x2] =	stream.linear.gather [hbm4b:s0+s2], $0x400, $0x38;
	[tilespmem:$0x19800] =	vst v63  }
0x109: {  	_ =	swait.ge [sflag:s23], $0x400  }
0x10a: {  	s5 =	rddreg [dreg:$0x3];
	[sflag:s23] =	ssyncset.done $0x0  }
0x10b: {  	[sflag:s23] =	ssyncadd.s32 $0xFFFFFC00;
	s0 =	sadd.s32 s7, s5  }
0x10c: {  	[tilespmem:s25], [sflag:$0x2] =	stream.linear.gather [hbm4b:s0+s2], $0x400, $0x38;
	[tilespmem:$0x19800] =	vst v63  }
0x10d: {  	_ =	swait.ge [sflag:s23], $0x400  }
0x10e: {  	[sflag:s23] =	ssyncset.done $0x0  }
0x10f: {  	[sflag:s23] =	ssyncadd.s32 $0xFFFFFC00  }
0x110: {  	[tilespmem:s28], [sflag:$0x1] =	stream.indirect.gather [hbm4b:s4+s26], $0x20, s24, s26, $0xb8;
	[tilespmem:$0x19800] =	vst v63  }
0x111: {  	s21 =	rddreg [dreg:$0x5]  }
0x112: {  	[tilespmem:s29], [sflag:$0x1] =	stream.indirect.gather [hbm4b:s4+s26], $0x20, s21, s26, $0xb8;
	[tilespmem:$0x19800] =	vst v63  }
0x113: {  	s5 =	rddreg [dreg:$0x6]  }
0x114: {  	[tilespmem:s30], [sflag:$0x1] =	stream.indirect.gather [hbm4b:s4+s26], $0x20, s5, s26, $0xb8;
	[tilespmem:$0x19800] =	vst v63  }
0x115: {  	s7 =	rddreg [dreg:$0x7]  }
0x116: {  	[tilespmem:s31], [sflag:$0x1] =	stream.indirect.gather [hbm4b:s4+s26], $0x20, s7, s26, $0xb8;
	[tilespmem:$0x19800] =	vst v63  }
0x117: {  	_ = 	snop  }
0x118: {  	[tilespmem:s3], [sflag:$0x1] =	stream.indirect.gather [hbm4b:s4+s26], $0x20, s6, s26, $0xb8;
	[tilespmem:$0x19800] =	vst v63  }
0x119: {  	_ = 	snop  }
0x11a: {  	[tilespmem:s8], [sflag:$0x1] =	stream.indirect.gather [hbm4b:s4+s26], $0x20, s9, s26, $0xb8;
	[tilespmem:$0x19800] =	vst v63  }
0x11b: {  	_ = 	snop  }
0x11c: {  	[tilespmem:s10], [sflag:$0x1] =	stream.indirect.gather [hbm4b:s4+s26], $0x20, s11, s26, $0xb8;
	[tilespmem:$0x19800] =	vst v63  }
0x11d: {  	_ = 	snop  }
0x11e: {  	[tilespmem:s12], [sflag:$0x1] =	stream.indirect.gather [hbm4b:s4+s26], $0x20, s14, s26, $0xb8;
	[tilespmem:$0x19800] =	vst v63  }
0x11f: {  	_ =	swait.ge [sflag:s13], $0x1000  }
0x120: {  	[sflag:s13] =	ssyncset.done $0x0  }
0x121: {  	[sflag:s13] =	ssyncadd.s32 $0xFFFFF000  }
0x122: {  	_ =	swait.ge [sflag:s13], $0x1000  }
0x123: {  	[sflag:s13] =	ssyncset.done $0x0  }
0x124: {  	[sflag:s13] =	ssyncadd.s32 $0xFFFFF000  }
0x125: {  	_ =	swait.ge [sflag:s13], $0x1000  }
0x126: {  	[sflag:s13] =	ssyncset.done $0x0  }
0x127: {  	[sflag:s13] =	ssyncadd.s32 $0xFFFFF000  }
0x128: {  	_ =	swait.ge [sflag:s13], $0x1000  }
0x129: {  	[sflag:s13] =	ssyncset.done $0x0  }
0x12a: {  	[sflag:s13] =	ssyncadd.s32 $0xFFFFF000  }
0x12b: {  	_ =	swait.ge [sflag:s13], $0x1000  }
0x12c: {  	[sflag:s13] =	ssyncset.done $0x0  }
0x12d: {  	[sflag:s13] =	ssyncadd.s32 $0xFFFFF000  }
0x12e: {  	_ =	swait.ge [sflag:s13], $0x1000  }
0x12f: {  	[sflag:s13] =	ssyncset.done $0x0  }
0x130: {  	[sflag:s13] =	ssyncadd.s32 $0xFFFFF000  }
0x131: {  	_ =	swait.ge [sflag:s13], $0x1000  }
0x132: {  	[sflag:s13] =	ssyncset.done $0x0  }
0x133: {  	[sflag:s13] =	ssyncadd.s32 $0xFFFFF000  }
0x134: {  	_ =	swait.ge [sflag:s13], $0x1000  }
0x135: {  	[sflag:s13] =	ssyncset.done $0x0  }
0x136: {  	[sflag:s13] =	ssyncadd.s32 $0xFFFFF000  }
0x137: {  	[spmem:s1] =	stream.indirect.scatter.add.f32 [tilespmem:s28], [sflag:$0x2], $0x20, s25, s26, $0xb8;
	[tilespmem:$0x19800] =	vst v63  }
0x138: {  	_ =	swait.ge [sflag:s23], $0x1000  }
0x139: {  	[sflag:s23] =	ssyncset.done $0x0  }
0x13a: {  	[sflag:s23] =	ssyncadd.s32 $0xFFFFF000  }
0x13b: {  	[spmem:s1] =	stream.indirect.scatter.add.f32 [tilespmem:s29], [sflag:$0x2], $0x20, s15, s26, $0xb8;
	[tilespmem:$0x19800] =	vst v63  }
0x13c: {  	_ =	swait.ge [sflag:s23], $0x1000  }
0x13d: {  	[sflag:s23] =	ssyncset.done $0x0  }
0x13e: {  	[sflag:s23] =	ssyncadd.s32 $0xFFFFF000  }
0x13f: {  	[spmem:s1] =	stream.indirect.scatter.add.f32 [tilespmem:s30], [sflag:$0x2], $0x20, s16, s26, $0xb8;
	[tilespmem:$0x19800] =	vst v63  }
0x140: {  	_ =	swait.ge [sflag:s23], $0x1000  }
0x141: {  	[sflag:s23] =	ssyncset.done $0x0  }
0x142: {  	[sflag:s23] =	ssyncadd.s32 $0xFFFFF000  }
0x143: {  	[spmem:s1] =	stream.indirect.scatter.add.f32 [tilespmem:s31], [sflag:$0x2], $0x20, s17, s26, $0xb8;
	[tilespmem:$0x19800] =	vst v63  }
0x144: {  	_ =	swait.ge [sflag:s23], $0x1000  }
0x145: {  	[sflag:s23] =	ssyncset.done $0x0  }
0x146: {  	[sflag:s23] =	ssyncadd.s32 $0xFFFFF000  }
0x147: {  	[spmem:s1] =	stream.indirect.scatter.add.f32 [tilespmem:s3], [sflag:$0x2], $0x20, s18, s26, $0xb8;
	[tilespmem:$0x19800] =	vst v63  }
0x148: {  	_ =	swait.ge [sflag:s23], $0x1000  }
0x149: {  	[sflag:s23] =	ssyncset.done $0x0  }
0x14a: {  	[sflag:s23] =	ssyncadd.s32 $0xFFFFF000  }
0x14b: {  	[spmem:s1] =	stream.indirect.scatter.add.f32 [tilespmem:s8], [sflag:$0x2], $0x20, s19, s26, $0xb8;
	[tilespmem:$0x19800] =	vst v63  }
0x14c: {  	_ =	swait.ge [sflag:s23], $0x1000  }
0x14d: {  	[sflag:s23] =	ssyncset.done $0x0  }
0x14e: {  	[sflag:s23] =	ssyncadd.s32 $0xFFFFF000  }
0x14f: {  	[spmem:s1] =	stream.indirect.scatter.add.f32 [tilespmem:s10], [sflag:$0x2], $0x20, s20, s26, $0xb8;
	[tilespmem:$0x19800] =	vst v63  }
0x150: {  	_ =	swait.ge [sflag:s23], $0x1000  }
0x151: {  	[sflag:s23] =	ssyncset.done $0x0  }
0x152: {  	s21 =	simm.s32 $0x1780;
	[sflag:s23] =	ssyncadd.s32 $0xFFFFF000  }
0x153: {  	[spmem:s1] =	stream.indirect.scatter.add.f32 [tilespmem:s12], [sflag:$0x2], $0x20, s21, s26, $0xb8;
	[tilespmem:$0x19800] =	vst v63  }
0x154: {  	_ =	swait.ge [sflag:s23], $0x1000  }
0x155: {  	[sflag:s23] =	ssyncset.done $0x0  }
0x156: {  	[sflag:s23] =	ssyncadd.s32 $0xFFFFF000  }
0x157: {  	s5 =	stileid.u32;
	[bflag:$0x0] =	sbarrier.arrive $0xFFFF  }
0x158: {  	s0 =	sshll.u32 s5, $0x6;
	s21 =	rddreg [dreg:$0x8]  }
0x159: {  	s5 =	sor.u32 $0x1C02, s0;
	s6 =	sadd.s32 $0x0, s22;
	s0 =	sshrl.u32 s21, $0x3  }
0x15a: {  	[hbm:s6], [sflag:s5] =	dma.local [spmem:s0], $0x200  }
0x15b: {  	_ =	swait.ge [sflag:s23], $0x200  }
0x15c: {  	s7 =	simm.s32 $0x200;
	s21 =	rddreg [dreg:$0xa]  }
.LBB2_6:
0x15d: {  	s0 =	sadd.s32 s7, s22;
	[sflag:s23] =	ssyncset.done $0x0;
	p0 =	sne.s32 s7, $0x1E00  }
.Ltmp2:
0x15e: {  	s6 =	sshrl.u32 s21, $0x3;
	[sflag:s23] =	ssyncadd.s32 $0xFFFFFE00;
	(pc) =	sbr.rel @p0 .LBB2_6-.Ltmp2, $3  }
0x15f: {  	[hbm:s0], [sflag:s5] =	dma.local [spmem:s6], $0x200  }
0x160: {  	s7 =	sadd.s32 $0x200, s7;
	_ =	sdelay $0x1  }
0x161: {  	s21 =	sadd.s32 $0x1000, s21;
	_ =	swait.ge [sflag:s23], $0x200  }
0x162: {  	s5 =	rddreg [dreg:$0x19]  }
0x163: {  	s0 =	rddreg [dreg:$0x9];
	s5 =	sadd.s32 $0x1, s5  }
0x164: {  	p0 =	sne.s32 s5, s0  }
.Ltmp3:
0x165: {  	_ = 	snop;
	(pc) =	sbr.rel @p0 .LBB2_1-.Ltmp3, $3  }
0x166: {  	_ =	sdelay $0x1  }
0x167: {  	[sflag:s23] =	ssyncset.done $0x0  }
0x168: {  	s6 =	rddreg [dreg:$0x8];
	[sflag:s23] =	ssyncadd.s32 $0xFFFFFE00  }
0x169: {  	_ =	sfence.sel $0x180000  }
0x16a: {  	[bflag:$0x0] =	sbarrier.arrive $0xFFFF  }
0x16b: {  	_ =	strace $0x90000050  }
0x16c: {  	s0 =	stileid.u32;
	[bflag:$0x2] =	sbarrier.arrive $0xFFFF  }
0x16d: {  	p0 =	sne.s32 s0, $0x0;
	s0 =	rddreg [dreg:$0x2]  }
0x16e: {  	s0 =	sadd.s32 @!p0 $0x100000, s0  }
0x16f: {  	[sflag:s0] =	ssyncadd.tile.s32 @!p0 $0x1;
	_ =	shalt  }
.Lfunc_end2:
_tile_overlayer_lowered:
.L_overlay_start_2:
0x170: {  	(tag) =	ssettag $0x2  }
0x171: {  	s0 =	rddreg [dreg:$0x0];
	s2 =	stileid.u32  }
0x172: {  	s1 =	rddreg [dreg:$0x1];
	p0 =	sne.s32 s2, $0x0  }
0x173: {  	s3 =	rddreg [dreg:$0x2];
	[bflag:$0x3] =	sbarrier.arrive $0xFFFF;
	s2 =	simm.s32 @!p0 $0x1C02  }
0x174: {  	[timem:s3], [sflag:s2] =	dma.local @!p0 [hbm:s0], s1  }
0x175: {  	s0 =	simm.s32 @!p0 $0x2  }
0x176: {  	_ =	swait.ge @!p0 [sflag:s0], s1  }
0x177: {  	s1 =	ssub.s32 @!p0 $0x0, s1;
	[sflag:s0] =	ssyncset.done @!p0 $0x0  }
0x178: {  	[sflag:s0] =	ssyncadd.s32 @!p0 s1  }
0x179: {  	[bflag:$0x3] =	sbarrier.arrive $0xFFFF  }
0x17a: {  	_ =	shalt  }

// kernel: kernel.24.cloned.1.call-start
scs
__scs_entry_jumppad:
0x0: {  	(pc) =	sbr.rel $0x88, $3  }
0x1: {  	(tag) =	ssettag $0x0;
	lr =	simm.s32 $0x1  }
0x2: {  	[smem:$0x3F86] =	sst lr;
	_ =	strace $0xD0000000  }
0x3: {  	_ = 	snop  }
0x4: {  	_ = 	snop  }
0x5: {  	_ = 	snop  }
0x6: {  	_ = 	snop  }
0x7: {  	_ = 	snop  }
__scs_overlays_trampoline_lowered:
0x8: {  	[smem:$0x3F95] =	sst s0  }
0x9: {  	[smem:$0x3F96] =	sst s1  }
0xa: {  	[smem:$0x3F97] =	sst s2  }
0xb: {  	[smem:$0x3F98] =	sst s3  }
0xc: {  	[smem:$0x3F99] =	sst s4  }
0xd: {  	[smem:$0x3F9A] =	sst s5  }
0xe: {  	[smem:$0x3F9B] =	sst s6  }
0xf: {  	[smem:$0x3F9C] =	sst s7  }
0x10: {  	[smem:$0x3F9D] =	sst s8  }
0x11: {  	[smem:$0x3F9E] =	sst s9;
	s0 =	simm.s32 @!p0 $0x0  }
0x12: {  	s1 =	sld [smem:$0x3F84];
	s0 =	simm.s32 @p0 $0x1  }
0x13: {  	[smem:$0x3F9F] =	sst s0;
	s0 =	simm.s32 @!p1 $0x0  }
0x14: {  	s2 =	sld [smem:$0x3F83];
	s0 =	simm.s32 @p1 $0x1  }
0x15: {  	[smem:$0x3FA0] =	sst s0;
	s0 =	simm.s32 @!p2 $0x0  }
0x16: {  	s3 =	sld [smem:$0x3FDB];
	s0 =	simm.s32 @p2 $0x1  }
0x17: {  	s4 =	simm.s32 $0x1BF5;
	[smem:$0x3FA2] =	sst s0  }
0x18: {  	s0 =	sld [smem:$0x3F85];
	_ =	swait.ge [sflag:s4], $0x0  }
0x19: {  	s7 =	sld [smem:$0x3F86]  }
0x1a: {  	s8 =	sadd.s32 $0xFFFFE003, lr  }
0x1b: {  	s9 =	sadd.s32 $0xFFFFFEF7, lr;
	s5 =	simm.s32 $0xFFFFFFFF;
	p2 =	slt.u32 s8, $0xFFFFF086  }
0x1c: {  	p1 =	slt.u32 s9, $0xF7A;
	s5 =	simm.s32 @!p2 $0x0  }
0x1d: {  	s5 =	simm.s32 @p1 $0x1;
	p0 =	seq.s32 s7, s2  }
0x1e: {  	s7 =	smul.u32 @!p0 $0xF7A, s2;
	p2 =	seq.s32 @!p0 s5, $0x0  }
0x1f: {  	s9 =	smul.u32 $0xF7A, s1;
	s8 =	simm.s32 @!p0 $0x1BF5;
	p2 =	por !p2, p0  }
0x20: {  	[sflag:s8] =	ssyncset.s32 @!p0 $0xFFFFF086;
	s6 =	sadd.s32 @!p0 s3, s7;
	s7 =	simm.s32 @!p0 $0x108  }
0x21: {  	s3 =	sadd.s32 s3, s9;
	s6 =	sadd.s32 @!p0 $0x88, s6;
	s7 =	simm.s32 @p2 $0x1082  }
0x22: {  	[simem:s7], [sflag:s8] =	dma.local @!p0 [hbm:s6], $0xF7A  }
0x23: {  	s9 =	sor.u32 $0xD0000000, s2;
	s6 =	simm.s32 $0x108;
	_ =	swait.ge @!p0 [sflag:s8], $0x0  }
0x24: {  	s3 =	sadd.s32 $0x88, s3;
	s6 =	simm.s32 @!p1 $0x1082;
	[sflag:s4] =	ssyncset.s32 $0xFFFFF086  }
0x25: {  	[simem:s6], [sflag:s4] =	dma.local [hbm:s3], $0xF7A  }
0x26: {  	[smem:$0x3F86] =	sst s1;
	(tag) =	ssettag s2;
	_ =	strace s9  }
0x27: {  	s1 =	sld [smem:$0x3F96]  }
0x28: {  	s2 =	sld [smem:$0x3F97]  }
0x29: {  	s4 =	sld [smem:$0x3F99]  }
0x2a: {  	p0 =	seq.s32 s5, $0x0;
	s5 =	sld [smem:$0x3F9A]  }
0x2b: {  	s6 =	sld [smem:$0x3F9B]  }
0x2c: {  	s7 =	sld [smem:$0x3F9C]  }
0x2d: {  	s3 =	simm.s32 $0x108;
	s8 =	sld [smem:$0x3F9D]  }
0x2e: {  	s3 =	simm.s32 @!p0 $0x1082;
	s9 =	sld [smem:$0x3F9E]  }
0x2f: {  	lr =	sadd.s32 s0, s3;
	s0 =	sld [smem:$0x3F95]  }
0x30: {  	s3 =	sld [smem:$0x3F98]  }
0x31: {  	[smem:$0x3FA1] =	sst s10  }
0x32: {  	s10 =	sld [smem:$0x3F9F];
	_ =	sdelay $0x3  }
0x33: {  	p0 =	seq.s32 s10, $0x1;
	s10 =	sld [smem:$0x3FA1];
	_ =	sdelay $0x3  }
0x34: {  	[smem:$0x3FA1] =	sst s10  }
0x35: {  	s10 =	sld [smem:$0x3FA0];
	_ =	sdelay $0x3  }
0x36: {  	p1 =	seq.s32 s10, $0x1;
	s10 =	sld [smem:$0x3FA1];
	_ =	sdelay $0x3  }
0x37: {  	[smem:$0x3FA1] =	sst s10  }
0x38: {  	s10 =	sld [smem:$0x3FA2]  }
0x39: {  	_ = 	snop;
	(pc) =	sbr.ind lr, $3  }
0x3a: {  	_ = 	snop  }
0x3b: {  	_ = 	snop  }
0x3c: {  	p2 =	seq.s32 s10, $0x1;
	s10 =	sld [smem:$0x3FA1]  }
0x3d: {  	_ =	shalt  }
0x3e: {  	_ =	shalt  }
0x3f: {  	_ =	shalt  }
0x40: {  	_ =	shalt  }
0x41: {  	_ =	shalt  }
0x42: {  	_ =	shalt  }
0x43: {  	_ =	shalt  }
0x44: {  	_ =	shalt  }
0x45: {  	_ =	shalt  }
0x46: {  	_ =	shalt  }
0x47: {  	_ =	shalt  }
0x48: {  	_ =	shalt  }
0x49: {  	_ =	shalt  }
0x4a: {  	_ =	shalt  }
0x4b: {  	_ =	shalt  }
0x4c: {  	_ =	shalt  }
0x4d: {  	_ =	shalt  }
0x4e: {  	_ =	shalt  }
0x4f: {  	_ =	shalt  }
0x50: {  	_ =	shalt  }
0x51: {  	_ =	shalt  }
0x52: {  	_ =	shalt  }
0x53: {  	_ =	shalt  }
0x54: {  	_ =	shalt  }
0x55: {  	_ =	shalt  }
0x56: {  	_ =	shalt  }
0x57: {  	_ =	shalt  }
0x58: {  	_ =	shalt  }
0x59: {  	_ =	shalt  }
0x5a: {  	_ =	shalt  }
0x5b: {  	_ =	shalt  }
0x5c: {  	_ =	shalt  }
0x5d: {  	_ =	shalt  }
0x5e: {  	_ =	shalt  }
0x5f: {  	_ =	shalt  }
0x60: {  	_ =	shalt  }
0x61: {  	_ =	shalt  }
0x62: {  	_ =	shalt  }
0x63: {  	_ =	shalt  }
0x64: {  	_ =	shalt  }
0x65: {  	_ =	shalt  }
0x66: {  	_ =	shalt  }
0x67: {  	_ =	shalt  }
0x68: {  	_ =	shalt  }
0x69: {  	_ =	shalt  }
0x6a: {  	_ =	shalt  }
0x6b: {  	_ =	shalt  }
0x6c: {  	_ =	shalt  }
0x6d: {  	_ =	shalt  }
0x6e: {  	_ =	shalt  }
0x6f: {  	_ =	shalt  }
0x70: {  	_ =	shalt  }
0x71: {  	_ =	shalt  }
0x72: {  	_ =	shalt  }
0x73: {  	_ =	shalt  }
0x74: {  	_ =	shalt  }
0x75: {  	_ =	shalt  }
0x76: {  	_ =	shalt  }
0x77: {  	_ =	shalt  }
0x78: {  	_ =	shalt  }
0x79: {  	_ =	shalt  }
0x7a: {  	_ =	shalt  }
0x7b: {  	_ =	shalt  }
0x7c: {  	_ =	shalt  }
0x7d: {  	_ =	shalt  }
0x7e: {  	_ =	shalt  }
0x7f: {  	_ =	shalt  }
0x80: {  	_ =	shalt  }
0x81: {  	_ =	shalt  }
0x82: {  	_ =	shalt  }
0x83: {  	_ =	shalt  }
0x84: {  	_ =	shalt  }
0x85: {  	_ =	shalt  }
0x86: {  	_ =	shalt  }
0x87: {  	_ =	shalt  }
.Lfunc_end0:
.L_simem_size_0:
called_computation.4_lowered:
.L_overlay_start_0:
0x88: {  	s2 =	sld [smem:$0x3FD9]  }
0x89: {  	s3 =	sld [smem:$0x3FFE];
	_ =	sdelay $0x1  }
0x8a: {  	s1 =	srdreg.scid  }
0x8b: {  	s0 =	sand.u32 $0x1, s1  }
0x8c: {  	s17 =	sshll.u32 s0, $0xA;
	s2 =	sadd.s32 s3, s2  }
0x8d: {  	s2 =	sadd.s32 s2, s17  }
0x8e: {  	[smem:$0x3FAD] =	sst s2  }
0x8f: {  	_ = 	snop  }
0x90: {  	s2 =	sld [smem:$0x3FC7];
	(tm) =	ssettm $0x1  }
0x91: {  	s18 =	sld [smem:$0x3FFB];
	_ =	sdelay $0x3  }
0x92: {  	_ =	strace s18  }
0x93: {  	s3 =	sld [smem:$0x3FFC];
	_ =	sdelay $0x3  }
0x94: {  	_ =	strace s3  }
0x95: {  	s3 =	sld [smem:$0x3FFD];
	_ =	sdelay $0x3  }
0x96: {  	_ =	strace s3  }
0x97: {  	_ =	strace $0x8FFFFFFF  }
0x98: {  	s19 =	sld [smem:$0x3FDB];
	_ =	sdelay $0x1  }
0x99: {  	s4 =	simm.s32 $_scs_section_size  }
0x9a: {  	s5 =	simm.s32 $_size__tile_overlayer_lowered;
	s6 =	simm.s32 $_tile_overlayer_lowered  }
0x9b: {  	s22 =	simm.s32 $0x1BFF;
	s21 =	sshll.u32 s6, $0x1;
	s3 =	sadd.s32 s4, s19  }
0x9c: {  	s7 =	simm.s32 $0x0;
	s20 =	sshll.u32 s5, $0x1;
	s5 =	sadd.s32 s21, s3  }
0x9d: {  	[timem:s7], [sflag:s22] =	dma.local [hbm:s5], s20  }
0x9e: {  	_ =	swait.ge [sflag:s22], s20  }
0x9f: {  	s4 =	ssub.s32 $0x0, s20;
	[sflag:s22] =	ssyncset.done $0x0  }
0xa0: {  	[sflag:s22] =	ssyncadd.s32 s4;
	_ =	sdelay $0x1  }
0xa1: {  	s23 =	simm.s32 $0x1B8B  }
0xa2: {  	_ =	swait.ge [sflag:s23], $0x1  }
0xa3: {  	[sflag:s23] =	ssyncset.done $0x0  }
0xa4: {  	s25 =	simm.s32 $0x1B8E;
	s24 =	sld [smem:$0x3FFE];
	[sflag:s23] =	ssyncadd.s32 $0xFFFFFFFF  }
0xa5: {  	s26 =	simm.s32 $execute0_lowered;
	[smem:$0x3FD2] =	sst s25  }
0xa6: {  	s5 =	sshll.u32 s26, $0x1;
	_ =	strace $0x80000052;
	[dreg:$0x1] =	wrdreg $0xFFFFFFFF  }
0xa7: {  	s28 =	simm.s32 $_size_execute0_lowered;
	s3 =	sadd.s32 s3, s5;
	[dreg:$0x0] =	wrdreg $0x0  }
0xa8: {  	s5 =	sshll.u32 s28, $0x1;
	[dreg:$0x2] =	wrdreg s3  }
0xa9: {  	[dreg:$0x3] =	wrdreg s5  }
0xaa: {  	[dreg:$0x4] =	wrdreg $0xC0  }
0xab: {  	_ =	task [dreg:s7], $0x5FFFF  }
0xac: {  	[dreg:$0x1] =	wrdreg $0xFFFFFFFF  }
0xad: {  	[dreg:$0x0] =	wrdreg $0x60  }
0xae: {  	[dreg:$0x2] =	wrdreg s2  }
0xaf: {  	[dreg:$0x3] =	wrdreg s24  }
0xb0: {  	[dreg:$0x4] =	wrdreg $0x40800  }
0xb1: {  	[dreg:$0x5] =	wrdreg $0x42800  }
0xb2: {  	[dreg:$0x6] =	wrdreg $0x44800  }
0xb3: {  	[dreg:$0x7] =	wrdreg $0x9  }
0xb4: {  	_ =	task.clear_ibuf [dreg:s7], $0x8FFFF;
	_ =	strace $0x90000052  }
0xb5: {  	s29 =	simm.s32 $0x9;
	_ =	strace $0x80000054  }
0xb6: {  	_ =	swait.ge [sflag:s29], $0x1  }
0xb7: {  	[sflag:s29] =	ssyncadd.s32 $0xFFFFFFFF  }
0xb8: {  	_ =	strace $0x90000054  }
0xb9: {  	_ =	sfence  }
0xba: {  	s30 =	sld [smem:$0x0];
	_ =	sdelay $0x2  }
0xbb: {  	s31 =	sshll.u32 s1, $0xD;
	s1 =	sshrl.u32 s1, $0x2  }
0xbc: {  	s3 =	sand.u32 $0x4000, s31;
	s1 =	sadd.s32 s1, s30  }
0xbd: {  	s0 =	sor.u32 s3, s0;
	s1 =	sshll.u32 s1, $0x11  }
0xbe: {  	s0 =	sor.u32 s1, s0  }
0xbf: {  	s0 =	sadd.s32 $0x8F2B, s0  }
0xc0: {  	[sflag:s0] =	ssyncadd.remote.s32 $0x1  }
0xc1: {  	_ =	sfence.sel $0xFFFF  }
0xc2: {  	[dreg:$0x0] =	wrdreg $0xFFFFFFFF;
	(pc) =	sbr.abs _section_cstart, $3  }
0xc3: {  	[dreg:$0x1] =	wrdreg $0xFFFFFFFF  }
0xc4: {  	_ =	task.clear_ibuf [dreg:s7], $0x2FFFF;
	_ =	strace $0x9FFFFFFF  }
0xc5: {  	(tm) =	ssettm $0x7FFFFFFF  }
tec
execute0_lowered:
.L_overlay_start_1:
0x0: {  	(tag) =	ssettag $0x1  }
0x1: {  	s18 =	rddreg [dreg:$0x0]  }
0x2: {  	s5 =	rddreg [dreg:$0x1]  }
0x3: {  	s1 =	rddreg [dreg:$0x2]  }
0x4: {  	s2 =	rddreg [dreg:$0x3]  }
0x5: {  	s3 =	rddreg [dreg:$0x4];
	s6 =	srdreg.scid  }
0x6: {  	s0 =	rddreg [dreg:$0x5];
	s4 =	simm.s32 $0x0;
	s19 =	stileid.u32  }
0x7: {  	s22 =	simm.s32 $0x2080;
	s23 =	simm.s32 $0x3080;
	s24 =	simm.s32 $0x80  }
0x8: {  	s25 =	simm.s32 $0x0;
	s6 =	sand.u32 $0x1, s6;
	[smem:$0x7FF] =	sst s4  }
0x9: {  	s17 =	sshll.u32 s19, $0xA;
	s10 =	sadd.s32 $0x1000, s2;
	s20 =	sshll.u32 s19, $0xC  }
0xa: {  	s13 =	sadd.s32 $0x1000, s3;
	p0 =	sne.s32 s19, $0x0;
	s19 =	simm.s32 $0x1000  }
0xb: {  	s7 =	smul.u32 $0x6000, s6;
	_ =	strace $0x80000053;
	s8 =	sshll.u32 s6, $0x10  }
0xc: {  	s9 =	ssub.s32 $0x2, s6;
	s16 =	sshll.u32 s6, $0xE;
	s14 =	sadd.s32 s8, s5  }
0xd: {  	s30 =	sshrl.u32 s9, $0x1;
	s21 =	sor.u32 s17, s16;
	s7 =	sshrl.u32 s7, $0x3  }
0xe: {  	s15 =	ssub.s32 s9, s30;
	s20 =	sadd.s32 s20, s14;
	s31 =	sshrl.u32 s21, $0x3  }
0xf: {  	s21 =	simm.s32 $0x1080;
	s12 =	sadd.s32 s7, s5;
	s7 =	sadd.s32 $0x1000, s1  }
0x10: {  	s14 =	smax.u32 s15, $0x1;
	s15 =	sadd.s32 $0x8200, s20;
	s16 =	sadd.s32 $0x198E00, s20  }
0x11: {  	s17 =	sadd.s32 $0x178E00, s20;
	s18 =	sadd.s32 s31, s18;
	s20 =	simm.s32 $0x1  }
0x12: {  	s5 =	sadd.s32 $0x28200, s12;
	s6 =	sadd.s32 $0x28400, s12;
	s8 =	sadd.s32 $0x28600, s12  }
0x13: {  	v0 =	vimm.f32 $0.0e+00;
	s9 =	sadd.s32 $0x28800, s12;
	s11 =	sadd.s32 $0x28A00, s12;
	s12 =	sadd.s32 $0x28C00, s12  }
.LBB2_1:
0x14: {  	s26 =	simm.s32 $0x80;
	s28 =	simm.s32 $0x0  }
.LBB2_2:
0x15: {  	p1 =	sne.s32 s26, $0x3F80;
	[tilespmem:s28+$0x0] =	vst v0;
	s29 =	smov.u32 s26;
	s26 =	sadd.s32 $0x80, s26  }
.Ltmp0:
0x16: {  	[tilespmem:s28+$0x10] =	vst v0;
	(pc) =	sbr.rel @p1 .LBB2_2-.Ltmp0, $2  }
0x17: {  	_ =	sdelay $0x2  }
0x18: {  	s28 =	sshra.s32 s29, $0x2  }
0x19: {  	[tilespmem:s28+$0x0] =	vst v0  }
0x1a: {  	[tilespmem:s28+$0x10] =	vst v0;
	s26 =	simm.s32 @!p0 $0x0;
	s28 =	simm.s32 @!p0 $0x1  }
0x1b: {  	[spmem:s1] =	stream.linear.scatter @!p0 [tilespmem:s26], [sflag:$0x1], $0x1000, $0x38;
	[tilespmem:$0x4680] =	vst v63  }
0x1c: {  	_ =	swait.ge @!p0 [sflag:s28], $0x1000  }
0x1d: {  	[sflag:s28] =	ssyncset.done @!p0 $0x0  }
0x1e: {  	[sflag:s28] =	ssyncadd.s32 @!p0 $0xFFFFF000  }
0x1f: {  	[spmem:s7] =	stream.linear.scatter @!p0 [tilespmem:s26], [sflag:$0x1], $0x1000, $0x38;
	[tilespmem:$0x4680] =	vst v63  }
0x20: {  	_ =	swait.ge @!p0 [sflag:s28], $0x1000  }
0x21: {  	[sflag:s28] =	ssyncset.done @!p0 $0x0  }
0x22: {  	[sflag:s28] =	ssyncadd.s32 @!p0 $0xFFFFF000  }
0x23: {  	[spmem:s2] =	stream.linear.scatter @!p0 [tilespmem:s26], [sflag:$0x1], $0x1000, $0x38;
	[tilespmem:$0x4680] =	vst v63  }
0x24: {  	_ =	swait.ge @!p0 [sflag:s28], $0x1000  }
0x25: {  	[sflag:s28] =	ssyncset.done @!p0 $0x0  }
0x26: {  	[sflag:s28] =	ssyncadd.s32 @!p0 $0xFFFFF000  }
0x27: {  	[spmem:s10] =	stream.linear.scatter @!p0 [tilespmem:s26], [sflag:$0x1], $0x1000, $0x38;
	[tilespmem:$0x4680] =	vst v63  }
0x28: {  	_ =	swait.ge @!p0 [sflag:s28], $0x1000  }
0x29: {  	[sflag:s28] =	ssyncset.done @!p0 $0x0  }
0x2a: {  	[sflag:s28] =	ssyncadd.s32 @!p0 $0xFFFFF000  }
0x2b: {  	[spmem:s3] =	stream.linear.scatter @!p0 [tilespmem:s26], [sflag:$0x1], $0x1000, $0x38;
	[tilespmem:$0x4680] =	vst v63  }
0x2c: {  	_ =	swait.ge @!p0 [sflag:s28], $0x1000  }
0x2d: {  	[sflag:s28] =	ssyncset.done @!p0 $0x0  }
0x2e: {  	[sflag:s28] =	ssyncadd.s32 @!p0 $0xFFFFF000  }
0x2f: {  	[spmem:s13] =	stream.linear.scatter @!p0 [tilespmem:s26], [sflag:$0x1], $0x1000, $0x38;
	[tilespmem:$0x4680] =	vst v63  }
0x30: {  	_ =	swait.ge @!p0 [sflag:s28], $0x1000  }
0x31: {  	[sflag:s28] =	ssyncset.done @!p0 $0x0  }
0x32: {  	[sflag:s28] =	ssyncadd.s32 @!p0 $0xFFFFF000  }
0x33: {  	[bflag:$0x0] =	sbarrier.arrive $0xFFFF  }
0x34: {  	[tilespmem:s19], [sflag:$0x1] =	stream.linear.gather [hbm4b:s18+s4], $0x80, $0x38;
	[tilespmem:$0x4680] =	vst v63  }
0x35: {  	_ =	swait.ge [sflag:s20], $0x80  }
0x36: {  	[sflag:s20] =	ssyncset.done $0x0  }
0x37: {  	s29 =	sadd.s32 $0x0, s17;
	[sflag:s20] =	ssyncadd.s32 $0xFFFFFF80  }
0x38: {  	[tilespmem:s21], [sflag:$0x1] =	stream.linear.gather [hbm4b:s29+s4], $0x1000, $0x38;
	[tilespmem:$0x4680] =	vst v63  }
0x39: {  	_ =	swait.ge [sflag:s20], $0x1000  }
0x3a: {  	[sflag:s20] =	ssyncset.done $0x0  }
0x3b: {  	s30 =	sadd.s32 $0x0, s16;
	[sflag:s20] =	ssyncadd.s32 $0xFFFFF000  }
0x3c: {  	[tilespmem:s22], [sflag:$0x1] =	stream.linear.gather [hbm4b:s30+s4], $0x1000, $0x38;
	[tilespmem:$0x4680] =	vst v63  }
0x3d: {  	_ =	swait.ge [sflag:s20], $0x1000  }
0x3e: {  	[sflag:s20] =	ssyncset.done $0x0  }
0x3f: {  	s31 =	sadd.s32 $0x0, s15;
	[sflag:s20] =	ssyncadd.s32 $0xFFFFF000  }
0x40: {  	[tilespmem:s23], [sflag:$0x1] =	stream.linear.gather [hbm4b:s31+s4], $0x1000, $0x38;
	[tilespmem:$0x4680] =	vst v63  }
0x41: {  	_ =	swait.ge [sflag:s20], $0x1000  }
0x42: {  	[sflag:s20] =	ssyncset.done $0x0  }
0x43: {  	[sflag:s20] =	ssyncadd.s32 $0xFFFFF000  }
0x44: {  	[spmem:s1] =	stream.indirect.scatter.add.f32 [tilespmem:s21], [sflag:$0x1], $0x20, s19, s24, $0xb8;
	[tilespmem:$0x4680] =	vst v63  }
0x45: {  	_ =	swait.ge [sflag:s20], $0x1000  }
0x46: {  	[sflag:s20] =	ssyncset.done $0x0  }
0x47: {  	[sflag:s20] =	ssyncadd.s32 $0xFFFFF000  }
0x48: {  	[spmem:s2] =	stream.indirect.scatter.add.f32 [tilespmem:s22], [sflag:$0x1], $0x20, s19, s24, $0xb8;
	[tilespmem:$0x4680] =	vst v63  }
0x49: {  	_ =	swait.ge [sflag:s20], $0x1000  }
0x4a: {  	[sflag:s20] =	ssyncset.done $0x0  }
0x4b: {  	[sflag:s20] =	ssyncadd.s32 $0xFFFFF000  }
0x4c: {  	[spmem:s3] =	stream.indirect.scatter.add.f32 [tilespmem:s23], [sflag:$0x1], $0x20, s19, s24, $0xb8;
	[tilespmem:$0x4680] =	vst v63  }
0x4d: {  	_ =	swait.ge [sflag:s20], $0x1000  }
0x4e: {  	s26 =	simm.s32 $0x200;
	s28 =	smov.u32 s18;
	[sflag:s20] =	ssyncset.done $0x0  }
.LBB2_4:
0x4f: {  	p1 =	sne.s32 s26, $0xE00;
	[sflag:s20] =	ssyncadd.s32 $0xFFFFF000;
	s28 =	sadd.s32 $0x10, s28  }
0x50: {  	[tilespmem:s19], [sflag:$0x1] =	stream.linear.gather [hbm4b:s28+s4], $0x80, $0x38;
	[tilespmem:$0x4680] =	vst v63  }
0x51: {  	s29 =	smov.u32 s26;
	s26 =	sadd.s32 $0x200, s26;
	_ =	swait.ge [sflag:s20], $0x80  }
0x52: {  	[sflag:s20] =	ssyncset.done $0x0  }
0x53: {  	s30 =	sadd.s32 s29, s17;
	[sflag:s20] =	ssyncadd.s32 $0xFFFFFF80  }
0x54: {  	[tilespmem:s21], [sflag:$0x1] =	stream.linear.gather [hbm4b:s30+s4], $0x1000, $0x38;
	[tilespmem:$0x4680] =	vst v63  }
0x55: {  	_ =	swait.ge [sflag:s20], $0x1000  }
0x56: {  	[sflag:s20] =	ssyncset.done $0x0  }
0x57: {  	s30 =	sadd.s32 s29, s16;
	[sflag:s20] =	ssyncadd.s32 $0xFFFFF000  }
0x58: {  	[tilespmem:s22], [sflag:$0x1] =	stream.linear.gather [hbm4b:s30+s4], $0x1000, $0x38;
	[tilespmem:$0x4680] =	vst v63  }
0x59: {  	_ =	swait.ge [sflag:s20], $0x1000  }
0x5a: {  	[sflag:s20] =	ssyncset.done $0x0  }
0x5b: {  	s29 =	sadd.s32 s29, s15;
	[sflag:s20] =	ssyncadd.s32 $0xFFFFF000  }
0x5c: {  	[tilespmem:s23], [sflag:$0x1] =	stream.linear.gather [hbm4b:s29+s4], $0x1000, $0x38;
	[tilespmem:$0x4680] =	vst v63  }
0x5d: {  	_ =	swait.ge [sflag:s20], $0x1000  }
0x5e: {  	[sflag:s20] =	ssyncset.done $0x0  }
0x5f: {  	[sflag:s20] =	ssyncadd.s32 $0xFFFFF000  }
0x60: {  	[spmem:s1] =	stream.indirect.scatter.add.f32 [tilespmem:s21], [sflag:$0x1], $0x20, s19, s24, $0xb8;
	[tilespmem:$0x4680] =	vst v63  }
0x61: {  	_ =	swait.ge [sflag:s20], $0x1000  }
0x62: {  	[sflag:s20] =	ssyncset.done $0x0  }
0x63: {  	[sflag:s20] =	ssyncadd.s32 $0xFFFFF000  }
0x64: {  	[spmem:s2] =	stream.indirect.scatter.add.f32 [tilespmem:s22], [sflag:$0x1], $0x20, s19, s24, $0xb8;
	[tilespmem:$0x4680] =	vst v63  }
0x65: {  	_ =	swait.ge [sflag:s20], $0x1000  }
.Ltmp1:
0x66: {  	[sflag:s20] =	ssyncset.done $0x0;
	(pc) =	sbr.rel @p1 .LBB2_4-.Ltmp1, $4  }
0x67: {  	[sflag:s20] =	ssyncadd.s32 $0xFFFFF000  }
0x68: {  	[spmem:s3] =	stream.indirect.scatter.add.f32 [tilespmem:s23], [sflag:$0x1], $0x20, s19, s24, $0xb8;
	[tilespmem:$0x4680] =	vst v63  }
0x69: {  	_ =	swait.ge [sflag:s20], $0x1000  }
0x6a: {  	[sflag:s20] =	ssyncset.done $0x0  }
0x6b: {  	[sflag:s20] =	ssyncadd.s32 $0xFFFFF000  }
0x6c: {  	s26 =	sshrl.u32 @!p0 s1, $0x3;
	s28 =	simm.s32 @!p0 $0x1C01;
	[bflag:$0x0] =	sbarrier.arrive $0xFFFF  }
0x6d: {  	[hbm:s5], [sflag:s28] =	dma.local @!p0 [spmem:s26], $0x200  }
0x6e: {  	s26 =	simm.s32 @!p0 $0x1  }
0x6f: {  	_ =	swait.ge @!p0 [sflag:s26], $0x200  }
0x70: {  	[sflag:s26] =	ssyncset.done @!p0 $0x0  }
0x71: {  	s29 =	sshrl.u32 @!p0 s7, $0x3;
	[sflag:s26] =	ssyncadd.s32 @!p0 $0xFFFFFE00  }
0x72: {  	[hbm:s6], [sflag:s28] =	dma.local @!p0 [spmem:s29], $0x200  }
0x73: {  	_ =	swait.ge @!p0 [sflag:s26], $0x200  }
0x74: {  	[sflag:s26] =	ssyncset.done @!p0 $0x0  }
0x75: {  	s29 =	sshrl.u32 @!p0 s2, $0x3;
	[sflag:s26] =	ssyncadd.s32 @!p0 $0xFFFFFE00  }
0x76: {  	[hbm:s8], [sflag:s28] =	dma.local @!p0 [spmem:s29], $0x200  }
0x77: {  	_ =	swait.ge @!p0 [sflag:s26], $0x200  }
0x78: {  	[sflag:s26] =	ssyncset.done @!p0 $0x0  }
0x79: {  	s29 =	sshrl.u32 @!p0 s10, $0x3;
	[sflag:s26] =	ssyncadd.s32 @!p0 $0xFFFFFE00  }
0x7a: {  	[hbm:s9], [sflag:s28] =	dma.local @!p0 [spmem:s29], $0x200  }
0x7b: {  	_ =	swait.ge @!p0 [sflag:s26], $0x200  }
0x7c: {  	[sflag:s26] =	ssyncset.done @!p0 $0x0  }
0x7d: {  	s29 =	sshrl.u32 @!p0 s3, $0x3;
	[sflag:s26] =	ssyncadd.s32 @!p0 $0xFFFFFE00  }
0x7e: {  	[hbm:s11], [sflag:s28] =	dma.local @!p0 [spmem:s29], $0x200  }
0x7f: {  	s25 =	sadd.s32 $0x1, s25;
	_ =	swait.ge @!p0 [sflag:s26], $0x200  }
0x80: {  	p1 =	sne.s32 s25, s14;
	[sflag:s26] =	ssyncset.done @!p0 $0x0  }
.Ltmp2:
0x81: {  	s29 =	sshrl.u32 @!p0 s13, $0x3;
	[sflag:s26] =	ssyncadd.s32 @!p0 $0xFFFFFE00;
	(pc) =	sbr.rel @p1 .LBB2_1-.Ltmp2, $4  }
0x82: {  	[hbm:s12], [sflag:s28] =	dma.local @!p0 [spmem:s29], $0x200  }
0x83: {  	_ =	swait.ge @!p0 [sflag:s26], $0x200  }
0x84: {  	[sflag:s26] =	ssyncset.done @!p0 $0x0  }
0x85: {  	[sflag:s26] =	ssyncadd.s32 @!p0 $0xFFFFFE00  }
0x86: {  	_ =	sfence.sel $0x180000  }
0x87: {  	[bflag:$0x0] =	sbarrier.arrive $0xFFFF  }
0x88: {  	_ =	strace $0x90000053  }
0x89: {  	s0 =	sadd.s32 @!p0 $0x100000, s0;
	[bflag:$0x2] =	sbarrier.arrive $0xFFFF  }
0x8a: {  	[sflag:s0] =	ssyncadd.tile.s32 @!p0 $0x1;
	_ =	shalt  }
.Lfunc_end2:
_tile_overlayer_lowered:
.L_overlay_start_2:
0x8b: {  	(tag) =	ssettag $0x2  }
0x8c: {  	s0 =	rddreg [dreg:$0x0];
	s2 =	stileid.u32  }
0x8d: {  	s1 =	rddreg [dreg:$0x1];
	p0 =	sne.s32 s2, $0x0  }
0x8e: {  	s3 =	rddreg [dreg:$0x2];
	[bflag:$0x3] =	sbarrier.arrive $0xFFFF;
	s2 =	simm.s32 @!p0 $0x1C01  }
0x8f: {  	[timem:s3], [sflag:s2] =	dma.local @!p0 [hbm:s0], s1  }
0x90: {  	s0 =	simm.s32 @!p0 $0x1  }
0x91: {  	_ =	swait.ge @!p0 [sflag:s0], s1  }
0x92: {  	s1 =	ssub.s32 @!p0 $0x0, s1;
	[sflag:s0] =	ssyncset.done @!p0 $0x0  }
0x93: {  	[sflag:s0] =	ssyncadd.s32 @!p0 s1  }
0x94: {  	[bflag:$0x3] =	sbarrier.arrive $0xFFFF  }
0x95: {  	_ =	shalt  }

</sc_bundles>
